<compile_context>
chip_gen: v7x
topology: tpu7x:2x2x1
jax: 0.10.2.dev20260603
libtpu: 0.0.44.dev20260713+nightly
codegen_flags: <defaults>
</compile_context>

<pallas_src>
import functools

import jax
import jax.numpy as jnp
from jax import lax
from jax.experimental import pallas as pl
from jax.experimental.pallas import tpu as pltpu
from jax.experimental.pallas import tpu_sc as plsc

V = 10000
E = 320000
D = 128
L = 16
NC = 2
NS = 16
NW = NC * NS
VP = 10240

CHUNK = 64
NCHUNK = E // CHUNK
CPW_LO = NCHUNK // NW
NEXTRA = NCHUNK - CPW_LO * NW
WAVES = CPW_LO // 2
ROWS_PT = VP // NS

BLK = 2000


def _pre_body(v_ref, w1at_ref, w1bt_ref, b1h_ref, a_ref, b_ref):
    v = v_ref[...]
    bh = b1h_ref[...]
    a_ref[...] = jnp.dot(v, w1at_ref[...], preferred_element_type=jnp.float32) + bh
    b_ref[...] = jnp.dot(v, w1bt_ref[...], preferred_element_type=jnp.float32) + bh


def _post_body(h0_ref, h1_ref, d0_ref, d1_ref, v_ref, w2t_ref, b2_ref,
               w3at_ref, w3bt_ref, b3_ref, w4t_ref, b4_ref, o_ref):
    hs = h0_ref[0] + h1_ref[0]
    deg = d0_ref[0] + d1_ref[0]
    agg = (jnp.dot(hs, w2t_ref[...], preferred_element_type=jnp.float32)
           + deg * b2_ref[...])
    t = (jnp.dot(v_ref[...], w3at_ref[...], preferred_element_type=jnp.float32)
         + jnp.dot(agg, w3bt_ref[...], preferred_element_type=jnp.float32)
         + b3_ref[...])
    h2 = jnp.maximum(t, 0.0)
    o_ref[...] = (jnp.dot(h2, w4t_ref[...], preferred_element_type=jnp.float32)
                  + b4_ref[...])


def _edge_body(src_hbm, dst_hbm, a_hbm, b_hbm, h_out, deg_out,
               is0, is1, id0, id1, sc0, sc1, a0, b0, a1, b1, vbuf,
               ones_buf, degv, h_sh, deg_sh,
               gsa0, gsb0, gsa1, gsb1, ss0, ss1, ds0, ds1,
               isem0, isem1, idsem0, idsem1, zsem):
    c = lax.axis_index("c")
    s = lax.axis_index("s")
    wid = s * NC + c

    idx_s = (is0, is1)
    idx_d = (id0, id1)
    idx_sc = (sc0, sc1)
    a_bufs = (a0, a1)
    b_bufs = (b0, b1)
    gsems = ((gsa0, gsb0), (gsa1, gsb1))
    ssems = (ss0, ss1)
    dsems = (ds0, ds1)
    isems = ((isem0, idsem0), (isem1, idsem1))

    base = CPW_LO * wid + jnp.minimum(wid, NEXTRA)
    nw_chunks = CPW_LO + jnp.where(wid < NEXTRA, 1, 0)

    def idx_start(t, p, sync=False):
        off = (base + t) * CHUNK
        if sync:
            pltpu.sync_copy(src_hbm.at[pl.ds(off, CHUNK)], idx_s[p])
            pltpu.sync_copy(dst_hbm.at[pl.ds(off, CHUNK)], idx_d[p])
        else:
            pltpu.async_copy(src_hbm.at[pl.ds(off, CHUNK)], idx_s[p],
                             isems[p][0])
            pltpu.async_copy(dst_hbm.at[pl.ds(off, CHUNK)], idx_d[p],
                             isems[p][1])

    def idx_wait(t, p):
        off = (base + t) * CHUNK
        pltpu.make_async_copy(src_hbm.at[pl.ds(off, CHUNK)], idx_s[p],
                              isems[p][0]).wait()
        pltpu.make_async_copy(dst_hbm.at[pl.ds(off, CHUNK)], idx_d[p],
                              isems[p][1]).wait()

    def gathers_start(p):
        pltpu.async_copy(a_hbm.at[idx_s[p]], a_bufs[p], gsems[p][0])
        pltpu.async_copy(b_hbm.at[idx_d[p]], b_bufs[p], gsems[p][1])

    def gathers_wait(p):
        pltpu.make_async_copy(a_hbm.at[idx_s[p]], a_bufs[p],
                              gsems[p][0]).wait()
        pltpu.make_async_copy(b_hbm.at[idx_d[p]], b_bufs[p],
                              gsems[p][1]).wait()

    def scatters_start(p):
        pltpu.async_copy(vbuf, h_sh.at[idx_sc[p]], ssems[p], add=True)
        pltpu.async_copy(ones_buf, deg_sh.at[idx_sc[p]], dsems[p], add=True)

    def scatters_wait(p):
        pltpu.make_async_copy(vbuf, h_sh.at[idx_sc[p]], ssems[p]).wait()
        pltpu.make_async_copy(ones_buf, deg_sh.at[idx_sc[p]], dsems[p]).wait()

    idx_start(0, 0, sync=True)
    gathers_start(0)
    idx_start(1, 1)

    zero16 = jnp.zeros((L,), jnp.float32)
    one16 = jnp.full((L,), 1.0, jnp.float32)
    for r in range(L):
        for k in range(D // L):
            vbuf[r, pl.ds(k * L, L)] = zero16
    for k in range(CHUNK // L):
        ones_buf[pl.ds(k * L, L)] = one16

    def zero_degv(r, _):
        degv[pl.ds(r * L, L)] = zero16
        return 0
    lax.fori_loop(0, ROWS_PT // L, zero_degv, 0)

    def zero_rows(r, _):
        pltpu.async_copy(vbuf.at[pl.ds(0, L)],
                         h_sh.at[pl.ds(s * ROWS_PT + r * L, L)], zsem)
        return 0
    lax.fori_loop(0, ROWS_PT // L, zero_rows, 0)
    pltpu.sync_copy(degv, deg_sh.at[pl.ds(s * ROWS_PT, ROWS_PT)])

    def zero_drain(r, _):
        pltpu.make_async_copy(vbuf.at[pl.ds(0, L)],
                              h_sh.at[pl.ds(s * ROWS_PT + r * L, L)],
                              zsem).wait()
        return 0
    lax.fori_loop(0, ROWS_PT // L, zero_drain, 0)
    plsc.subcore_barrier()

    def phase(t, p):
        gathers_wait(p)
        for k in range(CHUNK // L):
            idx_sc[p][pl.ds(k * L, L)] = idx_d[p][pl.ds(k * L, L)]

        @pl.when(t + 2 < nw_chunks)
        def _():
            idx_start(t + 2, p)

        @pl.when(t + 1 < nw_chunks)
        def _():
            idx_wait(t + 1, 1 - p)
            gathers_start(1 - p)

        @pl.when(t >= 1)
        def _():
            scatters_wait(1 - p)

        def relu_rows(i2, _):
            for dj in range(2):
                i = 2 * i2 + dj
                for k in range(D // L):
                    av = a_bufs[p][i, pl.ds(k * L, L)]
                    bv = b_bufs[p][i, pl.ds(k * L, L)]
                    vbuf[i, pl.ds(k * L, L)] = jnp.maximum(av + bv, 0.0)
            return 0
        lax.fori_loop(0, CHUNK // 2, relu_rows, 0)

        scatters_start(p)

    def wave(t2, _):
        phase(2 * t2, 0)
        phase(2 * t2 + 1, 1)
        return 0
    lax.fori_loop(0, WAVES, wave, 0)

    @pl.when(wid < NEXTRA)
    def _():
        phase(CPW_LO, 0)
        scatters_wait(0)

    @pl.when(wid >= NEXTRA)
    def _():
        scatters_wait(1)
    plsc.subcore_barrier()

    NDUMP = ROWS_PT // CHUNK

    def din(r, p):
        pltpu.async_copy(h_sh.at[pl.ds(s * ROWS_PT + r * CHUNK, CHUNK)],
                         a_bufs[p], gsems[p][0])

    def din_wait(r, p):
        pltpu.make_async_copy(h_sh.at[pl.ds(s * ROWS_PT + r * CHUNK, CHUNK)],
                              a_bufs[p], gsems[p][0]).wait()

    def dout(r, p):
        pltpu.async_copy(a_bufs[p], h_out.at[c, pl.ds(s * ROWS_PT + r * CHUNK,
                                                      CHUNK)], gsems[p][1])

    def dout_wait(r, p):
        pltpu.make_async_copy(a_bufs[p],
                              h_out.at[c, pl.ds(s * ROWS_PT + r * CHUNK,
                                                CHUNK)], gsems[p][1]).wait()

    din(0, 0)

    def dump_phase(r, p):
        din_wait(r, p)

        @pl.when(r + 1 < NDUMP)
        def _():
            @pl.when(r >= 1)
            def _():
                dout_wait(r - 1, 1 - p)
            din(r + 1, 1 - p)
        dout(r, p)

    def dump_wave(r2, _):
        dump_phase(2 * r2, 0)
        dump_phase(2 * r2 + 1, 1)
        return 0
    lax.fori_loop(0, NDUMP // 2, dump_wave, 0)
    dout_wait(NDUMP - 1, 1)
    pltpu.sync_copy(deg_sh.at[pl.ds(s * ROWS_PT, ROWS_PT)], degv)
    pltpu.sync_copy(degv, deg_out.at[c, pl.ds(s * ROWS_PT, ROWS_PT)])


_edge_kernel = functools.partial(
    pl.kernel,
    out_type=(
        jax.ShapeDtypeStruct((NC, VP, D), jnp.float32),
        jax.ShapeDtypeStruct((NC, VP), jnp.float32),
    ),
    mesh=plsc.VectorSubcoreMesh(core_axis_name="c", subcore_axis_name="s"),
    scratch_types=[
        pltpu.VMEM((CHUNK,), jnp.int32),
        pltpu.VMEM((CHUNK,), jnp.int32),
        pltpu.VMEM((CHUNK,), jnp.int32),
        pltpu.VMEM((CHUNK,), jnp.int32),
        pltpu.VMEM((CHUNK,), jnp.int32),
        pltpu.VMEM((CHUNK,), jnp.int32),
        pltpu.VMEM((CHUNK, D), jnp.float32),
        pltpu.VMEM((CHUNK, D), jnp.float32),
        pltpu.VMEM((CHUNK, D), jnp.float32),
        pltpu.VMEM((CHUNK, D), jnp.float32),
        pltpu.VMEM((CHUNK, D), jnp.float32),
        pltpu.VMEM((CHUNK,), jnp.float32),
        pltpu.VMEM((ROWS_PT,), jnp.float32),
        pltpu.VMEM_SHARED((VP, D), jnp.float32),
        pltpu.VMEM_SHARED((VP,), jnp.float32),
    ] + [pltpu.SemaphoreType.DMA] * 13,
)(_edge_body)


@jax.jit
def kernel(vertices, edges, W1, b1, W2, b2, W3, b3, W4, b4):
    edges32 = edges.astype(jnp.int32)
    src = edges32[0]
    dst = edges32[1]

    w1at = W1[:, :D].T
    w1bt = W1[:, D:].T
    b1h = (0.5 * b1)[None, :]
    w3at = W3[:, :D].T
    w3bt = W3[:, D:].T

    grid = (V // BLK,)
    row_blk = pl.BlockSpec((BLK, D), lambda i: (i, 0))
    full_w = pl.BlockSpec((D, D), lambda i: (0, 0))
    full_b = pl.BlockSpec((1, D), lambda i: (0, 0))

    a_mat, b_mat = pl.pallas_call(
        _pre_body,
        grid=grid,
        in_specs=[row_blk, full_w, full_w, full_b],
        out_specs=[row_blk, row_blk],
        out_shape=[jax.ShapeDtypeStruct((V, D), jnp.float32)] * 2,
    )(vertices, w1at, w1bt, b1h)

    h_partials, deg_partials = _edge_kernel(src, dst, a_mat, b_mat)
    deg3 = deg_partials[:, :, None]

    h0_blk = pl.BlockSpec((1, BLK, D), lambda i: (0, i, 0))
    h1_blk = pl.BlockSpec((1, BLK, D), lambda i: (1, i, 0))
    d0_blk = pl.BlockSpec((1, BLK, 1), lambda i: (0, i, 0))
    d1_blk = pl.BlockSpec((1, BLK, 1), lambda i: (1, i, 0))
    out = pl.pallas_call(
        _post_body,
        grid=grid,
        in_specs=[h0_blk, h1_blk, d0_blk, d1_blk, row_blk, full_w, full_b,
                  full_w, full_w, full_b, full_w, full_b],
        out_specs=row_blk,
        out_shape=jax.ShapeDtypeStruct((V, D), jnp.float32),
    )(h_partials, h_partials, deg3, deg3, vertices, W2.T, b2[None, :],
      w3at, w3bt, b3[None, :], W4.T, b4[None, :])
    return out

# --- scband reference (transcript-rebuilt; emitter-appended) ---
"""Pipeline reference for scband-mesh-operator-15006615732851 (READ-ONLY COPY).

The authoritative reference and input builder live on the scoring server;
editing this copy changes nothing except your own understanding.
"""

import jax, jax.numpy as jnp
import numpy as np

V = 10000
E = 320000
VERTEX_DIM = 128
HIDDEN_DIM = 128


def setup_inputs(seed: int = 0) -> dict:
    key = jax.random.key(seed)
    ks = jax.random.split(key, 12)
    vertices = jax.random.normal(ks[0], (V, VERTEX_DIM), dtype=jnp.float32)
    edges = jax.random.randint(ks[1], (2, E), 0, V, dtype=jnp.int64)
    # edge_mlp: Linear(2*vertex_dim -> hidden), ReLU, Linear(hidden -> hidden)
    s1 = 1.0 / np.sqrt(2 * VERTEX_DIM)
    W1 = jax.random.uniform(ks[2], (HIDDEN_DIM, 2 * VERTEX_DIM), jnp.float32, -s1, s1)
    b1 = jax.random.uniform(ks[3], (HIDDEN_DIM,), jnp.float32, -s1, s1)
    s2 = 1.0 / np.sqrt(HIDDEN_DIM)
    W2 = jax.random.uniform(ks[4], (HIDDEN_DIM, HIDDEN_DIM), jnp.float32, -s2, s2)
    b2 = jax.random.uniform(ks[5], (HIDDEN_DIM,), jnp.float32, -s2, s2)
    # vertex_mlp: Linear(vertex_dim + hidden -> hidden), ReLU, Linear(hidden -> vertex_dim)
    s3 = 1.0 / np.sqrt(VERTEX_DIM + HIDDEN_DIM)
    W3 = jax.random.uniform(ks[6], (HIDDEN_DIM, VERTEX_DIM + HIDDEN_DIM), jnp.float32, -s3, s3)
    b3 = jax.random.uniform(ks[7], (HIDDEN_DIM,), jnp.float32, -s3, s3)
    s4 = 1.0 / np.sqrt(HIDDEN_DIM)
    W4 = jax.random.uniform(ks[8], (VERTEX_DIM, HIDDEN_DIM), jnp.float32, -s4, s4)
    b4 = jax.random.uniform(ks[9], (VERTEX_DIM,), jnp.float32, -s4, s4)
    return {"vertices": vertices, "edges": edges, "W1": W1, "b1": b1, "W2": W2, "b2": b2, "W3": W3, "b3": b3, "W4": W4, "b4": b4}


def reference(vertices, edges, W1, b1, W2, b2, W3, b3, W4, b4):
    src = edges[0]
    dst = edges[1]
    edge_features = jnp.concatenate([vertices[src], vertices[dst]], axis=-1)
    h = jax.nn.relu(edge_features @ W1.T + b1)
    edge_features = h @ W2.T + b2
    aggregated = jnp.zeros_like(vertices).at[dst].add(edge_features)
    combined = jnp.concatenate([vertices, aggregated], axis=-1)
    h2 = jax.nn.relu(combined @ W3.T + b3)
    return h2 @ W4.T + b4

if __name__ == "__main__":
    import jax
    _d = setup_inputs()
    print(jax.jit(kernel)(*tuple(_d.values())))

</pallas_src>

<mosaic_0001>
#map = affine_map<(d0, d1) -> (0)>
#map1 = affine_map<(d0, d1) -> (0, 0)>
#map2 = affine_map<(d0, d1) -> (0, 0, 0)>
module attributes {stable_mosaic.version = 14 : i64} {
  func.func @_edge_body(%arg0: i32, %arg1: i32, %arg2: memref<320000xi32, #tpu.memory_space<hbm>>, %arg3: memref<320000xi32, #tpu.memory_space<hbm>>, %arg4: memref<10000x128xf32, #tpu.memory_space<hbm>>, %arg5: memref<10000x128xf32, #tpu.memory_space<hbm>>, %arg6: memref<2x10240x128xf32, #tpu.memory_space<hbm>>, %arg7: memref<2x10240xf32, #tpu.memory_space<hbm>>, %arg8: memref<64xi32, #tpu.memory_space<vmem>>, %arg9: memref<64xi32, #tpu.memory_space<vmem>>, %arg10: memref<64xi32, #tpu.memory_space<vmem>>, %arg11: memref<64xi32, #tpu.memory_space<vmem>>, %arg12: memref<64xi32, #tpu.memory_space<vmem>>, %arg13: memref<64xi32, #tpu.memory_space<vmem>>, %arg14: memref<64x128xf32, #tpu.memory_space<vmem>>, %arg15: memref<64x128xf32, #tpu.memory_space<vmem>>, %arg16: memref<64x128xf32, #tpu.memory_space<vmem>>, %arg17: memref<64x128xf32, #tpu.memory_space<vmem>>, %arg18: memref<64x128xf32, #tpu.memory_space<vmem>>, %arg19: memref<64xf32, #tpu.memory_space<vmem>>, %arg20: memref<640xf32, #tpu.memory_space<vmem>>, %arg21: memref<10240x128xf32, #tpu.memory_space<vmem_shared>>, %arg22: memref<10240xf32, #tpu.memory_space<vmem_shared>>, %arg23: memref<!tpu.dma_semaphore, #tpu.memory_space<semaphore_mem>>, %arg24: memref<!tpu.dma_semaphore, #tpu.memory_space<semaphore_mem>>, %arg25: memref<!tpu.dma_semaphore, #tpu.memory_space<semaphore_mem>>, %arg26: memref<!tpu.dma_semaphore, #tpu.memory_space<semaphore_mem>>, %arg27: memref<!tpu.dma_semaphore, #tpu.memory_space<semaphore_mem>>, %arg28: memref<!tpu.dma_semaphore, #tpu.memory_space<semaphore_mem>>, %arg29: memref<!tpu.dma_semaphore, #tpu.memory_space<semaphore_mem>>, %arg30: memref<!tpu.dma_semaphore, #tpu.memory_space<semaphore_mem>>, %arg31: memref<!tpu.dma_semaphore, #tpu.memory_space<semaphore_mem>>, %arg32: memref<!tpu.dma_semaphore, #tpu.memory_space<semaphore_mem>>, %arg33: memref<!tpu.dma_semaphore, #tpu.memory_space<semaphore_mem>>, %arg34: memref<!tpu.dma_semaphore, #tpu.memory_space<semaphore_mem>>, %arg35: memref<!tpu.dma_semaphore, #tpu.memory_space<semaphore_mem>>) attributes {dimension_semantics = [#tpu.dimension_semantics<core_parallel>, #tpu.dimension_semantics<subcore_parallel>], iteration_bounds = array<i64: 2, 16>, scalar_prefetch = 0 : i64, scratch_operands = 28 : i64, tpu.core_type = #tpu.core_type<sc_vector_subcore>, window_params = [{transform_indices = #map}, {transform_indices = #map}, {transform_indices = #map1}, {transform_indices = #map1}, {transform_indices = #map2}, {transform_indices = #map1}]} {
    %mul3A = arith.constant 2 : i32
    %mul3A_0 = arith.muli %arg1, %mul3A : i32
    %add3A = arith.addi %mul3A_0, %arg0 : i32
    %mul3A_1 = arith.constant 156 : i32
    %mul3A_2 = arith.muli %mul3A_1, %add3A : i32
    %min3A = arith.constant 8 : i32
    %min3A_3 = arith.minsi %add3A, %min3A : i32
    %add3A_4 = arith.addi %mul3A_2, %min3A_3 : i32
    %lt3A = arith.constant 8 : i32
    %lt3A_5 = arith.cmpi slt, %add3A, %lt3A : i32
    %jit3A = arith.constant 1 : i32
    %jit3A_6 = arith.constant 0 : i32
    %select_n3A = arith.select %lt3A_5, %jit3A, %jit3A_6 : i32
    %add3A_7 = arith.constant 156 : i32
    %add3A_8 = arith.addi %add3A_7, %select_n3A : i32
    %add3A_9 = arith.constant 0 : i32
    %add3A_10 = arith.addi %add3A_4, %add3A_9 : i32
    %mul3A_11 = arith.constant 64 : i32
    %mul3A_12 = arith.muli %add3A_10, %mul3A_11 : i32
    "tpu.region"() ({
      %run_scoped3A = tpu.sem_alloc : memref<!tpu.dma_semaphore, #tpu.memory_space<semaphore_mem>>
      %dma_start3A_877 = tpu.memref_slice %arg2[%mul3A_12] : memref<320000xi32, #tpu.memory_space<hbm>> -> memref<64xi32, #tpu.memory_space<hbm>>
      %dma_start3A_878 = tpu.memref_slice %arg2[%mul3A_12] : memref<320000xi32, #tpu.memory_space<hbm>> -> memref<64xi32, #tpu.memory_space<hbm>>
      tpu.enqueue_dma source(%dma_start3A_878 : memref<64xi32, #tpu.memory_space<hbm>>) target(%arg8 : memref<64xi32, #tpu.memory_space<vmem>>) target_semaphore(%run_scoped3A : memref<!tpu.dma_semaphore, #tpu.memory_space<semaphore_mem>>)
      %dma_wait3A_879 = tpu.memref_slice %arg2[%mul3A_12] : memref<320000xi32, #tpu.memory_space<hbm>> -> memref<64xi32, #tpu.memory_space<hbm>>
      %dma_wait3A_880 = tpu.memref_slice %arg2[%mul3A_12] : memref<320000xi32, #tpu.memory_space<hbm>> -> memref<64xi32, #tpu.memory_space<hbm>>
      tpu.wait_dma2 semaphore(%run_scoped3A : memref<!tpu.dma_semaphore, #tpu.memory_space<semaphore_mem>>) src(%dma_wait3A_880 : memref<64xi32, #tpu.memory_space<hbm>>) dst(%arg8 : memref<64xi32, #tpu.memory_space<vmem>>)
      tpu.yield
    }) : () -> ()
    "tpu.region"() ({
      %run_scoped3A = tpu.sem_alloc : memref<!tpu.dma_semaphore, #tpu.memory_space<semaphore_mem>>
      %dma_start3A_877 = tpu.memref_slice %arg3[%mul3A_12] : memref<320000xi32, #tpu.memory_space<hbm>> -> memref<64xi32, #tpu.memory_space<hbm>>
      %dma_start3A_878 = tpu.memref_slice %arg3[%mul3A_12] : memref<320000xi32, #tpu.memory_space<hbm>> -> memref<64xi32, #tpu.memory_space<hbm>>
      tpu.enqueue_dma source(%dma_start3A_878 : memref<64xi32, #tpu.memory_space<hbm>>) target(%arg10 : memref<64xi32, #tpu.memory_space<vmem>>) target_semaphore(%run_scoped3A : memref<!tpu.dma_semaphore, #tpu.memory_space<semaphore_mem>>)
      %dma_wait3A_879 = tpu.memref_slice %arg3[%mul3A_12] : memref<320000xi32, #tpu.memory_space<hbm>> -> memref<64xi32, #tpu.memory_space<hbm>>
      %dma_wait3A_880 = tpu.memref_slice %arg3[%mul3A_12] : memref<320000xi32, #tpu.memory_space<hbm>> -> memref<64xi32, #tpu.memory_space<hbm>>
      tpu.wait_dma2 semaphore(%run_scoped3A : memref<!tpu.dma_semaphore, #tpu.memory_space<semaphore_mem>>) src(%dma_wait3A_880 : memref<64xi32, #tpu.memory_space<hbm>>) dst(%arg10 : memref<64xi32, #tpu.memory_space<vmem>>)
      tpu.yield
    }) : () -> ()
    %dma_start3A = arith.constant 0 : i32
    %dma_start3A_13 = arith.constant 0 : i32
    %dma_start3A_14 = tpu.memref_slice %arg4[%dma_start3A, %dma_start3A_13] : memref<10000x128xf32, #tpu.memory_space<hbm>> -> memref<10000x128xf32, #tpu.memory_space<hbm>>
    tpu.enqueue_indirect_dma source(%dma_start3A_14 : memref<10000x128xf32, #tpu.memory_space<hbm>>) target(%arg14 : memref<64x128xf32, #tpu.memory_space<vmem>>) offsets(%arg8 : memref<64xi32, #tpu.memory_space<vmem>>) semaphore(%arg23 : memref<!tpu.dma_semaphore, #tpu.memory_space<semaphore_mem>>)
    %dma_start3A_15 = arith.constant 0 : i32
    %dma_start3A_16 = arith.constant 0 : i32
    %dma_start3A_17 = tpu.memref_slice %arg5[%dma_start3A_15, %dma_start3A_16] : memref<10000x128xf32, #tpu.memory_space<hbm>> -> memref<10000x128xf32, #tpu.memory_space<hbm>>
    tpu.enqueue_indirect_dma source(%dma_start3A_17 : memref<10000x128xf32, #tpu.memory_space<hbm>>) target(%arg15 : memref<64x128xf32, #tpu.memory_space<vmem>>) offsets(%arg10 : memref<64xi32, #tpu.memory_space<vmem>>) semaphore(%arg24 : memref<!tpu.dma_semaphore, #tpu.memory_space<semaphore_mem>>)
    %add3A_18 = arith.constant 1 : i32
    %add3A_19 = arith.addi %add3A_4, %add3A_18 : i32
    %mul3A_20 = arith.constant 64 : i32
    %mul3A_21 = arith.muli %add3A_19, %mul3A_20 : i32
    %dma_start3A_22 = tpu.memref_slice %arg2[%mul3A_21] : memref<320000xi32, #tpu.memory_space<hbm>> -> memref<64xi32, #tpu.memory_space<hbm>>
    %dma_start3A_23 = tpu.memref_slice %arg2[%mul3A_21] : memref<320000xi32, #tpu.memory_space<hbm>> -> memref<64xi32, #tpu.memory_space<hbm>>
    tpu.enqueue_dma source(%dma_start3A_23 : memref<64xi32, #tpu.memory_space<hbm>>) target(%arg9 : memref<64xi32, #tpu.memory_space<vmem>>) target_semaphore(%arg32 : memref<!tpu.dma_semaphore, #tpu.memory_space<semaphore_mem>>)
    %dma_start3A_24 = tpu.memref_slice %arg3[%mul3A_21] : memref<320000xi32, #tpu.memory_space<hbm>> -> memref<64xi32, #tpu.memory_space<hbm>>
    %dma_start3A_25 = tpu.memref_slice %arg3[%mul3A_21] : memref<320000xi32, #tpu.memory_space<hbm>> -> memref<64xi32, #tpu.memory_space<hbm>>
    tpu.enqueue_dma source(%dma_start3A_25 : memref<64xi32, #tpu.memory_space<hbm>>) target(%arg11 : memref<64xi32, #tpu.memory_space<vmem>>) target_semaphore(%arg34 : memref<!tpu.dma_semaphore, #tpu.memory_space<semaphore_mem>>)
    %broadcast_in_dim3A = arith.constant 0.000000e+00 : f32
    %broadcast_in_dim3A_26 = vector.broadcast %broadcast_in_dim3A : f32 to vector<16xf32>
    %broadcast_in_dim3A_27 = arith.constant 1.000000e+00 : f32
    %broadcast_in_dim3A_28 = vector.broadcast %broadcast_in_dim3A_27 : f32 to vector<16xf32>
    %swap3A = arith.constant 0 : i32
    %swap3A_29 = arith.index_cast %swap3A : i32 to index
    %swap3A_30 = arith.constant 0 : index
    %swap3A_31 = tpu.vector_load %arg18[%swap3A_29, %swap3A_30] {strides = array<i32>} : memref<64x128xf32, #tpu.memory_space<vmem>>, vector<1x16xf32>,
    %swap3A_32 = vector.shape_cast %swap3A_31 : vector<1x16xf32> to vector<16xf32>
    %swap3A_33 = vector.shape_cast %broadcast_in_dim3A_26 : vector<16xf32> to vector<1x16xf32>
    tpu.vector_store %arg18[%swap3A_29, %swap3A_30], %swap3A_33 {strides = array<i32>} : memref<64x128xf32, #tpu.memory_space<vmem>>, vector<1x16xf32>,
    %swap3A_34 = arith.constant 0 : i32
    %swap3A_35 = arith.index_cast %swap3A_34 : i32 to index
    %swap3A_36 = arith.constant 16 : index
    %swap3A_37 = tpu.vector_load %arg18[%swap3A_35, %swap3A_36] {strides = array<i32>} : memref<64x128xf32, #tpu.memory_space<vmem>>, vector<1x16xf32>,
    %swap3A_38 = vector.shape_cast %swap3A_37 : vector<1x16xf32> to vector<16xf32>
    %swap3A_39 = vector.shape_cast %broadcast_in_dim3A_26 : vector<16xf32> to vector<1x16xf32>
    tpu.vector_store %arg18[%swap3A_35, %swap3A_36], %swap3A_39 {strides = array<i32>} : memref<64x128xf32, #tpu.memory_space<vmem>>, vector<1x16xf32>,
    %swap3A_40 = arith.constant 0 : i32
    %swap3A_41 = arith.index_cast %swap3A_40 : i32 to index
    %swap3A_42 = arith.constant 32 : index
    %swap3A_43 = tpu.vector_load %arg18[%swap3A_41, %swap3A_42] {strides = array<i32>} : memref<64x128xf32, #tpu.memory_space<vmem>>, vector<1x16xf32>,
    %swap3A_44 = vector.shape_cast %swap3A_43 : vector<1x16xf32> to vector<16xf32>
    %swap3A_45 = vector.shape_cast %broadcast_in_dim3A_26 : vector<16xf32> to vector<1x16xf32>
    tpu.vector_store %arg18[%swap3A_41, %swap3A_42], %swap3A_45 {strides = array<i32>} : memref<64x128xf32, #tpu.memory_space<vmem>>, vector<1x16xf32>,
    %swap3A_46 = arith.constant 0 : i32
    %swap3A_47 = arith.index_cast %swap3A_46 : i32 to index
    %swap3A_48 = arith.constant 48 : index
    %swap3A_49 = tpu.vector_load %arg18[%swap3A_47, %swap3A_48] {strides = array<i32>} : memref<64x128xf32, #tpu.memory_space<vmem>>, vector<1x16xf32>,
    %swap3A_50 = vector.shape_cast %swap3A_49 : vector<1x16xf32> to vector<16xf32>
    %swap3A_51 = vector.shape_cast %broadcast_in_dim3A_26 : vector<16xf32> to vector<1x16xf32>
    tpu.vector_store %arg18[%swap3A_47, %swap3A_48], %swap3A_51 {strides = array<i32>} : memref<64x128xf32, #tpu.memory_space<vmem>>, vector<1x16xf32>,
    %swap3A_52 = arith.constant 0 : i32
    %swap3A_53 = arith.index_cast %swap3A_52 : i32 to index
    %swap3A_54 = arith.constant 64 : index
    %swap3A_55 = tpu.vector_load %arg18[%swap3A_53, %swap3A_54] {strides = array<i32>} : memref<64x128xf32, #tpu.memory_space<vmem>>, vector<1x16xf32>,
    %swap3A_56 = vector.shape_cast %swap3A_55 : vector<1x16xf32> to vector<16xf32>
    %swap3A_57 = vector.shape_cast %broadcast_in_dim3A_26 : vector<16xf32> to vector<1x16xf32>
    tpu.vector_store %arg18[%swap3A_53, %swap3A_54], %swap3A_57 {strides = array<i32>} : memref<64x128xf32, #tpu.memory_space<vmem>>, vector<1x16xf32>,
    %swap3A_58 = arith.constant 0 : i32
    %swap3A_59 = arith.index_cast %swap3A_58 : i32 to index
    %swap3A_60 = arith.constant 80 : index
    %swap3A_61 = tpu.vector_load %arg18[%swap3A_59, %swap3A_60] {strides = array<i32>} : memref<64x128xf32, #tpu.memory_space<vmem>>, vector<1x16xf32>,
    %swap3A_62 = vector.shape_cast %swap3A_61 : vector<1x16xf32> to vector<16xf32>
    %swap3A_63 = vector.shape_cast %broadcast_in_dim3A_26 : vector<16xf32> to vector<1x16xf32>
    tpu.vector_store %arg18[%swap3A_59, %swap3A_60], %swap3A_63 {strides = array<i32>} : memref<64x128xf32, #tpu.memory_space<vmem>>, vector<1x16xf32>,
    %swap3A_64 = arith.constant 0 : i32
    %swap3A_65 = arith.index_cast %swap3A_64 : i32 to index
    %swap3A_66 = arith.constant 96 : index
    %swap3A_67 = tpu.vector_load %arg18[%swap3A_65, %swap3A_66] {strides = array<i32>} : memref<64x128xf32, #tpu.memory_space<vmem>>, vector<1x16xf32>,
    %swap3A_68 = vector.shape_cast %swap3A_67 : vector<1x16xf32> to vector<16xf32>
    %swap3A_69 = vector.shape_cast %broadcast_in_dim3A_26 : vector<16xf32> to vector<1x16xf32>
    tpu.vector_store %arg18[%swap3A_65, %swap3A_66], %swap3A_69 {strides = array<i32>} : memref<64x128xf32, #tpu.memory_space<vmem>>, vector<1x16xf32>,
    %swap3A_70 = arith.constant 0 : i32
    %swap3A_71 = arith.index_cast %swap3A_70 : i32 to index
    %swap3A_72 = arith.constant 112 : index
    %swap3A_73 = tpu.vector_load %arg18[%swap3A_71, %swap3A_72] {strides = array<i32>} : memref<64x128xf32, #tpu.memory_space<vmem>>, vector<1x16xf32>,
    %swap3A_74 = vector.shape_cast %swap3A_73 : vector<1x16xf32> to vector<16xf32>
    %swap3A_75 = vector.shape_cast %broadcast_in_dim3A_26 : vector<16xf32> to vector<1x16xf32>
    tpu.vector_store %arg18[%swap3A_71, %swap3A_72], %swap3A_75 {strides = array<i32>} : memref<64x128xf32, #tpu.memory_space<vmem>>, vector<1x16xf32>,
    %swap3A_76 = arith.constant 1 : i32
    %swap3A_77 = arith.index_cast %swap3A_76 : i32 to index
    %swap3A_78 = arith.constant 0 : index
    %swap3A_79 = tpu.vector_load %arg18[%swap3A_77, %swap3A_78] {strides = array<i32>} : memref<64x128xf32, #tpu.memory_space<vmem>>, vector<1x16xf32>,
    %swap3A_80 = vector.shape_cast %swap3A_79 : vector<1x16xf32> to vector<16xf32>
    %swap3A_81 = vector.shape_cast %broadcast_in_dim3A_26 : vector<16xf32> to vector<1x16xf32>
    tpu.vector_store %arg18[%swap3A_77, %swap3A_78], %swap3A_81 {strides = array<i32>} : memref<64x128xf32, #tpu.memory_space<vmem>>, vector<1x16xf32>,
    %swap3A_82 = arith.constant 1 : i32
    %swap3A_83 = arith.index_cast %swap3A_82 : i32 to index
    %swap3A_84 = arith.constant 16 : index
    %swap3A_85 = tpu.vector_load %arg18[%swap3A_83, %swap3A_84] {strides = array<i32>} : memref<64x128xf32, #tpu.memory_space<vmem>>, vector<1x16xf32>,
    %swap3A_86 = vector.shape_cast %swap3A_85 : vector<1x16xf32> to vector<16xf32>
    %swap3A_87 = vector.shape_cast %broadcast_in_dim3A_26 : vector<16xf32> to vector<1x16xf32>
    tpu.vector_store %arg18[%swap3A_83, %swap3A_84], %swap3A_87 {strides = array<i32>} : memref<64x128xf32, #tpu.memory_space<vmem>>, vector<1x16xf32>,
    %swap3A_88 = arith.constant 1 : i32
    %swap3A_89 = arith.index_cast %swap3A_88 : i32 to index
    %swap3A_90 = arith.constant 32 : index
    %swap3A_91 = tpu.vector_load %arg18[%swap3A_89, %swap3A_90] {strides = array<i32>} : memref<64x128xf32, #tpu.memory_space<vmem>>, vector<1x16xf32>,
    %swap3A_92 = vector.shape_cast %swap3A_91 : vector<1x16xf32> to vector<16xf32>
    %swap3A_93 = vector.shape_cast %broadcast_in_dim3A_26 : vector<16xf32> to vector<1x16xf32>
    tpu.vector_store %arg18[%swap3A_89, %swap3A_90], %swap3A_93 {strides = array<i32>} : memref<64x128xf32, #tpu.memory_space<vmem>>, vector<1x16xf32>,
    %swap3A_94 = arith.constant 1 : i32
    %swap3A_95 = arith.index_cast %swap3A_94 : i32 to index
    %swap3A_96 = arith.constant 48 : index
    %swap3A_97 = tpu.vector_load %arg18[%swap3A_95, %swap3A_96] {strides = array<i32>} : memref<64x128xf32, #tpu.memory_space<vmem>>, vector<1x16xf32>,
    %swap3A_98 = vector.shape_cast %swap3A_97 : vector<1x16xf32> to vector<16xf32>
    %swap3A_99 = vector.shape_cast %broadcast_in_dim3A_26 : vector<16xf32> to vector<1x16xf32>
    tpu.vector_store %arg18[%swap3A_95, %swap3A_96], %swap3A_99 {strides = array<i32>} : memref<64x128xf32, #tpu.memory_space<vmem>>, vector<1x16xf32>,
    %swap3A_100 = arith.constant 1 : i32
    %swap3A_101 = arith.index_cast %swap3A_100 : i32 to index
    %swap3A_102 = arith.constant 64 : index
    %swap3A_103 = tpu.vector_load %arg18[%swap3A_101, %swap3A_102] {strides = array<i32>} : memref<64x128xf32, #tpu.memory_space<vmem>>, vector<1x16xf32>,
    %swap3A_104 = vector.shape_cast %swap3A_103 : vector<1x16xf32> to vector<16xf32>
    %swap3A_105 = vector.shape_cast %broadcast_in_dim3A_26 : vector<16xf32> to vector<1x16xf32>
    tpu.vector_store %arg18[%swap3A_101, %swap3A_102], %swap3A_105 {strides = array<i32>} : memref<64x128xf32, #tpu.memory_space<vmem>>, vector<1x16xf32>,
    %swap3A_106 = arith.constant 1 : i32
    %swap3A_107 = arith.index_cast %swap3A_106 : i32 to index
    %swap3A_108 = arith.constant 80 : index
    %swap3A_109 = tpu.vector_load %arg18[%swap3A_107, %swap3A_108] {strides = array<i32>} : memref<64x128xf32, #tpu.memory_space<vmem>>, vector<1x16xf32>,
    %swap3A_110 = vector.shape_cast %swap3A_109 : vector<1x16xf32> to vector<16xf32>
    %swap3A_111 = vector.shape_cast %broadcast_in_dim3A_26 : vector<16xf32> to vector<1x16xf32>
    tpu.vector_store %arg18[%swap3A_107, %swap3A_108], %swap3A_111 {strides = array<i32>} : memref<64x128xf32, #tpu.memory_space<vmem>>, vector<1x16xf32>,
    %swap3A_112 = arith.constant 1 : i32
    %swap3A_113 = arith.index_cast %swap3A_112 : i32 to index
    %swap3A_114 = arith.constant 96 : index
    %swap3A_115 = tpu.vector_load %arg18[%swap3A_113, %swap3A_114] {strides = array<i32>} : memref<64x128xf32, #tpu.memory_space<vmem>>, vector<1x16xf32>,
    %swap3A_116 = vector.shape_cast %swap3A_115 : vector<1x16xf32> to vector<16xf32>
    %swap3A_117 = vector.shape_cast %broadcast_in_dim3A_26 : vector<16xf32> to vector<1x16xf32>
    tpu.vector_store %arg18[%swap3A_113, %swap3A_114], %swap3A_117 {strides = array<i32>} : memref<64x128xf32, #tpu.memory_space<vmem>>, vector<1x16xf32>,
    %swap3A_118 = arith.constant 1 : i32
    %swap3A_119 = arith.index_cast %swap3A_118 : i32 to index
    %swap3A_120 = arith.constant 112 : index
    %swap3A_121 = tpu.vector_load %arg18[%swap3A_119, %swap3A_120] {strides = array<i32>} : memref<64x128xf32, #tpu.memory_space<vmem>>, vector<1x16xf32>,
    %swap3A_122 = vector.shape_cast %swap3A_121 : vector<1x16xf32> to vector<16xf32>
    %swap3A_123 = vector.shape_cast %broadcast_in_dim3A_26 : vector<16xf32> to vector<1x16xf32>
    tpu.vector_store %arg18[%swap3A_119, %swap3A_120], %swap3A_123 {strides = array<i32>} : memref<64x128xf32, #tpu.memory_space<vmem>>, vector<1x16xf32>,
    %swap3A_124 = arith.constant 2 : i32
    %swap3A_125 = arith.index_cast %swap3A_124 : i32 to index
    %swap3A_126 = arith.constant 0 : index
    %swap3A_127 = tpu.vector_load %arg18[%swap3A_125, %swap3A_126] {strides = array<i32>} : memref<64x128xf32, #tpu.memory_space<vmem>>, vector<1x16xf32>,
    %swap3A_128 = vector.shape_cast %swap3A_127 : vector<1x16xf32> to vector<16xf32>
    %swap3A_129 = vector.shape_cast %broadcast_in_dim3A_26 : vector<16xf32> to vector<1x16xf32>
    tpu.vector_store %arg18[%swap3A_125, %swap3A_126], %swap3A_129 {strides = array<i32>} : memref<64x128xf32, #tpu.memory_space<vmem>>, vector<1x16xf32>,
    %swap3A_130 = arith.constant 2 : i32
    %swap3A_131 = arith.index_cast %swap3A_130 : i32 to index
    %swap3A_132 = arith.constant 16 : index
    %swap3A_133 = tpu.vector_load %arg18[%swap3A_131, %swap3A_132] {strides = array<i32>} : memref<64x128xf32, #tpu.memory_space<vmem>>, vector<1x16xf32>,
    %swap3A_134 = vector.shape_cast %swap3A_133 : vector<1x16xf32> to vector<16xf32>
    %swap3A_135 = vector.shape_cast %broadcast_in_dim3A_26 : vector<16xf32> to vector<1x16xf32>
    tpu.vector_store %arg18[%swap3A_131, %swap3A_132], %swap3A_135 {strides = array<i32>} : memref<64x128xf32, #tpu.memory_space<vmem>>, vector<1x16xf32>,
    %swap3A_136 = arith.constant 2 : i32
    %swap3A_137 = arith.index_cast %swap3A_136 : i32 to index
    %swap3A_138 = arith.constant 32 : index
    %swap3A_139 = tpu.vector_load %arg18[%swap3A_137, %swap3A_138] {strides = array<i32>} : memref<64x128xf32, #tpu.memory_space<vmem>>, vector<1x16xf32>,
    %swap3A_140 = vector.shape_cast %swap3A_139 : vector<1x16xf32> to vector<16xf32>
    %swap3A_141 = vector.shape_cast %broadcast_in_dim3A_26 : vector<16xf32> to vector<1x16xf32>
    tpu.vector_store %arg18[%swap3A_137, %swap3A_138], %swap3A_141 {strides = array<i32>} : memref<64x128xf32, #tpu.memory_space<vmem>>, vector<1x16xf32>,
    %swap3A_142 = arith.constant 2 : i32
    %swap3A_143 = arith.index_cast %swap3A_142 : i32 to index
    %swap3A_144 = arith.constant 48 : index
    %swap3A_145 = tpu.vector_load %arg18[%swap3A_143, %swap3A_144] {strides = array<i32>} : memref<64x128xf32, #tpu.memory_space<vmem>>, vector<1x16xf32>,
    %swap3A_146 = vector.shape_cast %swap3A_145 : vector<1x16xf32> to vector<16xf32>
    %swap3A_147 = vector.shape_cast %broadcast_in_dim3A_26 : vector<16xf32> to vector<1x16xf32>
    tpu.vector_store %arg18[%swap3A_143, %swap3A_144], %swap3A_147 {strides = array<i32>} : memref<64x128xf32, #tpu.memory_space<vmem>>, vector<1x16xf32>,
    %swap3A_148 = arith.constant 2 : i32
    %swap3A_149 = arith.index_cast %swap3A_148 : i32 to index
    %swap3A_150 = arith.constant 64 : index
    %swap3A_151 = tpu.vector_load %arg18[%swap3A_149, %swap3A_150] {strides = array<i32>} : memref<64x128xf32, #tpu.memory_space<vmem>>, vector<1x16xf32>,
    %swap3A_152 = vector.shape_cast %swap3A_151 : vector<1x16xf32> to vector<16xf32>
    %swap3A_153 = vector.shape_cast %broadcast_in_dim3A_26 : vector<16xf32> to vector<1x16xf32>
    tpu.vector_store %arg18[%swap3A_149, %swap3A_150], %swap3A_153 {strides = array<i32>} : memref<64x128xf32, #tpu.memory_space<vmem>>, vector<1x16xf32>,
    %swap3A_154 = arith.constant 2 : i32
    %swap3A_155 = arith.index_cast %swap3A_154 : i32 to index
    %swap3A_156 = arith.constant 80 : index
    %swap3A_157 = tpu.vector_load %arg18[%swap3A_155, %swap3A_156] {strides = array<i32>} : memref<64x128xf32, #tpu.memory_space<vmem>>, vector<1x16xf32>,
    %swap3A_158 = vector.shape_cast %swap3A_157 : vector<1x16xf32> to vector<16xf32>
    %swap3A_159 = vector.shape_cast %broadcast_in_dim3A_26 : vector<16xf32> to vector<1x16xf32>
    tpu.vector_store %arg18[%swap3A_155, %swap3A_156], %swap3A_159 {strides = array<i32>} : memref<64x128xf32, #tpu.memory_space<vmem>>, vector<1x16xf32>,
    %swap3A_160 = arith.constant 2 : i32
    %swap3A_161 = arith.index_cast %swap3A_160 : i32 to index
    %swap3A_162 = arith.constant 96 : index
    %swap3A_163 = tpu.vector_load %arg18[%swap3A_161, %swap3A_162] {strides = array<i32>} : memref<64x128xf32, #tpu.memory_space<vmem>>, vector<1x16xf32>,
    %swap3A_164 = vector.shape_cast %swap3A_163 : vector<1x16xf32> to vector<16xf32>
    %swap3A_165 = vector.shape_cast %broadcast_in_dim3A_26 : vector<16xf32> to vector<1x16xf32>
    tpu.vector_store %arg18[%swap3A_161, %swap3A_162], %swap3A_165 {strides = array<i32>} : memref<64x128xf32, #tpu.memory_space<vmem>>, vector<1x16xf32>,
    %swap3A_166 = arith.constant 2 : i32
    %swap3A_167 = arith.index_cast %swap3A_166 : i32 to index
    %swap3A_168 = arith.constant 112 : index
    %swap3A_169 = tpu.vector_load %arg18[%swap3A_167, %swap3A_168] {strides = array<i32>} : memref<64x128xf32, #tpu.memory_space<vmem>>, vector<1x16xf32>,
    %swap3A_170 = vector.shape_cast %swap3A_169 : vector<1x16xf32> to vector<16xf32>
    %swap3A_171 = vector.shape_cast %broadcast_in_dim3A_26 : vector<16xf32> to vector<1x16xf32>
    tpu.vector_store %arg18[%swap3A_167, %swap3A_168], %swap3A_171 {strides = array<i32>} : memref<64x128xf32, #tpu.memory_space<vmem>>, vector<1x16xf32>,
    %swap3A_172 = arith.constant 3 : i32
    %swap3A_173 = arith.index_cast %swap3A_172 : i32 to index
    %swap3A_174 = arith.constant 0 : index
    %swap3A_175 = tpu.vector_load %arg18[%swap3A_173, %swap3A_174] {strides = array<i32>} : memref<64x128xf32, #tpu.memory_space<vmem>>, vector<1x16xf32>,
    %swap3A_176 = vector.shape_cast %swap3A_175 : vector<1x16xf32> to vector<16xf32>
    %swap3A_177 = vector.shape_cast %broadcast_in_dim3A_26 : vector<16xf32> to vector<1x16xf32>
    tpu.vector_store %arg18[%swap3A_173, %swap3A_174], %swap3A_177 {strides = array<i32>} : memref<64x128xf32, #tpu.memory_space<vmem>>, vector<1x16xf32>,
    %swap3A_178 = arith.constant 3 : i32
    %swap3A_179 = arith.index_cast %swap3A_178 : i32 to index
    %swap3A_180 = arith.constant 16 : index
    %swap3A_181 = tpu.vector_load %arg18[%swap3A_179, %swap3A_180] {strides = array<i32>} : memref<64x128xf32, #tpu.memory_space<vmem>>, vector<1x16xf32>,
    %swap3A_182 = vector.shape_cast %swap3A_181 : vector<1x16xf32> to vector<16xf32>
    %swap3A_183 = vector.shape_cast %broadcast_in_dim3A_26 : vector<16xf32> to vector<1x16xf32>
    tpu.vector_store %arg18[%swap3A_179, %swap3A_180], %swap3A_183 {strides = array<i32>} : memref<64x128xf32, #tpu.memory_space<vmem>>, vector<1x16xf32>,
    %swap3A_184 = arith.constant 3 : i32
    %swap3A_185 = arith.index_cast %swap3A_184 : i32 to index
    %swap3A_186 = arith.constant 32 : index
    %swap3A_187 = tpu.vector_load %arg18[%swap3A_185, %swap3A_186] {strides = array<i32>} : memref<64x128xf32, #tpu.memory_space<vmem>>, vector<1x16xf32>,
    %swap3A_188 = vector.shape_cast %swap3A_187 : vector<1x16xf32> to vector<16xf32>
    %swap3A_189 = vector.shape_cast %broadcast_in_dim3A_26 : vector<16xf32> to vector<1x16xf32>
    tpu.vector_store %arg18[%swap3A_185, %swap3A_186], %swap3A_189 {strides = array<i32>} : memref<64x128xf32, #tpu.memory_space<vmem>>, vector<1x16xf32>,
    %swap3A_190 = arith.constant 3 : i32
    %swap3A_191 = arith.index_cast %swap3A_190 : i32 to index
    %swap3A_192 = arith.constant 48 : index
    %swap3A_193 = tpu.vector_load %arg18[%swap3A_191, %swap3A_192] {strides = array<i32>} : memref<64x128xf32, #tpu.memory_space<vmem>>, vector<1x16xf32>,
    %swap3A_194 = vector.shape_cast %swap3A_193 : vector<1x16xf32> to vector<16xf32>
    %swap3A_195 = vector.shape_cast %broadcast_in_dim3A_26 : vector<16xf32> to vector<1x16xf32>
    tpu.vector_store %arg18[%swap3A_191, %swap3A_192], %swap3A_195 {strides = array<i32>} : memref<64x128xf32, #tpu.memory_space<vmem>>, vector<1x16xf32>,
    %swap3A_196 = arith.constant 3 : i32
    %swap3A_197 = arith.index_cast %swap3A_196 : i32 to index
    %swap3A_198 = arith.constant 64 : index
    %swap3A_199 = tpu.vector_load %arg18[%swap3A_197, %swap3A_198] {strides = array<i32>} : memref<64x128xf32, #tpu.memory_space<vmem>>, vector<1x16xf32>,
    %swap3A_200 = vector.shape_cast %swap3A_199 : vector<1x16xf32> to vector<16xf32>
    %swap3A_201 = vector.shape_cast %broadcast_in_dim3A_26 : vector<16xf32> to vector<1x16xf32>
    tpu.vector_store %arg18[%swap3A_197, %swap3A_198], %swap3A_201 {strides = array<i32>} : memref<64x128xf32, #tpu.memory_space<vmem>>, vector<1x16xf32>,
    %swap3A_202 = arith.constant 3 : i32
    %swap3A_203 = arith.index_cast %swap3A_202 : i32 to index
    %swap3A_204 = arith.constant 80 : index
    %swap3A_205 = tpu.vector_load %arg18[%swap3A_203, %swap3A_204] {strides = array<i32>} : memref<64x128xf32, #tpu.memory_space<vmem>>, vector<1x16xf32>,
    %swap3A_206 = vector.shape_cast %swap3A_205 : vector<1x16xf32> to vector<16xf32>
    %swap3A_207 = vector.shape_cast %broadcast_in_dim3A_26 : vector<16xf32> to vector<1x16xf32>
    tpu.vector_store %arg18[%swap3A_203, %swap3A_204], %swap3A_207 {strides = array<i32>} : memref<64x128xf32, #tpu.memory_space<vmem>>, vector<1x16xf32>,
    %swap3A_208 = arith.constant 3 : i32
    %swap3A_209 = arith.index_cast %swap3A_208 : i32 to index
    %swap3A_210 = arith.constant 96 : index
    %swap3A_211 = tpu.vector_load %arg18[%swap3A_209, %swap3A_210] {strides = array<i32>} : memref<64x128xf32, #tpu.memory_space<vmem>>, vector<1x16xf32>,
    %swap3A_212 = vector.shape_cast %swap3A_211 : vector<1x16xf32> to vector<16xf32>
    %swap3A_213 = vector.shape_cast %broadcast_in_dim3A_26 : vector<16xf32> to vector<1x16xf32>
    tpu.vector_store %arg18[%swap3A_209, %swap3A_210], %swap3A_213 {strides = array<i32>} : memref<64x128xf32, #tpu.memory_space<vmem>>, vector<1x16xf32>,
    %swap3A_214 = arith.constant 3 : i32
    %swap3A_215 = arith.index_cast %swap3A_214 : i32 to index
    %swap3A_216 = arith.constant 112 : index
    %swap3A_217 = tpu.vector_load %arg18[%swap3A_215, %swap3A_216] {strides = array<i32>} : memref<64x128xf32, #tpu.memory_space<vmem>>, vector<1x16xf32>,
    %swap3A_218 = vector.shape_cast %swap3A_217 : vector<1x16xf32> to vector<16xf32>
    %swap3A_219 = vector.shape_cast %broadcast_in_dim3A_26 : vector<16xf32> to vector<1x16xf32>
    tpu.vector_store %arg18[%swap3A_215, %swap3A_216], %swap3A_219 {strides = array<i32>} : memref<64x128xf32, #tpu.memory_space<vmem>>, vector<1x16xf32>,
    %swap3A_220 = arith.constant 4 : i32
    %swap3A_221 = arith.index_cast %swap3A_220 : i32 to index
    %swap3A_222 = arith.constant 0 : index
    %swap3A_223 = tpu.vector_load %arg18[%swap3A_221, %swap3A_222] {strides = array<i32>} : memref<64x128xf32, #tpu.memory_space<vmem>>, vector<1x16xf32>,
    %swap3A_224 = vector.shape_cast %swap3A_223 : vector<1x16xf32> to vector<16xf32>
    %swap3A_225 = vector.shape_cast %broadcast_in_dim3A_26 : vector<16xf32> to vector<1x16xf32>
    tpu.vector_store %arg18[%swap3A_221, %swap3A_222], %swap3A_225 {strides = array<i32>} : memref<64x128xf32, #tpu.memory_space<vmem>>, vector<1x16xf32>,
    %swap3A_226 = arith.constant 4 : i32
    %swap3A_227 = arith.index_cast %swap3A_226 : i32 to index
    %swap3A_228 = arith.constant 16 : index
    %swap3A_229 = tpu.vector_load %arg18[%swap3A_227, %swap3A_228] {strides = array<i32>} : memref<64x128xf32, #tpu.memory_space<vmem>>, vector<1x16xf32>,
    %swap3A_230 = vector.shape_cast %swap3A_229 : vector<1x16xf32> to vector<16xf32>
    %swap3A_231 = vector.shape_cast %broadcast_in_dim3A_26 : vector<16xf32> to vector<1x16xf32>
    tpu.vector_store %arg18[%swap3A_227, %swap3A_228], %swap3A_231 {strides = array<i32>} : memref<64x128xf32, #tpu.memory_space<vmem>>, vector<1x16xf32>,
    %swap3A_232 = arith.constant 4 : i32
    %swap3A_233 = arith.index_cast %swap3A_232 : i32 to index
    %swap3A_234 = arith.constant 32 : index
    %swap3A_235 = tpu.vector_load %arg18[%swap3A_233, %swap3A_234] {strides = array<i32>} : memref<64x128xf32, #tpu.memory_space<vmem>>, vector<1x16xf32>,
    %swap3A_236 = vector.shape_cast %swap3A_235 : vector<1x16xf32> to vector<16xf32>
    %swap3A_237 = vector.shape_cast %broadcast_in_dim3A_26 : vector<16xf32> to vector<1x16xf32>
    tpu.vector_store %arg18[%swap3A_233, %swap3A_234], %swap3A_237 {strides = array<i32>} : memref<64x128xf32, #tpu.memory_space<vmem>>, vector<1x16xf32>,
    %swap3A_238 = arith.constant 4 : i32
    %swap3A_239 = arith.index_cast %swap3A_238 : i32 to index
    %swap3A_240 = arith.constant 48 : index
    %swap3A_241 = tpu.vector_load %arg18[%swap3A_239, %swap3A_240] {strides = array<i32>} : memref<64x128xf32, #tpu.memory_space<vmem>>, vector<1x16xf32>,
    %swap3A_242 = vector.shape_cast %swap3A_241 : vector<1x16xf32> to vector<16xf32>
    %swap3A_243 = vector.shape_cast %broadcast_in_dim3A_26 : vector<16xf32> to vector<1x16xf32>
    tpu.vector_store %arg18[%swap3A_239, %swap3A_240], %swap3A_243 {strides = array<i32>} : memref<64x128xf32, #tpu.memory_space<vmem>>, vector<1x16xf32>,
    %swap3A_244 = arith.constant 4 : i32
    %swap3A_245 = arith.index_cast %swap3A_244 : i32 to index
    %swap3A_246 = arith.constant 64 : index
    %swap3A_247 = tpu.vector_load %arg18[%swap3A_245, %swap3A_246] {strides = array<i32>} : memref<64x128xf32, #tpu.memory_space<vmem>>, vector<1x16xf32>,
    %swap3A_248 = vector.shape_cast %swap3A_247 : vector<1x16xf32> to vector<16xf32>
    %swap3A_249 = vector.shape_cast %broadcast_in_dim3A_26 : vector<16xf32> to vector<1x16xf32>
    tpu.vector_store %arg18[%swap3A_245, %swap3A_246], %swap3A_249 {strides = array<i32>} : memref<64x128xf32, #tpu.memory_space<vmem>>, vector<1x16xf32>,
    %swap3A_250 = arith.constant 4 : i32
    %swap3A_251 = arith.index_cast %swap3A_250 : i32 to index
    %swap3A_252 = arith.constant 80 : index
    %swap3A_253 = tpu.vector_load %arg18[%swap3A_251, %swap3A_252] {strides = array<i32>} : memref<64x128xf32, #tpu.memory_space<vmem>>, vector<1x16xf32>,
    %swap3A_254 = vector.shape_cast %swap3A_253 : vector<1x16xf32> to vector<16xf32>
    %swap3A_255 = vector.shape_cast %broadcast_in_dim3A_26 : vector<16xf32> to vector<1x16xf32>
    tpu.vector_store %arg18[%swap3A_251, %swap3A_252], %swap3A_255 {strides = array<i32>} : memref<64x128xf32, #tpu.memory_space<vmem>>, vector<1x16xf32>,
    %swap3A_256 = arith.constant 4 : i32
    %swap3A_257 = arith.index_cast %swap3A_256 : i32 to index
    %swap3A_258 = arith.constant 96 : index
    %swap3A_259 = tpu.vector_load %arg18[%swap3A_257, %swap3A_258] {strides = array<i32>} : memref<64x128xf32, #tpu.memory_space<vmem>>, vector<1x16xf32>,
    %swap3A_260 = vector.shape_cast %swap3A_259 : vector<1x16xf32> to vector<16xf32>
    %swap3A_261 = vector.shape_cast %broadcast_in_dim3A_26 : vector<16xf32> to vector<1x16xf32>
    tpu.vector_store %arg18[%swap3A_257, %swap3A_258], %swap3A_261 {strides = array<i32>} : memref<64x128xf32, #tpu.memory_space<vmem>>, vector<1x16xf32>,
    %swap3A_262 = arith.constant 4 : i32
    %swap3A_263 = arith.index_cast %swap3A_262 : i32 to index
    %swap3A_264 = arith.constant 112 : index
    %swap3A_265 = tpu.vector_load %arg18[%swap3A_263, %swap3A_264] {strides = array<i32>} : memref<64x128xf32, #tpu.memory_space<vmem>>, vector<1x16xf32>,
    %swap3A_266 = vector.shape_cast %swap3A_265 : vector<1x16xf32> to vector<16xf32>
    %swap3A_267 = vector.shape_cast %broadcast_in_dim3A_26 : vector<16xf32> to vector<1x16xf32>
    tpu.vector_store %arg18[%swap3A_263, %swap3A_264], %swap3A_267 {strides = array<i32>} : memref<64x128xf32, #tpu.memory_space<vmem>>, vector<1x16xf32>,
    %swap3A_268 = arith.constant 5 : i32
    %swap3A_269 = arith.index_cast %swap3A_268 : i32 to index
    %swap3A_270 = arith.constant 0 : index
    %swap3A_271 = tpu.vector_load %arg18[%swap3A_269, %swap3A_270] {strides = array<i32>} : memref<64x128xf32, #tpu.memory_space<vmem>>, vector<1x16xf32>,
    %swap3A_272 = vector.shape_cast %swap3A_271 : vector<1x16xf32> to vector<16xf32>
    %swap3A_273 = vector.shape_cast %broadcast_in_dim3A_26 : vector<16xf32> to vector<1x16xf32>
    tpu.vector_store %arg18[%swap3A_269, %swap3A_270], %swap3A_273 {strides = array<i32>} : memref<64x128xf32, #tpu.memory_space<vmem>>, vector<1x16xf32>,
    %swap3A_274 = arith.constant 5 : i32
    %swap3A_275 = arith.index_cast %swap3A_274 : i32 to index
    %swap3A_276 = arith.constant 16 : index
    %swap3A_277 = tpu.vector_load %arg18[%swap3A_275, %swap3A_276] {strides = array<i32>} : memref<64x128xf32, #tpu.memory_space<vmem>>, vector<1x16xf32>,
    %swap3A_278 = vector.shape_cast %swap3A_277 : vector<1x16xf32> to vector<16xf32>
    %swap3A_279 = vector.shape_cast %broadcast_in_dim3A_26 : vector<16xf32> to vector<1x16xf32>
    tpu.vector_store %arg18[%swap3A_275, %swap3A_276], %swap3A_279 {strides = array<i32>} : memref<64x128xf32, #tpu.memory_space<vmem>>, vector<1x16xf32>,
    %swap3A_280 = arith.constant 5 : i32
    %swap3A_281 = arith.index_cast %swap3A_280 : i32 to index
    %swap3A_282 = arith.constant 32 : index
    %swap3A_283 = tpu.vector_load %arg18[%swap3A_281, %swap3A_282] {strides = array<i32>} : memref<64x128xf32, #tpu.memory_space<vmem>>, vector<1x16xf32>,
    %swap3A_284 = vector.shape_cast %swap3A_283 : vector<1x16xf32> to vector<16xf32>
    %swap3A_285 = vector.shape_cast %broadcast_in_dim3A_26 : vector<16xf32> to vector<1x16xf32>
    tpu.vector_store %arg18[%swap3A_281, %swap3A_282], %swap3A_285 {strides = array<i32>} : memref<64x128xf32, #tpu.memory_space<vmem>>, vector<1x16xf32>,
    %swap3A_286 = arith.constant 5 : i32
    %swap3A_287 = arith.index_cast %swap3A_286 : i32 to index
    %swap3A_288 = arith.constant 48 : index
    %swap3A_289 = tpu.vector_load %arg18[%swap3A_287, %swap3A_288] {strides = array<i32>} : memref<64x128xf32, #tpu.memory_space<vmem>>, vector<1x16xf32>,
    %swap3A_290 = vector.shape_cast %swap3A_289 : vector<1x16xf32> to vector<16xf32>
    %swap3A_291 = vector.shape_cast %broadcast_in_dim3A_26 : vector<16xf32> to vector<1x16xf32>
    tpu.vector_store %arg18[%swap3A_287, %swap3A_288], %swap3A_291 {strides = array<i32>} : memref<64x128xf32, #tpu.memory_space<vmem>>, vector<1x16xf32>,
    %swap3A_292 = arith.constant 5 : i32
    %swap3A_293 = arith.index_cast %swap3A_292 : i32 to index
    %swap3A_294 = arith.constant 64 : index
    %swap3A_295 = tpu.vector_load %arg18[%swap3A_293, %swap3A_294] {strides = array<i32>} : memref<64x128xf32, #tpu.memory_space<vmem>>, vector<1x16xf32>,
    %swap3A_296 = vector.shape_cast %swap3A_295 : vector<1x16xf32> to vector<16xf32>
    %swap3A_297 = vector.shape_cast %broadcast_in_dim3A_26 : vector<16xf32> to vector<1x16xf32>
    tpu.vector_store %arg18[%swap3A_293, %swap3A_294], %swap3A_297 {strides = array<i32>} : memref<64x128xf32, #tpu.memory_space<vmem>>, vector<1x16xf32>,
    %swap3A_298 = arith.constant 5 : i32
    %swap3A_299 = arith.index_cast %swap3A_298 : i32 to index
    %swap3A_300 = arith.constant 80 : index
    %swap3A_301 = tpu.vector_load %arg18[%swap3A_299, %swap3A_300] {strides = array<i32>} : memref<64x128xf32, #tpu.memory_space<vmem>>, vector<1x16xf32>,
    %swap3A_302 = vector.shape_cast %swap3A_301 : vector<1x16xf32> to vector<16xf32>
    %swap3A_303 = vector.shape_cast %broadcast_in_dim3A_26 : vector<16xf32> to vector<1x16xf32>
    tpu.vector_store %arg18[%swap3A_299, %swap3A_300], %swap3A_303 {strides = array<i32>} : memref<64x128xf32, #tpu.memory_space<vmem>>, vector<1x16xf32>,
    %swap3A_304 = arith.constant 5 : i32
    %swap3A_305 = arith.index_cast %swap3A_304 : i32 to index
    %swap3A_306 = arith.constant 96 : index
    %swap3A_307 = tpu.vector_load %arg18[%swap3A_305, %swap3A_306] {strides = array<i32>} : memref<64x128xf32, #tpu.memory_space<vmem>>, vector<1x16xf32>,
    %swap3A_308 = vector.shape_cast %swap3A_307 : vector<1x16xf32> to vector<16xf32>
    %swap3A_309 = vector.shape_cast %broadcast_in_dim3A_26 : vector<16xf32> to vector<1x16xf32>
    tpu.vector_store %arg18[%swap3A_305, %swap3A_306], %swap3A_309 {strides = array<i32>} : memref<64x128xf32, #tpu.memory_space<vmem>>, vector<1x16xf32>,
    %swap3A_310 = arith.constant 5 : i32
    %swap3A_311 = arith.index_cast %swap3A_310 : i32 to index
    %swap3A_312 = arith.constant 112 : index
    %swap3A_313 = tpu.vector_load %arg18[%swap3A_311, %swap3A_312] {strides = array<i32>} : memref<64x128xf32, #tpu.memory_space<vmem>>, vector<1x16xf32>,
    %swap3A_314 = vector.shape_cast %swap3A_313 : vector<1x16xf32> to vector<16xf32>
    %swap3A_315 = vector.shape_cast %broadcast_in_dim3A_26 : vector<16xf32> to vector<1x16xf32>
    tpu.vector_store %arg18[%swap3A_311, %swap3A_312], %swap3A_315 {strides = array<i32>} : memref<64x128xf32, #tpu.memory_space<vmem>>, vector<1x16xf32>,
    %swap3A_316 = arith.constant 6 : i32
    %swap3A_317 = arith.index_cast %swap3A_316 : i32 to index
    %swap3A_318 = arith.constant 0 : index
    %swap3A_319 = tpu.vector_load %arg18[%swap3A_317, %swap3A_318] {strides = array<i32>} : memref<64x128xf32, #tpu.memory_space<vmem>>, vector<1x16xf32>,
    %swap3A_320 = vector.shape_cast %swap3A_319 : vector<1x16xf32> to vector<16xf32>
    %swap3A_321 = vector.shape_cast %broadcast_in_dim3A_26 : vector<16xf32> to vector<1x16xf32>
    tpu.vector_store %arg18[%swap3A_317, %swap3A_318], %swap3A_321 {strides = array<i32>} : memref<64x128xf32, #tpu.memory_space<vmem>>, vector<1x16xf32>,
    %swap3A_322 = arith.constant 6 : i32
    %swap3A_323 = arith.index_cast %swap3A_322 : i32 to index
    %swap3A_324 = arith.constant 16 : index
    %swap3A_325 = tpu.vector_load %arg18[%swap3A_323, %swap3A_324] {strides = array<i32>} : memref<64x128xf32, #tpu.memory_space<vmem>>, vector<1x16xf32>,
    %swap3A_326 = vector.shape_cast %swap3A_325 : vector<1x16xf32> to vector<16xf32>
    %swap3A_327 = vector.shape_cast %broadcast_in_dim3A_26 : vector<16xf32> to vector<1x16xf32>
    tpu.vector_store %arg18[%swap3A_323, %swap3A_324], %swap3A_327 {strides = array<i32>} : memref<64x128xf32, #tpu.memory_space<vmem>>, vector<1x16xf32>,
    %swap3A_328 = arith.constant 6 : i32
    %swap3A_329 = arith.index_cast %swap3A_328 : i32 to index
    %swap3A_330 = arith.constant 32 : index
    %swap3A_331 = tpu.vector_load %arg18[%swap3A_329, %swap3A_330] {strides = array<i32>} : memref<64x128xf32, #tpu.memory_space<vmem>>, vector<1x16xf32>,
    %swap3A_332 = vector.shape_cast %swap3A_331 : vector<1x16xf32> to vector<16xf32>
    %swap3A_333 = vector.shape_cast %broadcast_in_dim3A_26 : vector<16xf32> to vector<1x16xf32>
    tpu.vector_store %arg18[%swap3A_329, %swap3A_330], %swap3A_333 {strides = array<i32>} : memref<64x128xf32, #tpu.memory_space<vmem>>, vector<1x16xf32>,
    %swap3A_334 = arith.constant 6 : i32
    %swap3A_335 = arith.index_cast %swap3A_334 : i32 to index
    %swap3A_336 = arith.constant 48 : index
    %swap3A_337 = tpu.vector_load %arg18[%swap3A_335, %swap3A_336] {strides = array<i32>} : memref<64x128xf32, #tpu.memory_space<vmem>>, vector<1x16xf32>,
    %swap3A_338 = vector.shape_cast %swap3A_337 : vector<1x16xf32> to vector<16xf32>
    %swap3A_339 = vector.shape_cast %broadcast_in_dim3A_26 : vector<16xf32> to vector<1x16xf32>
    tpu.vector_store %arg18[%swap3A_335, %swap3A_336], %swap3A_339 {strides = array<i32>} : memref<64x128xf32, #tpu.memory_space<vmem>>, vector<1x16xf32>,
    %swap3A_340 = arith.constant 6 : i32
    %swap3A_341 = arith.index_cast %swap3A_340 : i32 to index
    %swap3A_342 = arith.constant 64 : index
    %swap3A_343 = tpu.vector_load %arg18[%swap3A_341, %swap3A_342] {strides = array<i32>} : memref<64x128xf32, #tpu.memory_space<vmem>>, vector<1x16xf32>,
    %swap3A_344 = vector.shape_cast %swap3A_343 : vector<1x16xf32> to vector<16xf32>
    %swap3A_345 = vector.shape_cast %broadcast_in_dim3A_26 : vector<16xf32> to vector<1x16xf32>
    tpu.vector_store %arg18[%swap3A_341, %swap3A_342], %swap3A_345 {strides = array<i32>} : memref<64x128xf32, #tpu.memory_space<vmem>>, vector<1x16xf32>,
    %swap3A_346 = arith.constant 6 : i32
    %swap3A_347 = arith.index_cast %swap3A_346 : i32 to index
    %swap3A_348 = arith.constant 80 : index
    %swap3A_349 = tpu.vector_load %arg18[%swap3A_347, %swap3A_348] {strides = array<i32>} : memref<64x128xf32, #tpu.memory_space<vmem>>, vector<1x16xf32>,
    %swap3A_350 = vector.shape_cast %swap3A_349 : vector<1x16xf32> to vector<16xf32>
    %swap3A_351 = vector.shape_cast %broadcast_in_dim3A_26 : vector<16xf32> to vector<1x16xf32>
    tpu.vector_store %arg18[%swap3A_347, %swap3A_348], %swap3A_351 {strides = array<i32>} : memref<64x128xf32, #tpu.memory_space<vmem>>, vector<1x16xf32>,
    %swap3A_352 = arith.constant 6 : i32
    %swap3A_353 = arith.index_cast %swap3A_352 : i32 to index
    %swap3A_354 = arith.constant 96 : index
    %swap3A_355 = tpu.vector_load %arg18[%swap3A_353, %swap3A_354] {strides = array<i32>} : memref<64x128xf32, #tpu.memory_space<vmem>>, vector<1x16xf32>,
    %swap3A_356 = vector.shape_cast %swap3A_355 : vector<1x16xf32> to vector<16xf32>
    %swap3A_357 = vector.shape_cast %broadcast_in_dim3A_26 : vector<16xf32> to vector<1x16xf32>
    tpu.vector_store %arg18[%swap3A_353, %swap3A_354], %swap3A_357 {strides = array<i32>} : memref<64x128xf32, #tpu.memory_space<vmem>>, vector<1x16xf32>,
    %swap3A_358 = arith.constant 6 : i32
    %swap3A_359 = arith.index_cast %swap3A_358 : i32 to index
    %swap3A_360 = arith.constant 112 : index
    %swap3A_361 = tpu.vector_load %arg18[%swap3A_359, %swap3A_360] {strides = array<i32>} : memref<64x128xf32, #tpu.memory_space<vmem>>, vector<1x16xf32>,
    %swap3A_362 = vector.shape_cast %swap3A_361 : vector<1x16xf32> to vector<16xf32>
    %swap3A_363 = vector.shape_cast %broadcast_in_dim3A_26 : vector<16xf32> to vector<1x16xf32>
    tpu.vector_store %arg18[%swap3A_359, %swap3A_360], %swap3A_363 {strides = array<i32>} : memref<64x128xf32, #tpu.memory_space<vmem>>, vector<1x16xf32>,
    %swap3A_364 = arith.constant 7 : i32
    %swap3A_365 = arith.index_cast %swap3A_364 : i32 to index
    %swap3A_366 = arith.constant 0 : index
    %swap3A_367 = tpu.vector_load %arg18[%swap3A_365, %swap3A_366] {strides = array<i32>} : memref<64x128xf32, #tpu.memory_space<vmem>>, vector<1x16xf32>,
    %swap3A_368 = vector.shape_cast %swap3A_367 : vector<1x16xf32> to vector<16xf32>
    %swap3A_369 = vector.shape_cast %broadcast_in_dim3A_26 : vector<16xf32> to vector<1x16xf32>
    tpu.vector_store %arg18[%swap3A_365, %swap3A_366], %swap3A_369 {strides = array<i32>} : memref<64x128xf32, #tpu.memory_space<vmem>>, vector<1x16xf32>,
    %swap3A_370 = arith.constant 7 : i32
    %swap3A_371 = arith.index_cast %swap3A_370 : i32 to index
    %swap3A_372 = arith.constant 16 : index
    %swap3A_373 = tpu.vector_load %arg18[%swap3A_371, %swap3A_372] {strides = array<i32>} : memref<64x128xf32, #tpu.memory_space<vmem>>, vector<1x16xf32>,
    %swap3A_374 = vector.shape_cast %swap3A_373 : vector<1x16xf32> to vector<16xf32>
    %swap3A_375 = vector.shape_cast %broadcast_in_dim3A_26 : vector<16xf32> to vector<1x16xf32>
    tpu.vector_store %arg18[%swap3A_371, %swap3A_372], %swap3A_375 {strides = array<i32>} : memref<64x128xf32, #tpu.memory_space<vmem>>, vector<1x16xf32>,
    %swap3A_376 = arith.constant 7 : i32
    %swap3A_377 = arith.index_cast %swap3A_376 : i32 to index
    %swap3A_378 = arith.constant 32 : index
    %swap3A_379 = tpu.vector_load %arg18[%swap3A_377, %swap3A_378] {strides = array<i32>} : memref<64x128xf32, #tpu.memory_space<vmem>>, vector<1x16xf32>,
    %swap3A_380 = vector.shape_cast %swap3A_379 : vector<1x16xf32> to vector<16xf32>
    %swap3A_381 = vector.shape_cast %broadcast_in_dim3A_26 : vector<16xf32> to vector<1x16xf32>
    tpu.vector_store %arg18[%swap3A_377, %swap3A_378], %swap3A_381 {strides = array<i32>} : memref<64x128xf32, #tpu.memory_space<vmem>>, vector<1x16xf32>,
    %swap3A_382 = arith.constant 7 : i32
    %swap3A_383 = arith.index_cast %swap3A_382 : i32 to index
    %swap3A_384 = arith.constant 48 : index
    %swap3A_385 = tpu.vector_load %arg18[%swap3A_383, %swap3A_384] {strides = array<i32>} : memref<64x128xf32, #tpu.memory_space<vmem>>, vector<1x16xf32>,
    %swap3A_386 = vector.shape_cast %swap3A_385 : vector<1x16xf32> to vector<16xf32>
    %swap3A_387 = vector.shape_cast %broadcast_in_dim3A_26 : vector<16xf32> to vector<1x16xf32>
    tpu.vector_store %arg18[%swap3A_383, %swap3A_384], %swap3A_387 {strides = array<i32>} : memref<64x128xf32, #tpu.memory_space<vmem>>, vector<1x16xf32>,
    %swap3A_388 = arith.constant 7 : i32
    %swap3A_389 = arith.index_cast %swap3A_388 : i32 to index
    %swap3A_390 = arith.constant 64 : index
    %swap3A_391 = tpu.vector_load %arg18[%swap3A_389, %swap3A_390] {strides = array<i32>} : memref<64x128xf32, #tpu.memory_space<vmem>>, vector<1x16xf32>,
    %swap3A_392 = vector.shape_cast %swap3A_391 : vector<1x16xf32> to vector<16xf32>
    %swap3A_393 = vector.shape_cast %broadcast_in_dim3A_26 : vector<16xf32> to vector<1x16xf32>
    tpu.vector_store %arg18[%swap3A_389, %swap3A_390], %swap3A_393 {strides = array<i32>} : memref<64x128xf32, #tpu.memory_space<vmem>>, vector<1x16xf32>,
    %swap3A_394 = arith.constant 7 : i32
    %swap3A_395 = arith.index_cast %swap3A_394 : i32 to index
    %swap3A_396 = arith.constant 80 : index
    %swap3A_397 = tpu.vector_load %arg18[%swap3A_395, %swap3A_396] {strides = array<i32>} : memref<64x128xf32, #tpu.memory_space<vmem>>, vector<1x16xf32>,
    %swap3A_398 = vector.shape_cast %swap3A_397 : vector<1x16xf32> to vector<16xf32>
    %swap3A_399 = vector.shape_cast %broadcast_in_dim3A_26 : vector<16xf32> to vector<1x16xf32>
    tpu.vector_store %arg18[%swap3A_395, %swap3A_396], %swap3A_399 {strides = array<i32>} : memref<64x128xf32, #tpu.memory_space<vmem>>, vector<1x16xf32>,
    %swap3A_400 = arith.constant 7 : i32
    %swap3A_401 = arith.index_cast %swap3A_400 : i32 to index
    %swap3A_402 = arith.constant 96 : index
    %swap3A_403 = tpu.vector_load %arg18[%swap3A_401, %swap3A_402] {strides = array<i32>} : memref<64x128xf32, #tpu.memory_space<vmem>>, vector<1x16xf32>,
    %swap3A_404 = vector.shape_cast %swap3A_403 : vector<1x16xf32> to vector<16xf32>
    %swap3A_405 = vector.shape_cast %broadcast_in_dim3A_26 : vector<16xf32> to vector<1x16xf32>
    tpu.vector_store %arg18[%swap3A_401, %swap3A_402], %swap3A_405 {strides = array<i32>} : memref<64x128xf32, #tpu.memory_space<vmem>>, vector<1x16xf32>,
    %swap3A_406 = arith.constant 7 : i32
    %swap3A_407 = arith.index_cast %swap3A_406 : i32 to index
    %swap3A_408 = arith.constant 112 : index
    %swap3A_409 = tpu.vector_load %arg18[%swap3A_407, %swap3A_408] {strides = array<i32>} : memref<64x128xf32, #tpu.memory_space<vmem>>, vector<1x16xf32>,
    %swap3A_410 = vector.shape_cast %swap3A_409 : vector<1x16xf32> to vector<16xf32>
    %swap3A_411 = vector.shape_cast %broadcast_in_dim3A_26 : vector<16xf32> to vector<1x16xf32>
    tpu.vector_store %arg18[%swap3A_407, %swap3A_408], %swap3A_411 {strides = array<i32>} : memref<64x128xf32, #tpu.memory_space<vmem>>, vector<1x16xf32>,
    %swap3A_412 = arith.constant 8 : i32
    %swap3A_413 = arith.index_cast %swap3A_412 : i32 to index
    %swap3A_414 = arith.constant 0 : index
    %swap3A_415 = tpu.vector_load %arg18[%swap3A_413, %swap3A_414] {strides = array<i32>} : memref<64x128xf32, #tpu.memory_space<vmem>>, vector<1x16xf32>,
    %swap3A_416 = vector.shape_cast %swap3A_415 : vector<1x16xf32> to vector<16xf32>
    %swap3A_417 = vector.shape_cast %broadcast_in_dim3A_26 : vector<16xf32> to vector<1x16xf32>
    tpu.vector_store %arg18[%swap3A_413, %swap3A_414], %swap3A_417 {strides = array<i32>} : memref<64x128xf32, #tpu.memory_space<vmem>>, vector<1x16xf32>,
    %swap3A_418 = arith.constant 8 : i32
    %swap3A_419 = arith.index_cast %swap3A_418 : i32 to index
    %swap3A_420 = arith.constant 16 : index
    %swap3A_421 = tpu.vector_load %arg18[%swap3A_419, %swap3A_420] {strides = array<i32>} : memref<64x128xf32, #tpu.memory_space<vmem>>, vector<1x16xf32>,
    %swap3A_422 = vector.shape_cast %swap3A_421 : vector<1x16xf32> to vector<16xf32>
    %swap3A_423 = vector.shape_cast %broadcast_in_dim3A_26 : vector<16xf32> to vector<1x16xf32>
    tpu.vector_store %arg18[%swap3A_419, %swap3A_420], %swap3A_423 {strides = array<i32>} : memref<64x128xf32, #tpu.memory_space<vmem>>, vector<1x16xf32>,
    %swap3A_424 = arith.constant 8 : i32
    %swap3A_425 = arith.index_cast %swap3A_424 : i32 to index
    %swap3A_426 = arith.constant 32 : index
    %swap3A_427 = tpu.vector_load %arg18[%swap3A_425, %swap3A_426] {strides = array<i32>} : memref<64x128xf32, #tpu.memory_space<vmem>>, vector<1x16xf32>,
    %swap3A_428 = vector.shape_cast %swap3A_427 : vector<1x16xf32> to vector<16xf32>
    %swap3A_429 = vector.shape_cast %broadcast_in_dim3A_26 : vector<16xf32> to vector<1x16xf32>
    tpu.vector_store %arg18[%swap3A_425, %swap3A_426], %swap3A_429 {strides = array<i32>} : memref<64x128xf32, #tpu.memory_space<vmem>>, vector<1x16xf32>,
    %swap3A_430 = arith.constant 8 : i32
    %swap3A_431 = arith.index_cast %swap3A_430 : i32 to index
    %swap3A_432 = arith.constant 48 : index
    %swap3A_433 = tpu.vector_load %arg18[%swap3A_431, %swap3A_432] {strides = array<i32>} : memref<64x128xf32, #tpu.memory_space<vmem>>, vector<1x16xf32>,
    %swap3A_434 = vector.shape_cast %swap3A_433 : vector<1x16xf32> to vector<16xf32>
    %swap3A_435 = vector.shape_cast %broadcast_in_dim3A_26 : vector<16xf32> to vector<1x16xf32>
    tpu.vector_store %arg18[%swap3A_431, %swap3A_432], %swap3A_435 {strides = array<i32>} : memref<64x128xf32, #tpu.memory_space<vmem>>, vector<1x16xf32>,
    %swap3A_436 = arith.constant 8 : i32
    %swap3A_437 = arith.index_cast %swap3A_436 : i32 to index
    %swap3A_438 = arith.constant 64 : index
    %swap3A_439 = tpu.vector_load %arg18[%swap3A_437, %swap3A_438] {strides = array<i32>} : memref<64x128xf32, #tpu.memory_space<vmem>>, vector<1x16xf32>,
    %swap3A_440 = vector.shape_cast %swap3A_439 : vector<1x16xf32> to vector<16xf32>
    %swap3A_441 = vector.shape_cast %broadcast_in_dim3A_26 : vector<16xf32> to vector<1x16xf32>
    tpu.vector_store %arg18[%swap3A_437, %swap3A_438], %swap3A_441 {strides = array<i32>} : memref<64x128xf32, #tpu.memory_space<vmem>>, vector<1x16xf32>,
    %swap3A_442 = arith.constant 8 : i32
    %swap3A_443 = arith.index_cast %swap3A_442 : i32 to index
    %swap3A_444 = arith.constant 80 : index
    %swap3A_445 = tpu.vector_load %arg18[%swap3A_443, %swap3A_444] {strides = array<i32>} : memref<64x128xf32, #tpu.memory_space<vmem>>, vector<1x16xf32>,
    %swap3A_446 = vector.shape_cast %swap3A_445 : vector<1x16xf32> to vector<16xf32>
    %swap3A_447 = vector.shape_cast %broadcast_in_dim3A_26 : vector<16xf32> to vector<1x16xf32>
    tpu.vector_store %arg18[%swap3A_443, %swap3A_444], %swap3A_447 {strides = array<i32>} : memref<64x128xf32, #tpu.memory_space<vmem>>, vector<1x16xf32>,
    %swap3A_448 = arith.constant 8 : i32
    %swap3A_449 = arith.index_cast %swap3A_448 : i32 to index
    %swap3A_450 = arith.constant 96 : index
    %swap3A_451 = tpu.vector_load %arg18[%swap3A_449, %swap3A_450] {strides = array<i32>} : memref<64x128xf32, #tpu.memory_space<vmem>>, vector<1x16xf32>,
    %swap3A_452 = vector.shape_cast %swap3A_451 : vector<1x16xf32> to vector<16xf32>
    %swap3A_453 = vector.shape_cast %broadcast_in_dim3A_26 : vector<16xf32> to vector<1x16xf32>
    tpu.vector_store %arg18[%swap3A_449, %swap3A_450], %swap3A_453 {strides = array<i32>} : memref<64x128xf32, #tpu.memory_space<vmem>>, vector<1x16xf32>,
    %swap3A_454 = arith.constant 8 : i32
    %swap3A_455 = arith.index_cast %swap3A_454 : i32 to index
    %swap3A_456 = arith.constant 112 : index
    %swap3A_457 = tpu.vector_load %arg18[%swap3A_455, %swap3A_456] {strides = array<i32>} : memref<64x128xf32, #tpu.memory_space<vmem>>, vector<1x16xf32>,
    %swap3A_458 = vector.shape_cast %swap3A_457 : vector<1x16xf32> to vector<16xf32>
    %swap3A_459 = vector.shape_cast %broadcast_in_dim3A_26 : vector<16xf32> to vector<1x16xf32>
    tpu.vector_store %arg18[%swap3A_455, %swap3A_456], %swap3A_459 {strides = array<i32>} : memref<64x128xf32, #tpu.memory_space<vmem>>, vector<1x16xf32>,
    %swap3A_460 = arith.constant 9 : i32
    %swap3A_461 = arith.index_cast %swap3A_460 : i32 to index
    %swap3A_462 = arith.constant 0 : index
    %swap3A_463 = tpu.vector_load %arg18[%swap3A_461, %swap3A_462] {strides = array<i32>} : memref<64x128xf32, #tpu.memory_space<vmem>>, vector<1x16xf32>,
    %swap3A_464 = vector.shape_cast %swap3A_463 : vector<1x16xf32> to vector<16xf32>
    %swap3A_465 = vector.shape_cast %broadcast_in_dim3A_26 : vector<16xf32> to vector<1x16xf32>
    tpu.vector_store %arg18[%swap3A_461, %swap3A_462], %swap3A_465 {strides = array<i32>} : memref<64x128xf32, #tpu.memory_space<vmem>>, vector<1x16xf32>,
    %swap3A_466 = arith.constant 9 : i32
    %swap3A_467 = arith.index_cast %swap3A_466 : i32 to index
    %swap3A_468 = arith.constant 16 : index
    %swap3A_469 = tpu.vector_load %arg18[%swap3A_467, %swap3A_468] {strides = array<i32>} : memref<64x128xf32, #tpu.memory_space<vmem>>, vector<1x16xf32>,
    %swap3A_470 = vector.shape_cast %swap3A_469 : vector<1x16xf32> to vector<16xf32>
    %swap3A_471 = vector.shape_cast %broadcast_in_dim3A_26 : vector<16xf32> to vector<1x16xf32>
    tpu.vector_store %arg18[%swap3A_467, %swap3A_468], %swap3A_471 {strides = array<i32>} : memref<64x128xf32, #tpu.memory_space<vmem>>, vector<1x16xf32>,
    %swap3A_472 = arith.constant 9 : i32
    %swap3A_473 = arith.index_cast %swap3A_472 : i32 to index
    %swap3A_474 = arith.constant 32 : index
    %swap3A_475 = tpu.vector_load %arg18[%swap3A_473, %swap3A_474] {strides = array<i32>} : memref<64x128xf32, #tpu.memory_space<vmem>>, vector<1x16xf32>,
    %swap3A_476 = vector.shape_cast %swap3A_475 : vector<1x16xf32> to vector<16xf32>
    %swap3A_477 = vector.shape_cast %broadcast_in_dim3A_26 : vector<16xf32> to vector<1x16xf32>
    tpu.vector_store %arg18[%swap3A_473, %swap3A_474], %swap3A_477 {strides = array<i32>} : memref<64x128xf32, #tpu.memory_space<vmem>>, vector<1x16xf32>,
    %swap3A_478 = arith.constant 9 : i32
    %swap3A_479 = arith.index_cast %swap3A_478 : i32 to index
    %swap3A_480 = arith.constant 48 : index
    %swap3A_481 = tpu.vector_load %arg18[%swap3A_479, %swap3A_480] {strides = array<i32>} : memref<64x128xf32, #tpu.memory_space<vmem>>, vector<1x16xf32>,
    %swap3A_482 = vector.shape_cast %swap3A_481 : vector<1x16xf32> to vector<16xf32>
    %swap3A_483 = vector.shape_cast %broadcast_in_dim3A_26 : vector<16xf32> to vector<1x16xf32>
    tpu.vector_store %arg18[%swap3A_479, %swap3A_480], %swap3A_483 {strides = array<i32>} : memref<64x128xf32, #tpu.memory_space<vmem>>, vector<1x16xf32>,
    %swap3A_484 = arith.constant 9 : i32
    %swap3A_485 = arith.index_cast %swap3A_484 : i32 to index
    %swap3A_486 = arith.constant 64 : index
    %swap3A_487 = tpu.vector_load %arg18[%swap3A_485, %swap3A_486] {strides = array<i32>} : memref<64x128xf32, #tpu.memory_space<vmem>>, vector<1x16xf32>,
    %swap3A_488 = vector.shape_cast %swap3A_487 : vector<1x16xf32> to vector<16xf32>
    %swap3A_489 = vector.shape_cast %broadcast_in_dim3A_26 : vector<16xf32> to vector<1x16xf32>
    tpu.vector_store %arg18[%swap3A_485, %swap3A_486], %swap3A_489 {strides = array<i32>} : memref<64x128xf32, #tpu.memory_space<vmem>>, vector<1x16xf32>,
    %swap3A_490 = arith.constant 9 : i32
    %swap3A_491 = arith.index_cast %swap3A_490 : i32 to index
    %swap3A_492 = arith.constant 80 : index
    %swap3A_493 = tpu.vector_load %arg18[%swap3A_491, %swap3A_492] {strides = array<i32>} : memref<64x128xf32, #tpu.memory_space<vmem>>, vector<1x16xf32>,
    %swap3A_494 = vector.shape_cast %swap3A_493 : vector<1x16xf32> to vector<16xf32>
    %swap3A_495 = vector.shape_cast %broadcast_in_dim3A_26 : vector<16xf32> to vector<1x16xf32>
    tpu.vector_store %arg18[%swap3A_491, %swap3A_492], %swap3A_495 {strides = array<i32>} : memref<64x128xf32, #tpu.memory_space<vmem>>, vector<1x16xf32>,
    %swap3A_496 = arith.constant 9 : i32
    %swap3A_497 = arith.index_cast %swap3A_496 : i32 to index
    %swap3A_498 = arith.constant 96 : index
    %swap3A_499 = tpu.vector_load %arg18[%swap3A_497, %swap3A_498] {strides = array<i32>} : memref<64x128xf32, #tpu.memory_space<vmem>>, vector<1x16xf32>,
    %swap3A_500 = vector.shape_cast %swap3A_499 : vector<1x16xf32> to vector<16xf32>
    %swap3A_501 = vector.shape_cast %broadcast_in_dim3A_26 : vector<16xf32> to vector<1x16xf32>
    tpu.vector_store %arg18[%swap3A_497, %swap3A_498], %swap3A_501 {strides = array<i32>} : memref<64x128xf32, #tpu.memory_space<vmem>>, vector<1x16xf32>,
    %swap3A_502 = arith.constant 9 : i32
    %swap3A_503 = arith.index_cast %swap3A_502 : i32 to index
    %swap3A_504 = arith.constant 112 : index
    %swap3A_505 = tpu.vector_load %arg18[%swap3A_503, %swap3A_504] {strides = array<i32>} : memref<64x128xf32, #tpu.memory_space<vmem>>, vector<1x16xf32>,
    %swap3A_506 = vector.shape_cast %swap3A_505 : vector<1x16xf32> to vector<16xf32>
    %swap3A_507 = vector.shape_cast %broadcast_in_dim3A_26 : vector<16xf32> to vector<1x16xf32>
    tpu.vector_store %arg18[%swap3A_503, %swap3A_504], %swap3A_507 {strides = array<i32>} : memref<64x128xf32, #tpu.memory_space<vmem>>, vector<1x16xf32>,
    %swap3A_508 = arith.constant 10 : i32
    %swap3A_509 = arith.index_cast %swap3A_508 : i32 to index
    %swap3A_510 = arith.constant 0 : index
    %swap3A_511 = tpu.vector_load %arg18[%swap3A_509, %swap3A_510] {strides = array<i32>} : memref<64x128xf32, #tpu.memory_space<vmem>>, vector<1x16xf32>,
    %swap3A_512 = vector.shape_cast %swap3A_511 : vector<1x16xf32> to vector<16xf32>
    %swap3A_513 = vector.shape_cast %broadcast_in_dim3A_26 : vector<16xf32> to vector<1x16xf32>
    tpu.vector_store %arg18[%swap3A_509, %swap3A_510], %swap3A_513 {strides = array<i32>} : memref<64x128xf32, #tpu.memory_space<vmem>>, vector<1x16xf32>,
    %swap3A_514 = arith.constant 10 : i32
    %swap3A_515 = arith.index_cast %swap3A_514 : i32 to index
    %swap3A_516 = arith.constant 16 : index
    %swap3A_517 = tpu.vector_load %arg18[%swap3A_515, %swap3A_516] {strides = array<i32>} : memref<64x128xf32, #tpu.memory_space<vmem>>, vector<1x16xf32>,
    %swap3A_518 = vector.shape_cast %swap3A_517 : vector<1x16xf32> to vector<16xf32>
    %swap3A_519 = vector.shape_cast %broadcast_in_dim3A_26 : vector<16xf32> to vector<1x16xf32>
    tpu.vector_store %arg18[%swap3A_515, %swap3A_516], %swap3A_519 {strides = array<i32>} : memref<64x128xf32, #tpu.memory_space<vmem>>, vector<1x16xf32>,
    %swap3A_520 = arith.constant 10 : i32
    %swap3A_521 = arith.index_cast %swap3A_520 : i32 to index
    %swap3A_522 = arith.constant 32 : index
    %swap3A_523 = tpu.vector_load %arg18[%swap3A_521, %swap3A_522] {strides = array<i32>} : memref<64x128xf32, #tpu.memory_space<vmem>>, vector<1x16xf32>,
    %swap3A_524 = vector.shape_cast %swap3A_523 : vector<1x16xf32> to vector<16xf32>
    %swap3A_525 = vector.shape_cast %broadcast_in_dim3A_26 : vector<16xf32> to vector<1x16xf32>
    tpu.vector_store %arg18[%swap3A_521, %swap3A_522], %swap3A_525 {strides = array<i32>} : memref<64x128xf32, #tpu.memory_space<vmem>>, vector<1x16xf32>,
    %swap3A_526 = arith.constant 10 : i32
    %swap3A_527 = arith.index_cast %swap3A_526 : i32 to index
    %swap3A_528 = arith.constant 48 : index
    %swap3A_529 = tpu.vector_load %arg18[%swap3A_527, %swap3A_528] {strides = array<i32>} : memref<64x128xf32, #tpu.memory_space<vmem>>, vector<1x16xf32>,
    %swap3A_530 = vector.shape_cast %swap3A_529 : vector<1x16xf32> to vector<16xf32>
    %swap3A_531 = vector.shape_cast %broadcast_in_dim3A_26 : vector<16xf32> to vector<1x16xf32>
    tpu.vector_store %arg18[%swap3A_527, %swap3A_528], %swap3A_531 {strides = array<i32>} : memref<64x128xf32, #tpu.memory_space<vmem>>, vector<1x16xf32>,
    %swap3A_532 = arith.constant 10 : i32
    %swap3A_533 = arith.index_cast %swap3A_532 : i32 to index
    %swap3A_534 = arith.constant 64 : index
    %swap3A_535 = tpu.vector_load %arg18[%swap3A_533, %swap3A_534] {strides = array<i32>} : memref<64x128xf32, #tpu.memory_space<vmem>>, vector<1x16xf32>,
    %swap3A_536 = vector.shape_cast %swap3A_535 : vector<1x16xf32> to vector<16xf32>
    %swap3A_537 = vector.shape_cast %broadcast_in_dim3A_26 : vector<16xf32> to vector<1x16xf32>
    tpu.vector_store %arg18[%swap3A_533, %swap3A_534], %swap3A_537 {strides = array<i32>} : memref<64x128xf32, #tpu.memory_space<vmem>>, vector<1x16xf32>,
    %swap3A_538 = arith.constant 10 : i32
    %swap3A_539 = arith.index_cast %swap3A_538 : i32 to index
    %swap3A_540 = arith.constant 80 : index
    %swap3A_541 = tpu.vector_load %arg18[%swap3A_539, %swap3A_540] {strides = array<i32>} : memref<64x128xf32, #tpu.memory_space<vmem>>, vector<1x16xf32>,
    %swap3A_542 = vector.shape_cast %swap3A_541 : vector<1x16xf32> to vector<16xf32>
    %swap3A_543 = vector.shape_cast %broadcast_in_dim3A_26 : vector<16xf32> to vector<1x16xf32>
    tpu.vector_store %arg18[%swap3A_539, %swap3A_540], %swap3A_543 {strides = array<i32>} : memref<64x128xf32, #tpu.memory_space<vmem>>, vector<1x16xf32>,
    %swap3A_544 = arith.constant 10 : i32
    %swap3A_545 = arith.index_cast %swap3A_544 : i32 to index
    %swap3A_546 = arith.constant 96 : index
    %swap3A_547 = tpu.vector_load %arg18[%swap3A_545, %swap3A_546] {strides = array<i32>} : memref<64x128xf32, #tpu.memory_space<vmem>>, vector<1x16xf32>,
    %swap3A_548 = vector.shape_cast %swap3A_547 : vector<1x16xf32> to vector<16xf32>
    %swap3A_549 = vector.shape_cast %broadcast_in_dim3A_26 : vector<16xf32> to vector<1x16xf32>
    tpu.vector_store %arg18[%swap3A_545, %swap3A_546], %swap3A_549 {strides = array<i32>} : memref<64x128xf32, #tpu.memory_space<vmem>>, vector<1x16xf32>,
    %swap3A_550 = arith.constant 10 : i32
    %swap3A_551 = arith.index_cast %swap3A_550 : i32 to index
    %swap3A_552 = arith.constant 112 : index
    %swap3A_553 = tpu.vector_load %arg18[%swap3A_551, %swap3A_552] {strides = array<i32>} : memref<64x128xf32, #tpu.memory_space<vmem>>, vector<1x16xf32>,
    %swap3A_554 = vector.shape_cast %swap3A_553 : vector<1x16xf32> to vector<16xf32>
    %swap3A_555 = vector.shape_cast %broadcast_in_dim3A_26 : vector<16xf32> to vector<1x16xf32>
    tpu.vector_store %arg18[%swap3A_551, %swap3A_552], %swap3A_555 {strides = array<i32>} : memref<64x128xf32, #tpu.memory_space<vmem>>, vector<1x16xf32>,
    %swap3A_556 = arith.constant 11 : i32
    %swap3A_557 = arith.index_cast %swap3A_556 : i32 to index
    %swap3A_558 = arith.constant 0 : index
    %swap3A_559 = tpu.vector_load %arg18[%swap3A_557, %swap3A_558] {strides = array<i32>} : memref<64x128xf32, #tpu.memory_space<vmem>>, vector<1x16xf32>,
    %swap3A_560 = vector.shape_cast %swap3A_559 : vector<1x16xf32> to vector<16xf32>
    %swap3A_561 = vector.shape_cast %broadcast_in_dim3A_26 : vector<16xf32> to vector<1x16xf32>
    tpu.vector_store %arg18[%swap3A_557, %swap3A_558], %swap3A_561 {strides = array<i32>} : memref<64x128xf32, #tpu.memory_space<vmem>>, vector<1x16xf32>,
    %swap3A_562 = arith.constant 11 : i32
    %swap3A_563 = arith.index_cast %swap3A_562 : i32 to index
    %swap3A_564 = arith.constant 16 : index
    %swap3A_565 = tpu.vector_load %arg18[%swap3A_563, %swap3A_564] {strides = array<i32>} : memref<64x128xf32, #tpu.memory_space<vmem>>, vector<1x16xf32>,
    %swap3A_566 = vector.shape_cast %swap3A_565 : vector<1x16xf32> to vector<16xf32>
    %swap3A_567 = vector.shape_cast %broadcast_in_dim3A_26 : vector<16xf32> to vector<1x16xf32>
    tpu.vector_store %arg18[%swap3A_563, %swap3A_564], %swap3A_567 {strides = array<i32>} : memref<64x128xf32, #tpu.memory_space<vmem>>, vector<1x16xf32>,
    %swap3A_568 = arith.constant 11 : i32
    %swap3A_569 = arith.index_cast %swap3A_568 : i32 to index
    %swap3A_570 = arith.constant 32 : index
    %swap3A_571 = tpu.vector_load %arg18[%swap3A_569, %swap3A_570] {strides = array<i32>} : memref<64x128xf32, #tpu.memory_space<vmem>>, vector<1x16xf32>,
    %swap3A_572 = vector.shape_cast %swap3A_571 : vector<1x16xf32> to vector<16xf32>
    %swap3A_573 = vector.shape_cast %broadcast_in_dim3A_26 : vector<16xf32> to vector<1x16xf32>
    tpu.vector_store %arg18[%swap3A_569, %swap3A_570], %swap3A_573 {strides = array<i32>} : memref<64x128xf32, #tpu.memory_space<vmem>>, vector<1x16xf32>,
    %swap3A_574 = arith.constant 11 : i32
    %swap3A_575 = arith.index_cast %swap3A_574 : i32 to index
    %swap3A_576 = arith.constant 48 : index
    %swap3A_577 = tpu.vector_load %arg18[%swap3A_575, %swap3A_576] {strides = array<i32>} : memref<64x128xf32, #tpu.memory_space<vmem>>, vector<1x16xf32>,
    %swap3A_578 = vector.shape_cast %swap3A_577 : vector<1x16xf32> to vector<16xf32>
    %swap3A_579 = vector.shape_cast %broadcast_in_dim3A_26 : vector<16xf32> to vector<1x16xf32>
    tpu.vector_store %arg18[%swap3A_575, %swap3A_576], %swap3A_579 {strides = array<i32>} : memref<64x128xf32, #tpu.memory_space<vmem>>, vector<1x16xf32>,
    %swap3A_580 = arith.constant 11 : i32
    %swap3A_581 = arith.index_cast %swap3A_580 : i32 to index
    %swap3A_582 = arith.constant 64 : index
    %swap3A_583 = tpu.vector_load %arg18[%swap3A_581, %swap3A_582] {strides = array<i32>} : memref<64x128xf32, #tpu.memory_space<vmem>>, vector<1x16xf32>,
    %swap3A_584 = vector.shape_cast %swap3A_583 : vector<1x16xf32> to vector<16xf32>
    %swap3A_585 = vector.shape_cast %broadcast_in_dim3A_26 : vector<16xf32> to vector<1x16xf32>
    tpu.vector_store %arg18[%swap3A_581, %swap3A_582], %swap3A_585 {strides = array<i32>} : memref<64x128xf32, #tpu.memory_space<vmem>>, vector<1x16xf32>,
    %swap3A_586 = arith.constant 11 : i32
    %swap3A_587 = arith.index_cast %swap3A_586 : i32 to index
    %swap3A_588 = arith.constant 80 : index
    %swap3A_589 = tpu.vector_load %arg18[%swap3A_587, %swap3A_588] {strides = array<i32>} : memref<64x128xf32, #tpu.memory_space<vmem>>, vector<1x16xf32>,
    %swap3A_590 = vector.shape_cast %swap3A_589 : vector<1x16xf32> to vector<16xf32>
    %swap3A_591 = vector.shape_cast %broadcast_in_dim3A_26 : vector<16xf32> to vector<1x16xf32>
    tpu.vector_store %arg18[%swap3A_587, %swap3A_588], %swap3A_591 {strides = array<i32>} : memref<64x128xf32, #tpu.memory_space<vmem>>, vector<1x16xf32>,
    %swap3A_592 = arith.constant 11 : i32
    %swap3A_593 = arith.index_cast %swap3A_592 : i32 to index
    %swap3A_594 = arith.constant 96 : index
    %swap3A_595 = tpu.vector_load %arg18[%swap3A_593, %swap3A_594] {strides = array<i32>} : memref<64x128xf32, #tpu.memory_space<vmem>>, vector<1x16xf32>,
    %swap3A_596 = vector.shape_cast %swap3A_595 : vector<1x16xf32> to vector<16xf32>
    %swap3A_597 = vector.shape_cast %broadcast_in_dim3A_26 : vector<16xf32> to vector<1x16xf32>
    tpu.vector_store %arg18[%swap3A_593, %swap3A_594], %swap3A_597 {strides = array<i32>} : memref<64x128xf32, #tpu.memory_space<vmem>>, vector<1x16xf32>,
    %swap3A_598 = arith.constant 11 : i32
    %swap3A_599 = arith.index_cast %swap3A_598 : i32 to index
    %swap3A_600 = arith.constant 112 : index
    %swap3A_601 = tpu.vector_load %arg18[%swap3A_599, %swap3A_600] {strides = array<i32>} : memref<64x128xf32, #tpu.memory_space<vmem>>, vector<1x16xf32>,
    %swap3A_602 = vector.shape_cast %swap3A_601 : vector<1x16xf32> to vector<16xf32>
    %swap3A_603 = vector.shape_cast %broadcast_in_dim3A_26 : vector<16xf32> to vector<1x16xf32>
    tpu.vector_store %arg18[%swap3A_599, %swap3A_600], %swap3A_603 {strides = array<i32>} : memref<64x128xf32, #tpu.memory_space<vmem>>, vector<1x16xf32>,
    %swap3A_604 = arith.constant 12 : i32
    %swap3A_605 = arith.index_cast %swap3A_604 : i32 to index
    %swap3A_606 = arith.constant 0 : index
    %swap3A_607 = tpu.vector_load %arg18[%swap3A_605, %swap3A_606] {strides = array<i32>} : memref<64x128xf32, #tpu.memory_space<vmem>>, vector<1x16xf32>,
    %swap3A_608 = vector.shape_cast %swap3A_607 : vector<1x16xf32> to vector<16xf32>
    %swap3A_609 = vector.shape_cast %broadcast_in_dim3A_26 : vector<16xf32> to vector<1x16xf32>
    tpu.vector_store %arg18[%swap3A_605, %swap3A_606], %swap3A_609 {strides = array<i32>} : memref<64x128xf32, #tpu.memory_space<vmem>>, vector<1x16xf32>,
    %swap3A_610 = arith.constant 12 : i32
    %swap3A_611 = arith.index_cast %swap3A_610 : i32 to index
    %swap3A_612 = arith.constant 16 : index
    %swap3A_613 = tpu.vector_load %arg18[%swap3A_611, %swap3A_612] {strides = array<i32>} : memref<64x128xf32, #tpu.memory_space<vmem>>, vector<1x16xf32>,
    %swap3A_614 = vector.shape_cast %swap3A_613 : vector<1x16xf32> to vector<16xf32>
    %swap3A_615 = vector.shape_cast %broadcast_in_dim3A_26 : vector<16xf32> to vector<1x16xf32>
    tpu.vector_store %arg18[%swap3A_611, %swap3A_612], %swap3A_615 {strides = array<i32>} : memref<64x128xf32, #tpu.memory_space<vmem>>, vector<1x16xf32>,
    %swap3A_616 = arith.constant 12 : i32
    %swap3A_617 = arith.index_cast %swap3A_616 : i32 to index
    %swap3A_618 = arith.constant 32 : index
    %swap3A_619 = tpu.vector_load %arg18[%swap3A_617, %swap3A_618] {strides = array<i32>} : memref<64x128xf32, #tpu.memory_space<vmem>>, vector<1x16xf32>,
    %swap3A_620 = vector.shape_cast %swap3A_619 : vector<1x16xf32> to vector<16xf32>
    %swap3A_621 = vector.shape_cast %broadcast_in_dim3A_26 : vector<16xf32> to vector<1x16xf32>
    tpu.vector_store %arg18[%swap3A_617, %swap3A_618], %swap3A_621 {strides = array<i32>} : memref<64x128xf32, #tpu.memory_space<vmem>>, vector<1x16xf32>,
    %swap3A_622 = arith.constant 12 : i32
    %swap3A_623 = arith.index_cast %swap3A_622 : i32 to index
    %swap3A_624 = arith.constant 48 : index
    %swap3A_625 = tpu.vector_load %arg18[%swap3A_623, %swap3A_624] {strides = array<i32>} : memref<64x128xf32, #tpu.memory_space<vmem>>, vector<1x16xf32>,
    %swap3A_626 = vector.shape_cast %swap3A_625 : vector<1x16xf32> to vector<16xf32>
    %swap3A_627 = vector.shape_cast %broadcast_in_dim3A_26 : vector<16xf32> to vector<1x16xf32>
    tpu.vector_store %arg18[%swap3A_623, %swap3A_624], %swap3A_627 {strides = array<i32>} : memref<64x128xf32, #tpu.memory_space<vmem>>, vector<1x16xf32>,
    %swap3A_628 = arith.constant 12 : i32
    %swap3A_629 = arith.index_cast %swap3A_628 : i32 to index
    %swap3A_630 = arith.constant 64 : index
    %swap3A_631 = tpu.vector_load %arg18[%swap3A_629, %swap3A_630] {strides = array<i32>} : memref<64x128xf32, #tpu.memory_space<vmem>>, vector<1x16xf32>,
    %swap3A_632 = vector.shape_cast %swap3A_631 : vector<1x16xf32> to vector<16xf32>
    %swap3A_633 = vector.shape_cast %broadcast_in_dim3A_26 : vector<16xf32> to vector<1x16xf32>
    tpu.vector_store %arg18[%swap3A_629, %swap3A_630], %swap3A_633 {strides = array<i32>} : memref<64x128xf32, #tpu.memory_space<vmem>>, vector<1x16xf32>,
    %swap3A_634 = arith.constant 12 : i32
    %swap3A_635 = arith.index_cast %swap3A_634 : i32 to index
    %swap3A_636 = arith.constant 80 : index
    %swap3A_637 = tpu.vector_load %arg18[%swap3A_635, %swap3A_636] {strides = array<i32>} : memref<64x128xf32, #tpu.memory_space<vmem>>, vector<1x16xf32>,
    %swap3A_638 = vector.shape_cast %swap3A_637 : vector<1x16xf32> to vector<16xf32>
    %swap3A_639 = vector.shape_cast %broadcast_in_dim3A_26 : vector<16xf32> to vector<1x16xf32>
    tpu.vector_store %arg18[%swap3A_635, %swap3A_636], %swap3A_639 {strides = array<i32>} : memref<64x128xf32, #tpu.memory_space<vmem>>, vector<1x16xf32>,
    %swap3A_640 = arith.constant 12 : i32
    %swap3A_641 = arith.index_cast %swap3A_640 : i32 to index
    %swap3A_642 = arith.constant 96 : index
    %swap3A_643 = tpu.vector_load %arg18[%swap3A_641, %swap3A_642] {strides = array<i32>} : memref<64x128xf32, #tpu.memory_space<vmem>>, vector<1x16xf32>,
    %swap3A_644 = vector.shape_cast %swap3A_643 : vector<1x16xf32> to vector<16xf32>
    %swap3A_645 = vector.shape_cast %broadcast_in_dim3A_26 : vector<16xf32> to vector<1x16xf32>
    tpu.vector_store %arg18[%swap3A_641, %swap3A_642], %swap3A_645 {strides = array<i32>} : memref<64x128xf32, #tpu.memory_space<vmem>>, vector<1x16xf32>,
    %swap3A_646 = arith.constant 12 : i32
    %swap3A_647 = arith.index_cast %swap3A_646 : i32 to index
    %swap3A_648 = arith.constant 112 : index
    %swap3A_649 = tpu.vector_load %arg18[%swap3A_647, %swap3A_648] {strides = array<i32>} : memref<64x128xf32, #tpu.memory_space<vmem>>, vector<1x16xf32>,
    %swap3A_650 = vector.shape_cast %swap3A_649 : vector<1x16xf32> to vector<16xf32>
    %swap3A_651 = vector.shape_cast %broadcast_in_dim3A_26 : vector<16xf32> to vector<1x16xf32>
    tpu.vector_store %arg18[%swap3A_647, %swap3A_648], %swap3A_651 {strides = array<i32>} : memref<64x128xf32, #tpu.memory_space<vmem>>, vector<1x16xf32>,
    %swap3A_652 = arith.constant 13 : i32
    %swap3A_653 = arith.index_cast %swap3A_652 : i32 to index
    %swap3A_654 = arith.constant 0 : index
    %swap3A_655 = tpu.vector_load %arg18[%swap3A_653, %swap3A_654] {strides = array<i32>} : memref<64x128xf32, #tpu.memory_space<vmem>>, vector<1x16xf32>,
    %swap3A_656 = vector.shape_cast %swap3A_655 : vector<1x16xf32> to vector<16xf32>
    %swap3A_657 = vector.shape_cast %broadcast_in_dim3A_26 : vector<16xf32> to vector<1x16xf32>
    tpu.vector_store %arg18[%swap3A_653, %swap3A_654], %swap3A_657 {strides = array<i32>} : memref<64x128xf32, #tpu.memory_space<vmem>>, vector<1x16xf32>,
    %swap3A_658 = arith.constant 13 : i32
    %swap3A_659 = arith.index_cast %swap3A_658 : i32 to index
    %swap3A_660 = arith.constant 16 : index
    %swap3A_661 = tpu.vector_load %arg18[%swap3A_659, %swap3A_660] {strides = array<i32>} : memref<64x128xf32, #tpu.memory_space<vmem>>, vector<1x16xf32>,
    %swap3A_662 = vector.shape_cast %swap3A_661 : vector<1x16xf32> to vector<16xf32>
    %swap3A_663 = vector.shape_cast %broadcast_in_dim3A_26 : vector<16xf32> to vector<1x16xf32>
    tpu.vector_store %arg18[%swap3A_659, %swap3A_660], %swap3A_663 {strides = array<i32>} : memref<64x128xf32, #tpu.memory_space<vmem>>, vector<1x16xf32>,
    %swap3A_664 = arith.constant 13 : i32
    %swap3A_665 = arith.index_cast %swap3A_664 : i32 to index
    %swap3A_666 = arith.constant 32 : index
    %swap3A_667 = tpu.vector_load %arg18[%swap3A_665, %swap3A_666] {strides = array<i32>} : memref<64x128xf32, #tpu.memory_space<vmem>>, vector<1x16xf32>,
    %swap3A_668 = vector.shape_cast %swap3A_667 : vector<1x16xf32> to vector<16xf32>
    %swap3A_669 = vector.shape_cast %broadcast_in_dim3A_26 : vector<16xf32> to vector<1x16xf32>
    tpu.vector_store %arg18[%swap3A_665, %swap3A_666], %swap3A_669 {strides = array<i32>} : memref<64x128xf32, #tpu.memory_space<vmem>>, vector<1x16xf32>,
    %swap3A_670 = arith.constant 13 : i32
    %swap3A_671 = arith.index_cast %swap3A_670 : i32 to index
    %swap3A_672 = arith.constant 48 : index
    %swap3A_673 = tpu.vector_load %arg18[%swap3A_671, %swap3A_672] {strides = array<i32>} : memref<64x128xf32, #tpu.memory_space<vmem>>, vector<1x16xf32>,
    %swap3A_674 = vector.shape_cast %swap3A_673 : vector<1x16xf32> to vector<16xf32>
    %swap3A_675 = vector.shape_cast %broadcast_in_dim3A_26 : vector<16xf32> to vector<1x16xf32>
    tpu.vector_store %arg18[%swap3A_671, %swap3A_672], %swap3A_675 {strides = array<i32>} : memref<64x128xf32, #tpu.memory_space<vmem>>, vector<1x16xf32>,
    %swap3A_676 = arith.constant 13 : i32
    %swap3A_677 = arith.index_cast %swap3A_676 : i32 to index
    %swap3A_678 = arith.constant 64 : index
    %swap3A_679 = tpu.vector_load %arg18[%swap3A_677, %swap3A_678] {strides = array<i32>} : memref<64x128xf32, #tpu.memory_space<vmem>>, vector<1x16xf32>,
    %swap3A_680 = vector.shape_cast %swap3A_679 : vector<1x16xf32> to vector<16xf32>
    %swap3A_681 = vector.shape_cast %broadcast_in_dim3A_26 : vector<16xf32> to vector<1x16xf32>
    tpu.vector_store %arg18[%swap3A_677, %swap3A_678], %swap3A_681 {strides = array<i32>} : memref<64x128xf32, #tpu.memory_space<vmem>>, vector<1x16xf32>,
    %swap3A_682 = arith.constant 13 : i32
    %swap3A_683 = arith.index_cast %swap3A_682 : i32 to index
    %swap3A_684 = arith.constant 80 : index
    %swap3A_685 = tpu.vector_load %arg18[%swap3A_683, %swap3A_684] {strides = array<i32>} : memref<64x128xf32, #tpu.memory_space<vmem>>, vector<1x16xf32>,
    %swap3A_686 = vector.shape_cast %swap3A_685 : vector<1x16xf32> to vector<16xf32>
    %swap3A_687 = vector.shape_cast %broadcast_in_dim3A_26 : vector<16xf32> to vector<1x16xf32>
    tpu.vector_store %arg18[%swap3A_683, %swap3A_684], %swap3A_687 {strides = array<i32>} : memref<64x128xf32, #tpu.memory_space<vmem>>, vector<1x16xf32>,
    %swap3A_688 = arith.constant 13 : i32
    %swap3A_689 = arith.index_cast %swap3A_688 : i32 to index
    %swap3A_690 = arith.constant 96 : index
    %swap3A_691 = tpu.vector_load %arg18[%swap3A_689, %swap3A_690] {strides = array<i32>} : memref<64x128xf32, #tpu.memory_space<vmem>>, vector<1x16xf32>,
    %swap3A_692 = vector.shape_cast %swap3A_691 : vector<1x16xf32> to vector<16xf32>
    %swap3A_693 = vector.shape_cast %broadcast_in_dim3A_26 : vector<16xf32> to vector<1x16xf32>
    tpu.vector_store %arg18[%swap3A_689, %swap3A_690], %swap3A_693 {strides = array<i32>} : memref<64x128xf32, #tpu.memory_space<vmem>>, vector<1x16xf32>,
    %swap3A_694 = arith.constant 13 : i32
    %swap3A_695 = arith.index_cast %swap3A_694 : i32 to index
    %swap3A_696 = arith.constant 112 : index
    %swap3A_697 = tpu.vector_load %arg18[%swap3A_695, %swap3A_696] {strides = array<i32>} : memref<64x128xf32, #tpu.memory_space<vmem>>, vector<1x16xf32>,
    %swap3A_698 = vector.shape_cast %swap3A_697 : vector<1x16xf32> to vector<16xf32>
    %swap3A_699 = vector.shape_cast %broadcast_in_dim3A_26 : vector<16xf32> to vector<1x16xf32>
    tpu.vector_store %arg18[%swap3A_695, %swap3A_696], %swap3A_699 {strides = array<i32>} : memref<64x128xf32, #tpu.memory_space<vmem>>, vector<1x16xf32>,
    %swap3A_700 = arith.constant 14 : i32
    %swap3A_701 = arith.index_cast %swap3A_700 : i32 to index
    %swap3A_702 = arith.constant 0 : index
    %swap3A_703 = tpu.vector_load %arg18[%swap3A_701, %swap3A_702] {strides = array<i32>} : memref<64x128xf32, #tpu.memory_space<vmem>>, vector<1x16xf32>,
    %swap3A_704 = vector.shape_cast %swap3A_703 : vector<1x16xf32> to vector<16xf32>
    %swap3A_705 = vector.shape_cast %broadcast_in_dim3A_26 : vector<16xf32> to vector<1x16xf32>
    tpu.vector_store %arg18[%swap3A_701, %swap3A_702], %swap3A_705 {strides = array<i32>} : memref<64x128xf32, #tpu.memory_space<vmem>>, vector<1x16xf32>,
    %swap3A_706 = arith.constant 14 : i32
    %swap3A_707 = arith.index_cast %swap3A_706 : i32 to index
    %swap3A_708 = arith.constant 16 : index
    %swap3A_709 = tpu.vector_load %arg18[%swap3A_707, %swap3A_708] {strides = array<i32>} : memref<64x128xf32, #tpu.memory_space<vmem>>, vector<1x16xf32>,
    %swap3A_710 = vector.shape_cast %swap3A_709 : vector<1x16xf32> to vector<16xf32>
    %swap3A_711 = vector.shape_cast %broadcast_in_dim3A_26 : vector<16xf32> to vector<1x16xf32>
    tpu.vector_store %arg18[%swap3A_707, %swap3A_708], %swap3A_711 {strides = array<i32>} : memref<64x128xf32, #tpu.memory_space<vmem>>, vector<1x16xf32>,
    %swap3A_712 = arith.constant 14 : i32
    %swap3A_713 = arith.index_cast %swap3A_712 : i32 to index
    %swap3A_714 = arith.constant 32 : index
    %swap3A_715 = tpu.vector_load %arg18[%swap3A_713, %swap3A_714] {strides = array<i32>} : memref<64x128xf32, #tpu.memory_space<vmem>>, vector<1x16xf32>,
    %swap3A_716 = vector.shape_cast %swap3A_715 : vector<1x16xf32> to vector<16xf32>
    %swap3A_717 = vector.shape_cast %broadcast_in_dim3A_26 : vector<16xf32> to vector<1x16xf32>
    tpu.vector_store %arg18[%swap3A_713, %swap3A_714], %swap3A_717 {strides = array<i32>} : memref<64x128xf32, #tpu.memory_space<vmem>>, vector<1x16xf32>,
    %swap3A_718 = arith.constant 14 : i32
    %swap3A_719 = arith.index_cast %swap3A_718 : i32 to index
    %swap3A_720 = arith.constant 48 : index
    %swap3A_721 = tpu.vector_load %arg18[%swap3A_719, %swap3A_720] {strides = array<i32>} : memref<64x128xf32, #tpu.memory_space<vmem>>, vector<1x16xf32>,
    %swap3A_722 = vector.shape_cast %swap3A_721 : vector<1x16xf32> to vector<16xf32>
    %swap3A_723 = vector.shape_cast %broadcast_in_dim3A_26 : vector<16xf32> to vector<1x16xf32>
    tpu.vector_store %arg18[%swap3A_719, %swap3A_720], %swap3A_723 {strides = array<i32>} : memref<64x128xf32, #tpu.memory_space<vmem>>, vector<1x16xf32>,
    %swap3A_724 = arith.constant 14 : i32
    %swap3A_725 = arith.index_cast %swap3A_724 : i32 to index
    %swap3A_726 = arith.constant 64 : index
    %swap3A_727 = tpu.vector_load %arg18[%swap3A_725, %swap3A_726] {strides = array<i32>} : memref<64x128xf32, #tpu.memory_space<vmem>>, vector<1x16xf32>,
    %swap3A_728 = vector.shape_cast %swap3A_727 : vector<1x16xf32> to vector<16xf32>
    %swap3A_729 = vector.shape_cast %broadcast_in_dim3A_26 : vector<16xf32> to vector<1x16xf32>
    tpu.vector_store %arg18[%swap3A_725, %swap3A_726], %swap3A_729 {strides = array<i32>} : memref<64x128xf32, #tpu.memory_space<vmem>>, vector<1x16xf32>,
    %swap3A_730 = arith.constant 14 : i32
    %swap3A_731 = arith.index_cast %swap3A_730 : i32 to index
    %swap3A_732 = arith.constant 80 : index
    %swap3A_733 = tpu.vector_load %arg18[%swap3A_731, %swap3A_732] {strides = array<i32>} : memref<64x128xf32, #tpu.memory_space<vmem>>, vector<1x16xf32>,
    %swap3A_734 = vector.shape_cast %swap3A_733 : vector<1x16xf32> to vector<16xf32>
    %swap3A_735 = vector.shape_cast %broadcast_in_dim3A_26 : vector<16xf32> to vector<1x16xf32>
    tpu.vector_store %arg18[%swap3A_731, %swap3A_732], %swap3A_735 {strides = array<i32>} : memref<64x128xf32, #tpu.memory_space<vmem>>, vector<1x16xf32>,
    %swap3A_736 = arith.constant 14 : i32
    %swap3A_737 = arith.index_cast %swap3A_736 : i32 to index
    %swap3A_738 = arith.constant 96 : index
    %swap3A_739 = tpu.vector_load %arg18[%swap3A_737, %swap3A_738] {strides = array<i32>} : memref<64x128xf32, #tpu.memory_space<vmem>>, vector<1x16xf32>,
    %swap3A_740 = vector.shape_cast %swap3A_739 : vector<1x16xf32> to vector<16xf32>
    %swap3A_741 = vector.shape_cast %broadcast_in_dim3A_26 : vector<16xf32> to vector<1x16xf32>
    tpu.vector_store %arg18[%swap3A_737, %swap3A_738], %swap3A_741 {strides = array<i32>} : memref<64x128xf32, #tpu.memory_space<vmem>>, vector<1x16xf32>,
    %swap3A_742 = arith.constant 14 : i32
    %swap3A_743 = arith.index_cast %swap3A_742 : i32 to index
    %swap3A_744 = arith.constant 112 : index
    %swap3A_745 = tpu.vector_load %arg18[%swap3A_743, %swap3A_744] {strides = array<i32>} : memref<64x128xf32, #tpu.memory_space<vmem>>, vector<1x16xf32>,
    %swap3A_746 = vector.shape_cast %swap3A_745 : vector<1x16xf32> to vector<16xf32>
    %swap3A_747 = vector.shape_cast %broadcast_in_dim3A_26 : vector<16xf32> to vector<1x16xf32>
    tpu.vector_store %arg18[%swap3A_743, %swap3A_744], %swap3A_747 {strides = array<i32>} : memref<64x128xf32, #tpu.memory_space<vmem>>, vector<1x16xf32>,
    %swap3A_748 = arith.constant 15 : i32
    %swap3A_749 = arith.index_cast %swap3A_748 : i32 to index
    %swap3A_750 = arith.constant 0 : index
    %swap3A_751 = tpu.vector_load %arg18[%swap3A_749, %swap3A_750] {strides = array<i32>} : memref<64x128xf32, #tpu.memory_space<vmem>>, vector<1x16xf32>,
    %swap3A_752 = vector.shape_cast %swap3A_751 : vector<1x16xf32> to vector<16xf32>
    %swap3A_753 = vector.shape_cast %broadcast_in_dim3A_26 : vector<16xf32> to vector<1x16xf32>
    tpu.vector_store %arg18[%swap3A_749, %swap3A_750], %swap3A_753 {strides = array<i32>} : memref<64x128xf32, #tpu.memory_space<vmem>>, vector<1x16xf32>,
    %swap3A_754 = arith.constant 15 : i32
    %swap3A_755 = arith.index_cast %swap3A_754 : i32 to index
    %swap3A_756 = arith.constant 16 : index
    %swap3A_757 = tpu.vector_load %arg18[%swap3A_755, %swap3A_756] {strides = array<i32>} : memref<64x128xf32, #tpu.memory_space<vmem>>, vector<1x16xf32>,
    %swap3A_758 = vector.shape_cast %swap3A_757 : vector<1x16xf32> to vector<16xf32>
    %swap3A_759 = vector.shape_cast %broadcast_in_dim3A_26 : vector<16xf32> to vector<1x16xf32>
    tpu.vector_store %arg18[%swap3A_755, %swap3A_756], %swap3A_759 {strides = array<i32>} : memref<64x128xf32, #tpu.memory_space<vmem>>, vector<1x16xf32>,
    %swap3A_760 = arith.constant 15 : i32
    %swap3A_761 = arith.index_cast %swap3A_760 : i32 to index
    %swap3A_762 = arith.constant 32 : index
    %swap3A_763 = tpu.vector_load %arg18[%swap3A_761, %swap3A_762] {strides = array<i32>} : memref<64x128xf32, #tpu.memory_space<vmem>>, vector<1x16xf32>,
    %swap3A_764 = vector.shape_cast %swap3A_763 : vector<1x16xf32> to vector<16xf32>
    %swap3A_765 = vector.shape_cast %broadcast_in_dim3A_26 : vector<16xf32> to vector<1x16xf32>
    tpu.vector_store %arg18[%swap3A_761, %swap3A_762], %swap3A_765 {strides = array<i32>} : memref<64x128xf32, #tpu.memory_space<vmem>>, vector<1x16xf32>,
    %swap3A_766 = arith.constant 15 : i32
    %swap3A_767 = arith.index_cast %swap3A_766 : i32 to index
    %swap3A_768 = arith.constant 48 : index
    %swap3A_769 = tpu.vector_load %arg18[%swap3A_767, %swap3A_768] {strides = array<i32>} : memref<64x128xf32, #tpu.memory_space<vmem>>, vector<1x16xf32>,
    %swap3A_770 = vector.shape_cast %swap3A_769 : vector<1x16xf32> to vector<16xf32>
    %swap3A_771 = vector.shape_cast %broadcast_in_dim3A_26 : vector<16xf32> to vector<1x16xf32>
    tpu.vector_store %arg18[%swap3A_767, %swap3A_768], %swap3A_771 {strides = array<i32>} : memref<64x128xf32, #tpu.memory_space<vmem>>, vector<1x16xf32>,
    %swap3A_772 = arith.constant 15 : i32
    %swap3A_773 = arith.index_cast %swap3A_772 : i32 to index
    %swap3A_774 = arith.constant 64 : index
    %swap3A_775 = tpu.vector_load %arg18[%swap3A_773, %swap3A_774] {strides = array<i32>} : memref<64x128xf32, #tpu.memory_space<vmem>>, vector<1x16xf32>,
    %swap3A_776 = vector.shape_cast %swap3A_775 : vector<1x16xf32> to vector<16xf32>
    %swap3A_777 = vector.shape_cast %broadcast_in_dim3A_26 : vector<16xf32> to vector<1x16xf32>
    tpu.vector_store %arg18[%swap3A_773, %swap3A_774], %swap3A_777 {strides = array<i32>} : memref<64x128xf32, #tpu.memory_space<vmem>>, vector<1x16xf32>,
    %swap3A_778 = arith.constant 15 : i32
    %swap3A_779 = arith.index_cast %swap3A_778 : i32 to index
    %swap3A_780 = arith.constant 80 : index
    %swap3A_781 = tpu.vector_load %arg18[%swap3A_779, %swap3A_780] {strides = array<i32>} : memref<64x128xf32, #tpu.memory_space<vmem>>, vector<1x16xf32>,
    %swap3A_782 = vector.shape_cast %swap3A_781 : vector<1x16xf32> to vector<16xf32>
    %swap3A_783 = vector.shape_cast %broadcast_in_dim3A_26 : vector<16xf32> to vector<1x16xf32>
    tpu.vector_store %arg18[%swap3A_779, %swap3A_780], %swap3A_783 {strides = array<i32>} : memref<64x128xf32, #tpu.memory_space<vmem>>, vector<1x16xf32>,
    %swap3A_784 = arith.constant 15 : i32
    %swap3A_785 = arith.index_cast %swap3A_784 : i32 to index
    %swap3A_786 = arith.constant 96 : index
    %swap3A_787 = tpu.vector_load %arg18[%swap3A_785, %swap3A_786] {strides = array<i32>} : memref<64x128xf32, #tpu.memory_space<vmem>>, vector<1x16xf32>,
    %swap3A_788 = vector.shape_cast %swap3A_787 : vector<1x16xf32> to vector<16xf32>
    %swap3A_789 = vector.shape_cast %broadcast_in_dim3A_26 : vector<16xf32> to vector<1x16xf32>
    tpu.vector_store %arg18[%swap3A_785, %swap3A_786], %swap3A_789 {strides = array<i32>} : memref<64x128xf32, #tpu.memory_space<vmem>>, vector<1x16xf32>,
    %swap3A_790 = arith.constant 15 : i32
    %swap3A_791 = arith.index_cast %swap3A_790 : i32 to index
    %swap3A_792 = arith.constant 112 : index
    %swap3A_793 = tpu.vector_load %arg18[%swap3A_791, %swap3A_792] {strides = array<i32>} : memref<64x128xf32, #tpu.memory_space<vmem>>, vector<1x16xf32>,
    %swap3A_794 = vector.shape_cast %swap3A_793 : vector<1x16xf32> to vector<16xf32>
    %swap3A_795 = vector.shape_cast %broadcast_in_dim3A_26 : vector<16xf32> to vector<1x16xf32>
    tpu.vector_store %arg18[%swap3A_791, %swap3A_792], %swap3A_795 {strides = array<i32>} : memref<64x128xf32, #tpu.memory_space<vmem>>, vector<1x16xf32>,
    %swap3A_796 = arith.constant 0 : index
    %swap3A_797 = tpu.vector_load %arg19[%swap3A_796] {strides = array<i32>} : memref<64xf32, #tpu.memory_space<vmem>>, vector<16xf32>,
    %swap3A_798 = vector.shape_cast %swap3A_797 : vector<16xf32> to vector<16xf32>
    %swap3A_799 = vector.shape_cast %broadcast_in_dim3A_28 : vector<16xf32> to vector<16xf32>
    tpu.vector_store %arg19[%swap3A_796], %swap3A_799 {strides = array<i32>} : memref<64xf32, #tpu.memory_space<vmem>>, vector<16xf32>,
    %swap3A_800 = arith.constant 16 : index
    %swap3A_801 = tpu.vector_load %arg19[%swap3A_800] {strides = array<i32>} : memref<64xf32, #tpu.memory_space<vmem>>, vector<16xf32>,
    %swap3A_802 = vector.shape_cast %swap3A_801 : vector<16xf32> to vector<16xf32>
    %swap3A_803 = vector.shape_cast %broadcast_in_dim3A_28 : vector<16xf32> to vector<16xf32>
    tpu.vector_store %arg19[%swap3A_800], %swap3A_803 {strides = array<i32>} : memref<64xf32, #tpu.memory_space<vmem>>, vector<16xf32>,
    %swap3A_804 = arith.constant 32 : index
    %swap3A_805 = tpu.vector_load %arg19[%swap3A_804] {strides = array<i32>} : memref<64xf32, #tpu.memory_space<vmem>>, vector<16xf32>,
    %swap3A_806 = vector.shape_cast %swap3A_805 : vector<16xf32> to vector<16xf32>
    %swap3A_807 = vector.shape_cast %broadcast_in_dim3A_28 : vector<16xf32> to vector<16xf32>
    tpu.vector_store %arg19[%swap3A_804], %swap3A_807 {strides = array<i32>} : memref<64xf32, #tpu.memory_space<vmem>>, vector<16xf32>,
    %swap3A_808 = arith.constant 48 : index
    %swap3A_809 = tpu.vector_load %arg19[%swap3A_808] {strides = array<i32>} : memref<64xf32, #tpu.memory_space<vmem>>, vector<16xf32>,
    %swap3A_810 = vector.shape_cast %swap3A_809 : vector<16xf32> to vector<16xf32>
    %swap3A_811 = vector.shape_cast %broadcast_in_dim3A_28 : vector<16xf32> to vector<16xf32>
    tpu.vector_store %arg19[%swap3A_808], %swap3A_811 {strides = array<i32>} : memref<64xf32, #tpu.memory_space<vmem>>, vector<16xf32>,
    %scan3A = arith.constant 0 : i32
    %scan3A_812 = arith.constant 0 : i32
    %scan3A_813 = arith.constant 40 : i32
    %scan3A_814 = arith.addi %scan3A_812, %scan3A_813 : i32
    %scan3A_815 = arith.constant 1 : i32
    %scan3A_816 = scf.for %scan3A_877 = %scan3A_812 to %scan3A_814 step %scan3A_815 iter_args(%scan3A_878 = %scan3A) -> (i32)  : i32 {
      %mul3A_879 = arith.constant 16 : i32
      %mul3A_880 = arith.muli %scan3A_877, %mul3A_879 : i32
      %swap3A_881 = arith.index_cast %mul3A_880 : i32 to index
      %swap3A_882 = tpu.vector_load %arg20[%swap3A_881] {strides = array<i32>} : memref<640xf32, #tpu.memory_space<vmem>>, vector<16xf32>,
      %swap3A_883 = vector.shape_cast %swap3A_882 : vector<16xf32> to vector<16xf32>
      %swap3A_884 = vector.shape_cast %broadcast_in_dim3A_26 : vector<16xf32> to vector<16xf32>
      tpu.vector_store %arg20[%swap3A_881], %swap3A_884 {strides = array<i32>} : memref<640xf32, #tpu.memory_space<vmem>>, vector<16xf32>,
      %scan3A_885 = arith.constant 0 : i32
      scf.yield %scan3A_885 : i32
    }
    %scan3A_817 = arith.constant 40 : i32
    %scan3A_818 = arith.constant 0 : i32
    %scan3A_819 = arith.constant 0 : i32
    %scan3A_820 = arith.constant 40 : i32
    %scan3A_821 = arith.addi %scan3A_819, %scan3A_820 : i32
    %scan3A_822 = arith.constant 1 : i32
    %scan3A_823 = scf.for %scan3A_877 = %scan3A_819 to %scan3A_821 step %scan3A_822 iter_args(%scan3A_878 = %scan3A_818) -> (i32)  : i32 {
      %mul3A_879 = arith.constant 640 : i32
      %mul3A_880 = arith.muli %arg1, %mul3A_879 : i32
      %mul3A_881 = arith.constant 16 : i32
      %mul3A_882 = arith.muli %scan3A_877, %mul3A_881 : i32
      %add3A_883 = arith.addi %mul3A_880, %mul3A_882 : i32
      %dma_start3A_884 = arith.constant 0 : i32
      %dma_start3A_885 = arith.constant 0 : i32
      %dma_start3A_886 = tpu.memref_slice %arg18[%dma_start3A_884, %dma_start3A_885] : memref<64x128xf32, #tpu.memory_space<vmem>> -> memref<16x128xf32, #tpu.memory_space<vmem>>
      %dma_start3A_887 = arith.constant 0 : i32
      %dma_start3A_888 = tpu.memref_slice %arg21[%add3A_883, %dma_start3A_887] : memref<10240x128xf32, #tpu.memory_space<vmem_shared>> -> memref<16x128xf32, #tpu.memory_space<vmem_shared>>
      %dma_start3A_889 = arith.constant 0 : i32
      %dma_start3A_890 = tpu.memref_slice %arg21[%add3A_883, %dma_start3A_889] : memref<10240x128xf32, #tpu.memory_space<vmem_shared>> -> memref<16x128xf32, #tpu.memory_space<vmem_shared>>
      %dma_start3A_891 = arith.constant 0 : i32
      %dma_start3A_892 = arith.constant 0 : i32
      %dma_start3A_893 = tpu.memref_slice %arg18[%dma_start3A_891, %dma_start3A_892] : memref<64x128xf32, #tpu.memory_space<vmem>> -> memref<16x128xf32, #tpu.memory_space<vmem>>
      tpu.enqueue_dma source(%dma_start3A_893 : memref<16x128xf32, #tpu.memory_space<vmem>>) target(%dma_start3A_890 : memref<16x128xf32, #tpu.memory_space<vmem_shared>>) target_semaphore(%arg35 : memref<!tpu.dma_semaphore, #tpu.memory_space<semaphore_mem>>)
      %scan3A_894 = arith.constant 0 : i32
      scf.yield %scan3A_894 : i32
    }
    %scan3A_824 = arith.constant 40 : i32
    %mul3A_825 = arith.constant 640 : i32
    %mul3A_826 = arith.muli %arg1, %mul3A_825 : i32
    "tpu.region"() ({
      %run_scoped3A = tpu.sem_alloc : memref<!tpu.dma_semaphore, #tpu.memory_space<semaphore_mem>>
      %dma_start3A_877 = tpu.memref_slice %arg22[%mul3A_826] : memref<10240xf32, #tpu.memory_space<vmem_shared>> -> memref<640xf32, #tpu.memory_space<vmem_shared>>
      %dma_start3A_878 = tpu.memref_slice %arg22[%mul3A_826] : memref<10240xf32, #tpu.memory_space<vmem_shared>> -> memref<640xf32, #tpu.memory_space<vmem_shared>>
      tpu.enqueue_dma source(%arg20 : memref<640xf32, #tpu.memory_space<vmem>>) target(%dma_start3A_878 : memref<640xf32, #tpu.memory_space<vmem_shared>>) target_semaphore(%run_scoped3A : memref<!tpu.dma_semaphore, #tpu.memory_space<semaphore_mem>>)
      %dma_wait3A_879 = tpu.memref_slice %arg22[%mul3A_826] : memref<10240xf32, #tpu.memory_space<vmem_shared>> -> memref<640xf32, #tpu.memory_space<vmem_shared>>
      %dma_wait3A_880 = tpu.memref_slice %arg22[%mul3A_826] : memref<10240xf32, #tpu.memory_space<vmem_shared>> -> memref<640xf32, #tpu.memory_space<vmem_shared>>
      tpu.wait_dma2 semaphore(%run_scoped3A : memref<!tpu.dma_semaphore, #tpu.memory_space<semaphore_mem>>) src(%arg20 : memref<640xf32, #tpu.memory_space<vmem>>) dst(%dma_wait3A_880 : memref<640xf32, #tpu.memory_space<vmem_shared>>)
      tpu.yield
    }) : () -> ()
    %scan3A_827 = arith.constant 0 : i32
    %scan3A_828 = arith.constant 0 : i32
    %scan3A_829 = arith.constant 40 : i32
    %scan3A_830 = arith.addi %scan3A_828, %scan3A_829 : i32
    %scan3A_831 = arith.constant 1 : i32
    %scan3A_832 = scf.for %scan3A_877 = %scan3A_828 to %scan3A_830 step %scan3A_831 iter_args(%scan3A_878 = %scan3A_827) -> (i32)  : i32 {
      %mul3A_879 = arith.constant 640 : i32
      %mul3A_880 = arith.muli %arg1, %mul3A_879 : i32
      %mul3A_881 = arith.constant 16 : i32
      %mul3A_882 = arith.muli %scan3A_877, %mul3A_881 : i32
      %add3A_883 = arith.addi %mul3A_880, %mul3A_882 : i32
      %dma_wait3A_884 = arith.constant 0 : i32
      %dma_wait3A_885 = arith.constant 0 : i32
      %dma_wait3A_886 = tpu.memref_slice %arg18[%dma_wait3A_884, %dma_wait3A_885] : memref<64x128xf32, #tpu.memory_space<vmem>> -> memref<16x128xf32, #tpu.memory_space<vmem>>
      %dma_wait3A_887 = arith.constant 0 : i32
      %dma_wait3A_888 = tpu.memref_slice %arg21[%add3A_883, %dma_wait3A_887] : memref<10240x128xf32, #tpu.memory_space<vmem_shared>> -> memref<16x128xf32, #tpu.memory_space<vmem_shared>>
      %dma_wait3A_889 = arith.constant 0 : i32
      %dma_wait3A_890 = tpu.memref_slice %arg21[%add3A_883, %dma_wait3A_889] : memref<10240x128xf32, #tpu.memory_space<vmem_shared>> -> memref<16x128xf32, #tpu.memory_space<vmem_shared>>
      %dma_wait3A_891 = arith.constant 0 : i32
      %dma_wait3A_892 = arith.constant 0 : i32
      %dma_wait3A_893 = tpu.memref_slice %arg18[%dma_wait3A_891, %dma_wait3A_892] : memref<64x128xf32, #tpu.memory_space<vmem>> -> memref<16x128xf32, #tpu.memory_space<vmem>>
      tpu.wait_dma2 semaphore(%arg35 : memref<!tpu.dma_semaphore, #tpu.memory_space<semaphore_mem>>) src(%dma_wait3A_893 : memref<16x128xf32, #tpu.memory_space<vmem>>) dst(%dma_wait3A_890 : memref<16x128xf32, #tpu.memory_space<vmem_shared>>)
      %scan3A_894 = arith.constant 0 : i32
      scf.yield %scan3A_894 : i32
    }
    %scan3A_833 = arith.constant 40 : i32
    %barrier3A = arith.constant 0 : index
    tpu.barrier barrier_id(%barrier3A)
    %scan3A_834 = arith.constant 0 : i32
    %scan3A_835 = arith.constant 0 : i32
    %scan3A_836 = arith.constant 78 : i32
    %scan3A_837 = arith.addi %scan3A_835, %scan3A_836 : i32
    %scan3A_838 = arith.constant 1 : i32
    %scan3A_839 = scf.for %scan3A_877 = %scan3A_835 to %scan3A_837 step %scan3A_838 iter_args(%scan3A_878 = %scan3A_834) -> (i32)  : i32 {
      %mul3A_879 = arith.constant 2 : i32
      %mul3A_880 = arith.muli %mul3A_879, %scan3A_877 : i32
      %dma_wait3A_881 = arith.constant 0 : i32
      %dma_wait3A_882 = arith.constant 0 : i32
      %dma_wait3A_883 = tpu.memref_slice %arg4[%dma_wait3A_881, %dma_wait3A_882] : memref<10000x128xf32, #tpu.memory_space<hbm>> -> memref<10000x128xf32, #tpu.memory_space<hbm>>
      tpu.wait_indirect_dma semaphore(%arg23 : memref<!tpu.dma_semaphore, #tpu.memory_space<semaphore_mem>>) src(%dma_wait3A_883 : memref<10000x128xf32, #tpu.memory_space<hbm>>) dst(%arg14 : memref<64x128xf32, #tpu.memory_space<vmem>>)
      %dma_wait3A_884 = arith.constant 0 : i32
      %dma_wait3A_885 = arith.constant 0 : i32
      %dma_wait3A_886 = tpu.memref_slice %arg5[%dma_wait3A_884, %dma_wait3A_885] : memref<10000x128xf32, #tpu.memory_space<hbm>> -> memref<10000x128xf32, #tpu.memory_space<hbm>>
      tpu.wait_indirect_dma semaphore(%arg24 : memref<!tpu.dma_semaphore, #tpu.memory_space<semaphore_mem>>) src(%dma_wait3A_886 : memref<10000x128xf32, #tpu.memory_space<hbm>>) dst(%arg15 : memref<64x128xf32, #tpu.memory_space<vmem>>)
      %get3A = arith.constant 0 : index
      %get3A_887 = tpu.vector_load %arg10[%get3A] {strides = array<i32>} : memref<64xi32, #tpu.memory_space<vmem>>, vector<16xi32>,
      %get3A_888 = vector.shape_cast %get3A_887 : vector<16xi32> to vector<16xi32>
      %swap3A_889 = arith.constant 0 : index
      %swap3A_890 = tpu.vector_load %arg12[%swap3A_889] {strides = array<i32>} : memref<64xi32, #tpu.memory_space<vmem>>, vector<16xi32>,
      %swap3A_891 = vector.shape_cast %swap3A_890 : vector<16xi32> to vector<16xi32>
      %swap3A_892 = vector.shape_cast %get3A_888 : vector<16xi32> to vector<16xi32>
      tpu.vector_store %arg12[%swap3A_889], %swap3A_892 {strides = array<i32>} : memref<64xi32, #tpu.memory_space<vmem>>, vector<16xi32>,
      %get3A_893 = arith.constant 16 : index
      %get3A_894 = tpu.vector_load %arg10[%get3A_893] {strides = array<i32>} : memref<64xi32, #tpu.memory_space<vmem>>, vector<16xi32>,
      %get3A_895 = vector.shape_cast %get3A_894 : vector<16xi32> to vector<16xi32>
      %swap3A_896 = arith.constant 16 : index
      %swap3A_897 = tpu.vector_load %arg12[%swap3A_896] {strides = array<i32>} : memref<64xi32, #tpu.memory_space<vmem>>, vector<16xi32>,
      %swap3A_898 = vector.shape_cast %swap3A_897 : vector<16xi32> to vector<16xi32>
      %swap3A_899 = vector.shape_cast %get3A_895 : vector<16xi32> to vector<16xi32>
      tpu.vector_store %arg12[%swap3A_896], %swap3A_899 {strides = array<i32>} : memref<64xi32, #tpu.memory_space<vmem>>, vector<16xi32>,
      %get3A_900 = arith.constant 32 : index
      %get3A_901 = tpu.vector_load %arg10[%get3A_900] {strides = array<i32>} : memref<64xi32, #tpu.memory_space<vmem>>, vector<16xi32>,
      %get3A_902 = vector.shape_cast %get3A_901 : vector<16xi32> to vector<16xi32>
      %swap3A_903 = arith.constant 32 : index
      %swap3A_904 = tpu.vector_load %arg12[%swap3A_903] {strides = array<i32>} : memref<64xi32, #tpu.memory_space<vmem>>, vector<16xi32>,
      %swap3A_905 = vector.shape_cast %swap3A_904 : vector<16xi32> to vector<16xi32>
      %swap3A_906 = vector.shape_cast %get3A_902 : vector<16xi32> to vector<16xi32>
      tpu.vector_store %arg12[%swap3A_903], %swap3A_906 {strides = array<i32>} : memref<64xi32, #tpu.memory_space<vmem>>, vector<16xi32>,
      %get3A_907 = arith.constant 48 : index
      %get3A_908 = tpu.vector_load %arg10[%get3A_907] {strides = array<i32>} : memref<64xi32, #tpu.memory_space<vmem>>, vector<16xi32>,
      %get3A_909 = vector.shape_cast %get3A_908 : vector<16xi32> to vector<16xi32>
      %swap3A_910 = arith.constant 48 : index
      %swap3A_911 = tpu.vector_load %arg12[%swap3A_910] {strides = array<i32>} : memref<64xi32, #tpu.memory_space<vmem>>, vector<16xi32>,
      %swap3A_912 = vector.shape_cast %swap3A_911 : vector<16xi32> to vector<16xi32>
      %swap3A_913 = vector.shape_cast %get3A_909 : vector<16xi32> to vector<16xi32>
      tpu.vector_store %arg12[%swap3A_910], %swap3A_913 {strides = array<i32>} : memref<64xi32, #tpu.memory_space<vmem>>, vector<16xi32>,
      %add3A_914 = arith.constant 2 : i32
      %add3A_915 = arith.addi %mul3A_880, %add3A_914 : i32
      %lt3A_916 = arith.cmpi slt, %add3A_915, %add3A_8 : i32
      %convert_element_type3A_917 = arith.extui %lt3A_916 : i1 to i32
      %cond3A_918 = arith.constant 0 : i32
      %cond3A_919 = arith.cmpi ne, %convert_element_type3A_917, %cond3A_918 : i32
      scf.if %cond3A_919 {
        %add3A_1011 = arith.constant 2 : i32
        %add3A_1012 = arith.addi %mul3A_880, %add3A_1011 : i32
        %add3A_1013 = arith.addi %add3A_4, %add3A_1012 : i32
        %mul3A_1014 = arith.constant 64 : i32
        %mul3A_1015 = arith.muli %add3A_1013, %mul3A_1014 : i32
        %dma_start3A_1016 = tpu.memref_slice %arg2[%mul3A_1015] : memref<320000xi32, #tpu.memory_space<hbm>> -> memref<64xi32, #tpu.memory_space<hbm>>
        %dma_start3A_1017 = tpu.memref_slice %arg2[%mul3A_1015] : memref<320000xi32, #tpu.memory_space<hbm>> -> memref<64xi32, #tpu.memory_space<hbm>>
        tpu.enqueue_dma source(%dma_start3A_1017 : memref<64xi32, #tpu.memory_space<hbm>>) target(%arg8 : memref<64xi32, #tpu.memory_space<vmem>>) target_semaphore(%arg31 : memref<!tpu.dma_semaphore, #tpu.memory_space<semaphore_mem>>)
        %dma_start3A_1018 = tpu.memref_slice %arg3[%mul3A_1015] : memref<320000xi32, #tpu.memory_space<hbm>> -> memref<64xi32, #tpu.memory_space<hbm>>
        %dma_start3A_1019 = tpu.memref_slice %arg3[%mul3A_1015] : memref<320000xi32, #tpu.memory_space<hbm>> -> memref<64xi32, #tpu.memory_space<hbm>>
        tpu.enqueue_dma source(%dma_start3A_1019 : memref<64xi32, #tpu.memory_space<hbm>>) target(%arg10 : memref<64xi32, #tpu.memory_space<vmem>>) target_semaphore(%arg33 : memref<!tpu.dma_semaphore, #tpu.memory_space<semaphore_mem>>)
      } else {
      }
      %add3A_920 = arith.constant 1 : i32
      %add3A_921 = arith.addi %mul3A_880, %add3A_920 : i32
      %lt3A_922 = arith.cmpi slt, %add3A_921, %add3A_8 : i32
      %convert_element_type3A_923 = arith.extui %lt3A_922 : i1 to i32
      %cond3A_924 = arith.constant 0 : i32
      %cond3A_925 = arith.cmpi ne, %convert_element_type3A_923, %cond3A_924 : i32
      scf.if %cond3A_925 {
        %add3A_1011 = arith.constant 1 : i32
        %add3A_1012 = arith.addi %mul3A_880, %add3A_1011 : i32
        %add3A_1013 = arith.addi %add3A_4, %add3A_1012 : i32
        %mul3A_1014 = arith.constant 64 : i32
        %mul3A_1015 = arith.muli %add3A_1013, %mul3A_1014 : i32
        %dma_wait3A_1016 = tpu.memref_slice %arg2[%mul3A_1015] : memref<320000xi32, #tpu.memory_space<hbm>> -> memref<64xi32, #tpu.memory_space<hbm>>
        %dma_wait3A_1017 = tpu.memref_slice %arg2[%mul3A_1015] : memref<320000xi32, #tpu.memory_space<hbm>> -> memref<64xi32, #tpu.memory_space<hbm>>
        tpu.wait_dma2 semaphore(%arg32 : memref<!tpu.dma_semaphore, #tpu.memory_space<semaphore_mem>>) src(%dma_wait3A_1017 : memref<64xi32, #tpu.memory_space<hbm>>) dst(%arg9 : memref<64xi32, #tpu.memory_space<vmem>>)
        %dma_wait3A_1018 = tpu.memref_slice %arg3[%mul3A_1015] : memref<320000xi32, #tpu.memory_space<hbm>> -> memref<64xi32, #tpu.memory_space<hbm>>
        %dma_wait3A_1019 = tpu.memref_slice %arg3[%mul3A_1015] : memref<320000xi32, #tpu.memory_space<hbm>> -> memref<64xi32, #tpu.memory_space<hbm>>
        tpu.wait_dma2 semaphore(%arg34 : memref<!tpu.dma_semaphore, #tpu.memory_space<semaphore_mem>>) src(%dma_wait3A_1019 : memref<64xi32, #tpu.memory_space<hbm>>) dst(%arg11 : memref<64xi32, #tpu.memory_space<vmem>>)
        %dma_start3A_1020 = arith.constant 0 : i32
        %dma_start3A_1021 = arith.constant 0 : i32
        %dma_start3A_1022 = tpu.memref_slice %arg4[%dma_start3A_1020, %dma_start3A_1021] : memref<10000x128xf32, #tpu.memory_space<hbm>> -> memref<10000x128xf32, #tpu.memory_space<hbm>>
        tpu.enqueue_indirect_dma source(%dma_start3A_1022 : memref<10000x128xf32, #tpu.memory_space<hbm>>) target(%arg16 : memref<64x128xf32, #tpu.memory_space<vmem>>) offsets(%arg9 : memref<64xi32, #tpu.memory_space<vmem>>) semaphore(%arg25 : memref<!tpu.dma_semaphore, #tpu.memory_space<semaphore_mem>>)
        %dma_start3A_1023 = arith.constant 0 : i32
        %dma_start3A_1024 = arith.constant 0 : i32
        %dma_start3A_1025 = tpu.memref_slice %arg5[%dma_start3A_1023, %dma_start3A_1024] : memref<10000x128xf32, #tpu.memory_space<hbm>> -> memref<10000x128xf32, #tpu.memory_space<hbm>>
        tpu.enqueue_indirect_dma source(%dma_start3A_1025 : memref<10000x128xf32, #tpu.memory_space<hbm>>) target(%arg17 : memref<64x128xf32, #tpu.memory_space<vmem>>) offsets(%arg11 : memref<64xi32, #tpu.memory_space<vmem>>) semaphore(%arg26 : memref<!tpu.dma_semaphore, #tpu.memory_space<semaphore_mem>>)
      } else {
      }
      %ge3A_926 = arith.constant 1 : i32
      %ge3A_927 = arith.cmpi sge, %mul3A_880, %ge3A_926 : i32
      %convert_element_type3A_928 = arith.extui %ge3A_927 : i1 to i32
      %cond3A_929 = arith.constant 0 : i32
      %cond3A_930 = arith.cmpi ne, %convert_element_type3A_928, %cond3A_929 : i32
      scf.if %cond3A_930 {
        %dma_wait3A_1011 = arith.constant 0 : i32
        %dma_wait3A_1012 = arith.constant 0 : i32
        %dma_wait3A_1013 = tpu.memref_slice %arg21[%dma_wait3A_1011, %dma_wait3A_1012] : memref<10240x128xf32, #tpu.memory_space<vmem_shared>> -> memref<10240x128xf32, #tpu.memory_space<vmem_shared>>
        tpu.wait_indirect_dma semaphore(%arg28 : memref<!tpu.dma_semaphore, #tpu.memory_space<semaphore_mem>>) src(%arg18 : memref<64x128xf32, #tpu.memory_space<vmem>>) dst(%dma_wait3A_1013 : memref<10240x128xf32, #tpu.memory_space<vmem_shared>>)
        %dma_wait3A_1014 = arith.constant 0 : i32
        %dma_wait3A_1015 = tpu.memref_slice %arg22[%dma_wait3A_1014] : memref<10240xf32, #tpu.memory_space<vmem_shared>> -> memref<10240xf32, #tpu.memory_space<vmem_shared>>
        tpu.wait_indirect_dma semaphore(%arg30 : memref<!tpu.dma_semaphore, #tpu.memory_space<semaphore_mem>>) src(%arg19 : memref<64xf32, #tpu.memory_space<vmem>>) dst(%dma_wait3A_1015 : memref<10240xf32, #tpu.memory_space<vmem_shared>>)
      } else {
      }
      %scan3A_931 = arith.constant 0 : i32
      %scan3A_932 = arith.constant 0 : i32
      %scan3A_933 = arith.constant 32 : i32
      %scan3A_934 = arith.addi %scan3A_932, %scan3A_933 : i32
      %scan3A_935 = arith.constant 1 : i32
      %scan3A_936 = scf.for %scan3A_1011 = %scan3A_932 to %scan3A_934 step %scan3A_935 iter_args(%scan3A_1012 = %scan3A_931) -> (i32)  : i32 {
        %mul3A_1013 = arith.constant 2 : i32
        %mul3A_1014 = arith.muli %mul3A_1013, %scan3A_1011 : i32
        %add3A_1015 = arith.constant 0 : i32
        %add3A_1016 = arith.addi %mul3A_1014, %add3A_1015 : i32
        %get3A_1017 = arith.index_cast %add3A_1016 : i32 to index
        %get3A_1018 = arith.constant 0 : index
        %get3A_1019 = tpu.vector_load %arg14[%get3A_1017, %get3A_1018] {strides = array<i32>} : memref<64x128xf32, #tpu.memory_space<vmem>>, vector<1x16xf32>,
        %get3A_1020 = vector.shape_cast %get3A_1019 : vector<1x16xf32> to vector<16xf32>
        %get3A_1021 = arith.index_cast %add3A_1016 : i32 to index
        %get3A_1022 = arith.constant 0 : index
        %get3A_1023 = tpu.vector_load %arg15[%get3A_1021, %get3A_1022] {strides = array<i32>} : memref<64x128xf32, #tpu.memory_space<vmem>>, vector<1x16xf32>,
        %get3A_1024 = vector.shape_cast %get3A_1023 : vector<1x16xf32> to vector<16xf32>
        %add3A_1025 = arith.addf %get3A_1020, %get3A_1024 : vector<16xf32>
        %max3A = arith.constant 0.000000e+00 : f32
        %max3A_1026 = vector.broadcast %max3A : f32 to vector<16xf32>
        %max3A_1027 = arith.maximumf %add3A_1025, %max3A_1026 : vector<16xf32>
        %swap3A_1028 = arith.index_cast %add3A_1016 : i32 to index
        %swap3A_1029 = arith.constant 0 : index
        %swap3A_1030 = tpu.vector_load %arg18[%swap3A_1028, %swap3A_1029] {strides = array<i32>} : memref<64x128xf32, #tpu.memory_space<vmem>>, vector<1x16xf32>,
        %swap3A_1031 = vector.shape_cast %swap3A_1030 : vector<1x16xf32> to vector<16xf32>
        %swap3A_1032 = vector.shape_cast %max3A_1027 : vector<16xf32> to vector<1x16xf32>
        tpu.vector_store %arg18[%swap3A_1028, %swap3A_1029], %swap3A_1032 {strides = array<i32>} : memref<64x128xf32, #tpu.memory_space<vmem>>, vector<1x16xf32>,
        %get3A_1033 = arith.index_cast %add3A_1016 : i32 to index
        %get3A_1034 = arith.constant 16 : index
        %get3A_1035 = tpu.vector_load %arg14[%get3A_1033, %get3A_1034] {strides = array<i32>} : memref<64x128xf32, #tpu.memory_space<vmem>>, vector<1x16xf32>,
        %get3A_1036 = vector.shape_cast %get3A_1035 : vector<1x16xf32> to vector<16xf32>
        %get3A_1037 = arith.index_cast %add3A_1016 : i32 to index
        %get3A_1038 = arith.constant 16 : index
        %get3A_1039 = tpu.vector_load %arg15[%get3A_1037, %get3A_1038] {strides = array<i32>} : memref<64x128xf32, #tpu.memory_space<vmem>>, vector<1x16xf32>,
        %get3A_1040 = vector.shape_cast %get3A_1039 : vector<1x16xf32> to vector<16xf32>
        %add3A_1041 = arith.addf %get3A_1036, %get3A_1040 : vector<16xf32>
        %max3A_1042 = arith.constant 0.000000e+00 : f32
        %max3A_1043 = vector.broadcast %max3A_1042 : f32 to vector<16xf32>
        %max3A_1044 = arith.maximumf %add3A_1041, %max3A_1043 : vector<16xf32>
        %swap3A_1045 = arith.index_cast %add3A_1016 : i32 to index
        %swap3A_1046 = arith.constant 16 : index
        %swap3A_1047 = tpu.vector_load %arg18[%swap3A_1045, %swap3A_1046] {strides = array<i32>} : memref<64x128xf32, #tpu.memory_space<vmem>>, vector<1x16xf32>,
        %swap3A_1048 = vector.shape_cast %swap3A_1047 : vector<1x16xf32> to vector<16xf32>
        %swap3A_1049 = vector.shape_cast %max3A_1044 : vector<16xf32> to vector<1x16xf32>
        tpu.vector_store %arg18[%swap3A_1045, %swap3A_1046], %swap3A_1049 {strides = array<i32>} : memref<64x128xf32, #tpu.memory_space<vmem>>, vector<1x16xf32>,
        %get3A_1050 = arith.index_cast %add3A_1016 : i32 to index
        %get3A_1051 = arith.constant 32 : index
        %get3A_1052 = tpu.vector_load %arg14[%get3A_1050, %get3A_1051] {strides = array<i32>} : memref<64x128xf32, #tpu.memory_space<vmem>>, vector<1x16xf32>,
        %get3A_1053 = vector.shape_cast %get3A_1052 : vector<1x16xf32> to vector<16xf32>
        %get3A_1054 = arith.index_cast %add3A_1016 : i32 to index
        %get3A_1055 = arith.constant 32 : index
        %get3A_1056 = tpu.vector_load %arg15[%get3A_1054, %get3A_1055] {strides = array<i32>} : memref<64x128xf32, #tpu.memory_space<vmem>>, vector<1x16xf32>,
        %get3A_1057 = vector.shape_cast %get3A_1056 : vector<1x16xf32> to vector<16xf32>
        %add3A_1058 = arith.addf %get3A_1053, %get3A_1057 : vector<16xf32>
        %max3A_1059 = arith.constant 0.000000e+00 : f32
        %max3A_1060 = vector.broadcast %max3A_1059 : f32 to vector<16xf32>
        %max3A_1061 = arith.maximumf %add3A_1058, %max3A_1060 : vector<16xf32>
        %swap3A_1062 = arith.index_cast %add3A_1016 : i32 to index
        %swap3A_1063 = arith.constant 32 : index
        %swap3A_1064 = tpu.vector_load %arg18[%swap3A_1062, %swap3A_1063] {strides = array<i32>} : memref<64x128xf32, #tpu.memory_space<vmem>>, vector<1x16xf32>,
        %swap3A_1065 = vector.shape_cast %swap3A_1064 : vector<1x16xf32> to vector<16xf32>
        %swap3A_1066 = vector.shape_cast %max3A_1061 : vector<16xf32> to vector<1x16xf32>
        tpu.vector_store %arg18[%swap3A_1062, %swap3A_1063], %swap3A_1066 {strides = array<i32>} : memref<64x128xf32, #tpu.memory_space<vmem>>, vector<1x16xf32>,
        %get3A_1067 = arith.index_cast %add3A_1016 : i32 to index
        %get3A_1068 = arith.constant 48 : index
        %get3A_1069 = tpu.vector_load %arg14[%get3A_1067, %get3A_1068] {strides = array<i32>} : memref<64x128xf32, #tpu.memory_space<vmem>>, vector<1x16xf32>,
        %get3A_1070 = vector.shape_cast %get3A_1069 : vector<1x16xf32> to vector<16xf32>
        %get3A_1071 = arith.index_cast %add3A_1016 : i32 to index
        %get3A_1072 = arith.constant 48 : index
        %get3A_1073 = tpu.vector_load %arg15[%get3A_1071, %get3A_1072] {strides = array<i32>} : memref<64x128xf32, #tpu.memory_space<vmem>>, vector<1x16xf32>,
        %get3A_1074 = vector.shape_cast %get3A_1073 : vector<1x16xf32> to vector<16xf32>
        %add3A_1075 = arith.addf %get3A_1070, %get3A_1074 : vector<16xf32>
        %max3A_1076 = arith.constant 0.000000e+00 : f32
        %max3A_1077 = vector.broadcast %max3A_1076 : f32 to vector<16xf32>
        %max3A_1078 = arith.maximumf %add3A_1075, %max3A_1077 : vector<16xf32>
        %swap3A_1079 = arith.index_cast %add3A_1016 : i32 to index
        %swap3A_1080 = arith.constant 48 : index
        %swap3A_1081 = tpu.vector_load %arg18[%swap3A_1079, %swap3A_1080] {strides = array<i32>} : memref<64x128xf32, #tpu.memory_space<vmem>>, vector<1x16xf32>,
        %swap3A_1082 = vector.shape_cast %swap3A_1081 : vector<1x16xf32> to vector<16xf32>
        %swap3A_1083 = vector.shape_cast %max3A_1078 : vector<16xf32> to vector<1x16xf32>
        tpu.vector_store %arg18[%swap3A_1079, %swap3A_1080], %swap3A_1083 {strides = array<i32>} : memref<64x128xf32, #tpu.memory_space<vmem>>, vector<1x16xf32>,
        %get3A_1084 = arith.index_cast %add3A_1016 : i32 to index
        %get3A_1085 = arith.constant 64 : index
        %get3A_1086 = tpu.vector_load %arg14[%get3A_1084, %get3A_1085] {strides = array<i32>} : memref<64x128xf32, #tpu.memory_space<vmem>>, vector<1x16xf32>,
        %get3A_1087 = vector.shape_cast %get3A_1086 : vector<1x16xf32> to vector<16xf32>
        %get3A_1088 = arith.index_cast %add3A_1016 : i32 to index
        %get3A_1089 = arith.constant 64 : index
        %get3A_1090 = tpu.vector_load %arg15[%get3A_1088, %get3A_1089] {strides = array<i32>} : memref<64x128xf32, #tpu.memory_space<vmem>>, vector<1x16xf32>,
        %get3A_1091 = vector.shape_cast %get3A_1090 : vector<1x16xf32> to vector<16xf32>
        %add3A_1092 = arith.addf %get3A_1087, %get3A_1091 : vector<16xf32>
        %max3A_1093 = arith.constant 0.000000e+00 : f32
        %max3A_1094 = vector.broadcast %max3A_1093 : f32 to vector<16xf32>
        %max3A_1095 = arith.maximumf %add3A_1092, %max3A_1094 : vector<16xf32>
        %swap3A_1096 = arith.index_cast %add3A_1016 : i32 to index
        %swap3A_1097 = arith.constant 64 : index
        %swap3A_1098 = tpu.vector_load %arg18[%swap3A_1096, %swap3A_1097] {strides = array<i32>} : memref<64x128xf32, #tpu.memory_space<vmem>>, vector<1x16xf32>,
        %swap3A_1099 = vector.shape_cast %swap3A_1098 : vector<1x16xf32> to vector<16xf32>
        %swap3A_1100 = vector.shape_cast %max3A_1095 : vector<16xf32> to vector<1x16xf32>
        tpu.vector_store %arg18[%swap3A_1096, %swap3A_1097], %swap3A_1100 {strides = array<i32>} : memref<64x128xf32, #tpu.memory_space<vmem>>, vector<1x16xf32>,
        %get3A_1101 = arith.index_cast %add3A_1016 : i32 to index
        %get3A_1102 = arith.constant 80 : index
        %get3A_1103 = tpu.vector_load %arg14[%get3A_1101, %get3A_1102] {strides = array<i32>} : memref<64x128xf32, #tpu.memory_space<vmem>>, vector<1x16xf32>,
        %get3A_1104 = vector.shape_cast %get3A_1103 : vector<1x16xf32> to vector<16xf32>
        %get3A_1105 = arith.index_cast %add3A_1016 : i32 to index
        %get3A_1106 = arith.constant 80 : index
        %get3A_1107 = tpu.vector_load %arg15[%get3A_1105, %get3A_1106] {strides = array<i32>} : memref<64x128xf32, #tpu.memory_space<vmem>>, vector<1x16xf32>,
        %get3A_1108 = vector.shape_cast %get3A_1107 : vector<1x16xf32> to vector<16xf32>
        %add3A_1109 = arith.addf %get3A_1104, %get3A_1108 : vector<16xf32>
        %max3A_1110 = arith.constant 0.000000e+00 : f32
        %max3A_1111 = vector.broadcast %max3A_1110 : f32 to vector<16xf32>
        %max3A_1112 = arith.maximumf %add3A_1109, %max3A_1111 : vector<16xf32>
        %swap3A_1113 = arith.index_cast %add3A_1016 : i32 to index
        %swap3A_1114 = arith.constant 80 : index
        %swap3A_1115 = tpu.vector_load %arg18[%swap3A_1113, %swap3A_1114] {strides = array<i32>} : memref<64x128xf32, #tpu.memory_space<vmem>>, vector<1x16xf32>,
        %swap3A_1116 = vector.shape_cast %swap3A_1115 : vector<1x16xf32> to vector<16xf32>
        %swap3A_1117 = vector.shape_cast %max3A_1112 : vector<16xf32> to vector<1x16xf32>
        tpu.vector_store %arg18[%swap3A_1113, %swap3A_1114], %swap3A_1117 {strides = array<i32>} : memref<64x128xf32, #tpu.memory_space<vmem>>, vector<1x16xf32>,
        %get3A_1118 = arith.index_cast %add3A_1016 : i32 to index
        %get3A_1119 = arith.constant 96 : index
        %get3A_1120 = tpu.vector_load %arg14[%get3A_1118, %get3A_1119] {strides = array<i32>} : memref<64x128xf32, #tpu.memory_space<vmem>>, vector<1x16xf32>,
        %get3A_1121 = vector.shape_cast %get3A_1120 : vector<1x16xf32> to vector<16xf32>
        %get3A_1122 = arith.index_cast %add3A_1016 : i32 to index
        %get3A_1123 = arith.constant 96 : index
        %get3A_1124 = tpu.vector_load %arg15[%get3A_1122, %get3A_1123] {strides = array<i32>} : memref<64x128xf32, #tpu.memory_space<vmem>>, vector<1x16xf32>,
        %get3A_1125 = vector.shape_cast %get3A_1124 : vector<1x16xf32> to vector<16xf32>
        %add3A_1126 = arith.addf %get3A_1121, %get3A_1125 : vector<16xf32>
        %max3A_1127 = arith.constant 0.000000e+00 : f32
        %max3A_1128 = vector.broadcast %max3A_1127 : f32 to vector<16xf32>
        %max3A_1129 = arith.maximumf %add3A_1126, %max3A_1128 : vector<16xf32>
        %swap3A_1130 = arith.index_cast %add3A_1016 : i32 to index
        %swap3A_1131 = arith.constant 96 : index
        %swap3A_1132 = tpu.vector_load %arg18[%swap3A_1130, %swap3A_1131] {strides = array<i32>} : memref<64x128xf32, #tpu.memory_space<vmem>>, vector<1x16xf32>,
        %swap3A_1133 = vector.shape_cast %swap3A_1132 : vector<1x16xf32> to vector<16xf32>
        %swap3A_1134 = vector.shape_cast %max3A_1129 : vector<16xf32> to vector<1x16xf32>
        tpu.vector_store %arg18[%swap3A_1130, %swap3A_1131], %swap3A_1134 {strides = array<i32>} : memref<64x128xf32, #tpu.memory_space<vmem>>, vector<1x16xf32>,
        %get3A_1135 = arith.index_cast %add3A_1016 : i32 to index
        %get3A_1136 = arith.constant 112 : index
        %get3A_1137 = tpu.vector_load %arg14[%get3A_1135, %get3A_1136] {strides = array<i32>} : memref<64x128xf32, #tpu.memory_space<vmem>>, vector<1x16xf32>,
        %get3A_1138 = vector.shape_cast %get3A_1137 : vector<1x16xf32> to vector<16xf32>
        %get3A_1139 = arith.index_cast %add3A_1016 : i32 to index
        %get3A_1140 = arith.constant 112 : index
        %get3A_1141 = tpu.vector_load %arg15[%get3A_1139, %get3A_1140] {strides = array<i32>} : memref<64x128xf32, #tpu.memory_space<vmem>>, vector<1x16xf32>,
        %get3A_1142 = vector.shape_cast %get3A_1141 : vector<1x16xf32> to vector<16xf32>
        %add3A_1143 = arith.addf %get3A_1138, %get3A_1142 : vector<16xf32>
        %max3A_1144 = arith.constant 0.000000e+00 : f32
        %max3A_1145 = vector.broadcast %max3A_1144 : f32 to vector<16xf32>
        %max3A_1146 = arith.maximumf %add3A_1143, %max3A_1145 : vector<16xf32>
        %swap3A_1147 = arith.index_cast %add3A_1016 : i32 to index
        %swap3A_1148 = arith.constant 112 : index
        %swap3A_1149 = tpu.vector_load %arg18[%swap3A_1147, %swap3A_1148] {strides = array<i32>} : memref<64x128xf32, #tpu.memory_space<vmem>>, vector<1x16xf32>,
        %swap3A_1150 = vector.shape_cast %swap3A_1149 : vector<1x16xf32> to vector<16xf32>
        %swap3A_1151 = vector.shape_cast %max3A_1146 : vector<16xf32> to vector<1x16xf32>
        tpu.vector_store %arg18[%swap3A_1147, %swap3A_1148], %swap3A_1151 {strides = array<i32>} : memref<64x128xf32, #tpu.memory_space<vmem>>, vector<1x16xf32>,
        %mul3A_1152 = arith.constant 2 : i32
        %mul3A_1153 = arith.muli %mul3A_1152, %scan3A_1011 : i32
        %add3A_1154 = arith.constant 1 : i32
        %add3A_1155 = arith.addi %mul3A_1153, %add3A_1154 : i32
        %get3A_1156 = arith.index_cast %add3A_1155 : i32 to index
        %get3A_1157 = arith.constant 0 : index
        %get3A_1158 = tpu.vector_load %arg14[%get3A_1156, %get3A_1157] {strides = array<i32>} : memref<64x128xf32, #tpu.memory_space<vmem>>, vector<1x16xf32>,
        %get3A_1159 = vector.shape_cast %get3A_1158 : vector<1x16xf32> to vector<16xf32>
        %get3A_1160 = arith.index_cast %add3A_1155 : i32 to index
        %get3A_1161 = arith.constant 0 : index
        %get3A_1162 = tpu.vector_load %arg15[%get3A_1160, %get3A_1161] {strides = array<i32>} : memref<64x128xf32, #tpu.memory_space<vmem>>, vector<1x16xf32>,
        %get3A_1163 = vector.shape_cast %get3A_1162 : vector<1x16xf32> to vector<16xf32>
        %add3A_1164 = arith.addf %get3A_1159, %get3A_1163 : vector<16xf32>
        %max3A_1165 = arith.constant 0.000000e+00 : f32
        %max3A_1166 = vector.broadcast %max3A_1165 : f32 to vector<16xf32>
        %max3A_1167 = arith.maximumf %add3A_1164, %max3A_1166 : vector<16xf32>
        %swap3A_1168 = arith.index_cast %add3A_1155 : i32 to index
        %swap3A_1169 = arith.constant 0 : index
        %swap3A_1170 = tpu.vector_load %arg18[%swap3A_1168, %swap3A_1169] {strides = array<i32>} : memref<64x128xf32, #tpu.memory_space<vmem>>, vector<1x16xf32>,
        %swap3A_1171 = vector.shape_cast %swap3A_1170 : vector<1x16xf32> to vector<16xf32>
        %swap3A_1172 = vector.shape_cast %max3A_1167 : vector<16xf32> to vector<1x16xf32>
        tpu.vector_store %arg18[%swap3A_1168, %swap3A_1169], %swap3A_1172 {strides = array<i32>} : memref<64x128xf32, #tpu.memory_space<vmem>>, vector<1x16xf32>,
        %get3A_1173 = arith.index_cast %add3A_1155 : i32 to index
        %get3A_1174 = arith.constant 16 : index
        %get3A_1175 = tpu.vector_load %arg14[%get3A_1173, %get3A_1174] {strides = array<i32>} : memref<64x128xf32, #tpu.memory_space<vmem>>, vector<1x16xf32>,
        %get3A_1176 = vector.shape_cast %get3A_1175 : vector<1x16xf32> to vector<16xf32>
        %get3A_1177 = arith.index_cast %add3A_1155 : i32 to index
        %get3A_1178 = arith.constant 16 : index
        %get3A_1179 = tpu.vector_load %arg15[%get3A_1177, %get3A_1178] {strides = array<i32>} : memref<64x128xf32, #tpu.memory_space<vmem>>, vector<1x16xf32>,
        %get3A_1180 = vector.shape_cast %get3A_1179 : vector<1x16xf32> to vector<16xf32>
        %add3A_1181 = arith.addf %get3A_1176, %get3A_1180 : vector<16xf32>
        %max3A_1182 = arith.constant 0.000000e+00 : f32
        %max3A_1183 = vector.broadcast %max3A_1182 : f32 to vector<16xf32>
        %max3A_1184 = arith.maximumf %add3A_1181, %max3A_1183 : vector<16xf32>
        %swap3A_1185 = arith.index_cast %add3A_1155 : i32 to index
        %swap3A_1186 = arith.constant 16 : index
        %swap3A_1187 = tpu.vector_load %arg18[%swap3A_1185, %swap3A_1186] {strides = array<i32>} : memref<64x128xf32, #tpu.memory_space<vmem>>, vector<1x16xf32>,
        %swap3A_1188 = vector.shape_cast %swap3A_1187 : vector<1x16xf32> to vector<16xf32>
        %swap3A_1189 = vector.shape_cast %max3A_1184 : vector<16xf32> to vector<1x16xf32>
        tpu.vector_store %arg18[%swap3A_1185, %swap3A_1186], %swap3A_1189 {strides = array<i32>} : memref<64x128xf32, #tpu.memory_space<vmem>>, vector<1x16xf32>,
        %get3A_1190 = arith.index_cast %add3A_1155 : i32 to index
        %get3A_1191 = arith.constant 32 : index
        %get3A_1192 = tpu.vector_load %arg14[%get3A_1190, %get3A_1191] {strides = array<i32>} : memref<64x128xf32, #tpu.memory_space<vmem>>, vector<1x16xf32>,
        %get3A_1193 = vector.shape_cast %get3A_1192 : vector<1x16xf32> to vector<16xf32>
        %get3A_1194 = arith.index_cast %add3A_1155 : i32 to index
        %get3A_1195 = arith.constant 32 : index
        %get3A_1196 = tpu.vector_load %arg15[%get3A_1194, %get3A_1195] {strides = array<i32>} : memref<64x128xf32, #tpu.memory_space<vmem>>, vector<1x16xf32>,
        %get3A_1197 = vector.shape_cast %get3A_1196 : vector<1x16xf32> to vector<16xf32>
        %add3A_1198 = arith.addf %get3A_1193, %get3A_1197 : vector<16xf32>
        %max3A_1199 = arith.constant 0.000000e+00 : f32
        %max3A_1200 = vector.broadcast %max3A_1199 : f32 to vector<16xf32>
        %max3A_1201 = arith.maximumf %add3A_1198, %max3A_1200 : vector<16xf32>
        %swap3A_1202 = arith.index_cast %add3A_1155 : i32 to index
        %swap3A_1203 = arith.constant 32 : index
        %swap3A_1204 = tpu.vector_load %arg18[%swap3A_1202, %swap3A_1203] {strides = array<i32>} : memref<64x128xf32, #tpu.memory_space<vmem>>, vector<1x16xf32>,
        %swap3A_1205 = vector.shape_cast %swap3A_1204 : vector<1x16xf32> to vector<16xf32>
        %swap3A_1206 = vector.shape_cast %max3A_1201 : vector<16xf32> to vector<1x16xf32>
        tpu.vector_store %arg18[%swap3A_1202, %swap3A_1203], %swap3A_1206 {strides = array<i32>} : memref<64x128xf32, #tpu.memory_space<vmem>>, vector<1x16xf32>,
        %get3A_1207 = arith.index_cast %add3A_1155 : i32 to index
        %get3A_1208 = arith.constant 48 : index
        %get3A_1209 = tpu.vector_load %arg14[%get3A_1207, %get3A_1208] {strides = array<i32>} : memref<64x128xf32, #tpu.memory_space<vmem>>, vector<1x16xf32>,
        %get3A_1210 = vector.shape_cast %get3A_1209 : vector<1x16xf32> to vector<16xf32>
        %get3A_1211 = arith.index_cast %add3A_1155 : i32 to index
        %get3A_1212 = arith.constant 48 : index
        %get3A_1213 = tpu.vector_load %arg15[%get3A_1211, %get3A_1212] {strides = array<i32>} : memref<64x128xf32, #tpu.memory_space<vmem>>, vector<1x16xf32>,
        %get3A_1214 = vector.shape_cast %get3A_1213 : vector<1x16xf32> to vector<16xf32>
        %add3A_1215 = arith.addf %get3A_1210, %get3A_1214 : vector<16xf32>
        %max3A_1216 = arith.constant 0.000000e+00 : f32
        %max3A_1217 = vector.broadcast %max3A_1216 : f32 to vector<16xf32>
        %max3A_1218 = arith.maximumf %add3A_1215, %max3A_1217 : vector<16xf32>
        %swap3A_1219 = arith.index_cast %add3A_1155 : i32 to index
        %swap3A_1220 = arith.constant 48 : index
        %swap3A_1221 = tpu.vector_load %arg18[%swap3A_1219, %swap3A_1220] {strides = array<i32>} : memref<64x128xf32, #tpu.memory_space<vmem>>, vector<1x16xf32>,
        %swap3A_1222 = vector.shape_cast %swap3A_1221 : vector<1x16xf32> to vector<16xf32>
        %swap3A_1223 = vector.shape_cast %max3A_1218 : vector<16xf32> to vector<1x16xf32>
        tpu.vector_store %arg18[%swap3A_1219, %swap3A_1220], %swap3A_1223 {strides = array<i32>} : memref<64x128xf32, #tpu.memory_space<vmem>>, vector<1x16xf32>,
        %get3A_1224 = arith.index_cast %add3A_1155 : i32 to index
        %get3A_1225 = arith.constant 64 : index
        %get3A_1226 = tpu.vector_load %arg14[%get3A_1224, %get3A_1225] {strides = array<i32>} : memref<64x128xf32, #tpu.memory_space<vmem>>, vector<1x16xf32>,
        %get3A_1227 = vector.shape_cast %get3A_1226 : vector<1x16xf32> to vector<16xf32>
        %get3A_1228 = arith.index_cast %add3A_1155 : i32 to index
        %get3A_1229 = arith.constant 64 : index
        %get3A_1230 = tpu.vector_load %arg15[%get3A_1228, %get3A_1229] {strides = array<i32>} : memref<64x128xf32, #tpu.memory_space<vmem>>, vector<1x16xf32>,
        %get3A_1231 = vector.shape_cast %get3A_1230 : vector<1x16xf32> to vector<16xf32>
        %add3A_1232 = arith.addf %get3A_1227, %get3A_1231 : vector<16xf32>
        %max3A_1233 = arith.constant 0.000000e+00 : f32
        %max3A_1234 = vector.broadcast %max3A_1233 : f32 to vector<16xf32>
        %max3A_1235 = arith.maximumf %add3A_1232, %max3A_1234 : vector<16xf32>
        %swap3A_1236 = arith.index_cast %add3A_1155 : i32 to index
        %swap3A_1237 = arith.constant 64 : index
        %swap3A_1238 = tpu.vector_load %arg18[%swap3A_1236, %swap3A_1237] {strides = array<i32>} : memref<64x128xf32, #tpu.memory_space<vmem>>, vector<1x16xf32>,
        %swap3A_1239 = vector.shape_cast %swap3A_1238 : vector<1x16xf32> to vector<16xf32>
        %swap3A_1240 = vector.shape_cast %max3A_1235 : vector<16xf32> to vector<1x16xf32>
        tpu.vector_store %arg18[%swap3A_1236, %swap3A_1237], %swap3A_1240 {strides = array<i32>} : memref<64x128xf32, #tpu.memory_space<vmem>>, vector<1x16xf32>,
        %get3A_1241 = arith.index_cast %add3A_1155 : i32 to index
        %get3A_1242 = arith.constant 80 : index
        %get3A_1243 = tpu.vector_load %arg14[%get3A_1241, %get3A_1242] {strides = array<i32>} : memref<64x128xf32, #tpu.memory_space<vmem>>, vector<1x16xf32>,
        %get3A_1244 = vector.shape_cast %get3A_1243 : vector<1x16xf32> to vector<16xf32>
        %get3A_1245 = arith.index_cast %add3A_1155 : i32 to index
        %get3A_1246 = arith.constant 80 : index
        %get3A_1247 = tpu.vector_load %arg15[%get3A_1245, %get3A_1246] {strides = array<i32>} : memref<64x128xf32, #tpu.memory_space<vmem>>, vector<1x16xf32>,
        %get3A_1248 = vector.shape_cast %get3A_1247 : vector<1x16xf32> to vector<16xf32>
        %add3A_1249 = arith.addf %get3A_1244, %get3A_1248 : vector<16xf32>
        %max3A_1250 = arith.constant 0.000000e+00 : f32
        %max3A_1251 = vector.broadcast %max3A_1250 : f32 to vector<16xf32>
        %max3A_1252 = arith.maximumf %add3A_1249, %max3A_1251 : vector<16xf32>
        %swap3A_1253 = arith.index_cast %add3A_1155 : i32 to index
        %swap3A_1254 = arith.constant 80 : index
        %swap3A_1255 = tpu.vector_load %arg18[%swap3A_1253, %swap3A_1254] {strides = array<i32>} : memref<64x128xf32, #tpu.memory_space<vmem>>, vector<1x16xf32>,
        %swap3A_1256 = vector.shape_cast %swap3A_1255 : vector<1x16xf32> to vector<16xf32>
        %swap3A_1257 = vector.shape_cast %max3A_1252 : vector<16xf32> to vector<1x16xf32>
        tpu.vector_store %arg18[%swap3A_1253, %swap3A_1254], %swap3A_1257 {strides = array<i32>} : memref<64x128xf32, #tpu.memory_space<vmem>>, vector<1x16xf32>,
        %get3A_1258 = arith.index_cast %add3A_1155 : i32 to index
        %get3A_1259 = arith.constant 96 : index
        %get3A_1260 = tpu.vector_load %arg14[%get3A_1258, %get3A_1259] {strides = array<i32>} : memref<64x128xf32, #tpu.memory_space<vmem>>, vector<1x16xf32>,
        %get3A_1261 = vector.shape_cast %get3A_1260 : vector<1x16xf32> to vector<16xf32>
        %get3A_1262 = arith.index_cast %add3A_1155 : i32 to index
        %get3A_1263 = arith.constant 96 : index
        %get3A_1264 = tpu.vector_load %arg15[%get3A_1262, %get3A_1263] {strides = array<i32>} : memref<64x128xf32, #tpu.memory_space<vmem>>, vector<1x16xf32>,
        %get3A_1265 = vector.shape_cast %get3A_1264 : vector<1x16xf32> to vector<16xf32>
        %add3A_1266 = arith.addf %get3A_1261, %get3A_1265 : vector<16xf32>
        %max3A_1267 = arith.constant 0.000000e+00 : f32
        %max3A_1268 = vector.broadcast %max3A_1267 : f32 to vector<16xf32>
        %max3A_1269 = arith.maximumf %add3A_1266, %max3A_1268 : vector<16xf32>
        %swap3A_1270 = arith.index_cast %add3A_1155 : i32 to index
        %swap3A_1271 = arith.constant 96 : index
        %swap3A_1272 = tpu.vector_load %arg18[%swap3A_1270, %swap3A_1271] {strides = array<i32>} : memref<64x128xf32, #tpu.memory_space<vmem>>, vector<1x16xf32>,
        %swap3A_1273 = vector.shape_cast %swap3A_1272 : vector<1x16xf32> to vector<16xf32>
        %swap3A_1274 = vector.shape_cast %max3A_1269 : vector<16xf32> to vector<1x16xf32>
        tpu.vector_store %arg18[%swap3A_1270, %swap3A_1271], %swap3A_1274 {strides = array<i32>} : memref<64x128xf32, #tpu.memory_space<vmem>>, vector<1x16xf32>,
        %get3A_1275 = arith.index_cast %add3A_1155 : i32 to index
        %get3A_1276 = arith.constant 112 : index
        %get3A_1277 = tpu.vector_load %arg14[%get3A_1275, %get3A_1276] {strides = array<i32>} : memref<64x128xf32, #tpu.memory_space<vmem>>, vector<1x16xf32>,
        %get3A_1278 = vector.shape_cast %get3A_1277 : vector<1x16xf32> to vector<16xf32>
        %get3A_1279 = arith.index_cast %add3A_1155 : i32 to index
        %get3A_1280 = arith.constant 112 : index
        %get3A_1281 = tpu.vector_load %arg15[%get3A_1279, %get3A_1280] {strides = array<i32>} : memref<64x128xf32, #tpu.memory_space<vmem>>, vector<1x16xf32>,
        %get3A_1282 = vector.shape_cast %get3A_1281 : vector<1x16xf32> to vector<16xf32>
        %add3A_1283 = arith.addf %get3A_1278, %get3A_1282 : vector<16xf32>
        %max3A_1284 = arith.constant 0.000000e+00 : f32
        %max3A_1285 = vector.broadcast %max3A_1284 : f32 to vector<16xf32>
        %max3A_1286 = arith.maximumf %add3A_1283, %max3A_1285 : vector<16xf32>
        %swap3A_1287 = arith.index_cast %add3A_1155 : i32 to index
        %swap3A_1288 = arith.constant 112 : index
        %swap3A_1289 = tpu.vector_load %arg18[%swap3A_1287, %swap3A_1288] {strides = array<i32>} : memref<64x128xf32, #tpu.memory_space<vmem>>, vector<1x16xf32>,
        %swap3A_1290 = vector.shape_cast %swap3A_1289 : vector<1x16xf32> to vector<16xf32>
        %swap3A_1291 = vector.shape_cast %max3A_1286 : vector<16xf32> to vector<1x16xf32>
        tpu.vector_store %arg18[%swap3A_1287, %swap3A_1288], %swap3A_1291 {strides = array<i32>} : memref<64x128xf32, #tpu.memory_space<vmem>>, vector<1x16xf32>,
        %scan3A_1292 = arith.constant 0 : i32
        scf.yield %scan3A_1292 : i32
      }
      %scan3A_937 = arith.constant 32 : i32
      %dma_start3A_938 = arith.constant 0 : i32
      %dma_start3A_939 = arith.constant 0 : i32
      %dma_start3A_940 = tpu.memref_slice %arg21[%dma_start3A_938, %dma_start3A_939] : memref<10240x128xf32, #tpu.memory_space<vmem_shared>> -> memref<10240x128xf32, #tpu.memory_space<vmem_shared>>
      tpu.enqueue_indirect_dma source(%arg18 : memref<64x128xf32, #tpu.memory_space<vmem>>) target(%dma_start3A_940 : memref<10240x128xf32, #tpu.memory_space<vmem_shared>>) offsets(%arg12 : memref<64xi32, #tpu.memory_space<vmem>>) semaphore(%arg27 : memref<!tpu.dma_semaphore, #tpu.memory_space<semaphore_mem>>) {add = true}
      %dma_start3A_941 = arith.constant 0 : i32
      %dma_start3A_942 = tpu.memref_slice %arg22[%dma_start3A_941] : memref<10240xf32, #tpu.memory_space<vmem_shared>> -> memref<10240xf32, #tpu.memory_space<vmem_shared>>
      tpu.enqueue_indirect_dma source(%arg19 : memref<64xf32, #tpu.memory_space<vmem>>) target(%dma_start3A_942 : memref<10240xf32, #tpu.memory_space<vmem_shared>>) offsets(%arg12 : memref<64xi32, #tpu.memory_space<vmem>>) semaphore(%arg29 : memref<!tpu.dma_semaphore, #tpu.memory_space<semaphore_mem>>) {add = true}
      %mul3A_943 = arith.constant 2 : i32
      %mul3A_944 = arith.muli %mul3A_943, %scan3A_877 : i32
      %add3A_945 = arith.constant 1 : i32
      %add3A_946 = arith.addi %mul3A_944, %add3A_945 : i32
      %dma_wait3A_947 = arith.constant 0 : i32
      %dma_wait3A_948 = arith.constant 0 : i32
      %dma_wait3A_949 = tpu.memref_slice %arg4[%dma_wait3A_947, %dma_wait3A_948] : memref<10000x128xf32, #tpu.memory_space<hbm>> -> memref<10000x128xf32, #tpu.memory_space<hbm>>
      tpu.wait_indirect_dma semaphore(%arg25 : memref<!tpu.dma_semaphore, #tpu.memory_space<semaphore_mem>>) src(%dma_wait3A_949 : memref<10000x128xf32, #tpu.memory_space<hbm>>) dst(%arg16 : memref<64x128xf32, #tpu.memory_space<vmem>>)
      %dma_wait3A_950 = arith.constant 0 : i32
      %dma_wait3A_951 = arith.constant 0 : i32
      %dma_wait3A_952 = tpu.memref_slice %arg5[%dma_wait3A_950, %dma_wait3A_951] : memref<10000x128xf32, #tpu.memory_space<hbm>> -> memref<10000x128xf32, #tpu.memory_space<hbm>>
      tpu.wait_indirect_dma semaphore(%arg26 : memref<!tpu.dma_semaphore, #tpu.memory_space<semaphore_mem>>) src(%dma_wait3A_952 : memref<10000x128xf32, #tpu.memory_space<hbm>>) dst(%arg17 : memref<64x128xf32, #tpu.memory_space<vmem>>)
      %get3A_953 = arith.constant 0 : index
      %get3A_954 = tpu.vector_load %arg11[%get3A_953] {strides = array<i32>} : memref<64xi32, #tpu.memory_space<vmem>>, vector<16xi32>,
      %get3A_955 = vector.shape_cast %get3A_954 : vector<16xi32> to vector<16xi32>
      %swap3A_956 = arith.constant 0 : index
      %swap3A_957 = tpu.vector_load %arg13[%swap3A_956] {strides = array<i32>} : memref<64xi32, #tpu.memory_space<vmem>>, vector<16xi32>,
      %swap3A_958 = vector.shape_cast %swap3A_957 : vector<16xi32> to vector<16xi32>
      %swap3A_959 = vector.shape_cast %get3A_955 : vector<16xi32> to vector<16xi32>
      tpu.vector_store %arg13[%swap3A_956], %swap3A_959 {strides = array<i32>} : memref<64xi32, #tpu.memory_space<vmem>>, vector<16xi32>,
      %get3A_960 = arith.constant 16 : index
      %get3A_961 = tpu.vector_load %arg11[%get3A_960] {strides = array<i32>} : memref<64xi32, #tpu.memory_space<vmem>>, vector<16xi32>,
      %get3A_962 = vector.shape_cast %get3A_961 : vector<16xi32> to vector<16xi32>
      %swap3A_963 = arith.constant 16 : index
      %swap3A_964 = tpu.vector_load %arg13[%swap3A_963] {strides = array<i32>} : memref<64xi32, #tpu.memory_space<vmem>>, vector<16xi32>,
      %swap3A_965 = vector.shape_cast %swap3A_964 : vector<16xi32> to vector<16xi32>
      %swap3A_966 = vector.shape_cast %get3A_962 : vector<16xi32> to vector<16xi32>
      tpu.vector_store %arg13[%swap3A_963], %swap3A_966 {strides = array<i32>} : memref<64xi32, #tpu.memory_space<vmem>>, vector<16xi32>,
      %get3A_967 = arith.constant 32 : index
      %get3A_968 = tpu.vector_load %arg11[%get3A_967] {strides = array<i32>} : memref<64xi32, #tpu.memory_space<vmem>>, vector<16xi32>,
      %get3A_969 = vector.shape_cast %get3A_968 : vector<16xi32> to vector<16xi32>
      %swap3A_970 = arith.constant 32 : index
      %swap3A_971 = tpu.vector_load %arg13[%swap3A_970] {strides = array<i32>} : memref<64xi32, #tpu.memory_space<vmem>>, vector<16xi32>,
      %swap3A_972 = vector.shape_cast %swap3A_971 : vector<16xi32> to vector<16xi32>
      %swap3A_973 = vector.shape_cast %get3A_969 : vector<16xi32> to vector<16xi32>
      tpu.vector_store %arg13[%swap3A_970], %swap3A_973 {strides = array<i32>} : memref<64xi32, #tpu.memory_space<vmem>>, vector<16xi32>,
      %get3A_974 = arith.constant 48 : index
      %get3A_975 = tpu.vector_load %arg11[%get3A_974] {strides = array<i32>} : memref<64xi32, #tpu.memory_space<vmem>>, vector<16xi32>,
      %get3A_976 = vector.shape_cast %get3A_975 : vector<16xi32> to vector<16xi32>
      %swap3A_977 = arith.constant 48 : index
      %swap3A_978 = tpu.vector_load %arg13[%swap3A_977] {strides = array<i32>} : memref<64xi32, #tpu.memory_space<vmem>>, vector<16xi32>,
      %swap3A_979 = vector.shape_cast %swap3A_978 : vector<16xi32> to vector<16xi32>
      %swap3A_980 = vector.shape_cast %get3A_976 : vector<16xi32> to vector<16xi32>
      tpu.vector_store %arg13[%swap3A_977], %swap3A_980 {strides = array<i32>} : memref<64xi32, #tpu.memory_space<vmem>>, vector<16xi32>,
      %add3A_981 = arith.constant 2 : i32
      %add3A_982 = arith.addi %add3A_946, %add3A_981 : i32
      %lt3A_983 = arith.cmpi slt, %add3A_982, %add3A_8 : i32
      %convert_element_type3A_984 = arith.extui %lt3A_983 : i1 to i32
      %cond3A_985 = arith.constant 0 : i32
      %cond3A_986 = arith.cmpi ne, %convert_element_type3A_984, %cond3A_985 : i32
      scf.if %cond3A_986 {
        %add3A_1011 = arith.constant 2 : i32
        %add3A_1012 = arith.addi %add3A_946, %add3A_1011 : i32
        %add3A_1013 = arith.addi %add3A_4, %add3A_1012 : i32
        %mul3A_1014 = arith.constant 64 : i32
        %mul3A_1015 = arith.muli %add3A_1013, %mul3A_1014 : i32
        %dma_start3A_1016 = tpu.memref_slice %arg2[%mul3A_1015] : memref<320000xi32, #tpu.memory_space<hbm>> -> memref<64xi32, #tpu.memory_space<hbm>>
        %dma_start3A_1017 = tpu.memref_slice %arg2[%mul3A_1015] : memref<320000xi32, #tpu.memory_space<hbm>> -> memref<64xi32, #tpu.memory_space<hbm>>
        tpu.enqueue_dma source(%dma_start3A_1017 : memref<64xi32, #tpu.memory_space<hbm>>) target(%arg9 : memref<64xi32, #tpu.memory_space<vmem>>) target_semaphore(%arg32 : memref<!tpu.dma_semaphore, #tpu.memory_space<semaphore_mem>>)
        %dma_start3A_1018 = tpu.memref_slice %arg3[%mul3A_1015] : memref<320000xi32, #tpu.memory_space<hbm>> -> memref<64xi32, #tpu.memory_space<hbm>>
        %dma_start3A_1019 = tpu.memref_slice %arg3[%mul3A_1015] : memref<320000xi32, #tpu.memory_space<hbm>> -> memref<64xi32, #tpu.memory_space<hbm>>
        tpu.enqueue_dma source(%dma_start3A_1019 : memref<64xi32, #tpu.memory_space<hbm>>) target(%arg11 : memref<64xi32, #tpu.memory_space<vmem>>) target_semaphore(%arg34 : memref<!tpu.dma_semaphore, #tpu.memory_space<semaphore_mem>>)
      } else {
      }
      %add3A_987 = arith.constant 1 : i32
      %add3A_988 = arith.addi %add3A_946, %add3A_987 : i32
      %lt3A_989 = arith.cmpi slt, %add3A_988, %add3A_8 : i32
      %convert_element_type3A_990 = arith.extui %lt3A_989 : i1 to i32
      %cond3A_991 = arith.constant 0 : i32
      %cond3A_992 = arith.cmpi ne, %convert_element_type3A_990, %cond3A_991 : i32
      scf.if %cond3A_992 {
        %add3A_1011 = arith.constant 1 : i32
        %add3A_1012 = arith.addi %add3A_946, %add3A_1011 : i32
        %add3A_1013 = arith.addi %add3A_4, %add3A_1012 : i32
        %mul3A_1014 = arith.constant 64 : i32
        %mul3A_1015 = arith.muli %add3A_1013, %mul3A_1014 : i32
        %dma_wait3A_1016 = tpu.memref_slice %arg2[%mul3A_1015] : memref<320000xi32, #tpu.memory_space<hbm>> -> memref<64xi32, #tpu.memory_space<hbm>>
        %dma_wait3A_1017 = tpu.memref_slice %arg2[%mul3A_1015] : memref<320000xi32, #tpu.memory_space<hbm>> -> memref<64xi32, #tpu.memory_space<hbm>>
        tpu.wait_dma2 semaphore(%arg31 : memref<!tpu.dma_semaphore, #tpu.memory_space<semaphore_mem>>) src(%dma_wait3A_1017 : memref<64xi32, #tpu.memory_space<hbm>>) dst(%arg8 : memref<64xi32, #tpu.memory_space<vmem>>)
        %dma_wait3A_1018 = tpu.memref_slice %arg3[%mul3A_1015] : memref<320000xi32, #tpu.memory_space<hbm>> -> memref<64xi32, #tpu.memory_space<hbm>>
        %dma_wait3A_1019 = tpu.memref_slice %arg3[%mul3A_1015] : memref<320000xi32, #tpu.memory_space<hbm>> -> memref<64xi32, #tpu.memory_space<hbm>>
        tpu.wait_dma2 semaphore(%arg33 : memref<!tpu.dma_semaphore, #tpu.memory_space<semaphore_mem>>) src(%dma_wait3A_1019 : memref<64xi32, #tpu.memory_space<hbm>>) dst(%arg10 : memref<64xi32, #tpu.memory_space<vmem>>)
        %dma_start3A_1020 = arith.constant 0 : i32
        %dma_start3A_1021 = arith.constant 0 : i32
        %dma_start3A_1022 = tpu.memref_slice %arg4[%dma_start3A_1020, %dma_start3A_1021] : memref<10000x128xf32, #tpu.memory_space<hbm>> -> memref<10000x128xf32, #tpu.memory_space<hbm>>
        tpu.enqueue_indirect_dma source(%dma_start3A_1022 : memref<10000x128xf32, #tpu.memory_space<hbm>>) target(%arg14 : memref<64x128xf32, #tpu.memory_space<vmem>>) offsets(%arg8 : memref<64xi32, #tpu.memory_space<vmem>>) semaphore(%arg23 : memref<!tpu.dma_semaphore, #tpu.memory_space<semaphore_mem>>)
        %dma_start3A_1023 = arith.constant 0 : i32
        %dma_start3A_1024 = arith.constant 0 : i32
        %dma_start3A_1025 = tpu.memref_slice %arg5[%dma_start3A_1023, %dma_start3A_1024] : memref<10000x128xf32, #tpu.memory_space<hbm>> -> memref<10000x128xf32, #tpu.memory_space<hbm>>
        tpu.enqueue_indirect_dma source(%dma_start3A_1025 : memref<10000x128xf32, #tpu.memory_space<hbm>>) target(%arg15 : memref<64x128xf32, #tpu.memory_space<vmem>>) offsets(%arg10 : memref<64xi32, #tpu.memory_space<vmem>>) semaphore(%arg24 : memref<!tpu.dma_semaphore, #tpu.memory_space<semaphore_mem>>)
      } else {
      }
      %ge3A_993 = arith.constant 1 : i32
      %ge3A_994 = arith.cmpi sge, %add3A_946, %ge3A_993 : i32
      %convert_element_type3A_995 = arith.extui %ge3A_994 : i1 to i32
      %cond3A_996 = arith.constant 0 : i32
      %cond3A_997 = arith.cmpi ne, %convert_element_type3A_995, %cond3A_996 : i32
      scf.if %cond3A_997 {
        %dma_wait3A_1011 = arith.constant 0 : i32
        %dma_wait3A_1012 = arith.constant 0 : i32
        %dma_wait3A_1013 = tpu.memref_slice %arg21[%dma_wait3A_1011, %dma_wait3A_1012] : memref<10240x128xf32, #tpu.memory_space<vmem_shared>> -> memref<10240x128xf32, #tpu.memory_space<vmem_shared>>
        tpu.wait_indirect_dma semaphore(%arg27 : memref<!tpu.dma_semaphore, #tpu.memory_space<semaphore_mem>>) src(%arg18 : memref<64x128xf32, #tpu.memory_space<vmem>>) dst(%dma_wait3A_1013 : memref<10240x128xf32, #tpu.memory_space<vmem_shared>>)
        %dma_wait3A_1014 = arith.constant 0 : i32
        %dma_wait3A_1015 = tpu.memref_slice %arg22[%dma_wait3A_1014] : memref<10240xf32, #tpu.memory_space<vmem_shared>> -> memref<10240xf32, #tpu.memory_space<vmem_shared>>
        tpu.wait_indirect_dma semaphore(%arg29 : memref<!tpu.dma_semaphore, #tpu.memory_space<semaphore_mem>>) src(%arg19 : memref<64xf32, #tpu.memory_space<vmem>>) dst(%dma_wait3A_1015 : memref<10240xf32, #tpu.memory_space<vmem_shared>>)
      } else {
      }
      %scan3A_998 = arith.constant 0 : i32
      %scan3A_999 = arith.constant 0 : i32
      %scan3A_1000 = arith.constant 32 : i32
      %scan3A_1001 = arith.addi %scan3A_999, %scan3A_1000 : i32
      %scan3A_1002 = arith.constant 1 : i32
      %scan3A_1003 = scf.for %scan3A_1011 = %scan3A_999 to %scan3A_1001 step %scan3A_1002 iter_args(%scan3A_1012 = %scan3A_998) -> (i32)  : i32 {
        %mul3A_1013 = arith.constant 2 : i32
        %mul3A_1014 = arith.muli %mul3A_1013, %scan3A_1011 : i32
        %add3A_1015 = arith.constant 0 : i32
        %add3A_1016 = arith.addi %mul3A_1014, %add3A_1015 : i32
        %get3A_1017 = arith.index_cast %add3A_1016 : i32 to index
        %get3A_1018 = arith.constant 0 : index
        %get3A_1019 = tpu.vector_load %arg16[%get3A_1017, %get3A_1018] {strides = array<i32>} : memref<64x128xf32, #tpu.memory_space<vmem>>, vector<1x16xf32>,
        %get3A_1020 = vector.shape_cast %get3A_1019 : vector<1x16xf32> to vector<16xf32>
        %get3A_1021 = arith.index_cast %add3A_1016 : i32 to index
        %get3A_1022 = arith.constant 0 : index
        %get3A_1023 = tpu.vector_load %arg17[%get3A_1021, %get3A_1022] {strides = array<i32>} : memref<64x128xf32, #tpu.memory_space<vmem>>, vector<1x16xf32>,
        %get3A_1024 = vector.shape_cast %get3A_1023 : vector<1x16xf32> to vector<16xf32>
        %add3A_1025 = arith.addf %get3A_1020, %get3A_1024 : vector<16xf32>
        %max3A = arith.constant 0.000000e+00 : f32
        %max3A_1026 = vector.broadcast %max3A : f32 to vector<16xf32>
        %max3A_1027 = arith.maximumf %add3A_1025, %max3A_1026 : vector<16xf32>
        %swap3A_1028 = arith.index_cast %add3A_1016 : i32 to index
        %swap3A_1029 = arith.constant 0 : index
        %swap3A_1030 = tpu.vector_load %arg18[%swap3A_1028, %swap3A_1029] {strides = array<i32>} : memref<64x128xf32, #tpu.memory_space<vmem>>, vector<1x16xf32>,
        %swap3A_1031 = vector.shape_cast %swap3A_1030 : vector<1x16xf32> to vector<16xf32>
        %swap3A_1032 = vector.shape_cast %max3A_1027 : vector<16xf32> to vector<1x16xf32>
        tpu.vector_store %arg18[%swap3A_1028, %swap3A_1029], %swap3A_1032 {strides = array<i32>} : memref<64x128xf32, #tpu.memory_space<vmem>>, vector<1x16xf32>,
        %get3A_1033 = arith.index_cast %add3A_1016 : i32 to index
        %get3A_1034 = arith.constant 16 : index
        %get3A_1035 = tpu.vector_load %arg16[%get3A_1033, %get3A_1034] {strides = array<i32>} : memref<64x128xf32, #tpu.memory_space<vmem>>, vector<1x16xf32>,
        %get3A_1036 = vector.shape_cast %get3A_1035 : vector<1x16xf32> to vector<16xf32>
        %get3A_1037 = arith.index_cast %add3A_1016 : i32 to index
        %get3A_1038 = arith.constant 16 : index
        %get3A_1039 = tpu.vector_load %arg17[%get3A_1037, %get3A_1038] {strides = array<i32>} : memref<64x128xf32, #tpu.memory_space<vmem>>, vector<1x16xf32>,
        %get3A_1040 = vector.shape_cast %get3A_1039 : vector<1x16xf32> to vector<16xf32>
        %add3A_1041 = arith.addf %get3A_1036, %get3A_1040 : vector<16xf32>
        %max3A_1042 = arith.constant 0.000000e+00 : f32
        %max3A_1043 = vector.broadcast %max3A_1042 : f32 to vector<16xf32>
        %max3A_1044 = arith.maximumf %add3A_1041, %max3A_1043 : vector<16xf32>
        %swap3A_1045 = arith.index_cast %add3A_1016 : i32 to index
        %swap3A_1046 = arith.constant 16 : index
        %swap3A_1047 = tpu.vector_load %arg18[%swap3A_1045, %swap3A_1046] {strides = array<i32>} : memref<64x128xf32, #tpu.memory_space<vmem>>, vector<1x16xf32>,
        %swap3A_1048 = vector.shape_cast %swap3A_1047 : vector<1x16xf32> to vector<16xf32>
        %swap3A_1049 = vector.shape_cast %max3A_1044 : vector<16xf32> to vector<1x16xf32>
        tpu.vector_store %arg18[%swap3A_1045, %swap3A_1046], %swap3A_1049 {strides = array<i32>} : memref<64x128xf32, #tpu.memory_space<vmem>>, vector<1x16xf32>,
        %get3A_1050 = arith.index_cast %add3A_1016 : i32 to index
        %get3A_1051 = arith.constant 32 : index
        %get3A_1052 = tpu.vector_load %arg16[%get3A_1050, %get3A_1051] {strides = array<i32>} : memref<64x128xf32, #tpu.memory_space<vmem>>, vector<1x16xf32>,
        %get3A_1053 = vector.shape_cast %get3A_1052 : vector<1x16xf32> to vector<16xf32>
        %get3A_1054 = arith.index_cast %add3A_1016 : i32 to index
        %get3A_1055 = arith.constant 32 : index
        %get3A_1056 = tpu.vector_load %arg17[%get3A_1054, %get3A_1055] {strides = array<i32>} : memref<64x128xf32, #tpu.memory_space<vmem>>, vector<1x16xf32>,
        %get3A_1057 = vector.shape_cast %get3A_1056 : vector<1x16xf32> to vector<16xf32>
        %add3A_1058 = arith.addf %get3A_1053, %get3A_1057 : vector<16xf32>
        %max3A_1059 = arith.constant 0.000000e+00 : f32
        %max3A_1060 = vector.broadcast %max3A_1059 : f32 to vector<16xf32>
        %max3A_1061 = arith.maximumf %add3A_1058, %max3A_1060 : vector<16xf32>
        %swap3A_1062 = arith.index_cast %add3A_1016 : i32 to index
        %swap3A_1063 = arith.constant 32 : index
        %swap3A_1064 = tpu.vector_load %arg18[%swap3A_1062, %swap3A_1063] {strides = array<i32>} : memref<64x128xf32, #tpu.memory_space<vmem>>, vector<1x16xf32>,
        %swap3A_1065 = vector.shape_cast %swap3A_1064 : vector<1x16xf32> to vector<16xf32>
        %swap3A_1066 = vector.shape_cast %max3A_1061 : vector<16xf32> to vector<1x16xf32>
        tpu.vector_store %arg18[%swap3A_1062, %swap3A_1063], %swap3A_1066 {strides = array<i32>} : memref<64x128xf32, #tpu.memory_space<vmem>>, vector<1x16xf32>,
        %get3A_1067 = arith.index_cast %add3A_1016 : i32 to index
        %get3A_1068 = arith.constant 48 : index
        %get3A_1069 = tpu.vector_load %arg16[%get3A_1067, %get3A_1068] {strides = array<i32>} : memref<64x128xf32, #tpu.memory_space<vmem>>, vector<1x16xf32>,
        %get3A_1070 = vector.shape_cast %get3A_1069 : vector<1x16xf32> to vector<16xf32>
        %get3A_1071 = arith.index_cast %add3A_1016 : i32 to index
        %get3A_1072 = arith.constant 48 : index
        %get3A_1073 = tpu.vector_load %arg17[%get3A_1071, %get3A_1072] {strides = array<i32>} : memref<64x128xf32, #tpu.memory_space<vmem>>, vector<1x16xf32>,
        %get3A_1074 = vector.shape_cast %get3A_1073 : vector<1x16xf32> to vector<16xf32>
        %add3A_1075 = arith.addf %get3A_1070, %get3A_1074 : vector<16xf32>
        %max3A_1076 = arith.constant 0.000000e+00 : f32
        %max3A_1077 = vector.broadcast %max3A_1076 : f32 to vector<16xf32>
        %max3A_1078 = arith.maximumf %add3A_1075, %max3A_1077 : vector<16xf32>
        %swap3A_1079 = arith.index_cast %add3A_1016 : i32 to index
        %swap3A_1080 = arith.constant 48 : index
        %swap3A_1081 = tpu.vector_load %arg18[%swap3A_1079, %swap3A_1080] {strides = array<i32>} : memref<64x128xf32, #tpu.memory_space<vmem>>, vector<1x16xf32>,
        %swap3A_1082 = vector.shape_cast %swap3A_1081 : vector<1x16xf32> to vector<16xf32>
        %swap3A_1083 = vector.shape_cast %max3A_1078 : vector<16xf32> to vector<1x16xf32>
        tpu.vector_store %arg18[%swap3A_1079, %swap3A_1080], %swap3A_1083 {strides = array<i32>} : memref<64x128xf32, #tpu.memory_space<vmem>>, vector<1x16xf32>,
        %get3A_1084 = arith.index_cast %add3A_1016 : i32 to index
        %get3A_1085 = arith.constant 64 : index
        %get3A_1086 = tpu.vector_load %arg16[%get3A_1084, %get3A_1085] {strides = array<i32>} : memref<64x128xf32, #tpu.memory_space<vmem>>, vector<1x16xf32>,
        %get3A_1087 = vector.shape_cast %get3A_1086 : vector<1x16xf32> to vector<16xf32>
        %get3A_1088 = arith.index_cast %add3A_1016 : i32 to index
        %get3A_1089 = arith.constant 64 : index
        %get3A_1090 = tpu.vector_load %arg17[%get3A_1088, %get3A_1089] {strides = array<i32>} : memref<64x128xf32, #tpu.memory_space<vmem>>, vector<1x16xf32>,
        %get3A_1091 = vector.shape_cast %get3A_1090 : vector<1x16xf32> to vector<16xf32>
        %add3A_1092 = arith.addf %get3A_1087, %get3A_1091 : vector<16xf32>
        %max3A_1093 = arith.constant 0.000000e+00 : f32
        %max3A_1094 = vector.broadcast %max3A_1093 : f32 to vector<16xf32>
        %max3A_1095 = arith.maximumf %add3A_1092, %max3A_1094 : vector<16xf32>
        %swap3A_1096 = arith.index_cast %add3A_1016 : i32 to index
        %swap3A_1097 = arith.constant 64 : index
        %swap3A_1098 = tpu.vector_load %arg18[%swap3A_1096, %swap3A_1097] {strides = array<i32>} : memref<64x128xf32, #tpu.memory_space<vmem>>, vector<1x16xf32>,
        %swap3A_1099 = vector.shape_cast %swap3A_1098 : vector<1x16xf32> to vector<16xf32>
        %swap3A_1100 = vector.shape_cast %max3A_1095 : vector<16xf32> to vector<1x16xf32>
        tpu.vector_store %arg18[%swap3A_1096, %swap3A_1097], %swap3A_1100 {strides = array<i32>} : memref<64x128xf32, #tpu.memory_space<vmem>>, vector<1x16xf32>,
        %get3A_1101 = arith.index_cast %add3A_1016 : i32 to index
        %get3A_1102 = arith.constant 80 : index
        %get3A_1103 = tpu.vector_load %arg16[%get3A_1101, %get3A_1102] {strides = array<i32>} : memref<64x128xf32, #tpu.memory_space<vmem>>, vector<1x16xf32>,
        %get3A_1104 = vector.shape_cast %get3A_1103 : vector<1x16xf32> to vector<16xf32>
        %get3A_1105 = arith.index_cast %add3A_1016 : i32 to index
        %get3A_1106 = arith.constant 80 : index
        %get3A_1107 = tpu.vector_load %arg17[%get3A_1105, %get3A_1106] {strides = array<i32>} : memref<64x128xf32, #tpu.memory_space<vmem>>, vector<1x16xf32>,
        %get3A_1108 = vector.shape_cast %get3A_1107 : vector<1x16xf32> to vector<16xf32>
        %add3A_1109 = arith.addf %get3A_1104, %get3A_1108 : vector<16xf32>
        %max3A_1110 = arith.constant 0.000000e+00 : f32
        %max3A_1111 = vector.broadcast %max3A_1110 : f32 to vector<16xf32>
        %max3A_1112 = arith.maximumf %add3A_1109, %max3A_1111 : vector<16xf32>
        %swap3A_1113 = arith.index_cast %add3A_1016 : i32 to index
        %swap3A_1114 = arith.constant 80 : index
        %swap3A_1115 = tpu.vector_load %arg18[%swap3A_1113, %swap3A_1114] {strides = array<i32>} : memref<64x128xf32, #tpu.memory_space<vmem>>, vector<1x16xf32>,
        %swap3A_1116 = vector.shape_cast %swap3A_1115 : vector<1x16xf32> to vector<16xf32>
        %swap3A_1117 = vector.shape_cast %max3A_1112 : vector<16xf32> to vector<1x16xf32>
        tpu.vector_store %arg18[%swap3A_1113, %swap3A_1114], %swap3A_1117 {strides = array<i32>} : memref<64x128xf32, #tpu.memory_space<vmem>>, vector<1x16xf32>,
        %get3A_1118 = arith.index_cast %add3A_1016 : i32 to index
        %get3A_1119 = arith.constant 96 : index
        %get3A_1120 = tpu.vector_load %arg16[%get3A_1118, %get3A_1119] {strides = array<i32>} : memref<64x128xf32, #tpu.memory_space<vmem>>, vector<1x16xf32>,
        %get3A_1121 = vector.shape_cast %get3A_1120 : vector<1x16xf32> to vector<16xf32>
        %get3A_1122 = arith.index_cast %add3A_1016 : i32 to index
        %get3A_1123 = arith.constant 96 : index
        %get3A_1124 = tpu.vector_load %arg17[%get3A_1122, %get3A_1123] {strides = array<i32>} : memref<64x128xf32, #tpu.memory_space<vmem>>, vector<1x16xf32>,
        %get3A_1125 = vector.shape_cast %get3A_1124 : vector<1x16xf32> to vector<16xf32>
        %add3A_1126 = arith.addf %get3A_1121, %get3A_1125 : vector<16xf32>
        %max3A_1127 = arith.constant 0.000000e+00 : f32
        %max3A_1128 = vector.broadcast %max3A_1127 : f32 to vector<16xf32>
        %max3A_1129 = arith.maximumf %add3A_1126, %max3A_1128 : vector<16xf32>
        %swap3A_1130 = arith.index_cast %add3A_1016 : i32 to index
        %swap3A_1131 = arith.constant 96 : index
        %swap3A_1132 = tpu.vector_load %arg18[%swap3A_1130, %swap3A_1131] {strides = array<i32>} : memref<64x128xf32, #tpu.memory_space<vmem>>, vector<1x16xf32>,
        %swap3A_1133 = vector.shape_cast %swap3A_1132 : vector<1x16xf32> to vector<16xf32>
        %swap3A_1134 = vector.shape_cast %max3A_1129 : vector<16xf32> to vector<1x16xf32>
        tpu.vector_store %arg18[%swap3A_1130, %swap3A_1131], %swap3A_1134 {strides = array<i32>} : memref<64x128xf32, #tpu.memory_space<vmem>>, vector<1x16xf32>,
        %get3A_1135 = arith.index_cast %add3A_1016 : i32 to index
        %get3A_1136 = arith.constant 112 : index
        %get3A_1137 = tpu.vector_load %arg16[%get3A_1135, %get3A_1136] {strides = array<i32>} : memref<64x128xf32, #tpu.memory_space<vmem>>, vector<1x16xf32>,
        %get3A_1138 = vector.shape_cast %get3A_1137 : vector<1x16xf32> to vector<16xf32>
        %get3A_1139 = arith.index_cast %add3A_1016 : i32 to index
        %get3A_1140 = arith.constant 112 : index
        %get3A_1141 = tpu.vector_load %arg17[%get3A_1139, %get3A_1140] {strides = array<i32>} : memref<64x128xf32, #tpu.memory_space<vmem>>, vector<1x16xf32>,
        %get3A_1142 = vector.shape_cast %get3A_1141 : vector<1x16xf32> to vector<16xf32>
        %add3A_1143 = arith.addf %get3A_1138, %get3A_1142 : vector<16xf32>
        %max3A_1144 = arith.constant 0.000000e+00 : f32
        %max3A_1145 = vector.broadcast %max3A_1144 : f32 to vector<16xf32>
        %max3A_1146 = arith.maximumf %add3A_1143, %max3A_1145 : vector<16xf32>
        %swap3A_1147 = arith.index_cast %add3A_1016 : i32 to index
        %swap3A_1148 = arith.constant 112 : index
        %swap3A_1149 = tpu.vector_load %arg18[%swap3A_1147, %swap3A_1148] {strides = array<i32>} : memref<64x128xf32, #tpu.memory_space<vmem>>, vector<1x16xf32>,
        %swap3A_1150 = vector.shape_cast %swap3A_1149 : vector<1x16xf32> to vector<16xf32>
        %swap3A_1151 = vector.shape_cast %max3A_1146 : vector<16xf32> to vector<1x16xf32>
        tpu.vector_store %arg18[%swap3A_1147, %swap3A_1148], %swap3A_1151 {strides = array<i32>} : memref<64x128xf32, #tpu.memory_space<vmem>>, vector<1x16xf32>,
        %mul3A_1152 = arith.constant 2 : i32
        %mul3A_1153 = arith.muli %mul3A_1152, %scan3A_1011 : i32
        %add3A_1154 = arith.constant 1 : i32
        %add3A_1155 = arith.addi %mul3A_1153, %add3A_1154 : i32
        %get3A_1156 = arith.index_cast %add3A_1155 : i32 to index
        %get3A_1157 = arith.constant 0 : index
        %get3A_1158 = tpu.vector_load %arg16[%get3A_1156, %get3A_1157] {strides = array<i32>} : memref<64x128xf32, #tpu.memory_space<vmem>>, vector<1x16xf32>,
        %get3A_1159 = vector.shape_cast %get3A_1158 : vector<1x16xf32> to vector<16xf32>
        %get3A_1160 = arith.index_cast %add3A_1155 : i32 to index
        %get3A_1161 = arith.constant 0 : index
        %get3A_1162 = tpu.vector_load %arg17[%get3A_1160, %get3A_1161] {strides = array<i32>} : memref<64x128xf32, #tpu.memory_space<vmem>>, vector<1x16xf32>,
        %get3A_1163 = vector.shape_cast %get3A_1162 : vector<1x16xf32> to vector<16xf32>
        %add3A_1164 = arith.addf %get3A_1159, %get3A_1163 : vector<16xf32>
        %max3A_1165 = arith.constant 0.000000e+00 : f32
        %max3A_1166 = vector.broadcast %max3A_1165 : f32 to vector<16xf32>
        %max3A_1167 = arith.maximumf %add3A_1164, %max3A_1166 : vector<16xf32>
        %swap3A_1168 = arith.index_cast %add3A_1155 : i32 to index
        %swap3A_1169 = arith.constant 0 : index
        %swap3A_1170 = tpu.vector_load %arg18[%swap3A_1168, %swap3A_1169] {strides = array<i32>} : memref<64x128xf32, #tpu.memory_space<vmem>>, vector<1x16xf32>,
        %swap3A_1171 = vector.shape_cast %swap3A_1170 : vector<1x16xf32> to vector<16xf32>
        %swap3A_1172 = vector.shape_cast %max3A_1167 : vector<16xf32> to vector<1x16xf32>
        tpu.vector_store %arg18[%swap3A_1168, %swap3A_1169], %swap3A_1172 {strides = array<i32>} : memref<64x128xf32, #tpu.memory_space<vmem>>, vector<1x16xf32>,
        %get3A_1173 = arith.index_cast %add3A_1155 : i32 to index
        %get3A_1174 = arith.constant 16 : index
        %get3A_1175 = tpu.vector_load %arg16[%get3A_1173, %get3A_1174] {strides = array<i32>} : memref<64x128xf32, #tpu.memory_space<vmem>>, vector<1x16xf32>,
        %get3A_1176 = vector.shape_cast %get3A_1175 : vector<1x16xf32> to vector<16xf32>
        %get3A_1177 = arith.index_cast %add3A_1155 : i32 to index
        %get3A_1178 = arith.constant 16 : index
        %get3A_1179 = tpu.vector_load %arg17[%get3A_1177, %get3A_1178] {strides = array<i32>} : memref<64x128xf32, #tpu.memory_space<vmem>>, vector<1x16xf32>,
        %get3A_1180 = vector.shape_cast %get3A_1179 : vector<1x16xf32> to vector<16xf32>
        %add3A_1181 = arith.addf %get3A_1176, %get3A_1180 : vector<16xf32>
        %max3A_1182 = arith.constant 0.000000e+00 : f32
        %max3A_1183 = vector.broadcast %max3A_1182 : f32 to vector<16xf32>
        %max3A_1184 = arith.maximumf %add3A_1181, %max3A_1183 : vector<16xf32>
        %swap3A_1185 = arith.index_cast %add3A_1155 : i32 to index
        %swap3A_1186 = arith.constant 16 : index
        %swap3A_1187 = tpu.vector_load %arg18[%swap3A_1185, %swap3A_1186] {strides = array<i32>} : memref<64x128xf32, #tpu.memory_space<vmem>>, vector<1x16xf32>,
        %swap3A_1188 = vector.shape_cast %swap3A_1187 : vector<1x16xf32> to vector<16xf32>
        %swap3A_1189 = vector.shape_cast %max3A_1184 : vector<16xf32> to vector<1x16xf32>
        tpu.vector_store %arg18[%swap3A_1185, %swap3A_1186], %swap3A_1189 {strides = array<i32>} : memref<64x128xf32, #tpu.memory_space<vmem>>, vector<1x16xf32>,
        %get3A_1190 = arith.index_cast %add3A_1155 : i32 to index
        %get3A_1191 = arith.constant 32 : index
        %get3A_1192 = tpu.vector_load %arg16[%get3A_1190, %get3A_1191] {strides = array<i32>} : memref<64x128xf32, #tpu.memory_space<vmem>>, vector<1x16xf32>,
        %get3A_1193 = vector.shape_cast %get3A_1192 : vector<1x16xf32> to vector<16xf32>
        %get3A_1194 = arith.index_cast %add3A_1155 : i32 to index
        %get3A_1195 = arith.constant 32 : index
        %get3A_1196 = tpu.vector_load %arg17[%get3A_1194, %get3A_1195] {strides = array<i32>} : memref<64x128xf32, #tpu.memory_space<vmem>>, vector<1x16xf32>,
        %get3A_1197 = vector.shape_cast %get3A_1196 : vector<1x16xf32> to vector<16xf32>
        %add3A_1198 = arith.addf %get3A_1193, %get3A_1197 : vector<16xf32>
        %max3A_1199 = arith.constant 0.000000e+00 : f32
        %max3A_1200 = vector.broadcast %max3A_1199 : f32 to vector<16xf32>
        %max3A_1201 = arith.maximumf %add3A_1198, %max3A_1200 : vector<16xf32>
        %swap3A_1202 = arith.index_cast %add3A_1155 : i32 to index
        %swap3A_1203 = arith.constant 32 : index
        %swap3A_1204 = tpu.vector_load %arg18[%swap3A_1202, %swap3A_1203] {strides = array<i32>} : memref<64x128xf32, #tpu.memory_space<vmem>>, vector<1x16xf32>,
        %swap3A_1205 = vector.shape_cast %swap3A_1204 : vector<1x16xf32> to vector<16xf32>
        %swap3A_1206 = vector.shape_cast %max3A_1201 : vector<16xf32> to vector<1x16xf32>
        tpu.vector_store %arg18[%swap3A_1202, %swap3A_1203], %swap3A_1206 {strides = array<i32>} : memref<64x128xf32, #tpu.memory_space<vmem>>, vector<1x16xf32>,
        %get3A_1207 = arith.index_cast %add3A_1155 : i32 to index
        %get3A_1208 = arith.constant 48 : index
        %get3A_1209 = tpu.vector_load %arg16[%get3A_1207, %get3A_1208] {strides = array<i32>} : memref<64x128xf32, #tpu.memory_space<vmem>>, vector<1x16xf32>,
        %get3A_1210 = vector.shape_cast %get3A_1209 : vector<1x16xf32> to vector<16xf32>
        %get3A_1211 = arith.index_cast %add3A_1155 : i32 to index
        %get3A_1212 = arith.constant 48 : index
        %get3A_1213 = tpu.vector_load %arg17[%get3A_1211, %get3A_1212] {strides = array<i32>} : memref<64x128xf32, #tpu.memory_space<vmem>>, vector<1x16xf32>,
        %get3A_1214 = vector.shape_cast %get3A_1213 : vector<1x16xf32> to vector<16xf32>
        %add3A_1215 = arith.addf %get3A_1210, %get3A_1214 : vector<16xf32>
        %max3A_1216 = arith.constant 0.000000e+00 : f32
        %max3A_1217 = vector.broadcast %max3A_1216 : f32 to vector<16xf32>
        %max3A_1218 = arith.maximumf %add3A_1215, %max3A_1217 : vector<16xf32>
        %swap3A_1219 = arith.index_cast %add3A_1155 : i32 to index
        %swap3A_1220 = arith.constant 48 : index
        %swap3A_1221 = tpu.vector_load %arg18[%swap3A_1219, %swap3A_1220] {strides = array<i32>} : memref<64x128xf32, #tpu.memory_space<vmem>>, vector<1x16xf32>,
        %swap3A_1222 = vector.shape_cast %swap3A_1221 : vector<1x16xf32> to vector<16xf32>
        %swap3A_1223 = vector.shape_cast %max3A_1218 : vector<16xf32> to vector<1x16xf32>
        tpu.vector_store %arg18[%swap3A_1219, %swap3A_1220], %swap3A_1223 {strides = array<i32>} : memref<64x128xf32, #tpu.memory_space<vmem>>, vector<1x16xf32>,
        %get3A_1224 = arith.index_cast %add3A_1155 : i32 to index
        %get3A_1225 = arith.constant 64 : index
        %get3A_1226 = tpu.vector_load %arg16[%get3A_1224, %get3A_1225] {strides = array<i32>} : memref<64x128xf32, #tpu.memory_space<vmem>>, vector<1x16xf32>,
        %get3A_1227 = vector.shape_cast %get3A_1226 : vector<1x16xf32> to vector<16xf32>
        %get3A_1228 = arith.index_cast %add3A_1155 : i32 to index
        %get3A_1229 = arith.constant 64 : index
        %get3A_1230 = tpu.vector_load %arg17[%get3A_1228, %get3A_1229] {strides = array<i32>} : memref<64x128xf32, #tpu.memory_space<vmem>>, vector<1x16xf32>,
        %get3A_1231 = vector.shape_cast %get3A_1230 : vector<1x16xf32> to vector<16xf32>
        %add3A_1232 = arith.addf %get3A_1227, %get3A_1231 : vector<16xf32>
        %max3A_1233 = arith.constant 0.000000e+00 : f32
        %max3A_1234 = vector.broadcast %max3A_1233 : f32 to vector<16xf32>
        %max3A_1235 = arith.maximumf %add3A_1232, %max3A_1234 : vector<16xf32>
        %swap3A_1236 = arith.index_cast %add3A_1155 : i32 to index
        %swap3A_1237 = arith.constant 64 : index
        %swap3A_1238 = tpu.vector_load %arg18[%swap3A_1236, %swap3A_1237] {strides = array<i32>} : memref<64x128xf32, #tpu.memory_space<vmem>>, vector<1x16xf32>,
        %swap3A_1239 = vector.shape_cast %swap3A_1238 : vector<1x16xf32> to vector<16xf32>
        %swap3A_1240 = vector.shape_cast %max3A_1235 : vector<16xf32> to vector<1x16xf32>
        tpu.vector_store %arg18[%swap3A_1236, %swap3A_1237], %swap3A_1240 {strides = array<i32>} : memref<64x128xf32, #tpu.memory_space<vmem>>, vector<1x16xf32>,
        %get3A_1241 = arith.index_cast %add3A_1155 : i32 to index
        %get3A_1242 = arith.constant 80 : index
        %get3A_1243 = tpu.vector_load %arg16[%get3A_1241, %get3A_1242] {strides = array<i32>} : memref<64x128xf32, #tpu.memory_space<vmem>>, vector<1x16xf32>,
        %get3A_1244 = vector.shape_cast %get3A_1243 : vector<1x16xf32> to vector<16xf32>
        %get3A_1245 = arith.index_cast %add3A_1155 : i32 to index
        %get3A_1246 = arith.constant 80 : index
        %get3A_1247 = tpu.vector_load %arg17[%get3A_1245, %get3A_1246] {strides = array<i32>} : memref<64x128xf32, #tpu.memory_space<vmem>>, vector<1x16xf32>,
        %get3A_1248 = vector.shape_cast %get3A_1247 : vector<1x16xf32> to vector<16xf32>
        %add3A_1249 = arith.addf %get3A_1244, %get3A_1248 : vector<16xf32>
        %max3A_1250 = arith.constant 0.000000e+00 : f32
        %max3A_1251 = vector.broadcast %max3A_1250 : f32 to vector<16xf32>
        %max3A_1252 = arith.maximumf %add3A_1249, %max3A_1251 : vector<16xf32>
        %swap3A_1253 = arith.index_cast %add3A_1155 : i32 to index
        %swap3A_1254 = arith.constant 80 : index
        %swap3A_1255 = tpu.vector_load %arg18[%swap3A_1253, %swap3A_1254] {strides = array<i32>} : memref<64x128xf32, #tpu.memory_space<vmem>>, vector<1x16xf32>,
        %swap3A_1256 = vector.shape_cast %swap3A_1255 : vector<1x16xf32> to vector<16xf32>
        %swap3A_1257 = vector.shape_cast %max3A_1252 : vector<16xf32> to vector<1x16xf32>
        tpu.vector_store %arg18[%swap3A_1253, %swap3A_1254], %swap3A_1257 {strides = array<i32>} : memref<64x128xf32, #tpu.memory_space<vmem>>, vector<1x16xf32>,
        %get3A_1258 = arith.index_cast %add3A_1155 : i32 to index
        %get3A_1259 = arith.constant 96 : index
        %get3A_1260 = tpu.vector_load %arg16[%get3A_1258, %get3A_1259] {strides = array<i32>} : memref<64x128xf32, #tpu.memory_space<vmem>>, vector<1x16xf32>,
        %get3A_1261 = vector.shape_cast %get3A_1260 : vector<1x16xf32> to vector<16xf32>
        %get3A_1262 = arith.index_cast %add3A_1155 : i32 to index
        %get3A_1263 = arith.constant 96 : index
        %get3A_1264 = tpu.vector_load %arg17[%get3A_1262, %get3A_1263] {strides = array<i32>} : memref<64x128xf32, #tpu.memory_space<vmem>>, vector<1x16xf32>,
        %get3A_1265 = vector.shape_cast %get3A_1264 : vector<1x16xf32> to vector<16xf32>
        %add3A_1266 = arith.addf %get3A_1261, %get3A_1265 : vector<16xf32>
        %max3A_1267 = arith.constant 0.000000e+00 : f32
        %max3A_1268 = vector.broadcast %max3A_1267 : f32 to vector<16xf32>
        %max3A_1269 = arith.maximumf %add3A_1266, %max3A_1268 : vector<16xf32>
        %swap3A_1270 = arith.index_cast %add3A_1155 : i32 to index
        %swap3A_1271 = arith.constant 96 : index
        %swap3A_1272 = tpu.vector_load %arg18[%swap3A_1270, %swap3A_1271] {strides = array<i32>} : memref<64x128xf32, #tpu.memory_space<vmem>>, vector<1x16xf32>,
        %swap3A_1273 = vector.shape_cast %swap3A_1272 : vector<1x16xf32> to vector<16xf32>
        %swap3A_1274 = vector.shape_cast %max3A_1269 : vector<16xf32> to vector<1x16xf32>
        tpu.vector_store %arg18[%swap3A_1270, %swap3A_1271], %swap3A_1274 {strides = array<i32>} : memref<64x128xf32, #tpu.memory_space<vmem>>, vector<1x16xf32>,
        %get3A_1275 = arith.index_cast %add3A_1155 : i32 to index
        %get3A_1276 = arith.constant 112 : index
        %get3A_1277 = tpu.vector_load %arg16[%get3A_1275, %get3A_1276] {strides = array<i32>} : memref<64x128xf32, #tpu.memory_space<vmem>>, vector<1x16xf32>,
        %get3A_1278 = vector.shape_cast %get3A_1277 : vector<1x16xf32> to vector<16xf32>
        %get3A_1279 = arith.index_cast %add3A_1155 : i32 to index
        %get3A_1280 = arith.constant 112 : index
        %get3A_1281 = tpu.vector_load %arg17[%get3A_1279, %get3A_1280] {strides = array<i32>} : memref<64x128xf32, #tpu.memory_space<vmem>>, vector<1x16xf32>,
        %get3A_1282 = vector.shape_cast %get3A_1281 : vector<1x16xf32> to vector<16xf32>
        %add3A_1283 = arith.addf %get3A_1278, %get3A_1282 : vector<16xf32>
        %max3A_1284 = arith.constant 0.000000e+00 : f32
        %max3A_1285 = vector.broadcast %max3A_1284 : f32 to vector<16xf32>
        %max3A_1286 = arith.maximumf %add3A_1283, %max3A_1285 : vector<16xf32>
        %swap3A_1287 = arith.index_cast %add3A_1155 : i32 to index
        %swap3A_1288 = arith.constant 112 : index
        %swap3A_1289 = tpu.vector_load %arg18[%swap3A_1287, %swap3A_1288] {strides = array<i32>} : memref<64x128xf32, #tpu.memory_space<vmem>>, vector<1x16xf32>,
        %swap3A_1290 = vector.shape_cast %swap3A_1289 : vector<1x16xf32> to vector<16xf32>
        %swap3A_1291 = vector.shape_cast %max3A_1286 : vector<16xf32> to vector<1x16xf32>
        tpu.vector_store %arg18[%swap3A_1287, %swap3A_1288], %swap3A_1291 {strides = array<i32>} : memref<64x128xf32, #tpu.memory_space<vmem>>, vector<1x16xf32>,
        %scan3A_1292 = arith.constant 0 : i32
        scf.yield %scan3A_1292 : i32
      }
      %scan3A_1004 = arith.constant 32 : i32
      %dma_start3A_1005 = arith.constant 0 : i32
      %dma_start3A_1006 = arith.constant 0 : i32
      %dma_start3A_1007 = tpu.memref_slice %arg21[%dma_start3A_1005, %dma_start3A_1006] : memref<10240x128xf32, #tpu.memory_space<vmem_shared>> -> memref<10240x128xf32, #tpu.memory_space<vmem_shared>>
      tpu.enqueue_indirect_dma source(%arg18 : memref<64x128xf32, #tpu.memory_space<vmem>>) target(%dma_start3A_1007 : memref<10240x128xf32, #tpu.memory_space<vmem_shared>>) offsets(%arg13 : memref<64xi32, #tpu.memory_space<vmem>>) semaphore(%arg28 : memref<!tpu.dma_semaphore, #tpu.memory_space<semaphore_mem>>) {add = true}
      %dma_start3A_1008 = arith.constant 0 : i32
      %dma_start3A_1009 = tpu.memref_slice %arg22[%dma_start3A_1008] : memref<10240xf32, #tpu.memory_space<vmem_shared>> -> memref<10240xf32, #tpu.memory_space<vmem_shared>>
      tpu.enqueue_indirect_dma source(%arg19 : memref<64xf32, #tpu.memory_space<vmem>>) target(%dma_start3A_1009 : memref<10240xf32, #tpu.memory_space<vmem_shared>>) offsets(%arg13 : memref<64xi32, #tpu.memory_space<vmem>>) semaphore(%arg30 : memref<!tpu.dma_semaphore, #tpu.memory_space<semaphore_mem>>) {add = true}
      %scan3A_1010 = arith.constant 0 : i32
      scf.yield %scan3A_1010 : i32
    }
    %scan3A_840 = arith.constant 78 : i32
    %lt3A_841 = arith.constant 8 : i32
    %lt3A_842 = arith.cmpi slt, %add3A, %lt3A_841 : i32
    %convert_element_type3A = arith.extui %lt3A_842 : i1 to i32
    %cond3A = arith.constant 0 : i32
    %cond3A_843 = arith.cmpi ne, %convert_element_type3A, %cond3A : i32
    scf.if %cond3A_843 {
      %dma_wait3A_877 = arith.constant 0 : i32
      %dma_wait3A_878 = arith.constant 0 : i32
      %dma_wait3A_879 = tpu.memref_slice %arg4[%dma_wait3A_877, %dma_wait3A_878] : memref<10000x128xf32, #tpu.memory_space<hbm>> -> memref<10000x128xf32, #tpu.memory_space<hbm>>
      tpu.wait_indirect_dma semaphore(%arg23 : memref<!tpu.dma_semaphore, #tpu.memory_space<semaphore_mem>>) src(%dma_wait3A_879 : memref<10000x128xf32, #tpu.memory_space<hbm>>) dst(%arg14 : memref<64x128xf32, #tpu.memory_space<vmem>>)
      %dma_wait3A_880 = arith.constant 0 : i32
      %dma_wait3A_881 = arith.constant 0 : i32
      %dma_wait3A_882 = tpu.memref_slice %arg5[%dma_wait3A_880, %dma_wait3A_881] : memref<10000x128xf32, #tpu.memory_space<hbm>> -> memref<10000x128xf32, #tpu.memory_space<hbm>>
      tpu.wait_indirect_dma semaphore(%arg24 : memref<!tpu.dma_semaphore, #tpu.memory_space<semaphore_mem>>) src(%dma_wait3A_882 : memref<10000x128xf32, #tpu.memory_space<hbm>>) dst(%arg15 : memref<64x128xf32, #tpu.memory_space<vmem>>)
      %get3A = arith.constant 0 : index
      %get3A_883 = tpu.vector_load %arg10[%get3A] {strides = array<i32>} : memref<64xi32, #tpu.memory_space<vmem>>, vector<16xi32>,
      %get3A_884 = vector.shape_cast %get3A_883 : vector<16xi32> to vector<16xi32>
      %swap3A_885 = arith.constant 0 : index
      %swap3A_886 = tpu.vector_load %arg12[%swap3A_885] {strides = array<i32>} : memref<64xi32, #tpu.memory_space<vmem>>, vector<16xi32>,
      %swap3A_887 = vector.shape_cast %swap3A_886 : vector<16xi32> to vector<16xi32>
      %swap3A_888 = vector.shape_cast %get3A_884 : vector<16xi32> to vector<16xi32>
      tpu.vector_store %arg12[%swap3A_885], %swap3A_888 {strides = array<i32>} : memref<64xi32, #tpu.memory_space<vmem>>, vector<16xi32>,
      %get3A_889 = arith.constant 16 : index
      %get3A_890 = tpu.vector_load %arg10[%get3A_889] {strides = array<i32>} : memref<64xi32, #tpu.memory_space<vmem>>, vector<16xi32>,
      %get3A_891 = vector.shape_cast %get3A_890 : vector<16xi32> to vector<16xi32>
      %swap3A_892 = arith.constant 16 : index
      %swap3A_893 = tpu.vector_load %arg12[%swap3A_892] {strides = array<i32>} : memref<64xi32, #tpu.memory_space<vmem>>, vector<16xi32>,
      %swap3A_894 = vector.shape_cast %swap3A_893 : vector<16xi32> to vector<16xi32>
      %swap3A_895 = vector.shape_cast %get3A_891 : vector<16xi32> to vector<16xi32>
      tpu.vector_store %arg12[%swap3A_892], %swap3A_895 {strides = array<i32>} : memref<64xi32, #tpu.memory_space<vmem>>, vector<16xi32>,
      %get3A_896 = arith.constant 32 : index
      %get3A_897 = tpu.vector_load %arg10[%get3A_896] {strides = array<i32>} : memref<64xi32, #tpu.memory_space<vmem>>, vector<16xi32>,
      %get3A_898 = vector.shape_cast %get3A_897 : vector<16xi32> to vector<16xi32>
      %swap3A_899 = arith.constant 32 : index
      %swap3A_900 = tpu.vector_load %arg12[%swap3A_899] {strides = array<i32>} : memref<64xi32, #tpu.memory_space<vmem>>, vector<16xi32>,
      %swap3A_901 = vector.shape_cast %swap3A_900 : vector<16xi32> to vector<16xi32>
      %swap3A_902 = vector.shape_cast %get3A_898 : vector<16xi32> to vector<16xi32>
      tpu.vector_store %arg12[%swap3A_899], %swap3A_902 {strides = array<i32>} : memref<64xi32, #tpu.memory_space<vmem>>, vector<16xi32>,
      %get3A_903 = arith.constant 48 : index
      %get3A_904 = tpu.vector_load %arg10[%get3A_903] {strides = array<i32>} : memref<64xi32, #tpu.memory_space<vmem>>, vector<16xi32>,
      %get3A_905 = vector.shape_cast %get3A_904 : vector<16xi32> to vector<16xi32>
      %swap3A_906 = arith.constant 48 : index
      %swap3A_907 = tpu.vector_load %arg12[%swap3A_906] {strides = array<i32>} : memref<64xi32, #tpu.memory_space<vmem>>, vector<16xi32>,
      %swap3A_908 = vector.shape_cast %swap3A_907 : vector<16xi32> to vector<16xi32>
      %swap3A_909 = vector.shape_cast %get3A_905 : vector<16xi32> to vector<16xi32>
      tpu.vector_store %arg12[%swap3A_906], %swap3A_909 {strides = array<i32>} : memref<64xi32, #tpu.memory_space<vmem>>, vector<16xi32>,
      %gt3A = arith.constant 158 : i32
      %gt3A_910 = arith.cmpi sgt, %add3A_8, %gt3A : i32
      %convert_element_type3A_911 = arith.extui %gt3A_910 : i1 to i32
      %cond3A_912 = arith.constant 0 : i32
      %cond3A_913 = arith.cmpi ne, %convert_element_type3A_911, %cond3A_912 : i32
      scf.if %cond3A_913 {
        %add3A_941 = arith.constant 158 : i32
        %add3A_942 = arith.addi %add3A_4, %add3A_941 : i32
        %mul3A_943 = arith.constant 64 : i32
        %mul3A_944 = arith.muli %add3A_942, %mul3A_943 : i32
        %dma_start3A_945 = tpu.memref_slice %arg2[%mul3A_944] : memref<320000xi32, #tpu.memory_space<hbm>> -> memref<64xi32, #tpu.memory_space<hbm>>
        %dma_start3A_946 = tpu.memref_slice %arg2[%mul3A_944] : memref<320000xi32, #tpu.memory_space<hbm>> -> memref<64xi32, #tpu.memory_space<hbm>>
        tpu.enqueue_dma source(%dma_start3A_946 : memref<64xi32, #tpu.memory_space<hbm>>) target(%arg8 : memref<64xi32, #tpu.memory_space<vmem>>) target_semaphore(%arg31 : memref<!tpu.dma_semaphore, #tpu.memory_space<semaphore_mem>>)
        %dma_start3A_947 = tpu.memref_slice %arg3[%mul3A_944] : memref<320000xi32, #tpu.memory_space<hbm>> -> memref<64xi32, #tpu.memory_space<hbm>>
        %dma_start3A_948 = tpu.memref_slice %arg3[%mul3A_944] : memref<320000xi32, #tpu.memory_space<hbm>> -> memref<64xi32, #tpu.memory_space<hbm>>
        tpu.enqueue_dma source(%dma_start3A_948 : memref<64xi32, #tpu.memory_space<hbm>>) target(%arg10 : memref<64xi32, #tpu.memory_space<vmem>>) target_semaphore(%arg33 : memref<!tpu.dma_semaphore, #tpu.memory_space<semaphore_mem>>)
      } else {
      }
      %gt3A_914 = arith.constant 157 : i32
      %gt3A_915 = arith.cmpi sgt, %add3A_8, %gt3A_914 : i32
      %convert_element_type3A_916 = arith.extui %gt3A_915 : i1 to i32
      %cond3A_917 = arith.constant 0 : i32
      %cond3A_918 = arith.cmpi ne, %convert_element_type3A_916, %cond3A_917 : i32
      scf.if %cond3A_918 {
        %add3A_941 = arith.constant 157 : i32
        %add3A_942 = arith.addi %add3A_4, %add3A_941 : i32
        %mul3A_943 = arith.constant 64 : i32
        %mul3A_944 = arith.muli %add3A_942, %mul3A_943 : i32
        %dma_wait3A_945 = tpu.memref_slice %arg2[%mul3A_944] : memref<320000xi32, #tpu.memory_space<hbm>> -> memref<64xi32, #tpu.memory_space<hbm>>
        %dma_wait3A_946 = tpu.memref_slice %arg2[%mul3A_944] : memref<320000xi32, #tpu.memory_space<hbm>> -> memref<64xi32, #tpu.memory_space<hbm>>
        tpu.wait_dma2 semaphore(%arg32 : memref<!tpu.dma_semaphore, #tpu.memory_space<semaphore_mem>>) src(%dma_wait3A_946 : memref<64xi32, #tpu.memory_space<hbm>>) dst(%arg9 : memref<64xi32, #tpu.memory_space<vmem>>)
        %dma_wait3A_947 = tpu.memref_slice %arg3[%mul3A_944] : memref<320000xi32, #tpu.memory_space<hbm>> -> memref<64xi32, #tpu.memory_space<hbm>>
        %dma_wait3A_948 = tpu.memref_slice %arg3[%mul3A_944] : memref<320000xi32, #tpu.memory_space<hbm>> -> memref<64xi32, #tpu.memory_space<hbm>>
        tpu.wait_dma2 semaphore(%arg34 : memref<!tpu.dma_semaphore, #tpu.memory_space<semaphore_mem>>) src(%dma_wait3A_948 : memref<64xi32, #tpu.memory_space<hbm>>) dst(%arg11 : memref<64xi32, #tpu.memory_space<vmem>>)
        %dma_start3A_949 = arith.constant 0 : i32
        %dma_start3A_950 = arith.constant 0 : i32
        %dma_start3A_951 = tpu.memref_slice %arg4[%dma_start3A_949, %dma_start3A_950] : memref<10000x128xf32, #tpu.memory_space<hbm>> -> memref<10000x128xf32, #tpu.memory_space<hbm>>
        tpu.enqueue_indirect_dma source(%dma_start3A_951 : memref<10000x128xf32, #tpu.memory_space<hbm>>) target(%arg16 : memref<64x128xf32, #tpu.memory_space<vmem>>) offsets(%arg9 : memref<64xi32, #tpu.memory_space<vmem>>) semaphore(%arg25 : memref<!tpu.dma_semaphore, #tpu.memory_space<semaphore_mem>>)
        %dma_start3A_952 = arith.constant 0 : i32
        %dma_start3A_953 = arith.constant 0 : i32
        %dma_start3A_954 = tpu.memref_slice %arg5[%dma_start3A_952, %dma_start3A_953] : memref<10000x128xf32, #tpu.memory_space<hbm>> -> memref<10000x128xf32, #tpu.memory_space<hbm>>
        tpu.enqueue_indirect_dma source(%dma_start3A_954 : memref<10000x128xf32, #tpu.memory_space<hbm>>) target(%arg17 : memref<64x128xf32, #tpu.memory_space<vmem>>) offsets(%arg11 : memref<64xi32, #tpu.memory_space<vmem>>) semaphore(%arg26 : memref<!tpu.dma_semaphore, #tpu.memory_space<semaphore_mem>>)
      } else {
      }
      %dma_wait3A_919 = arith.constant 0 : i32
      %dma_wait3A_920 = arith.constant 0 : i32
      %dma_wait3A_921 = tpu.memref_slice %arg21[%dma_wait3A_919, %dma_wait3A_920] : memref<10240x128xf32, #tpu.memory_space<vmem_shared>> -> memref<10240x128xf32, #tpu.memory_space<vmem_shared>>
      tpu.wait_indirect_dma semaphore(%arg28 : memref<!tpu.dma_semaphore, #tpu.memory_space<semaphore_mem>>) src(%arg18 : memref<64x128xf32, #tpu.memory_space<vmem>>) dst(%dma_wait3A_921 : memref<10240x128xf32, #tpu.memory_space<vmem_shared>>)
      %dma_wait3A_922 = arith.constant 0 : i32
      %dma_wait3A_923 = tpu.memref_slice %arg22[%dma_wait3A_922] : memref<10240xf32, #tpu.memory_space<vmem_shared>> -> memref<10240xf32, #tpu.memory_space<vmem_shared>>
      tpu.wait_indirect_dma semaphore(%arg30 : memref<!tpu.dma_semaphore, #tpu.memory_space<semaphore_mem>>) src(%arg19 : memref<64xf32, #tpu.memory_space<vmem>>) dst(%dma_wait3A_923 : memref<10240xf32, #tpu.memory_space<vmem_shared>>)
      %scan3A_924 = arith.constant 0 : i32
      %scan3A_925 = arith.constant 0 : i32
      %scan3A_926 = arith.constant 32 : i32
      %scan3A_927 = arith.addi %scan3A_925, %scan3A_926 : i32
      %scan3A_928 = arith.constant 1 : i32
      %scan3A_929 = scf.for %scan3A_941 = %scan3A_925 to %scan3A_927 step %scan3A_928 iter_args(%scan3A_942 = %scan3A_924) -> (i32)  : i32 {
        %mul3A_943 = arith.constant 2 : i32
        %mul3A_944 = arith.muli %mul3A_943, %scan3A_941 : i32
        %add3A_945 = arith.constant 0 : i32
        %add3A_946 = arith.addi %mul3A_944, %add3A_945 : i32
        %get3A_947 = arith.index_cast %add3A_946 : i32 to index
        %get3A_948 = arith.constant 0 : index
        %get3A_949 = tpu.vector_load %arg14[%get3A_947, %get3A_948] {strides = array<i32>} : memref<64x128xf32, #tpu.memory_space<vmem>>, vector<1x16xf32>,
        %get3A_950 = vector.shape_cast %get3A_949 : vector<1x16xf32> to vector<16xf32>
        %get3A_951 = arith.index_cast %add3A_946 : i32 to index
        %get3A_952 = arith.constant 0 : index
        %get3A_953 = tpu.vector_load %arg15[%get3A_951, %get3A_952] {strides = array<i32>} : memref<64x128xf32, #tpu.memory_space<vmem>>, vector<1x16xf32>,
        %get3A_954 = vector.shape_cast %get3A_953 : vector<1x16xf32> to vector<16xf32>
        %add3A_955 = arith.addf %get3A_950, %get3A_954 : vector<16xf32>
        %max3A = arith.constant 0.000000e+00 : f32
        %max3A_956 = vector.broadcast %max3A : f32 to vector<16xf32>
        %max3A_957 = arith.maximumf %add3A_955, %max3A_956 : vector<16xf32>
        %swap3A_958 = arith.index_cast %add3A_946 : i32 to index
        %swap3A_959 = arith.constant 0 : index
        %swap3A_960 = tpu.vector_load %arg18[%swap3A_958, %swap3A_959] {strides = array<i32>} : memref<64x128xf32, #tpu.memory_space<vmem>>, vector<1x16xf32>,
        %swap3A_961 = vector.shape_cast %swap3A_960 : vector<1x16xf32> to vector<16xf32>
        %swap3A_962 = vector.shape_cast %max3A_957 : vector<16xf32> to vector<1x16xf32>
        tpu.vector_store %arg18[%swap3A_958, %swap3A_959], %swap3A_962 {strides = array<i32>} : memref<64x128xf32, #tpu.memory_space<vmem>>, vector<1x16xf32>,
        %get3A_963 = arith.index_cast %add3A_946 : i32 to index
        %get3A_964 = arith.constant 16 : index
        %get3A_965 = tpu.vector_load %arg14[%get3A_963, %get3A_964] {strides = array<i32>} : memref<64x128xf32, #tpu.memory_space<vmem>>, vector<1x16xf32>,
        %get3A_966 = vector.shape_cast %get3A_965 : vector<1x16xf32> to vector<16xf32>
        %get3A_967 = arith.index_cast %add3A_946 : i32 to index
        %get3A_968 = arith.constant 16 : index
        %get3A_969 = tpu.vector_load %arg15[%get3A_967, %get3A_968] {strides = array<i32>} : memref<64x128xf32, #tpu.memory_space<vmem>>, vector<1x16xf32>,
        %get3A_970 = vector.shape_cast %get3A_969 : vector<1x16xf32> to vector<16xf32>
        %add3A_971 = arith.addf %get3A_966, %get3A_970 : vector<16xf32>
        %max3A_972 = arith.constant 0.000000e+00 : f32
        %max3A_973 = vector.broadcast %max3A_972 : f32 to vector<16xf32>
        %max3A_974 = arith.maximumf %add3A_971, %max3A_973 : vector<16xf32>
        %swap3A_975 = arith.index_cast %add3A_946 : i32 to index
        %swap3A_976 = arith.constant 16 : index
        %swap3A_977 = tpu.vector_load %arg18[%swap3A_975, %swap3A_976] {strides = array<i32>} : memref<64x128xf32, #tpu.memory_space<vmem>>, vector<1x16xf32>,
        %swap3A_978 = vector.shape_cast %swap3A_977 : vector<1x16xf32> to vector<16xf32>
        %swap3A_979 = vector.shape_cast %max3A_974 : vector<16xf32> to vector<1x16xf32>
        tpu.vector_store %arg18[%swap3A_975, %swap3A_976], %swap3A_979 {strides = array<i32>} : memref<64x128xf32, #tpu.memory_space<vmem>>, vector<1x16xf32>,
        %get3A_980 = arith.index_cast %add3A_946 : i32 to index
        %get3A_981 = arith.constant 32 : index
        %get3A_982 = tpu.vector_load %arg14[%get3A_980, %get3A_981] {strides = array<i32>} : memref<64x128xf32, #tpu.memory_space<vmem>>, vector<1x16xf32>,
        %get3A_983 = vector.shape_cast %get3A_982 : vector<1x16xf32> to vector<16xf32>
        %get3A_984 = arith.index_cast %add3A_946 : i32 to index
        %get3A_985 = arith.constant 32 : index
        %get3A_986 = tpu.vector_load %arg15[%get3A_984, %get3A_985] {strides = array<i32>} : memref<64x128xf32, #tpu.memory_space<vmem>>, vector<1x16xf32>,
        %get3A_987 = vector.shape_cast %get3A_986 : vector<1x16xf32> to vector<16xf32>
        %add3A_988 = arith.addf %get3A_983, %get3A_987 : vector<16xf32>
        %max3A_989 = arith.constant 0.000000e+00 : f32
        %max3A_990 = vector.broadcast %max3A_989 : f32 to vector<16xf32>
        %max3A_991 = arith.maximumf %add3A_988, %max3A_990 : vector<16xf32>
        %swap3A_992 = arith.index_cast %add3A_946 : i32 to index
        %swap3A_993 = arith.constant 32 : index
        %swap3A_994 = tpu.vector_load %arg18[%swap3A_992, %swap3A_993] {strides = array<i32>} : memref<64x128xf32, #tpu.memory_space<vmem>>, vector<1x16xf32>,
        %swap3A_995 = vector.shape_cast %swap3A_994 : vector<1x16xf32> to vector<16xf32>
        %swap3A_996 = vector.shape_cast %max3A_991 : vector<16xf32> to vector<1x16xf32>
        tpu.vector_store %arg18[%swap3A_992, %swap3A_993], %swap3A_996 {strides = array<i32>} : memref<64x128xf32, #tpu.memory_space<vmem>>, vector<1x16xf32>,
        %get3A_997 = arith.index_cast %add3A_946 : i32 to index
        %get3A_998 = arith.constant 48 : index
        %get3A_999 = tpu.vector_load %arg14[%get3A_997, %get3A_998] {strides = array<i32>} : memref<64x128xf32, #tpu.memory_space<vmem>>, vector<1x16xf32>,
        %get3A_1000 = vector.shape_cast %get3A_999 : vector<1x16xf32> to vector<16xf32>
        %get3A_1001 = arith.index_cast %add3A_946 : i32 to index
        %get3A_1002 = arith.constant 48 : index
        %get3A_1003 = tpu.vector_load %arg15[%get3A_1001, %get3A_1002] {strides = array<i32>} : memref<64x128xf32, #tpu.memory_space<vmem>>, vector<1x16xf32>,
        %get3A_1004 = vector.shape_cast %get3A_1003 : vector<1x16xf32> to vector<16xf32>
        %add3A_1005 = arith.addf %get3A_1000, %get3A_1004 : vector<16xf32>
        %max3A_1006 = arith.constant 0.000000e+00 : f32
        %max3A_1007 = vector.broadcast %max3A_1006 : f32 to vector<16xf32>
        %max3A_1008 = arith.maximumf %add3A_1005, %max3A_1007 : vector<16xf32>
        %swap3A_1009 = arith.index_cast %add3A_946 : i32 to index
        %swap3A_1010 = arith.constant 48 : index
        %swap3A_1011 = tpu.vector_load %arg18[%swap3A_1009, %swap3A_1010] {strides = array<i32>} : memref<64x128xf32, #tpu.memory_space<vmem>>, vector<1x16xf32>,
        %swap3A_1012 = vector.shape_cast %swap3A_1011 : vector<1x16xf32> to vector<16xf32>
        %swap3A_1013 = vector.shape_cast %max3A_1008 : vector<16xf32> to vector<1x16xf32>
        tpu.vector_store %arg18[%swap3A_1009, %swap3A_1010], %swap3A_1013 {strides = array<i32>} : memref<64x128xf32, #tpu.memory_space<vmem>>, vector<1x16xf32>,
        %get3A_1014 = arith.index_cast %add3A_946 : i32 to index
        %get3A_1015 = arith.constant 64 : index
        %get3A_1016 = tpu.vector_load %arg14[%get3A_1014, %get3A_1015] {strides = array<i32>} : memref<64x128xf32, #tpu.memory_space<vmem>>, vector<1x16xf32>,
        %get3A_1017 = vector.shape_cast %get3A_1016 : vector<1x16xf32> to vector<16xf32>
        %get3A_1018 = arith.index_cast %add3A_946 : i32 to index
        %get3A_1019 = arith.constant 64 : index
        %get3A_1020 = tpu.vector_load %arg15[%get3A_1018, %get3A_1019] {strides = array<i32>} : memref<64x128xf32, #tpu.memory_space<vmem>>, vector<1x16xf32>,
        %get3A_1021 = vector.shape_cast %get3A_1020 : vector<1x16xf32> to vector<16xf32>
        %add3A_1022 = arith.addf %get3A_1017, %get3A_1021 : vector<16xf32>
        %max3A_1023 = arith.constant 0.000000e+00 : f32
        %max3A_1024 = vector.broadcast %max3A_1023 : f32 to vector<16xf32>
        %max3A_1025 = arith.maximumf %add3A_1022, %max3A_1024 : vector<16xf32>
        %swap3A_1026 = arith.index_cast %add3A_946 : i32 to index
        %swap3A_1027 = arith.constant 64 : index
        %swap3A_1028 = tpu.vector_load %arg18[%swap3A_1026, %swap3A_1027] {strides = array<i32>} : memref<64x128xf32, #tpu.memory_space<vmem>>, vector<1x16xf32>,
        %swap3A_1029 = vector.shape_cast %swap3A_1028 : vector<1x16xf32> to vector<16xf32>
        %swap3A_1030 = vector.shape_cast %max3A_1025 : vector<16xf32> to vector<1x16xf32>
        tpu.vector_store %arg18[%swap3A_1026, %swap3A_1027], %swap3A_1030 {strides = array<i32>} : memref<64x128xf32, #tpu.memory_space<vmem>>, vector<1x16xf32>,
        %get3A_1031 = arith.index_cast %add3A_946 : i32 to index
        %get3A_1032 = arith.constant 80 : index
        %get3A_1033 = tpu.vector_load %arg14[%get3A_1031, %get3A_1032] {strides = array<i32>} : memref<64x128xf32, #tpu.memory_space<vmem>>, vector<1x16xf32>,
        %get3A_1034 = vector.shape_cast %get3A_1033 : vector<1x16xf32> to vector<16xf32>
        %get3A_1035 = arith.index_cast %add3A_946 : i32 to index
        %get3A_1036 = arith.constant 80 : index
        %get3A_1037 = tpu.vector_load %arg15[%get3A_1035, %get3A_1036] {strides = array<i32>} : memref<64x128xf32, #tpu.memory_space<vmem>>, vector<1x16xf32>,
        %get3A_1038 = vector.shape_cast %get3A_1037 : vector<1x16xf32> to vector<16xf32>
        %add3A_1039 = arith.addf %get3A_1034, %get3A_1038 : vector<16xf32>
        %max3A_1040 = arith.constant 0.000000e+00 : f32
        %max3A_1041 = vector.broadcast %max3A_1040 : f32 to vector<16xf32>
        %max3A_1042 = arith.maximumf %add3A_1039, %max3A_1041 : vector<16xf32>
        %swap3A_1043 = arith.index_cast %add3A_946 : i32 to index
        %swap3A_1044 = arith.constant 80 : index
        %swap3A_1045 = tpu.vector_load %arg18[%swap3A_1043, %swap3A_1044] {strides = array<i32>} : memref<64x128xf32, #tpu.memory_space<vmem>>, vector<1x16xf32>,
        %swap3A_1046 = vector.shape_cast %swap3A_1045 : vector<1x16xf32> to vector<16xf32>
        %swap3A_1047 = vector.shape_cast %max3A_1042 : vector<16xf32> to vector<1x16xf32>
        tpu.vector_store %arg18[%swap3A_1043, %swap3A_1044], %swap3A_1047 {strides = array<i32>} : memref<64x128xf32, #tpu.memory_space<vmem>>, vector<1x16xf32>,
        %get3A_1048 = arith.index_cast %add3A_946 : i32 to index
        %get3A_1049 = arith.constant 96 : index
        %get3A_1050 = tpu.vector_load %arg14[%get3A_1048, %get3A_1049] {strides = array<i32>} : memref<64x128xf32, #tpu.memory_space<vmem>>, vector<1x16xf32>,
        %get3A_1051 = vector.shape_cast %get3A_1050 : vector<1x16xf32> to vector<16xf32>
        %get3A_1052 = arith.index_cast %add3A_946 : i32 to index
        %get3A_1053 = arith.constant 96 : index
        %get3A_1054 = tpu.vector_load %arg15[%get3A_1052, %get3A_1053] {strides = array<i32>} : memref<64x128xf32, #tpu.memory_space<vmem>>, vector<1x16xf32>,
        %get3A_1055 = vector.shape_cast %get3A_1054 : vector<1x16xf32> to vector<16xf32>
        %add3A_1056 = arith.addf %get3A_1051, %get3A_1055 : vector<16xf32>
        %max3A_1057 = arith.constant 0.000000e+00 : f32
        %max3A_1058 = vector.broadcast %max3A_1057 : f32 to vector<16xf32>
        %max3A_1059 = arith.maximumf %add3A_1056, %max3A_1058 : vector<16xf32>
        %swap3A_1060 = arith.index_cast %add3A_946 : i32 to index
        %swap3A_1061 = arith.constant 96 : index
        %swap3A_1062 = tpu.vector_load %arg18[%swap3A_1060, %swap3A_1061] {strides = array<i32>} : memref<64x128xf32, #tpu.memory_space<vmem>>, vector<1x16xf32>,
        %swap3A_1063 = vector.shape_cast %swap3A_1062 : vector<1x16xf32> to vector<16xf32>
        %swap3A_1064 = vector.shape_cast %max3A_1059 : vector<16xf32> to vector<1x16xf32>
        tpu.vector_store %arg18[%swap3A_1060, %swap3A_1061], %swap3A_1064 {strides = array<i32>} : memref<64x128xf32, #tpu.memory_space<vmem>>, vector<1x16xf32>,
        %get3A_1065 = arith.index_cast %add3A_946 : i32 to index
        %get3A_1066 = arith.constant 112 : index
        %get3A_1067 = tpu.vector_load %arg14[%get3A_1065, %get3A_1066] {strides = array<i32>} : memref<64x128xf32, #tpu.memory_space<vmem>>, vector<1x16xf32>,
        %get3A_1068 = vector.shape_cast %get3A_1067 : vector<1x16xf32> to vector<16xf32>
        %get3A_1069 = arith.index_cast %add3A_946 : i32 to index
        %get3A_1070 = arith.constant 112 : index
        %get3A_1071 = tpu.vector_load %arg15[%get3A_1069, %get3A_1070] {strides = array<i32>} : memref<64x128xf32, #tpu.memory_space<vmem>>, vector<1x16xf32>,
        %get3A_1072 = vector.shape_cast %get3A_1071 : vector<1x16xf32> to vector<16xf32>
        %add3A_1073 = arith.addf %get3A_1068, %get3A_1072 : vector<16xf32>
        %max3A_1074 = arith.constant 0.000000e+00 : f32
        %max3A_1075 = vector.broadcast %max3A_1074 : f32 to vector<16xf32>
        %max3A_1076 = arith.maximumf %add3A_1073, %max3A_1075 : vector<16xf32>
        %swap3A_1077 = arith.index_cast %add3A_946 : i32 to index
        %swap3A_1078 = arith.constant 112 : index
        %swap3A_1079 = tpu.vector_load %arg18[%swap3A_1077, %swap3A_1078] {strides = array<i32>} : memref<64x128xf32, #tpu.memory_space<vmem>>, vector<1x16xf32>,
        %swap3A_1080 = vector.shape_cast %swap3A_1079 : vector<1x16xf32> to vector<16xf32>
        %swap3A_1081 = vector.shape_cast %max3A_1076 : vector<16xf32> to vector<1x16xf32>
        tpu.vector_store %arg18[%swap3A_1077, %swap3A_1078], %swap3A_1081 {strides = array<i32>} : memref<64x128xf32, #tpu.memory_space<vmem>>, vector<1x16xf32>,
        %mul3A_1082 = arith.constant 2 : i32
        %mul3A_1083 = arith.muli %mul3A_1082, %scan3A_941 : i32
        %add3A_1084 = arith.constant 1 : i32
        %add3A_1085 = arith.addi %mul3A_1083, %add3A_1084 : i32
        %get3A_1086 = arith.index_cast %add3A_1085 : i32 to index
        %get3A_1087 = arith.constant 0 : index
        %get3A_1088 = tpu.vector_load %arg14[%get3A_1086, %get3A_1087] {strides = array<i32>} : memref<64x128xf32, #tpu.memory_space<vmem>>, vector<1x16xf32>,
        %get3A_1089 = vector.shape_cast %get3A_1088 : vector<1x16xf32> to vector<16xf32>
        %get3A_1090 = arith.index_cast %add3A_1085 : i32 to index
        %get3A_1091 = arith.constant 0 : index
        %get3A_1092 = tpu.vector_load %arg15[%get3A_1090, %get3A_1091] {strides = array<i32>} : memref<64x128xf32, #tpu.memory_space<vmem>>, vector<1x16xf32>,
        %get3A_1093 = vector.shape_cast %get3A_1092 : vector<1x16xf32> to vector<16xf32>
        %add3A_1094 = arith.addf %get3A_1089, %get3A_1093 : vector<16xf32>
        %max3A_1095 = arith.constant 0.000000e+00 : f32
        %max3A_1096 = vector.broadcast %max3A_1095 : f32 to vector<16xf32>
        %max3A_1097 = arith.maximumf %add3A_1094, %max3A_1096 : vector<16xf32>
        %swap3A_1098 = arith.index_cast %add3A_1085 : i32 to index
        %swap3A_1099 = arith.constant 0 : index
        %swap3A_1100 = tpu.vector_load %arg18[%swap3A_1098, %swap3A_1099] {strides = array<i32>} : memref<64x128xf32, #tpu.memory_space<vmem>>, vector<1x16xf32>,
        %swap3A_1101 = vector.shape_cast %swap3A_1100 : vector<1x16xf32> to vector<16xf32>
        %swap3A_1102 = vector.shape_cast %max3A_1097 : vector<16xf32> to vector<1x16xf32>
        tpu.vector_store %arg18[%swap3A_1098, %swap3A_1099], %swap3A_1102 {strides = array<i32>} : memref<64x128xf32, #tpu.memory_space<vmem>>, vector<1x16xf32>,
        %get3A_1103 = arith.index_cast %add3A_1085 : i32 to index
        %get3A_1104 = arith.constant 16 : index
        %get3A_1105 = tpu.vector_load %arg14[%get3A_1103, %get3A_1104] {strides = array<i32>} : memref<64x128xf32, #tpu.memory_space<vmem>>, vector<1x16xf32>,
        %get3A_1106 = vector.shape_cast %get3A_1105 : vector<1x16xf32> to vector<16xf32>
        %get3A_1107 = arith.index_cast %add3A_1085 : i32 to index
        %get3A_1108 = arith.constant 16 : index
        %get3A_1109 = tpu.vector_load %arg15[%get3A_1107, %get3A_1108] {strides = array<i32>} : memref<64x128xf32, #tpu.memory_space<vmem>>, vector<1x16xf32>,
        %get3A_1110 = vector.shape_cast %get3A_1109 : vector<1x16xf32> to vector<16xf32>
        %add3A_1111 = arith.addf %get3A_1106, %get3A_1110 : vector<16xf32>
        %max3A_1112 = arith.constant 0.000000e+00 : f32
        %max3A_1113 = vector.broadcast %max3A_1112 : f32 to vector<16xf32>
        %max3A_1114 = arith.maximumf %add3A_1111, %max3A_1113 : vector<16xf32>
        %swap3A_1115 = arith.index_cast %add3A_1085 : i32 to index
        %swap3A_1116 = arith.constant 16 : index
        %swap3A_1117 = tpu.vector_load %arg18[%swap3A_1115, %swap3A_1116] {strides = array<i32>} : memref<64x128xf32, #tpu.memory_space<vmem>>, vector<1x16xf32>,
        %swap3A_1118 = vector.shape_cast %swap3A_1117 : vector<1x16xf32> to vector<16xf32>
        %swap3A_1119 = vector.shape_cast %max3A_1114 : vector<16xf32> to vector<1x16xf32>
        tpu.vector_store %arg18[%swap3A_1115, %swap3A_1116], %swap3A_1119 {strides = array<i32>} : memref<64x128xf32, #tpu.memory_space<vmem>>, vector<1x16xf32>,
        %get3A_1120 = arith.index_cast %add3A_1085 : i32 to index
        %get3A_1121 = arith.constant 32 : index
        %get3A_1122 = tpu.vector_load %arg14[%get3A_1120, %get3A_1121] {strides = array<i32>} : memref<64x128xf32, #tpu.memory_space<vmem>>, vector<1x16xf32>,
        %get3A_1123 = vector.shape_cast %get3A_1122 : vector<1x16xf32> to vector<16xf32>
        %get3A_1124 = arith.index_cast %add3A_1085 : i32 to index
        %get3A_1125 = arith.constant 32 : index
        %get3A_1126 = tpu.vector_load %arg15[%get3A_1124, %get3A_1125] {strides = array<i32>} : memref<64x128xf32, #tpu.memory_space<vmem>>, vector<1x16xf32>,
        %get3A_1127 = vector.shape_cast %get3A_1126 : vector<1x16xf32> to vector<16xf32>
        %add3A_1128 = arith.addf %get3A_1123, %get3A_1127 : vector<16xf32>
        %max3A_1129 = arith.constant 0.000000e+00 : f32
        %max3A_1130 = vector.broadcast %max3A_1129 : f32 to vector<16xf32>
        %max3A_1131 = arith.maximumf %add3A_1128, %max3A_1130 : vector<16xf32>
        %swap3A_1132 = arith.index_cast %add3A_1085 : i32 to index
        %swap3A_1133 = arith.constant 32 : index
        %swap3A_1134 = tpu.vector_load %arg18[%swap3A_1132, %swap3A_1133] {strides = array<i32>} : memref<64x128xf32, #tpu.memory_space<vmem>>, vector<1x16xf32>,
        %swap3A_1135 = vector.shape_cast %swap3A_1134 : vector<1x16xf32> to vector<16xf32>
        %swap3A_1136 = vector.shape_cast %max3A_1131 : vector<16xf32> to vector<1x16xf32>
        tpu.vector_store %arg18[%swap3A_1132, %swap3A_1133], %swap3A_1136 {strides = array<i32>} : memref<64x128xf32, #tpu.memory_space<vmem>>, vector<1x16xf32>,
        %get3A_1137 = arith.index_cast %add3A_1085 : i32 to index
        %get3A_1138 = arith.constant 48 : index
        %get3A_1139 = tpu.vector_load %arg14[%get3A_1137, %get3A_1138] {strides = array<i32>} : memref<64x128xf32, #tpu.memory_space<vmem>>, vector<1x16xf32>,
        %get3A_1140 = vector.shape_cast %get3A_1139 : vector<1x16xf32> to vector<16xf32>
        %get3A_1141 = arith.index_cast %add3A_1085 : i32 to index
        %get3A_1142 = arith.constant 48 : index
        %get3A_1143 = tpu.vector_load %arg15[%get3A_1141, %get3A_1142] {strides = array<i32>} : memref<64x128xf32, #tpu.memory_space<vmem>>, vector<1x16xf32>,
        %get3A_1144 = vector.shape_cast %get3A_1143 : vector<1x16xf32> to vector<16xf32>
        %add3A_1145 = arith.addf %get3A_1140, %get3A_1144 : vector<16xf32>
        %max3A_1146 = arith.constant 0.000000e+00 : f32
        %max3A_1147 = vector.broadcast %max3A_1146 : f32 to vector<16xf32>
        %max3A_1148 = arith.maximumf %add3A_1145, %max3A_1147 : vector<16xf32>
        %swap3A_1149 = arith.index_cast %add3A_1085 : i32 to index
        %swap3A_1150 = arith.constant 48 : index
        %swap3A_1151 = tpu.vector_load %arg18[%swap3A_1149, %swap3A_1150] {strides = array<i32>} : memref<64x128xf32, #tpu.memory_space<vmem>>, vector<1x16xf32>,
        %swap3A_1152 = vector.shape_cast %swap3A_1151 : vector<1x16xf32> to vector<16xf32>
        %swap3A_1153 = vector.shape_cast %max3A_1148 : vector<16xf32> to vector<1x16xf32>
        tpu.vector_store %arg18[%swap3A_1149, %swap3A_1150], %swap3A_1153 {strides = array<i32>} : memref<64x128xf32, #tpu.memory_space<vmem>>, vector<1x16xf32>,
        %get3A_1154 = arith.index_cast %add3A_1085 : i32 to index
        %get3A_1155 = arith.constant 64 : index
        %get3A_1156 = tpu.vector_load %arg14[%get3A_1154, %get3A_1155] {strides = array<i32>} : memref<64x128xf32, #tpu.memory_space<vmem>>, vector<1x16xf32>,
        %get3A_1157 = vector.shape_cast %get3A_1156 : vector<1x16xf32> to vector<16xf32>
        %get3A_1158 = arith.index_cast %add3A_1085 : i32 to index
        %get3A_1159 = arith.constant 64 : index
        %get3A_1160 = tpu.vector_load %arg15[%get3A_1158, %get3A_1159] {strides = array<i32>} : memref<64x128xf32, #tpu.memory_space<vmem>>, vector<1x16xf32>,
        %get3A_1161 = vector.shape_cast %get3A_1160 : vector<1x16xf32> to vector<16xf32>
        %add3A_1162 = arith.addf %get3A_1157, %get3A_1161 : vector<16xf32>
        %max3A_1163 = arith.constant 0.000000e+00 : f32
        %max3A_1164 = vector.broadcast %max3A_1163 : f32 to vector<16xf32>
        %max3A_1165 = arith.maximumf %add3A_1162, %max3A_1164 : vector<16xf32>
        %swap3A_1166 = arith.index_cast %add3A_1085 : i32 to index
        %swap3A_1167 = arith.constant 64 : index
        %swap3A_1168 = tpu.vector_load %arg18[%swap3A_1166, %swap3A_1167] {strides = array<i32>} : memref<64x128xf32, #tpu.memory_space<vmem>>, vector<1x16xf32>,
        %swap3A_1169 = vector.shape_cast %swap3A_1168 : vector<1x16xf32> to vector<16xf32>
        %swap3A_1170 = vector.shape_cast %max3A_1165 : vector<16xf32> to vector<1x16xf32>
        tpu.vector_store %arg18[%swap3A_1166, %swap3A_1167], %swap3A_1170 {strides = array<i32>} : memref<64x128xf32, #tpu.memory_space<vmem>>, vector<1x16xf32>,
        %get3A_1171 = arith.index_cast %add3A_1085 : i32 to index
        %get3A_1172 = arith.constant 80 : index
        %get3A_1173 = tpu.vector_load %arg14[%get3A_1171, %get3A_1172] {strides = array<i32>} : memref<64x128xf32, #tpu.memory_space<vmem>>, vector<1x16xf32>,
        %get3A_1174 = vector.shape_cast %get3A_1173 : vector<1x16xf32> to vector<16xf32>
        %get3A_1175 = arith.index_cast %add3A_1085 : i32 to index
        %get3A_1176 = arith.constant 80 : index
        %get3A_1177 = tpu.vector_load %arg15[%get3A_1175, %get3A_1176] {strides = array<i32>} : memref<64x128xf32, #tpu.memory_space<vmem>>, vector<1x16xf32>,
        %get3A_1178 = vector.shape_cast %get3A_1177 : vector<1x16xf32> to vector<16xf32>
        %add3A_1179 = arith.addf %get3A_1174, %get3A_1178 : vector<16xf32>
        %max3A_1180 = arith.constant 0.000000e+00 : f32
        %max3A_1181 = vector.broadcast %max3A_1180 : f32 to vector<16xf32>
        %max3A_1182 = arith.maximumf %add3A_1179, %max3A_1181 : vector<16xf32>
        %swap3A_1183 = arith.index_cast %add3A_1085 : i32 to index
        %swap3A_1184 = arith.constant 80 : index
        %swap3A_1185 = tpu.vector_load %arg18[%swap3A_1183, %swap3A_1184] {strides = array<i32>} : memref<64x128xf32, #tpu.memory_space<vmem>>, vector<1x16xf32>,
        %swap3A_1186 = vector.shape_cast %swap3A_1185 : vector<1x16xf32> to vector<16xf32>
        %swap3A_1187 = vector.shape_cast %max3A_1182 : vector<16xf32> to vector<1x16xf32>
        tpu.vector_store %arg18[%swap3A_1183, %swap3A_1184], %swap3A_1187 {strides = array<i32>} : memref<64x128xf32, #tpu.memory_space<vmem>>, vector<1x16xf32>,
        %get3A_1188 = arith.index_cast %add3A_1085 : i32 to index
        %get3A_1189 = arith.constant 96 : index
        %get3A_1190 = tpu.vector_load %arg14[%get3A_1188, %get3A_1189] {strides = array<i32>} : memref<64x128xf32, #tpu.memory_space<vmem>>, vector<1x16xf32>,
        %get3A_1191 = vector.shape_cast %get3A_1190 : vector<1x16xf32> to vector<16xf32>
        %get3A_1192 = arith.index_cast %add3A_1085 : i32 to index
        %get3A_1193 = arith.constant 96 : index
        %get3A_1194 = tpu.vector_load %arg15[%get3A_1192, %get3A_1193] {strides = array<i32>} : memref<64x128xf32, #tpu.memory_space<vmem>>, vector<1x16xf32>,
        %get3A_1195 = vector.shape_cast %get3A_1194 : vector<1x16xf32> to vector<16xf32>
        %add3A_1196 = arith.addf %get3A_1191, %get3A_1195 : vector<16xf32>
        %max3A_1197 = arith.constant 0.000000e+00 : f32
        %max3A_1198 = vector.broadcast %max3A_1197 : f32 to vector<16xf32>
        %max3A_1199 = arith.maximumf %add3A_1196, %max3A_1198 : vector<16xf32>
        %swap3A_1200 = arith.index_cast %add3A_1085 : i32 to index
        %swap3A_1201 = arith.constant 96 : index
        %swap3A_1202 = tpu.vector_load %arg18[%swap3A_1200, %swap3A_1201] {strides = array<i32>} : memref<64x128xf32, #tpu.memory_space<vmem>>, vector<1x16xf32>,
        %swap3A_1203 = vector.shape_cast %swap3A_1202 : vector<1x16xf32> to vector<16xf32>
        %swap3A_1204 = vector.shape_cast %max3A_1199 : vector<16xf32> to vector<1x16xf32>
        tpu.vector_store %arg18[%swap3A_1200, %swap3A_1201], %swap3A_1204 {strides = array<i32>} : memref<64x128xf32, #tpu.memory_space<vmem>>, vector<1x16xf32>,
        %get3A_1205 = arith.index_cast %add3A_1085 : i32 to index
        %get3A_1206 = arith.constant 112 : index
        %get3A_1207 = tpu.vector_load %arg14[%get3A_1205, %get3A_1206] {strides = array<i32>} : memref<64x128xf32, #tpu.memory_space<vmem>>, vector<1x16xf32>,
        %get3A_1208 = vector.shape_cast %get3A_1207 : vector<1x16xf32> to vector<16xf32>
        %get3A_1209 = arith.index_cast %add3A_1085 : i32 to index
        %get3A_1210 = arith.constant 112 : index
        %get3A_1211 = tpu.vector_load %arg15[%get3A_1209, %get3A_1210] {strides = array<i32>} : memref<64x128xf32, #tpu.memory_space<vmem>>, vector<1x16xf32>,
        %get3A_1212 = vector.shape_cast %get3A_1211 : vector<1x16xf32> to vector<16xf32>
        %add3A_1213 = arith.addf %get3A_1208, %get3A_1212 : vector<16xf32>
        %max3A_1214 = arith.constant 0.000000e+00 : f32
        %max3A_1215 = vector.broadcast %max3A_1214 : f32 to vector<16xf32>
        %max3A_1216 = arith.maximumf %add3A_1213, %max3A_1215 : vector<16xf32>
        %swap3A_1217 = arith.index_cast %add3A_1085 : i32 to index
        %swap3A_1218 = arith.constant 112 : index
        %swap3A_1219 = tpu.vector_load %arg18[%swap3A_1217, %swap3A_1218] {strides = array<i32>} : memref<64x128xf32, #tpu.memory_space<vmem>>, vector<1x16xf32>,
        %swap3A_1220 = vector.shape_cast %swap3A_1219 : vector<1x16xf32> to vector<16xf32>
        %swap3A_1221 = vector.shape_cast %max3A_1216 : vector<16xf32> to vector<1x16xf32>
        tpu.vector_store %arg18[%swap3A_1217, %swap3A_1218], %swap3A_1221 {strides = array<i32>} : memref<64x128xf32, #tpu.memory_space<vmem>>, vector<1x16xf32>,
        %scan3A_1222 = arith.constant 0 : i32
        scf.yield %scan3A_1222 : i32
      }
      %scan3A_930 = arith.constant 32 : i32
      %dma_start3A_931 = arith.constant 0 : i32
      %dma_start3A_932 = arith.constant 0 : i32
      %dma_start3A_933 = tpu.memref_slice %arg21[%dma_start3A_931, %dma_start3A_932] : memref<10240x128xf32, #tpu.memory_space<vmem_shared>> -> memref<10240x128xf32, #tpu.memory_space<vmem_shared>>
      tpu.enqueue_indirect_dma source(%arg18 : memref<64x128xf32, #tpu.memory_space<vmem>>) target(%dma_start3A_933 : memref<10240x128xf32, #tpu.memory_space<vmem_shared>>) offsets(%arg12 : memref<64xi32, #tpu.memory_space<vmem>>) semaphore(%arg27 : memref<!tpu.dma_semaphore, #tpu.memory_space<semaphore_mem>>) {add = true}
      %dma_start3A_934 = arith.constant 0 : i32
      %dma_start3A_935 = tpu.memref_slice %arg22[%dma_start3A_934] : memref<10240xf32, #tpu.memory_space<vmem_shared>> -> memref<10240xf32, #tpu.memory_space<vmem_shared>>
      tpu.enqueue_indirect_dma source(%arg19 : memref<64xf32, #tpu.memory_space<vmem>>) target(%dma_start3A_935 : memref<10240xf32, #tpu.memory_space<vmem_shared>>) offsets(%arg12 : memref<64xi32, #tpu.memory_space<vmem>>) semaphore(%arg29 : memref<!tpu.dma_semaphore, #tpu.memory_space<semaphore_mem>>) {add = true}
      %dma_wait3A_936 = arith.constant 0 : i32
      %dma_wait3A_937 = arith.constant 0 : i32
      %dma_wait3A_938 = tpu.memref_slice %arg21[%dma_wait3A_936, %dma_wait3A_937] : memref<10240x128xf32, #tpu.memory_space<vmem_shared>> -> memref<10240x128xf32, #tpu.memory_space<vmem_shared>>
      tpu.wait_indirect_dma semaphore(%arg27 : memref<!tpu.dma_semaphore, #tpu.memory_space<semaphore_mem>>) src(%arg18 : memref<64x128xf32, #tpu.memory_space<vmem>>) dst(%dma_wait3A_938 : memref<10240x128xf32, #tpu.memory_space<vmem_shared>>)
      %dma_wait3A_939 = arith.constant 0 : i32
      %dma_wait3A_940 = tpu.memref_slice %arg22[%dma_wait3A_939] : memref<10240xf32, #tpu.memory_space<vmem_shared>> -> memref<10240xf32, #tpu.memory_space<vmem_shared>>
      tpu.wait_indirect_dma semaphore(%arg29 : memref<!tpu.dma_semaphore, #tpu.memory_space<semaphore_mem>>) src(%arg19 : memref<64xf32, #tpu.memory_space<vmem>>) dst(%dma_wait3A_940 : memref<10240xf32, #tpu.memory_space<vmem_shared>>)
    } else {
    }
    %ge3A = arith.constant 8 : i32
    %ge3A_844 = arith.cmpi sge, %add3A, %ge3A : i32
    %convert_element_type3A_845 = arith.extui %ge3A_844 : i1 to i32
    %cond3A_846 = arith.constant 0 : i32
    %cond3A_847 = arith.cmpi ne, %convert_element_type3A_845, %cond3A_846 : i32
    scf.if %cond3A_847 {
      %dma_wait3A_877 = arith.constant 0 : i32
      %dma_wait3A_878 = arith.constant 0 : i32
      %dma_wait3A_879 = tpu.memref_slice %arg21[%dma_wait3A_877, %dma_wait3A_878] : memref<10240x128xf32, #tpu.memory_space<vmem_shared>> -> memref<10240x128xf32, #tpu.memory_space<vmem_shared>>
      tpu.wait_indirect_dma semaphore(%arg28 : memref<!tpu.dma_semaphore, #tpu.memory_space<semaphore_mem>>) src(%arg18 : memref<64x128xf32, #tpu.memory_space<vmem>>) dst(%dma_wait3A_879 : memref<10240x128xf32, #tpu.memory_space<vmem_shared>>)
      %dma_wait3A_880 = arith.constant 0 : i32
      %dma_wait3A_881 = tpu.memref_slice %arg22[%dma_wait3A_880] : memref<10240xf32, #tpu.memory_space<vmem_shared>> -> memref<10240xf32, #tpu.memory_space<vmem_shared>>
      tpu.wait_indirect_dma semaphore(%arg30 : memref<!tpu.dma_semaphore, #tpu.memory_space<semaphore_mem>>) src(%arg19 : memref<64xf32, #tpu.memory_space<vmem>>) dst(%dma_wait3A_881 : memref<10240xf32, #tpu.memory_space<vmem_shared>>)
    } else {
    }
    %barrier3A_848 = arith.constant 0 : index
    tpu.barrier barrier_id(%barrier3A_848)
    %mul3A_849 = arith.constant 640 : i32
    %mul3A_850 = arith.muli %arg1, %mul3A_849 : i32
    %add3A_851 = arith.constant 0 : i32
    %add3A_852 = arith.addi %mul3A_850, %add3A_851 : i32
    %dma_start3A_853 = arith.constant 0 : i32
    %dma_start3A_854 = tpu.memref_slice %arg21[%add3A_852, %dma_start3A_853] : memref<10240x128xf32, #tpu.memory_space<vmem_shared>> -> memref<64x128xf32, #tpu.memory_space<vmem_shared>>
    %dma_start3A_855 = arith.constant 0 : i32
    %dma_start3A_856 = tpu.memref_slice %arg21[%add3A_852, %dma_start3A_855] : memref<10240x128xf32, #tpu.memory_space<vmem_shared>> -> memref<64x128xf32, #tpu.memory_space<vmem_shared>>
    tpu.enqueue_dma source(%dma_start3A_856 : memref<64x128xf32, #tpu.memory_space<vmem_shared>>) target(%arg14 : memref<64x128xf32, #tpu.memory_space<vmem>>) target_semaphore(%arg23 : memref<!tpu.dma_semaphore, #tpu.memory_space<semaphore_mem>>)
    %scan3A_857 = arith.constant 0 : i32
    %scan3A_858 = arith.constant 0 : i32
    %scan3A_859 = arith.constant 5 : i32
    %scan3A_860 = arith.addi %scan3A_858, %scan3A_859 : i32
    %scan3A_861 = arith.constant 1 : i32
    %scan3A_862 = scf.for %scan3A_877 = %scan3A_858 to %scan3A_860 step %scan3A_861 iter_args(%scan3A_878 = %scan3A_857) -> (i32)  : i32 {
      %mul3A_879 = arith.constant 2 : i32
      %mul3A_880 = arith.muli %mul3A_879, %scan3A_877 : i32
      %mul3A_881 = arith.constant 640 : i32
      %mul3A_882 = arith.muli %arg1, %mul3A_881 : i32
      %mul3A_883 = arith.constant 64 : i32
      %mul3A_884 = arith.muli %mul3A_880, %mul3A_883 : i32
      %add3A_885 = arith.addi %mul3A_882, %mul3A_884 : i32
      %dma_wait3A_886 = arith.constant 0 : i32
      %dma_wait3A_887 = tpu.memref_slice %arg21[%add3A_885, %dma_wait3A_886] : memref<10240x128xf32, #tpu.memory_space<vmem_shared>> -> memref<64x128xf32, #tpu.memory_space<vmem_shared>>
      %dma_wait3A_888 = arith.constant 0 : i32
      %dma_wait3A_889 = tpu.memref_slice %arg21[%add3A_885, %dma_wait3A_888] : memref<10240x128xf32, #tpu.memory_space<vmem_shared>> -> memref<64x128xf32, #tpu.memory_space<vmem_shared>>
      tpu.wait_dma2 semaphore(%arg23 : memref<!tpu.dma_semaphore, #tpu.memory_space<semaphore_mem>>) src(%dma_wait3A_889 : memref<64x128xf32, #tpu.memory_space<vmem_shared>>) dst(%arg14 : memref<64x128xf32, #tpu.memory_space<vmem>>)
      %add3A_890 = arith.constant 1 : i32
      %add3A_891 = arith.addi %mul3A_880, %add3A_890 : i32
      %lt3A_892 = arith.constant 10 : i32
      %lt3A_893 = arith.cmpi slt, %add3A_891, %lt3A_892 : i32
      %convert_element_type3A_894 = arith.extui %lt3A_893 : i1 to i32
      %cond3A_895 = arith.constant 0 : i32
      %cond3A_896 = arith.cmpi ne, %convert_element_type3A_894, %cond3A_895 : i32
      scf.if %cond3A_896 {
        %ge3A_940 = arith.constant 1 : i32
        %ge3A_941 = arith.cmpi sge, %mul3A_880, %ge3A_940 : i32
        %convert_element_type3A_942 = arith.extui %ge3A_941 : i1 to i32
        %cond3A_943 = arith.constant 0 : i32
        %cond3A_944 = arith.cmpi ne, %convert_element_type3A_942, %cond3A_943 : i32
        scf.if %cond3A_944 {
          %sub3A = arith.constant 1 : i32
          %sub3A_956 = arith.subi %mul3A_880, %sub3A : i32
          %mul3A_957 = arith.constant 640 : i32
          %mul3A_958 = arith.muli %arg1, %mul3A_957 : i32
          %mul3A_959 = arith.constant 64 : i32
          %mul3A_960 = arith.muli %sub3A_956, %mul3A_959 : i32
          %add3A_961 = arith.addi %mul3A_958, %mul3A_960 : i32
          %dma_wait3A_962 = arith.constant 0 : i32
          %dma_wait3A_963 = tpu.memref_slice %arg6[%arg0, %add3A_961, %dma_wait3A_962] : memref<2x10240x128xf32, #tpu.memory_space<hbm>> -> memref<1x64x128xf32, #tpu.memory_space<hbm>>
          %dma_wait3A_964 = tpu.memref_squeeze %dma_wait3A_963 : memref<1x64x128xf32, #tpu.memory_space<hbm>> -> memref<64x128xf32, #tpu.memory_space<hbm>>
          %dma_wait3A_965 = arith.constant 0 : i32
          %dma_wait3A_966 = tpu.memref_slice %arg6[%arg0, %add3A_961, %dma_wait3A_965] : memref<2x10240x128xf32, #tpu.memory_space<hbm>> -> memref<1x64x128xf32, #tpu.memory_space<hbm>>
          %dma_wait3A_967 = tpu.memref_squeeze %dma_wait3A_966 : memref<1x64x128xf32, #tpu.memory_space<hbm>> -> memref<64x128xf32, #tpu.memory_space<hbm>>
          tpu.wait_dma2 semaphore(%arg26 : memref<!tpu.dma_semaphore, #tpu.memory_space<semaphore_mem>>) src(%arg16 : memref<64x128xf32, #tpu.memory_space<vmem>>) dst(%dma_wait3A_967 : memref<64x128xf32, #tpu.memory_space<hbm>>)
        } else {
        }
        %add3A_945 = arith.constant 1 : i32
        %add3A_946 = arith.addi %mul3A_880, %add3A_945 : i32
        %mul3A_947 = arith.constant 640 : i32
        %mul3A_948 = arith.muli %arg1, %mul3A_947 : i32
        %mul3A_949 = arith.constant 64 : i32
        %mul3A_950 = arith.muli %add3A_946, %mul3A_949 : i32
        %add3A_951 = arith.addi %mul3A_948, %mul3A_950 : i32
        %dma_start3A_952 = arith.constant 0 : i32
        %dma_start3A_953 = tpu.memref_slice %arg21[%add3A_951, %dma_start3A_952] : memref<10240x128xf32, #tpu.memory_space<vmem_shared>> -> memref<64x128xf32, #tpu.memory_space<vmem_shared>>
        %dma_start3A_954 = arith.constant 0 : i32
        %dma_start3A_955 = tpu.memref_slice %arg21[%add3A_951, %dma_start3A_954] : memref<10240x128xf32, #tpu.memory_space<vmem_shared>> -> memref<64x128xf32, #tpu.memory_space<vmem_shared>>
        tpu.enqueue_dma source(%dma_start3A_955 : memref<64x128xf32, #tpu.memory_space<vmem_shared>>) target(%arg16 : memref<64x128xf32, #tpu.memory_space<vmem>>) target_semaphore(%arg25 : memref<!tpu.dma_semaphore, #tpu.memory_space<semaphore_mem>>)
      } else {
      }
      %mul3A_897 = arith.constant 640 : i32
      %mul3A_898 = arith.muli %arg1, %mul3A_897 : i32
      %mul3A_899 = arith.constant 64 : i32
      %mul3A_900 = arith.muli %mul3A_880, %mul3A_899 : i32
      %add3A_901 = arith.addi %mul3A_898, %mul3A_900 : i32
      %dma_start3A_902 = arith.constant 0 : i32
      %dma_start3A_903 = tpu.memref_slice %arg6[%arg0, %add3A_901, %dma_start3A_902] : memref<2x10240x128xf32, #tpu.memory_space<hbm>> -> memref<1x64x128xf32, #tpu.memory_space<hbm>>
      %dma_start3A_904 = tpu.memref_squeeze %dma_start3A_903 : memref<1x64x128xf32, #tpu.memory_space<hbm>> -> memref<64x128xf32, #tpu.memory_space<hbm>>
      %dma_start3A_905 = arith.constant 0 : i32
      %dma_start3A_906 = tpu.memref_slice %arg6[%arg0, %add3A_901, %dma_start3A_905] : memref<2x10240x128xf32, #tpu.memory_space<hbm>> -> memref<1x64x128xf32, #tpu.memory_space<hbm>>
      %dma_start3A_907 = tpu.memref_squeeze %dma_start3A_906 : memref<1x64x128xf32, #tpu.memory_space<hbm>> -> memref<64x128xf32, #tpu.memory_space<hbm>>
      tpu.enqueue_dma source(%arg14 : memref<64x128xf32, #tpu.memory_space<vmem>>) target(%dma_start3A_907 : memref<64x128xf32, #tpu.memory_space<hbm>>) target_semaphore(%arg24 : memref<!tpu.dma_semaphore, #tpu.memory_space<semaphore_mem>>)
      %mul3A_908 = arith.constant 2 : i32
      %mul3A_909 = arith.muli %mul3A_908, %scan3A_877 : i32
      %add3A_910 = arith.constant 1 : i32
      %add3A_911 = arith.addi %mul3A_909, %add3A_910 : i32
      %mul3A_912 = arith.constant 640 : i32
      %mul3A_913 = arith.muli %arg1, %mul3A_912 : i32
      %mul3A_914 = arith.constant 64 : i32
      %mul3A_915 = arith.muli %add3A_911, %mul3A_914 : i32
      %add3A_916 = arith.addi %mul3A_913, %mul3A_915 : i32
      %dma_wait3A_917 = arith.constant 0 : i32
      %dma_wait3A_918 = tpu.memref_slice %arg21[%add3A_916, %dma_wait3A_917] : memref<10240x128xf32, #tpu.memory_space<vmem_shared>> -> memref<64x128xf32, #tpu.memory_space<vmem_shared>>
      %dma_wait3A_919 = arith.constant 0 : i32
      %dma_wait3A_920 = tpu.memref_slice %arg21[%add3A_916, %dma_wait3A_919] : memref<10240x128xf32, #tpu.memory_space<vmem_shared>> -> memref<64x128xf32, #tpu.memory_space<vmem_shared>>
      tpu.wait_dma2 semaphore(%arg25 : memref<!tpu.dma_semaphore, #tpu.memory_space<semaphore_mem>>) src(%dma_wait3A_920 : memref<64x128xf32, #tpu.memory_space<vmem_shared>>) dst(%arg16 : memref<64x128xf32, #tpu.memory_space<vmem>>)
      %add3A_921 = arith.constant 1 : i32
      %add3A_922 = arith.addi %add3A_911, %add3A_921 : i32
      %lt3A_923 = arith.constant 10 : i32
      %lt3A_924 = arith.cmpi slt, %add3A_922, %lt3A_923 : i32
      %convert_element_type3A_925 = arith.extui %lt3A_924 : i1 to i32
      %cond3A_926 = arith.constant 0 : i32
      %cond3A_927 = arith.cmpi ne, %convert_element_type3A_925, %cond3A_926 : i32
      scf.if %cond3A_927 {
        %ge3A_940 = arith.constant 1 : i32
        %ge3A_941 = arith.cmpi sge, %add3A_911, %ge3A_940 : i32
        %convert_element_type3A_942 = arith.extui %ge3A_941 : i1 to i32
        %cond3A_943 = arith.constant 0 : i32
        %cond3A_944 = arith.cmpi ne, %convert_element_type3A_942, %cond3A_943 : i32
        scf.if %cond3A_944 {
          %sub3A = arith.constant 1 : i32
          %sub3A_956 = arith.subi %add3A_911, %sub3A : i32
          %mul3A_957 = arith.constant 640 : i32
          %mul3A_958 = arith.muli %arg1, %mul3A_957 : i32
          %mul3A_959 = arith.constant 64 : i32
          %mul3A_960 = arith.muli %sub3A_956, %mul3A_959 : i32
          %add3A_961 = arith.addi %mul3A_958, %mul3A_960 : i32
          %dma_wait3A_962 = arith.constant 0 : i32
          %dma_wait3A_963 = tpu.memref_slice %arg6[%arg0, %add3A_961, %dma_wait3A_962] : memref<2x10240x128xf32, #tpu.memory_space<hbm>> -> memref<1x64x128xf32, #tpu.memory_space<hbm>>
          %dma_wait3A_964 = tpu.memref_squeeze %dma_wait3A_963 : memref<1x64x128xf32, #tpu.memory_space<hbm>> -> memref<64x128xf32, #tpu.memory_space<hbm>>
          %dma_wait3A_965 = arith.constant 0 : i32
          %dma_wait3A_966 = tpu.memref_slice %arg6[%arg0, %add3A_961, %dma_wait3A_965] : memref<2x10240x128xf32, #tpu.memory_space<hbm>> -> memref<1x64x128xf32, #tpu.memory_space<hbm>>
          %dma_wait3A_967 = tpu.memref_squeeze %dma_wait3A_966 : memref<1x64x128xf32, #tpu.memory_space<hbm>> -> memref<64x128xf32, #tpu.memory_space<hbm>>
          tpu.wait_dma2 semaphore(%arg24 : memref<!tpu.dma_semaphore, #tpu.memory_space<semaphore_mem>>) src(%arg14 : memref<64x128xf32, #tpu.memory_space<vmem>>) dst(%dma_wait3A_967 : memref<64x128xf32, #tpu.memory_space<hbm>>)
        } else {
        }
        %add3A_945 = arith.constant 1 : i32
        %add3A_946 = arith.addi %add3A_911, %add3A_945 : i32
        %mul3A_947 = arith.constant 640 : i32
        %mul3A_948 = arith.muli %arg1, %mul3A_947 : i32
        %mul3A_949 = arith.constant 64 : i32
        %mul3A_950 = arith.muli %add3A_946, %mul3A_949 : i32
        %add3A_951 = arith.addi %mul3A_948, %mul3A_950 : i32
        %dma_start3A_952 = arith.constant 0 : i32
        %dma_start3A_953 = tpu.memref_slice %arg21[%add3A_951, %dma_start3A_952] : memref<10240x128xf32, #tpu.memory_space<vmem_shared>> -> memref<64x128xf32, #tpu.memory_space<vmem_shared>>
        %dma_start3A_954 = arith.constant 0 : i32
        %dma_start3A_955 = tpu.memref_slice %arg21[%add3A_951, %dma_start3A_954] : memref<10240x128xf32, #tpu.memory_space<vmem_shared>> -> memref<64x128xf32, #tpu.memory_space<vmem_shared>>
        tpu.enqueue_dma source(%dma_start3A_955 : memref<64x128xf32, #tpu.memory_space<vmem_shared>>) target(%arg14 : memref<64x128xf32, #tpu.memory_space<vmem>>) target_semaphore(%arg23 : memref<!tpu.dma_semaphore, #tpu.memory_space<semaphore_mem>>)
      } else {
      }
      %mul3A_928 = arith.constant 640 : i32
      %mul3A_929 = arith.muli %arg1, %mul3A_928 : i32
      %mul3A_930 = arith.constant 64 : i32
      %mul3A_931 = arith.muli %add3A_911, %mul3A_930 : i32
      %add3A_932 = arith.addi %mul3A_929, %mul3A_931 : i32
      %dma_start3A_933 = arith.constant 0 : i32
      %dma_start3A_934 = tpu.memref_slice %arg6[%arg0, %add3A_932, %dma_start3A_933] : memref<2x10240x128xf32, #tpu.memory_space<hbm>> -> memref<1x64x128xf32, #tpu.memory_space<hbm>>
      %dma_start3A_935 = tpu.memref_squeeze %dma_start3A_934 : memref<1x64x128xf32, #tpu.memory_space<hbm>> -> memref<64x128xf32, #tpu.memory_space<hbm>>
      %dma_start3A_936 = arith.constant 0 : i32
      %dma_start3A_937 = tpu.memref_slice %arg6[%arg0, %add3A_932, %dma_start3A_936] : memref<2x10240x128xf32, #tpu.memory_space<hbm>> -> memref<1x64x128xf32, #tpu.memory_space<hbm>>
      %dma_start3A_938 = tpu.memref_squeeze %dma_start3A_937 : memref<1x64x128xf32, #tpu.memory_space<hbm>> -> memref<64x128xf32, #tpu.memory_space<hbm>>
      tpu.enqueue_dma source(%arg16 : memref<64x128xf32, #tpu.memory_space<vmem>>) target(%dma_start3A_938 : memref<64x128xf32, #tpu.memory_space<hbm>>) target_semaphore(%arg26 : memref<!tpu.dma_semaphore, #tpu.memory_space<semaphore_mem>>)
      %scan3A_939 = arith.constant 0 : i32
      scf.yield %scan3A_939 : i32
    }
    %scan3A_863 = arith.constant 5 : i32
    %mul3A_864 = arith.constant 640 : i32
    %mul3A_865 = arith.muli %arg1, %mul3A_864 : i32
    %add3A_866 = arith.constant 576 : i32
    %add3A_867 = arith.addi %mul3A_865, %add3A_866 : i32
    %dma_wait3A = arith.constant 0 : i32
    %dma_wait3A_868 = tpu.memref_slice %arg6[%arg0, %add3A_867, %dma_wait3A] : memref<2x10240x128xf32, #tpu.memory_space<hbm>> -> memref<1x64x128xf32, #tpu.memory_space<hbm>>
    %dma_wait3A_869 = tpu.memref_squeeze %dma_wait3A_868 : memref<1x64x128xf32, #tpu.memory_space<hbm>> -> memref<64x128xf32, #tpu.memory_space<hbm>>
    %dma_wait3A_870 = arith.constant 0 : i32
    %dma_wait3A_871 = tpu.memref_slice %arg6[%arg0, %add3A_867, %dma_wait3A_870] : memref<2x10240x128xf32, #tpu.memory_space<hbm>> -> memref<1x64x128xf32, #tpu.memory_space<hbm>>
    %dma_wait3A_872 = tpu.memref_squeeze %dma_wait3A_871 : memref<1x64x128xf32, #tpu.memory_space<hbm>> -> memref<64x128xf32, #tpu.memory_space<hbm>>
    tpu.wait_dma2 semaphore(%arg26 : memref<!tpu.dma_semaphore, #tpu.memory_space<semaphore_mem>>) src(%arg16 : memref<64x128xf32, #tpu.memory_space<vmem>>) dst(%dma_wait3A_872 : memref<64x128xf32, #tpu.memory_space<hbm>>)
    %mul3A_873 = arith.constant 640 : i32
    %mul3A_874 = arith.muli %arg1, %mul3A_873 : i32
    "tpu.region"() ({
      %run_scoped3A = tpu.sem_alloc : memref<!tpu.dma_semaphore, #tpu.memory_space<semaphore_mem>>
      %dma_start3A_877 = tpu.memref_slice %arg22[%mul3A_874] : memref<10240xf32, #tpu.memory_space<vmem_shared>> -> memref<640xf32, #tpu.memory_space<vmem_shared>>
      %dma_start3A_878 = tpu.memref_slice %arg22[%mul3A_874] : memref<10240xf32, #tpu.memory_space<vmem_shared>> -> memref<640xf32, #tpu.memory_space<vmem_shared>>
      tpu.enqueue_dma source(%dma_start3A_878 : memref<640xf32, #tpu.memory_space<vmem_shared>>) target(%arg20 : memref<640xf32, #tpu.memory_space<vmem>>) target_semaphore(%run_scoped3A : memref<!tpu.dma_semaphore, #tpu.memory_space<semaphore_mem>>)
      %dma_wait3A_879 = tpu.memref_slice %arg22[%mul3A_874] : memref<10240xf32, #tpu.memory_space<vmem_shared>> -> memref<640xf32, #tpu.memory_space<vmem_shared>>
      %dma_wait3A_880 = tpu.memref_slice %arg22[%mul3A_874] : memref<10240xf32, #tpu.memory_space<vmem_shared>> -> memref<640xf32, #tpu.memory_space<vmem_shared>>
      tpu.wait_dma2 semaphore(%run_scoped3A : memref<!tpu.dma_semaphore, #tpu.memory_space<semaphore_mem>>) src(%dma_wait3A_880 : memref<640xf32, #tpu.memory_space<vmem_shared>>) dst(%arg20 : memref<640xf32, #tpu.memory_space<vmem>>)
      tpu.yield
    }) : () -> ()
    %mul3A_875 = arith.constant 640 : i32
    %mul3A_876 = arith.muli %arg1, %mul3A_875 : i32
    "tpu.region"() ({
      %run_scoped3A = tpu.sem_alloc : memref<!tpu.dma_semaphore, #tpu.memory_space<semaphore_mem>>
      %dma_start3A_877 = tpu.memref_slice %arg7[%arg0, %mul3A_876] : memref<2x10240xf32, #tpu.memory_space<hbm>> -> memref<1x640xf32, #tpu.memory_space<hbm>>
      %dma_start3A_878 = tpu.memref_squeeze %dma_start3A_877 : memref<1x640xf32, #tpu.memory_space<hbm>> -> memref<640xf32, #tpu.memory_space<hbm>>
      %dma_start3A_879 = tpu.memref_slice %arg7[%arg0, %mul3A_876] : memref<2x10240xf32, #tpu.memory_space<hbm>> -> memref<1x640xf32, #tpu.memory_space<hbm>>
      %dma_start3A_880 = tpu.memref_squeeze %dma_start3A_879 : memref<1x640xf32, #tpu.memory_space<hbm>> -> memref<640xf32, #tpu.memory_space<hbm>>
      tpu.enqueue_dma source(%arg20 : memref<640xf32, #tpu.memory_space<vmem>>) target(%dma_start3A_880 : memref<640xf32, #tpu.memory_space<hbm>>) target_semaphore(%run_scoped3A : memref<!tpu.dma_semaphore, #tpu.memory_space<semaphore_mem>>)
      %dma_wait3A_881 = tpu.memref_slice %arg7[%arg0, %mul3A_876] : memref<2x10240xf32, #tpu.memory_space<hbm>> -> memref<1x640xf32, #tpu.memory_space<hbm>>
      %dma_wait3A_882 = tpu.memref_squeeze %dma_wait3A_881 : memref<1x640xf32, #tpu.memory_space<hbm>> -> memref<640xf32, #tpu.memory_space<hbm>>
      %dma_wait3A_883 = tpu.memref_slice %arg7[%arg0, %mul3A_876] : memref<2x10240xf32, #tpu.memory_space<hbm>> -> memref<1x640xf32, #tpu.memory_space<hbm>>
      %dma_wait3A_884 = tpu.memref_squeeze %dma_wait3A_883 : memref<1x640xf32, #tpu.memory_space<hbm>> -> memref<640xf32, #tpu.memory_space<hbm>>
      tpu.wait_dma2 semaphore(%run_scoped3A : memref<!tpu.dma_semaphore, #tpu.memory_space<semaphore_mem>>) src(%arg20 : memref<640xf32, #tpu.memory_space<vmem>>) dst(%dma_wait3A_884 : memref<640xf32, #tpu.memory_space<hbm>>)
      tpu.yield
    }) : () -> ()
    return
  }
}

module attributes {stable_mosaic.version = 14 : i64} {
  func.func @_pre_body(%arg0: i32, %arg1: memref<2000x128xf32, #tpu.memory_space<vmem>>, %arg2: memref<128x128xf32, #tpu.memory_space<vmem>>, %arg3: memref<128x128xf32, #tpu.memory_space<vmem>>, %arg4: memref<1x128xf32, #tpu.memory_space<vmem>>, %arg5: memref<2000x128xf32, #tpu.memory_space<vmem>>, %arg6: memref<2000x128xf32, #tpu.memory_space<vmem>>) attributes {dimension_semantics = [#tpu.dimension_semantics<arbitrary>], iteration_bounds = array<i64: 5>, scalar_prefetch = 0 : i64, scratch_operands = 0 : i64, tpu.core_type = #tpu.core_type<tc>, window_params = [{transform_indices = @transform_0, window_bounds = array<i64: 2000, 128>}, {pipeline_mode = #tpu.pipeline_mode<synchronous>, transform_indices = @transform_1, window_bounds = array<i64: 128, 128>}, {pipeline_mode = #tpu.pipeline_mode<synchronous>, transform_indices = @transform_2, window_bounds = array<i64: 128, 128>}, {pipeline_mode = #tpu.pipeline_mode<synchronous>, transform_indices = @transform_3, window_bounds = array<i64: 1, 128>}, {transform_indices = @transform_4, window_bounds = array<i64: 2000, 128>}, {transform_indices = @transform_5, window_bounds = array<i64: 2000, 128>}]} {
    %get3A = arith.constant 0 : index
    %get3A_0 = arith.constant 0 : index
    %get3A_1 = vector.load %arg1[%get3A, %get3A_0] : memref<2000x128xf32, #tpu.memory_space<vmem>>, vector<2000x128xf32>
    %get3A_2 = arith.constant 0 : index
    %get3A_3 = arith.constant 0 : index
    %get3A_4 = vector.load %arg4[%get3A_2, %get3A_3] : memref<1x128xf32, #tpu.memory_space<vmem>>, vector<1x128xf32>
    %get3A_5 = arith.constant 0 : index
    %get3A_6 = arith.constant 0 : index
    %get3A_7 = vector.load %arg2[%get3A_5, %get3A_6] : memref<128x128xf32, #tpu.memory_space<vmem>>, vector<128x128xf32>
    %dot_general3A = arith.constant dense<0.000000e+00> : vector<2000x128xf32>
    %dot_general3A_8 = tpu.matmul %get3A_1, %get3A_7, %dot_general3A {dimension_numbers = #tpu.dot_dimension_numbers<[1], [0], [0], [1], [0, 0, 1, 1], [], []>, transpose_lhs_hint = false} : vector<2000x128xf32>, vector<128x128xf32>, vector<2000x128xf32> -> vector<2000x128xf32>
    %add3A = vector.broadcast %get3A_4 : vector<1x128xf32> to vector<2000x128xf32>
    %add3A_9 = arith.addf %dot_general3A_8, %add3A : vector<2000x128xf32>
    %swap3A = arith.constant 0 : index
    %swap3A_10 = arith.constant 0 : index
    %swap3A_11 = vector.load %arg5[%swap3A, %swap3A_10] : memref<2000x128xf32, #tpu.memory_space<vmem>>, vector<2000x128xf32>
    tpu.vector_store %arg5[%swap3A, %swap3A_10], %add3A_9 {strides = array<i32>} : memref<2000x128xf32, #tpu.memory_space<vmem>>, vector<2000x128xf32>,
    %get3A_12 = arith.constant 0 : index
    %get3A_13 = arith.constant 0 : index
    %get3A_14 = vector.load %arg3[%get3A_12, %get3A_13] : memref<128x128xf32, #tpu.memory_space<vmem>>, vector<128x128xf32>
    %dot_general3A_15 = arith.constant dense<0.000000e+00> : vector<2000x128xf32>
    %dot_general3A_16 = tpu.matmul %get3A_1, %get3A_14, %dot_general3A_15 {dimension_numbers = #tpu.dot_dimension_numbers<[1], [0], [0], [1], [0, 0, 1, 1], [], []>, transpose_lhs_hint = false} : vector<2000x128xf32>, vector<128x128xf32>, vector<2000x128xf32> -> vector<2000x128xf32>
    %add3A_17 = vector.broadcast %get3A_4 : vector<1x128xf32> to vector<2000x128xf32>
    %add3A_18 = arith.addf %dot_general3A_16, %add3A_17 : vector<2000x128xf32>
    %swap3A_19 = arith.constant 0 : index
    %swap3A_20 = arith.constant 0 : index
    %swap3A_21 = vector.load %arg6[%swap3A_19, %swap3A_20] : memref<2000x128xf32, #tpu.memory_space<vmem>>, vector<2000x128xf32>
    tpu.vector_store %arg6[%swap3A_19, %swap3A_20], %add3A_18 {strides = array<i32>} : memref<2000x128xf32, #tpu.memory_space<vmem>>, vector<2000x128xf32>,
    return
  }
  func.func @transform_0(%arg0: i32) -> (i32, i32) {
    %c0_i32 = arith.constant 0 : i32
    %c0_i32_0 = arith.constant 0 : i32
    return %arg0, %c0_i32 : i32, i32
  }
  func.func @transform_1(%arg0: i32) -> (i32, i32) {
    %c0_i32 = arith.constant 0 : i32
    %c0_i32_0 = arith.constant 0 : i32
    %c0_i32_1 = arith.constant 0 : i32
    return %c0_i32, %c0_i32_0 : i32, i32
  }
  func.func @transform_2(%arg0: i32) -> (i32, i32) {
    %c0_i32 = arith.constant 0 : i32
    %c0_i32_0 = arith.constant 0 : i32
    %c0_i32_1 = arith.constant 0 : i32
    return %c0_i32, %c0_i32_0 : i32, i32
  }
  func.func @transform_3(%arg0: i32) -> (i32, i32) {
    %c0_i32 = arith.constant 0 : i32
    %c0_i32_0 = arith.constant 0 : i32
    %c0_i32_1 = arith.constant 0 : i32
    return %c0_i32, %c0_i32_0 : i32, i32
  }
  func.func @transform_4(%arg0: i32) -> (i32, i32) {
    %c0_i32 = arith.constant 0 : i32
    %c0_i32_0 = arith.constant 0 : i32
    return %arg0, %c0_i32 : i32, i32
  }
  func.func @transform_5(%arg0: i32) -> (i32, i32) {
    %c0_i32 = arith.constant 0 : i32
    %c0_i32_0 = arith.constant 0 : i32
    return %arg0, %c0_i32 : i32, i32
  }
}

module attributes {stable_mosaic.version = 14 : i64} {
  func.func @_post_body(%arg0: i32, %arg1: memref<1x2000x128xf32, #tpu.memory_space<vmem>>, %arg2: memref<1x2000x128xf32, #tpu.memory_space<vmem>>, %arg3: memref<1x2000x1xf32, #tpu.memory_space<vmem>>, %arg4: memref<1x2000x1xf32, #tpu.memory_space<vmem>>, %arg5: memref<2000x128xf32, #tpu.memory_space<vmem>>, %arg6: memref<128x128xf32, #tpu.memory_space<vmem>>, %arg7: memref<1x128xf32, #tpu.memory_space<vmem>>, %arg8: memref<128x128xf32, #tpu.memory_space<vmem>>, %arg9: memref<128x128xf32, #tpu.memory_space<vmem>>, %arg10: memref<1x128xf32, #tpu.memory_space<vmem>>, %arg11: memref<128x128xf32, #tpu.memory_space<vmem>>, %arg12: memref<1x128xf32, #tpu.memory_space<vmem>>, %arg13: memref<2000x128xf32, #tpu.memory_space<vmem>>) attributes {dimension_semantics = [#tpu.dimension_semantics<arbitrary>], iteration_bounds = array<i64: 5>, scalar_prefetch = 0 : i64, scratch_operands = 0 : i64, tpu.core_type = #tpu.core_type<tc>, window_params = [{transform_indices = @transform_0, window_bounds = array<i64: 1, 2000, 128>}, {transform_indices = @transform_1, window_bounds = array<i64: 1, 2000, 128>}, {transform_indices = @transform_2, window_bounds = array<i64: 1, 2000, 1>}, {transform_indices = @transform_3, window_bounds = array<i64: 1, 2000, 1>}, {transform_indices = @transform_4, window_bounds = array<i64: 2000, 128>}, {pipeline_mode = #tpu.pipeline_mode<synchronous>, transform_indices = @transform_5, window_bounds = array<i64: 128, 128>}, {pipeline_mode = #tpu.pipeline_mode<synchronous>, transform_indices = @transform_6, window_bounds = array<i64: 1, 128>}, {pipeline_mode = #tpu.pipeline_mode<synchronous>, transform_indices = @transform_7, window_bounds = array<i64: 128, 128>}, {pipeline_mode = #tpu.pipeline_mode<synchronous>, transform_indices = @transform_8, window_bounds = array<i64: 128, 128>}, {pipeline_mode = #tpu.pipeline_mode<synchronous>, transform_indices = @transform_9, window_bounds = array<i64: 1, 128>}, {pipeline_mode = #tpu.pipeline_mode<synchronous>, transform_indices = @transform_10, window_bounds = array<i64: 128, 128>}, {pipeline_mode = #tpu.pipeline_mode<synchronous>, transform_indices = @transform_11, window_bounds = array<i64: 1, 128>}, {transform_indices = @transform_12, window_bounds = array<i64: 2000, 128>}]} {
    %get3A = arith.constant 0 : index
    %get3A_0 = arith.constant 0 : index
    %get3A_1 = arith.constant 0 : index
    %get3A_2 = vector.load %arg1[%get3A, %get3A_0, %get3A_1] : memref<1x2000x128xf32, #tpu.memory_space<vmem>>, vector<1x2000x128xf32>
    %get3A_3 = vector.shape_cast %get3A_2 : vector<1x2000x128xf32> to vector<2000x128xf32>
    %get3A_4 = arith.constant 0 : index
    %get3A_5 = arith.constant 0 : index
    %get3A_6 = arith.constant 0 : index
    %get3A_7 = vector.load %arg2[%get3A_4, %get3A_5, %get3A_6] : memref<1x2000x128xf32, #tpu.memory_space<vmem>>, vector<1x2000x128xf32>
    %get3A_8 = vector.shape_cast %get3A_7 : vector<1x2000x128xf32> to vector<2000x128xf32>
    %add3A = arith.addf %get3A_3, %get3A_8 : vector<2000x128xf32>
    %get3A_9 = arith.constant 0 : index
    %get3A_10 = arith.constant 0 : index
    %get3A_11 = arith.constant 0 : index
    %get3A_12 = vector.load %arg3[%get3A_9, %get3A_10, %get3A_11] : memref<1x2000x1xf32, #tpu.memory_space<vmem>>, vector<1x2000x1xf32>
    %get3A_13 = vector.shape_cast %get3A_12 : vector<1x2000x1xf32> to vector<2000x1xf32>
    %get3A_14 = arith.constant 0 : index
    %get3A_15 = arith.constant 0 : index
    %get3A_16 = arith.constant 0 : index
    %get3A_17 = vector.load %arg4[%get3A_14, %get3A_15, %get3A_16] : memref<1x2000x1xf32, #tpu.memory_space<vmem>>, vector<1x2000x1xf32>
    %get3A_18 = vector.shape_cast %get3A_17 : vector<1x2000x1xf32> to vector<2000x1xf32>
    %add3A_19 = arith.addf %get3A_13, %get3A_18 : vector<2000x1xf32>
    %get3A_20 = arith.constant 0 : index
    %get3A_21 = arith.constant 0 : index
    %get3A_22 = vector.load %arg6[%get3A_20, %get3A_21] : memref<128x128xf32, #tpu.memory_space<vmem>>, vector<128x128xf32>
    %dot_general3A = arith.constant dense<0.000000e+00> : vector<2000x128xf32>
    %dot_general3A_23 = tpu.matmul %add3A, %get3A_22, %dot_general3A {dimension_numbers = #tpu.dot_dimension_numbers<[1], [0], [0], [1], [0, 0, 1, 1], [], []>, transpose_lhs_hint = false} : vector<2000x128xf32>, vector<128x128xf32>, vector<2000x128xf32> -> vector<2000x128xf32>
    %get3A_24 = arith.constant 0 : index
    %get3A_25 = arith.constant 0 : index
    %get3A_26 = vector.load %arg7[%get3A_24, %get3A_25] : memref<1x128xf32, #tpu.memory_space<vmem>>, vector<1x128xf32>
    %mul3A = vector.broadcast %add3A_19 : vector<2000x1xf32> to vector<2000x128xf32>
    %mul3A_27 = vector.broadcast %get3A_26 : vector<1x128xf32> to vector<2000x128xf32>
    %mul3A_28 = arith.mulf %mul3A, %mul3A_27 : vector<2000x128xf32>
    %add3A_29 = arith.addf %dot_general3A_23, %mul3A_28 : vector<2000x128xf32>
    %get3A_30 = arith.constant 0 : index
    %get3A_31 = arith.constant 0 : index
    %get3A_32 = vector.load %arg5[%get3A_30, %get3A_31] : memref<2000x128xf32, #tpu.memory_space<vmem>>, vector<2000x128xf32>
    %get3A_33 = arith.constant 0 : index
    %get3A_34 = arith.constant 0 : index
    %get3A_35 = vector.load %arg8[%get3A_33, %get3A_34] : memref<128x128xf32, #tpu.memory_space<vmem>>, vector<128x128xf32>
    %dot_general3A_36 = arith.constant dense<0.000000e+00> : vector<2000x128xf32>
    %dot_general3A_37 = tpu.matmul %get3A_32, %get3A_35, %dot_general3A_36 {dimension_numbers = #tpu.dot_dimension_numbers<[1], [0], [0], [1], [0, 0, 1, 1], [], []>, transpose_lhs_hint = false} : vector<2000x128xf32>, vector<128x128xf32>, vector<2000x128xf32> -> vector<2000x128xf32>
    %get3A_38 = arith.constant 0 : index
    %get3A_39 = arith.constant 0 : index
    %get3A_40 = vector.load %arg9[%get3A_38, %get3A_39] : memref<128x128xf32, #tpu.memory_space<vmem>>, vector<128x128xf32>
    %dot_general3A_41 = arith.constant dense<0.000000e+00> : vector<2000x128xf32>
    %dot_general3A_42 = tpu.matmul %add3A_29, %get3A_40, %dot_general3A_41 {dimension_numbers = #tpu.dot_dimension_numbers<[1], [0], [0], [1], [0, 0, 1, 1], [], []>, transpose_lhs_hint = false} : vector<2000x128xf32>, vector<128x128xf32>, vector<2000x128xf32> -> vector<2000x128xf32>
    %add3A_43 = arith.addf %dot_general3A_37, %dot_general3A_42 : vector<2000x128xf32>
    %get3A_44 = arith.constant 0 : index
    %get3A_45 = arith.constant 0 : index
    %get3A_46 = vector.load %arg10[%get3A_44, %get3A_45] : memref<1x128xf32, #tpu.memory_space<vmem>>, vector<1x128xf32>
    %add3A_47 = vector.broadcast %get3A_46 : vector<1x128xf32> to vector<2000x128xf32>
    %add3A_48 = arith.addf %add3A_43, %add3A_47 : vector<2000x128xf32>
    %max3A = arith.constant 0.000000e+00 : f32
    %max3A_49 = vector.broadcast %max3A : f32 to vector<2000x128xf32>
    %max3A_50 = arith.maximumf %add3A_48, %max3A_49 : vector<2000x128xf32>
    %get3A_51 = arith.constant 0 : index
    %get3A_52 = arith.constant 0 : index
    %get3A_53 = vector.load %arg11[%get3A_51, %get3A_52] : memref<128x128xf32, #tpu.memory_space<vmem>>, vector<128x128xf32>
    %dot_general3A_54 = arith.constant dense<0.000000e+00> : vector<2000x128xf32>
    %dot_general3A_55 = tpu.matmul %max3A_50, %get3A_53, %dot_general3A_54 {dimension_numbers = #tpu.dot_dimension_numbers<[1], [0], [0], [1], [0, 0, 1, 1], [], []>, transpose_lhs_hint = false} : vector<2000x128xf32>, vector<128x128xf32>, vector<2000x128xf32> -> vector<2000x128xf32>
    %get3A_56 = arith.constant 0 : index
    %get3A_57 = arith.constant 0 : index
    %get3A_58 = vector.load %arg12[%get3A_56, %get3A_57] : memref<1x128xf32, #tpu.memory_space<vmem>>, vector<1x128xf32>
    %add3A_59 = vector.broadcast %get3A_58 : vector<1x128xf32> to vector<2000x128xf32>
    %add3A_60 = arith.addf %dot_general3A_55, %add3A_59 : vector<2000x128xf32>
    %swap3A = arith.constant 0 : index
    %swap3A_61 = arith.constant 0 : index
    %swap3A_62 = vector.load %arg13[%swap3A, %swap3A_61] : memref<2000x128xf32, #tpu.memory_space<vmem>>, vector<2000x128xf32>
    tpu.vector_store %arg13[%swap3A, %swap3A_61], %add3A_60 {strides = array<i32>} : memref<2000x128xf32, #tpu.memory_space<vmem>>, vector<2000x128xf32>,
    return
  }
  func.func @transform_0(%arg0: i32) -> (i32, i32, i32) {
    %c0_i32 = arith.constant 0 : i32
    %c0_i32_0 = arith.constant 0 : i32
    %c0_i32_1 = arith.constant 0 : i32
    return %c0_i32, %arg0, %c0_i32_0 : i32, i32, i32
  }
  func.func @transform_1(%arg0: i32) -> (i32, i32, i32) {
    %c1_i32 = arith.constant 1 : i32
    %c0_i32 = arith.constant 0 : i32
    %c0_i32_0 = arith.constant 0 : i32
    return %c1_i32, %arg0, %c0_i32 : i32, i32, i32
  }
  func.func @transform_2(%arg0: i32) -> (i32, i32, i32) {
    %c0_i32 = arith.constant 0 : i32
    %c0_i32_0 = arith.constant 0 : i32
    %c0_i32_1 = arith.constant 0 : i32
    return %c0_i32, %arg0, %c0_i32_0 : i32, i32, i32
  }
  func.func @transform_3(%arg0: i32) -> (i32, i32, i32) {
    %c1_i32 = arith.constant 1 : i32
    %c0_i32 = arith.constant 0 : i32
    %c0_i32_0 = arith.constant 0 : i32
    return %c1_i32, %arg0, %c0_i32 : i32, i32, i32
  }
  func.func @transform_4(%arg0: i32) -> (i32, i32) {
    %c0_i32 = arith.constant 0 : i32
    %c0_i32_0 = arith.constant 0 : i32
    return %arg0, %c0_i32 : i32, i32
  }
  func.func @transform_5(%arg0: i32) -> (i32, i32) {
    %c0_i32 = arith.constant 0 : i32
    %c0_i32_0 = arith.constant 0 : i32
    %c0_i32_1 = arith.constant 0 : i32
    return %c0_i32, %c0_i32_0 : i32, i32
  }
  func.func @transform_6(%arg0: i32) -> (i32, i32) {
    %c0_i32 = arith.constant 0 : i32
    %c0_i32_0 = arith.constant 0 : i32
    %c0_i32_1 = arith.constant 0 : i32
    return %c0_i32, %c0_i32_0 : i32, i32
  }
  func.func @transform_7(%arg0: i32) -> (i32, i32) {
    %c0_i32 = arith.constant 0 : i32
    %c0_i32_0 = arith.constant 0 : i32
    %c0_i32_1 = arith.constant 0 : i32
    return %c0_i32, %c0_i32_0 : i32, i32
  }
  func.func @transform_8(%arg0: i32) -> (i32, i32) {
    %c0_i32 = arith.constant 0 : i32
    %c0_i32_0 = arith.constant 0 : i32
    %c0_i32_1 = arith.constant 0 : i32
    return %c0_i32, %c0_i32_0 : i32, i32
  }
  func.func @transform_9(%arg0: i32) -> (i32, i32) {
    %c0_i32 = arith.constant 0 : i32
    %c0_i32_0 = arith.constant 0 : i32
    %c0_i32_1 = arith.constant 0 : i32
    return %c0_i32, %c0_i32_0 : i32, i32
  }
  func.func @transform_10(%arg0: i32) -> (i32, i32) {
    %c0_i32 = arith.constant 0 : i32
    %c0_i32_0 = arith.constant 0 : i32
    %c0_i32_1 = arith.constant 0 : i32
    return %c0_i32, %c0_i32_0 : i32, i32
  }
  func.func @transform_11(%arg0: i32) -> (i32, i32) {
    %c0_i32 = arith.constant 0 : i32
    %c0_i32_0 = arith.constant 0 : i32
    %c0_i32_1 = arith.constant 0 : i32
    return %c0_i32, %c0_i32_0 : i32, i32
  }
  func.func @transform_12(%arg0: i32) -> (i32, i32) {
    %c0_i32 = arith.constant 0 : i32
    %c0_i32_0 = arith.constant 0 : i32
    return %arg0, %c0_i32 : i32, i32
  }
}

</mosaic_0001>

<sc_bundles>
// kernel: kernel.5.cloned.1.call-start
scs
__scs_entry_jumppad:
0x0: {  	(pc) =	sbr.rel $0x88, $3  }
0x1: {  	(tag) =	ssettag $0x0;
	lr =	simm.s32 $0x1  }
0x2: {  	[smem:$0x3F97] =	sst lr;
	_ =	strace $0xD0000000  }
0x3: {  	_ = 	snop  }
0x4: {  	_ = 	snop  }
0x5: {  	_ = 	snop  }
0x6: {  	_ = 	snop  }
0x7: {  	_ = 	snop  }
__scs_overlays_trampoline_lowered:
0x8: {  	[smem:$0x3FA6] =	sst s0  }
0x9: {  	[smem:$0x3FA7] =	sst s1  }
0xa: {  	[smem:$0x3FA8] =	sst s2  }
0xb: {  	[smem:$0x3FA9] =	sst s3  }
0xc: {  	[smem:$0x3FAA] =	sst s4  }
0xd: {  	[smem:$0x3FAB] =	sst s5  }
0xe: {  	[smem:$0x3FAC] =	sst s6  }
0xf: {  	[smem:$0x3FAD] =	sst s7  }
0x10: {  	[smem:$0x3FAE] =	sst s8  }
0x11: {  	[smem:$0x3FAF] =	sst s9;
	s0 =	simm.s32 @!p0 $0x0  }
0x12: {  	s1 =	sld [smem:$0x3F95];
	s0 =	simm.s32 @p0 $0x1  }
0x13: {  	[smem:$0x3FB0] =	sst s0;
	s0 =	simm.s32 @!p1 $0x0  }
0x14: {  	s2 =	sld [smem:$0x3F94];
	s0 =	simm.s32 @p1 $0x1  }
0x15: {  	[smem:$0x3FB1] =	sst s0;
	s0 =	simm.s32 @!p2 $0x0  }
0x16: {  	s3 =	sld [smem:$0x3FDB];
	s0 =	simm.s32 @p2 $0x1  }
0x17: {  	s4 =	simm.s32 $0x1BF5;
	[smem:$0x3FB3] =	sst s0  }
0x18: {  	s0 =	sld [smem:$0x3F96];
	_ =	swait.ge [sflag:s4], $0x0  }
0x19: {  	s7 =	sld [smem:$0x3F97]  }
0x1a: {  	s8 =	sadd.s32 $0xFFFFE003, lr  }
0x1b: {  	s9 =	sadd.s32 $0xFFFFFEF7, lr;
	s5 =	simm.s32 $0xFFFFFFFF;
	p2 =	slt.u32 s8, $0xFFFFF086  }
0x1c: {  	p1 =	slt.u32 s9, $0xF7A;
	s5 =	simm.s32 @!p2 $0x0  }
0x1d: {  	s5 =	simm.s32 @p1 $0x1;
	p0 =	seq.s32 s7, s2  }
0x1e: {  	s7 =	smul.u32 @!p0 $0xF7A, s2;
	p2 =	seq.s32 @!p0 s5, $0x0  }
0x1f: {  	s9 =	smul.u32 $0xF7A, s1;
	s8 =	simm.s32 @!p0 $0x1BF5;
	p2 =	por !p2, p0  }
0x20: {  	[sflag:s8] =	ssyncset.s32 @!p0 $0xFFFFF086;
	s6 =	sadd.s32 @!p0 s3, s7;
	s7 =	simm.s32 @!p0 $0x108  }
0x21: {  	s3 =	sadd.s32 s3, s9;
	s6 =	sadd.s32 @!p0 $0x88, s6;
	s7 =	simm.s32 @p2 $0x1082  }
0x22: {  	[simem:s7], [sflag:s8] =	dma.local @!p0 [hbm:s6], $0xF7A  }
0x23: {  	s9 =	sor.u32 $0xD0000000, s2;
	s6 =	simm.s32 $0x108;
	_ =	swait.ge @!p0 [sflag:s8], $0x0  }
0x24: {  	s3 =	sadd.s32 $0x88, s3;
	s6 =	simm.s32 @!p1 $0x1082;
	[sflag:s4] =	ssyncset.s32 $0xFFFFF086  }
0x25: {  	[simem:s6], [sflag:s4] =	dma.local [hbm:s3], $0xF7A  }
0x26: {  	[smem:$0x3F97] =	sst s1;
	(tag) =	ssettag s2;
	_ =	strace s9  }
0x27: {  	s1 =	sld [smem:$0x3FA7]  }
0x28: {  	s2 =	sld [smem:$0x3FA8]  }
0x29: {  	s4 =	sld [smem:$0x3FAA]  }
0x2a: {  	p0 =	seq.s32 s5, $0x0;
	s5 =	sld [smem:$0x3FAB]  }
0x2b: {  	s6 =	sld [smem:$0x3FAC]  }
0x2c: {  	s7 =	sld [smem:$0x3FAD]  }
0x2d: {  	s3 =	simm.s32 $0x108;
	s8 =	sld [smem:$0x3FAE]  }
0x2e: {  	s3 =	simm.s32 @!p0 $0x1082;
	s9 =	sld [smem:$0x3FAF]  }
0x2f: {  	lr =	sadd.s32 s0, s3;
	s0 =	sld [smem:$0x3FA6]  }
0x30: {  	s3 =	sld [smem:$0x3FA9]  }
0x31: {  	[smem:$0x3FB2] =	sst s10  }
0x32: {  	s10 =	sld [smem:$0x3FB0];
	_ =	sdelay $0x3  }
0x33: {  	p0 =	seq.s32 s10, $0x1;
	s10 =	sld [smem:$0x3FB2];
	_ =	sdelay $0x3  }
0x34: {  	[smem:$0x3FB2] =	sst s10  }
0x35: {  	s10 =	sld [smem:$0x3FB1];
	_ =	sdelay $0x3  }
0x36: {  	p1 =	seq.s32 s10, $0x1;
	s10 =	sld [smem:$0x3FB2];
	_ =	sdelay $0x3  }
0x37: {  	[smem:$0x3FB2] =	sst s10  }
0x38: {  	s10 =	sld [smem:$0x3FB3]  }
0x39: {  	_ = 	snop;
	(pc) =	sbr.ind lr, $3  }
0x3a: {  	_ = 	snop  }
0x3b: {  	_ = 	snop  }
0x3c: {  	p2 =	seq.s32 s10, $0x1;
	s10 =	sld [smem:$0x3FB2]  }
0x3d: {  	_ =	shalt  }
0x3e: {  	_ =	shalt  }
0x3f: {  	_ =	shalt  }
0x40: {  	_ =	shalt  }
0x41: {  	_ =	shalt  }
0x42: {  	_ =	shalt  }
0x43: {  	_ =	shalt  }
0x44: {  	_ =	shalt  }
0x45: {  	_ =	shalt  }
0x46: {  	_ =	shalt  }
0x47: {  	_ =	shalt  }
0x48: {  	_ =	shalt  }
0x49: {  	_ =	shalt  }
0x4a: {  	_ =	shalt  }
0x4b: {  	_ =	shalt  }
0x4c: {  	_ =	shalt  }
0x4d: {  	_ =	shalt  }
0x4e: {  	_ =	shalt  }
0x4f: {  	_ =	shalt  }
0x50: {  	_ =	shalt  }
0x51: {  	_ =	shalt  }
0x52: {  	_ =	shalt  }
0x53: {  	_ =	shalt  }
0x54: {  	_ =	shalt  }
0x55: {  	_ =	shalt  }
0x56: {  	_ =	shalt  }
0x57: {  	_ =	shalt  }
0x58: {  	_ =	shalt  }
0x59: {  	_ =	shalt  }
0x5a: {  	_ =	shalt  }
0x5b: {  	_ =	shalt  }
0x5c: {  	_ =	shalt  }
0x5d: {  	_ =	shalt  }
0x5e: {  	_ =	shalt  }
0x5f: {  	_ =	shalt  }
0x60: {  	_ =	shalt  }
0x61: {  	_ =	shalt  }
0x62: {  	_ =	shalt  }
0x63: {  	_ =	shalt  }
0x64: {  	_ =	shalt  }
0x65: {  	_ =	shalt  }
0x66: {  	_ =	shalt  }
0x67: {  	_ =	shalt  }
0x68: {  	_ =	shalt  }
0x69: {  	_ =	shalt  }
0x6a: {  	_ =	shalt  }
0x6b: {  	_ =	shalt  }
0x6c: {  	_ =	shalt  }
0x6d: {  	_ =	shalt  }
0x6e: {  	_ =	shalt  }
0x6f: {  	_ =	shalt  }
0x70: {  	_ =	shalt  }
0x71: {  	_ =	shalt  }
0x72: {  	_ =	shalt  }
0x73: {  	_ =	shalt  }
0x74: {  	_ =	shalt  }
0x75: {  	_ =	shalt  }
0x76: {  	_ =	shalt  }
0x77: {  	_ =	shalt  }
0x78: {  	_ =	shalt  }
0x79: {  	_ =	shalt  }
0x7a: {  	_ =	shalt  }
0x7b: {  	_ =	shalt  }
0x7c: {  	_ =	shalt  }
0x7d: {  	_ =	shalt  }
0x7e: {  	_ =	shalt  }
0x7f: {  	_ =	shalt  }
0x80: {  	_ =	shalt  }
0x81: {  	_ =	shalt  }
0x82: {  	_ =	shalt  }
0x83: {  	_ =	shalt  }
0x84: {  	_ =	shalt  }
0x85: {  	_ =	shalt  }
0x86: {  	_ =	shalt  }
0x87: {  	_ =	shalt  }
.Lfunc_end0:
.L_simem_size_0:
called_computation_lowered:
.L_overlay_start_0:
0x88: {  	s2 =	sld [smem:$0x3FD9]  }
0x89: {  	s3 =	sld [smem:$0x3FFE];
	_ =	sdelay $0x1  }
0x8a: {  	s1 =	srdreg.scid  }
0x8b: {  	s0 =	sand.u32 $0x1, s1  }
0x8c: {  	s17 =	sshll.u32 s0, $0xA;
	s2 =	sadd.s32 s3, s2  }
0x8d: {  	s2 =	sadd.s32 s2, s17  }
0x8e: {  	[smem:$0x3FBE] =	sst s2  }
0x8f: {  	_ = 	snop  }
0x90: {  	s2 =	sld [smem:$0x3FD0];
	(tm) =	ssettm $0x1  }
0x91: {  	s18 =	sld [smem:$0x3FFB];
	_ =	sdelay $0x3  }
0x92: {  	_ =	strace s18  }
0x93: {  	s3 =	sld [smem:$0x3FFC];
	_ =	sdelay $0x3  }
0x94: {  	_ =	strace s3  }
0x95: {  	s3 =	sld [smem:$0x3FFD];
	_ =	sdelay $0x3  }
0x96: {  	_ =	strace s3  }
0x97: {  	_ =	strace $0x8FFFFFFF  }
0x98: {  	s19 =	sld [smem:$0x3FDB];
	_ =	sdelay $0x1  }
0x99: {  	s4 =	simm.s32 $_scs_section_size  }
0x9a: {  	s5 =	simm.s32 $_size__tile_overlayer_lowered;
	s6 =	simm.s32 $_tile_overlayer_lowered  }
0x9b: {  	s22 =	simm.s32 $0x1BFF;
	s21 =	sshll.u32 s6, $0x1;
	s3 =	sadd.s32 s4, s19  }
0x9c: {  	s7 =	simm.s32 $0x0;
	s20 =	sshll.u32 s5, $0x1;
	s5 =	sadd.s32 s21, s3  }
0x9d: {  	[timem:s7], [sflag:s22] =	dma.local [hbm:s5], s20  }
0x9e: {  	_ =	swait.ge [sflag:s22], s20  }
0x9f: {  	s4 =	ssub.s32 $0x0, s20;
	[sflag:s22] =	ssyncset.done $0x0  }
0xa0: {  	[sflag:s22] =	ssyncadd.s32 s4;
	_ =	sdelay $0x1  }
0xa1: {  	s23 =	simm.s32 $0x1B8B  }
0xa2: {  	_ =	swait.ge [sflag:s23], $0x1  }
0xa3: {  	[sflag:s23] =	ssyncset.done $0x0  }
0xa4: {  	s25 =	simm.s32 $0x1B8E;
	s24 =	sld [smem:$0x3FFE];
	[sflag:s23] =	ssyncadd.s32 $0xFFFFFFFF  }
0xa5: {  	s26 =	simm.s32 $execute0_lowered;
	[smem:$0x3FD2] =	sst s25  }
0xa6: {  	s5 =	sshll.u32 s26, $0x1;
	_ =	strace $0x80000046;
	[dreg:$0x1] =	wrdreg $0xFFFFFFFF  }
0xa7: {  	s28 =	simm.s32 $_size_execute0_lowered;
	s3 =	sadd.s32 s3, s5;
	[dreg:$0x0] =	wrdreg $0x0  }
0xa8: {  	s5 =	sshll.u32 s28, $0x1;
	[dreg:$0x2] =	wrdreg s3  }
0xa9: {  	[dreg:$0x3] =	wrdreg s5  }
0xaa: {  	[dreg:$0x4] =	wrdreg $0xC0  }
0xab: {  	_ =	task [dreg:s7], $0x5FFFF  }
0xac: {  	[dreg:$0x1] =	wrdreg $0xFFFFFFFF  }
0xad: {  	[dreg:$0x0] =	wrdreg $0x60  }
0xae: {  	[dreg:$0x2] =	wrdreg s24  }
0xaf: {  	[dreg:$0x3] =	wrdreg s2  }
0xb0: {  	[dreg:$0x4] =	wrdreg $0xA6000  }
0xb1: {  	[dreg:$0x5] =	wrdreg $0x1E6000  }
0xb2: {  	[dreg:$0x6] =	wrdreg $0x9  }
0xb3: {  	_ =	task.clear_ibuf [dreg:s7], $0x7FFFF;
	_ =	strace $0x90000046  }
0xb4: {  	s29 =	simm.s32 $0x9;
	_ =	strace $0x80000048  }
0xb5: {  	_ =	swait.ge [sflag:s29], $0x1  }
0xb6: {  	[sflag:s29] =	ssyncadd.s32 $0xFFFFFFFF  }
0xb7: {  	_ =	strace $0x90000048  }
0xb8: {  	_ =	sfence  }
0xb9: {  	s30 =	sld [smem:$0x0];
	_ =	sdelay $0x2  }
0xba: {  	s31 =	sshll.u32 s1, $0xD;
	s1 =	sshrl.u32 s1, $0x2  }
0xbb: {  	s3 =	sand.u32 $0x4000, s31;
	s1 =	sadd.s32 s1, s30  }
0xbc: {  	s0 =	sor.u32 s3, s0;
	s1 =	sshll.u32 s1, $0x11  }
0xbd: {  	s0 =	sor.u32 s1, s0  }
0xbe: {  	s0 =	sadd.s32 $0x8F2B, s0  }
0xbf: {  	[sflag:s0] =	ssyncadd.remote.s32 $0x1  }
0xc0: {  	_ =	sfence.sel $0xFFFF  }
0xc1: {  	[dreg:$0x0] =	wrdreg $0xFFFFFFFF;
	(pc) =	sbr.abs _section_cstart, $3  }
0xc2: {  	[dreg:$0x1] =	wrdreg $0xFFFFFFFF  }
0xc3: {  	_ =	task.clear_ibuf [dreg:s7], $0x2FFFF;
	_ =	strace $0x9FFFFFFF  }
0xc4: {  	(tm) =	ssettm $0x7FFFFFFF  }
0xc5: {  	_ =	shalt  }
tec
execute0_lowered:
.L_overlay_start_1:
0x0: {  	(tag) =	ssettag $0x1  }
0x1: {  	s0 =	rddreg [dreg:$0x0]  }
0x2: {  	s2 =	rddreg [dreg:$0x2]  }
0x3: {  	s17 =	rddreg [dreg:$0x3];
	s14 =	stileid.u32  }
0x4: {  	s4 =	srdreg.scid;
	s9 =	smul.u32 $0x14000, s14  }
0x5: {  	s15 =	simm.s32 $0x0;
	s4 =	sand.u32 $0x1, s4;
	s20 =	smul.u32 $0x500, s14  }
0x6: {  	[smem:$0x7FF] =	sst s15;
	s6 =	sadd.s32 $0xB800, s0;
	s22 =	smul.u32 $0x50000, s14  }
0x7: {  	s7 =	sadd.s32 $0x1A00, s0;
	s8 =	sadd.s32 $0x15600, s0;
	s13 =	smul.u32 $0xA00, s14  }
0x8: {  	s10 =	sshll.u32 s14, $0x1;
	s3 =	smov.u32 s2;
	s5 =	smul.u32 $0x140000, s4  }
0x9: {  	s11 =	sshll.u32 s4, $0x7;
	s10 =	sor.u32 s4, s10;
	s4 =	ssub.s32 $0x2, s4  }
0xa: {  	_ =	strace $0x80000047;
	s21 =	smul.u32 $0x9C, s10;
	s12 =	sshrl.u32 s4, $0x1  }
0xb: {  	s10 =	smin.u32 s10, $0x8;
	s13 =	sshrl.u32 s13, $0x2;
	s5 =	sadd.s32 s9, s5  }
0xc: {  	s9 =	sor.u32 s11, s20;
	s4 =	ssub.s32 s4, s12;
	s11 =	sshrl.u32 s22, $0x2  }
0xd: {  	s26 =	sadd.s32 s13, s17;
	s5 =	sshrl.u32 s5, $0x3;
	s9 =	sshrl.u32 s9, $0x3  }
0xe: {  	[dreg:$0xa] =	wrdreg s26;
	s5 =	sadd.s32 s5, s0;
	s0 =	sadd.s32 s9, s0  }
0xf: {  	s9 =	sadd.s32 s10, s21;
	s21 =	sadd.s32 s11, s2;
	s2 =	smax.u32 s4, $0x1  }
0x10: {  	[dreg:$0xc] =	wrdreg s2  }
0x11: {  	s0 =	sadd.s32 $0x3C800, s0;
	[dreg:$0x9] =	wrdreg s21  }
0x12: {  	s4 =	sadd.s32 $0x3D200, s5;
	[dreg:$0xb] =	wrdreg s0  }
0x13: {  	s11 =	sadd.s32 $0x3D600, s5;
	[dreg:$0xd] =	wrdreg s4  }
0x14: {  	s13 =	sadd.s32 $0x3DE00, s5;
	[dreg:$0xe] =	wrdreg s11  }
0x15: {  	s1 =	smov.u32 s17;
	s17 =	sadd.s32 $0x3E600, s5;
	[dreg:$0x10] =	wrdreg s13  }
0x16: {  	s18 =	sadd.s32 $0x3EA00, s5;
	[dreg:$0x12] =	wrdreg s17  }
0x17: {  	s19 =	sadd.s32 $0x3EE00, s5;
	[dreg:$0x13] =	wrdreg s18  }
0x18: {  	p0 =	slt.u32 s14, $0x4;
	s20 =	sadd.s32 $0x3F200, s5;
	[dreg:$0x14] =	wrdreg s19  }
0x19: {  	s10 =	simm.s32 $0x9D;
	s22 =	sadd.s32 $0x3F600, s5;
	[dreg:$0x15] =	wrdreg s20  }
0x1a: {  	s10 =	simm.s32 @!p0 $0x9C;
	s26 =	sadd.s32 $0x2000, s21;
	[dreg:$0x16] =	wrdreg s22  }
0x1b: {  	s23 =	sshll.u32 s9, $0x3;
	s2 =	sadd.s32 $0x2800, s21;
	[dreg:$0x1a] =	wrdreg s26  }
0x1c: {  	p0 =	sgt.u32 s14, $0x3;
	s14 =	sadd.s32 $0x5800, s21;
	[dreg:$0x1b] =	wrdreg s2  }
0x1d: {  	s16 =	sadd.s32 s6, s23;
	[smem:$0x7E1] =	sst s14  }
0x1e: {  	s24 =	sadd.s32 s7, s23;
	[dreg:$0x5] =	wrdreg s16  }
0x1f: {  	s12 =	sadd.s32 $0x8, s23;
	s23 =	sadd.s32 $0x800, s21;
	[dreg:$0x6] =	wrdreg s24  }
0x20: {  	s4 =	sadd.s32 $0x3000, s21;
	[dreg:$0x17] =	wrdreg s23  }
0x21: {  	s11 =	sadd.s32 $0x4000, s21;
	[dreg:$0x1c] =	wrdreg s4  }
0x22: {  	s13 =	sadd.s32 $0x5000, s21;
	[dreg:$0x1e] =	wrdreg s11  }
0x23: {  	s17 =	sadd.s32 $0x6800, s21;
	[smem:$0x7E0] =	sst s13  }
0x24: {  	s18 =	sadd.s32 $0x7000, s21;
	[smem:$0x7E3] =	sst s17  }
0x25: {  	s19 =	sadd.s32 $0x7800, s21;
	[smem:$0x7E4] =	sst s18  }
0x26: {  	s20 =	sadd.s32 $0x8000, s21;
	[smem:$0x7E5] =	sst s19  }
0x27: {  	s22 =	sadd.s32 $0x8800, s21;
	[smem:$0x7E6] =	sst s20  }
0x28: {  	s26 =	sadd.s32 $0xB000, s21;
	[smem:$0x7E7] =	sst s22  }
0x29: {  	s2 =	sadd.s32 $0xB800, s21;
	[smem:$0x7EB] =	sst s26  }
0x2a: {  	s14 =	sadd.s32 $0xE000, s21;
	[smem:$0x7EC] =	sst s2  }
0x2b: {  	s25 =	sadd.s32 s6, s12;
	[smem:$0x7F1] =	sst s14  }
0x2c: {  	s12 =	sadd.s32 s7, s12;
	[dreg:$0x7] =	wrdreg s25  }
0x2d: {  	s16 =	sadd.s32 $0x3E200, s5;
	[dreg:$0x8] =	wrdreg s12  }
0x2e: {  	s24 =	sadd.s32 $0x1000, s21;
	[dreg:$0x11] =	wrdreg s16  }
0x2f: {  	s23 =	sadd.s32 $0x9000, s21;
	[dreg:$0x18] =	wrdreg s24  }
0x30: {  	s4 =	sadd.s32 $0xC000, s21;
	[smem:$0x7E8] =	sst s23  }
0x31: {  	s11 =	sadd.s32 $0xC800, s21;
	[smem:$0x7ED] =	sst s4  }
0x32: {  	s13 =	sadd.s32 $0xD800, s21;
	[smem:$0x7EE] =	sst s11  }
0x33: {  	s17 =	sadd.s32 $0xF000, s21;
	[smem:$0x7F0] =	sst s13  }
0x34: {  	s30 =	simm.s32 $0x80;
	s18 =	sadd.s32 $0xF800, s21;
	[smem:$0x7F3] =	sst s17  }
0x35: {  	s31 =	simm.s32 $0xD;
	s19 =	sadd.s32 $0x10000, s21;
	[smem:$0x7F4] =	sst s18  }
0x36: {  	s28 =	simm.s32 $0xC;
	s20 =	sadd.s32 $0x10800, s21;
	[smem:$0x7F5] =	sst s19  }
0x37: {  	s29 =	simm.s32 $0x4;
	s22 =	sadd.s32 $0x11000, s21;
	[smem:$0x7F6] =	sst s20  }
0x38: {  	s0 =	simm.s32 $0x1;
	s26 =	sadd.s32 $0x13800, s21;
	[smem:$0x7F7] =	sst s22  }
0x39: {  	s2 =	simm.s32 $0x4300;
	s12 =	sadd.s32 $0x3DA00, s5;
	[smem:$0x7FB] =	sst s26  }
0x3a: {  	s14 =	simm.s32 $0x200;
	s25 =	sadd.s32 $0x1800, s21;
	[dreg:$0xf] =	wrdreg s12  }
0x3b: {  	s5 =	sadd.s32 $0x3800, s21;
	s16 =	sadd.s32 $0x6000, s21;
	[dreg:$0x19] =	wrdreg s25  }
0x3c: {  	s24 =	sadd.s32 $0x9800, s21;
	s23 =	sadd.s32 $0x11800, s21;
	[dreg:$0x1d] =	wrdreg s5  }
0x3d: {  	s19 =	simm.s32 $0x40;
	s22 =	simm.s32 $0x300;
	[smem:$0x7E2] =	sst s16  }
0x3e: {  	s26 =	simm.s32 $0x8300;
	s13 =	simm.s32 $0xA380;
	[smem:$0x7E9] =	sst s24  }
0x3f: {  	s17 =	simm.s32 $0xA;
	s12 =	sadd.s32 $0x4800, s21;
	[smem:$0x7F8] =	sst s23  }
0x40: {  	s20 =	simm.s32 $0xA300;
	s25 =	sadd.s32 $0xA800, s21;
	[dreg:$0x1f] =	wrdreg s12  }
0x41: {  	s11 =	simm.s32 $0x5;
	s16 =	sadd.s32 $0xE800, s21;
	[smem:$0x7EA] =	sst s25  }
0x42: {  	s18 =	simm.s32 $0x7;
	s24 =	sadd.s32 $0x12800, s21;
	[smem:$0x7F2] =	sst s16  }
.Ltmp0:
0x43: {  	s5 =	sadd.s32 $0xA000, s21;
	[smem:$0x7F9] =	sst s24;
	(pc) =	sbr.rel .LBB2_1-.Ltmp0, $4  }
0x44: {  	s4 =	simm.s32 $0x0;
	s12 =	sadd.s32 $0xD000, s21;
	[smem:$0x7FC] =	sst s5  }
0x45: {  	s23 =	simm.s32 $0x280;
	s25 =	sadd.s32 $0x13000, s21;
	[smem:$0x7EF] =	sst s12  }
0x46: {  	s16 =	sadd.s32 $0x12000, s21;
	s24 =	simm.s32 $0x3;
	[smem:$0x7FA] =	sst s25  }
0x47: {  	v0 =	vimm.f32 $0.0e+00;
	v1 =	vimm.f32 $1.000000000e+00;
	s25 =	simm.s32 $0x100;
	s12 =	simm.s32 $0x2;
	[smem:$0x7FD] =	sst s16  }
.LBB2_10:
0x48: {  	s2 =	rddreg [dreg:$0x9]  }
0x49: {  	s21 =	rddreg [dreg:$0x1a]  }
0x4a: {  	s5 =	simm.s32 $0x8;
	s13 =	simm.s32 $0x6;
	s4 =	sld [smem:$0x7DF]  }
.LBB2_14:
0x4b: {  	_ =	swait.ge [sflag:s13], $0x2000  }
0x4c: {  	[sflag:s13] =	ssyncset.done $0x0  }
0x4d: {  	[sflag:s13] =	ssyncadd.s32 $0xFFFFE000  }
0x4e: {  	_ =	swait.ge [sflag:s5], $0x40  }
0x4f: {  	[sflag:s5] =	ssyncset.done $0x0  }
0x50: {  	[sflag:s5] =	ssyncadd.s32 $0xFFFFFFC0  }
0x51: {  	[bflag:$0x0] =	sbarrier.arrive $0xFFFF  }
0x52: {  	[tilespmem:s16], [sflag:$0x1] =	stream.linear.gather [spmem:s2], $0x2000, $0x38;
	[tilespmem:$0x1E880] =	vst v63  }
0x53: {  	_ =	swait.ge [sflag:s0], $0x2000  }
0x54: {  	[sflag:s0] =	ssyncset.done $0x0  }
0x55: {  	s13 =	simm.s32 $0x4300;
	[sflag:s0] =	ssyncadd.s32 $0xFFFFE000  }
0x56: {  	[tilespmem:s13], [sflag:$0x3] =	stream.linear.gather [spmem:s21], $0x2000, $0x38;
	[tilespmem:$0x1E880] =	vst v63  }
0x57: {  	s15 =	simm.s32 $0x0;
	s21 =	rddreg [dreg:$0xd]  }
0x58: {  	[hbm4b:s21+s15] =	stream.linear.scatter [tilespmem:s16], [sflag:$0x2], $0x2000, $0x38;
	[tilespmem:$0x1E880] =	vst v63  }
0x59: {  	_ =	swait.ge [sflag:s24], $0x2000  }
0x5a: {  	[sflag:s24] =	ssyncset.done $0x0  }
0x5b: {  	[sflag:s24] =	ssyncadd.s32 $0xFFFFE000  }
0x5c: {  	_ =	swait.ge [sflag:s12], $0x2000  }
0x5d: {  	[sflag:s12] =	ssyncset.done $0x0  }
0x5e: {  	s22 =	rddreg [dreg:$0x1e];
	[sflag:s12] =	ssyncadd.s32 $0xFFFFE000  }
0x5f: {  	[tilespmem:s16], [sflag:$0x1] =	stream.linear.gather [spmem:s22], $0x2000, $0x38;
	[tilespmem:$0x1E880] =	vst v63  }
0x60: {  	s21 =	rddreg [dreg:$0xe]  }
0x61: {  	[hbm4b:s21+s15] =	stream.linear.scatter [tilespmem:s13], [sflag:$0x4], $0x2000, $0x38;
	[tilespmem:$0x1E880] =	vst v63  }
0x62: {  	_ =	swait.ge [sflag:s0], $0x2000  }
0x63: {  	[sflag:s0] =	ssyncset.done $0x0  }
0x64: {  	[sflag:s0] =	ssyncadd.s32 $0xFFFFE000  }
0x65: {  	_ =	swait.ge [sflag:s29], $0x2000  }
0x66: {  	s22 =	sld [smem:$0x7E2]  }
0x67: {  	[sflag:s29] =	ssyncset.done $0x0  }
0x68: {  	[sflag:s29] =	ssyncadd.s32 $0xFFFFE000  }
0x69: {  	[tilespmem:s13], [sflag:$0x3] =	stream.linear.gather [spmem:s22], $0x2000, $0x38;
	[tilespmem:$0x1E880] =	vst v63  }
0x6a: {  	s21 =	rddreg [dreg:$0xf]  }
0x6b: {  	[hbm4b:s21+s15] =	stream.linear.scatter [tilespmem:s16], [sflag:$0x2], $0x2000, $0x38;
	[tilespmem:$0x1E880] =	vst v63  }
0x6c: {  	_ =	swait.ge [sflag:s24], $0x2000  }
0x6d: {  	[sflag:s24] =	ssyncset.done $0x0  }
0x6e: {  	[sflag:s24] =	ssyncadd.s32 $0xFFFFE000  }
0x6f: {  	_ =	swait.ge [sflag:s12], $0x2000  }
0x70: {  	s22 =	sld [smem:$0x7E6]  }
0x71: {  	[sflag:s12] =	ssyncset.done $0x0  }
0x72: {  	[sflag:s12] =	ssyncadd.s32 $0xFFFFE000  }
0x73: {  	[tilespmem:s16], [sflag:$0x1] =	stream.linear.gather [spmem:s22], $0x2000, $0x38;
	[tilespmem:$0x1E880] =	vst v63  }
0x74: {  	s21 =	rddreg [dreg:$0x10]  }
0x75: {  	[hbm4b:s21+s15] =	stream.linear.scatter [tilespmem:s13], [sflag:$0x4], $0x2000, $0x38;
	[tilespmem:$0x1E880] =	vst v63  }
0x76: {  	_ =	swait.ge [sflag:s0], $0x2000  }
0x77: {  	[sflag:s0] =	ssyncset.done $0x0  }
0x78: {  	[sflag:s0] =	ssyncadd.s32 $0xFFFFE000  }
0x79: {  	_ =	swait.ge [sflag:s29], $0x2000  }
0x7a: {  	s22 =	sld [smem:$0x7FC]  }
0x7b: {  	[sflag:s29] =	ssyncset.done $0x0  }
0x7c: {  	[sflag:s29] =	ssyncadd.s32 $0xFFFFE000  }
0x7d: {  	[tilespmem:s13], [sflag:$0x3] =	stream.linear.gather [spmem:s22], $0x2000, $0x38;
	[tilespmem:$0x1E880] =	vst v63  }
0x7e: {  	s21 =	rddreg [dreg:$0x11]  }
0x7f: {  	[hbm4b:s21+s15] =	stream.linear.scatter [tilespmem:s16], [sflag:$0x2], $0x2000, $0x38;
	[tilespmem:$0x1E880] =	vst v63  }
0x80: {  	_ =	swait.ge [sflag:s24], $0x2000  }
0x81: {  	[sflag:s24] =	ssyncset.done $0x0  }
0x82: {  	[sflag:s24] =	ssyncadd.s32 $0xFFFFE000  }
0x83: {  	_ =	swait.ge [sflag:s12], $0x2000  }
0x84: {  	s22 =	sld [smem:$0x7ED]  }
0x85: {  	[sflag:s12] =	ssyncset.done $0x0  }
0x86: {  	[sflag:s12] =	ssyncadd.s32 $0xFFFFE000  }
0x87: {  	[tilespmem:s16], [sflag:$0x1] =	stream.linear.gather [spmem:s22], $0x2000, $0x38;
	[tilespmem:$0x1E880] =	vst v63  }
0x88: {  	s21 =	rddreg [dreg:$0x12]  }
0x89: {  	[hbm4b:s21+s15] =	stream.linear.scatter [tilespmem:s13], [sflag:$0x4], $0x2000, $0x38;
	[tilespmem:$0x1E880] =	vst v63  }
0x8a: {  	_ =	swait.ge [sflag:s0], $0x2000  }
0x8b: {  	[sflag:s0] =	ssyncset.done $0x0  }
0x8c: {  	[sflag:s0] =	ssyncadd.s32 $0xFFFFE000  }
0x8d: {  	_ =	swait.ge [sflag:s29], $0x2000  }
0x8e: {  	s22 =	sld [smem:$0x7F1]  }
0x8f: {  	[sflag:s29] =	ssyncset.done $0x0  }
0x90: {  	[sflag:s29] =	ssyncadd.s32 $0xFFFFE000  }
0x91: {  	[tilespmem:s13], [sflag:$0x3] =	stream.linear.gather [spmem:s22], $0x2000, $0x38;
	[tilespmem:$0x1E880] =	vst v63  }
0x92: {  	s21 =	rddreg [dreg:$0x13]  }
0x93: {  	[hbm4b:s21+s15] =	stream.linear.scatter [tilespmem:s16], [sflag:$0x2], $0x2000, $0x38;
	[tilespmem:$0x1E880] =	vst v63  }
0x94: {  	_ =	swait.ge [sflag:s24], $0x2000  }
0x95: {  	[sflag:s24] =	ssyncset.done $0x0  }
0x96: {  	[sflag:s24] =	ssyncadd.s32 $0xFFFFE000  }
0x97: {  	_ =	swait.ge [sflag:s12], $0x2000  }
0x98: {  	s22 =	sld [smem:$0x7F5]  }
0x99: {  	[sflag:s12] =	ssyncset.done $0x0  }
0x9a: {  	[sflag:s12] =	ssyncadd.s32 $0xFFFFE000  }
0x9b: {  	[tilespmem:s16], [sflag:$0x1] =	stream.linear.gather [spmem:s22], $0x2000, $0x38;
	[tilespmem:$0x1E880] =	vst v63  }
0x9c: {  	s21 =	rddreg [dreg:$0x14]  }
0x9d: {  	[hbm4b:s21+s15] =	stream.linear.scatter [tilespmem:s13], [sflag:$0x4], $0x2000, $0x38;
	[tilespmem:$0x1E880] =	vst v63  }
0x9e: {  	_ =	swait.ge [sflag:s0], $0x2000  }
0x9f: {  	[sflag:s0] =	ssyncset.done $0x0  }
0xa0: {  	[sflag:s0] =	ssyncadd.s32 $0xFFFFE000  }
0xa1: {  	_ =	swait.ge [sflag:s29], $0x2000  }
0xa2: {  	s22 =	sld [smem:$0x7FD]  }
0xa3: {  	[sflag:s29] =	ssyncset.done $0x0  }
0xa4: {  	[sflag:s29] =	ssyncadd.s32 $0xFFFFE000  }
0xa5: {  	[tilespmem:s13], [sflag:$0x3] =	stream.linear.gather [spmem:s22], $0x2000, $0x38;
	[tilespmem:$0x1E880] =	vst v63  }
0xa6: {  	s21 =	rddreg [dreg:$0x15]  }
0xa7: {  	[hbm4b:s21+s15] =	stream.linear.scatter [tilespmem:s16], [sflag:$0x2], $0x2000, $0x38;
	[tilespmem:$0x1E880] =	vst v63  }
0xa8: {  	_ =	swait.ge [sflag:s24], $0x2000  }
0xa9: {  	[sflag:s24] =	ssyncset.done $0x0  }
0xaa: {  	s22 =	rddreg [dreg:$0x16];
	[sflag:s24] =	ssyncadd.s32 $0xFFFFE000  }
0xab: {  	[hbm4b:s22+s15] =	stream.linear.scatter [tilespmem:s13], [sflag:$0x4], $0x2000, $0x38;
	[tilespmem:$0x1E880] =	vst v63  }
0xac: {  	_ =	swait.ge [sflag:s29], $0x2000  }
0xad: {  	[sflag:s29] =	ssyncset.done $0x0  }
0xae: {  	s16 =	simm.s32 $0xE;
	s13 =	rddreg [dreg:$0xa];
	[sflag:s29] =	ssyncadd.s32 $0xFFFFE000  }
0xaf: {  	[tilespmem:s25], [sflag:$0xE] =	stream.linear.gather [spmem:s13], $0x280, $0x38;
	[tilespmem:$0x1E880] =	vst v63  }
0xb0: {  	_ =	swait.ge [sflag:s16], $0x280  }
0xb1: {  	s30 =	simm.s32 $0x80;
	s13 =	simm.s32 $0xA380;
	[sflag:s16] =	ssyncset.done $0x0  }
0xb2: {  	s25 =	simm.s32 $0x100;
	s5 =	rddreg [dreg:$0xb];
	[sflag:s16] =	ssyncadd.s32 $0xFFFFFD80  }
0xb3: {  	[hbm4b:s5+s30] =	stream.strided.scatter [tilespmem:s13], [sflag:$0xE], $0x280, s25, s30, $0x38;
	[tilespmem:$0x1E880] =	vst v63  }
0xb4: {  	_ =	swait.ge [sflag:s16], $0x280  }
0xb5: {  	s4 =	sadd.s32 $0x1, s4;
	[sflag:s16] =	ssyncset.done $0x0;
	s16 =	rddreg [dreg:$0xc]  }
0xb6: {  	p1 =	sne.s32 s4, s16  }
.Ltmp1:
0xb7: {  	_ = 	snop;
	(pc) =	sbr.rel @!p1 .LBB2_15-.Ltmp1, $3  }
0xb8: {  	_ =	sdelay $0x1  }
0xb9: {  	s21 =	smov.u32 s2;
	s16 =	simm.s32 $0xE  }
0xba: {  	s2 =	simm.s32 $0x4300;
	s22 =	simm.s32 $0x300;
	[sflag:s16] =	ssyncadd.s32 $0xFFFFFD80  }
.LBB2_1:
0xbb: {  	[smem:$0x7DF] =	sst s4  }
0xbc: {  	s16 =	simm.s32 $0xE;
	s5 =	rddreg [dreg:$0x5]  }
0xbd: {  	[tilespmem:s15], [sflag:$0xE] =	stream.linear.gather [hbm4b:s5+s15], $0x40, $0x38;
	[tilespmem:$0x1E880] =	vst v63  }
0xbe: {  	_ =	swait.ge [sflag:s16], $0x40  }
0xbf: {  	[sflag:s16] =	ssyncset.done $0x0  }
0xc0: {  	s4 =	rddreg [dreg:$0x6];
	[sflag:s16] =	ssyncadd.s32 $0xFFFFFFC0  }
0xc1: {  	[tilespmem:s25], [sflag:$0xE] =	stream.linear.gather [hbm4b:s4+s15], $0x40, $0x38;
	[tilespmem:$0x1E880] =	vst v63  }
0xc2: {  	_ =	swait.ge [sflag:s16], $0x40  }
0xc3: {  	[sflag:s16] =	ssyncset.done $0x0  }
0xc4: {  	[sflag:s16] =	ssyncadd.s32 $0xFFFFFFC0  }
0xc5: {  	s4 =	rddreg [dreg:$0x1]  }
0xc6: {  	[tilespmem:s22], [sflag:$0x1] =	stream.indirect.gather [hbm4b:s4+s19], $0x80, s15, s19, $0xb8;
	[tilespmem:$0x1E880] =	vst v63  }
0xc7: {  	s22 =	simm.s32 $0x2300  }
0xc8: {  	[tilespmem:s22], [sflag:$0x2] =	stream.indirect.gather [hbm4b:s8+s19], $0x80, s25, s19, $0xb8;
	[tilespmem:$0x1E880] =	vst v63  }
0xc9: {  	s25 =	rddreg [dreg:$0x7]  }
0xca: {  	[tilespmem:s30], [sflag:$0xA] =	stream.linear.gather [hbm4b:s25+s15], $0x40, $0x38;
	[tilespmem:$0x1E880] =	vst v63  }
0xcb: {  	s4 =	rddreg [dreg:$0x8];
	s22 =	simm.s32 $0x180  }
0xcc: {  	[tilespmem:s22], [sflag:$0xC] =	stream.linear.gather [hbm4b:s4+s15], $0x40, $0x38;
	[tilespmem:$0x1E880] =	vst v63  }
0xcd: {  	[tilespmem:$0x8300] =	vst v0  }
0xce: {  	[tilespmem:$0x8310] =	vst v0  }
0xcf: {  	[tilespmem:$0x8320] =	vst v0  }
0xd0: {  	[tilespmem:$0x8330] =	vst v0  }
0xd1: {  	[tilespmem:$0x8340] =	vst v0  }
0xd2: {  	[tilespmem:$0x8350] =	vst v0  }
0xd3: {  	[tilespmem:$0x8360] =	vst v0  }
0xd4: {  	[tilespmem:$0x8370] =	vst v0  }
0xd5: {  	[tilespmem:$0x8380] =	vst v0  }
0xd6: {  	[tilespmem:$0x8390] =	vst v0  }
0xd7: {  	[tilespmem:$0x83A0] =	vst v0  }
0xd8: {  	[tilespmem:$0x83B0] =	vst v0  }
0xd9: {  	[tilespmem:$0x83C0] =	vst v0  }
0xda: {  	[tilespmem:$0x83D0] =	vst v0  }
0xdb: {  	[tilespmem:$0x83E0] =	vst v0  }
0xdc: {  	[tilespmem:$0x83F0] =	vst v0  }
0xdd: {  	[tilespmem:$0x8400] =	vst v0  }
0xde: {  	[tilespmem:$0x8410] =	vst v0  }
0xdf: {  	[tilespmem:$0x8420] =	vst v0  }
0xe0: {  	[tilespmem:$0x8430] =	vst v0  }
0xe1: {  	[tilespmem:$0x8440] =	vst v0  }
0xe2: {  	[tilespmem:$0x8450] =	vst v0  }
0xe3: {  	[tilespmem:$0x8460] =	vst v0  }
0xe4: {  	[tilespmem:$0x8470] =	vst v0  }
0xe5: {  	[tilespmem:$0x8480] =	vst v0  }
0xe6: {  	[tilespmem:$0x8490] =	vst v0  }
0xe7: {  	[tilespmem:$0x84A0] =	vst v0  }
0xe8: {  	[tilespmem:$0x84B0] =	vst v0  }
0xe9: {  	[tilespmem:$0x84C0] =	vst v0  }
0xea: {  	[tilespmem:$0x84D0] =	vst v0  }
0xeb: {  	[tilespmem:$0x84E0] =	vst v0  }
0xec: {  	[tilespmem:$0x84F0] =	vst v0  }
0xed: {  	[tilespmem:$0x8500] =	vst v0  }
0xee: {  	[tilespmem:$0x8510] =	vst v0  }
0xef: {  	[tilespmem:$0x8520] =	vst v0  }
0xf0: {  	[tilespmem:$0x8530] =	vst v0  }
0xf1: {  	[tilespmem:$0x8540] =	vst v0  }
0xf2: {  	[tilespmem:$0x8550] =	vst v0  }
0xf3: {  	[tilespmem:$0x8560] =	vst v0  }
0xf4: {  	[tilespmem:$0x8570] =	vst v0  }
0xf5: {  	[tilespmem:$0x8580] =	vst v0  }
0xf6: {  	[tilespmem:$0x8590] =	vst v0  }
0xf7: {  	[tilespmem:$0x85A0] =	vst v0  }
0xf8: {  	[tilespmem:$0x85B0] =	vst v0  }
0xf9: {  	[tilespmem:$0x85C0] =	vst v0  }
0xfa: {  	[tilespmem:$0x85D0] =	vst v0  }
0xfb: {  	[tilespmem:$0x85E0] =	vst v0  }
0xfc: {  	[tilespmem:$0x85F0] =	vst v0  }
0xfd: {  	[tilespmem:$0x8600] =	vst v0  }
0xfe: {  	[tilespmem:$0x8610] =	vst v0  }
0xff: {  	[tilespmem:$0x8620] =	vst v0  }
0x100: {  	[tilespmem:$0x8630] =	vst v0  }
0x101: {  	[tilespmem:$0x8640] =	vst v0  }
0x102: {  	[tilespmem:$0x8650] =	vst v0  }
0x103: {  	[tilespmem:$0x8660] =	vst v0  }
0x104: {  	[tilespmem:$0x8670] =	vst v0  }
0x105: {  	[tilespmem:$0x8680] =	vst v0  }
0x106: {  	[tilespmem:$0x8690] =	vst v0  }
0x107: {  	[tilespmem:$0x86A0] =	vst v0  }
0x108: {  	[tilespmem:$0x86B0] =	vst v0  }
0x109: {  	[tilespmem:$0x86C0] =	vst v0  }
0x10a: {  	[tilespmem:$0x86D0] =	vst v0  }
0x10b: {  	[tilespmem:$0x86E0] =	vst v0  }
0x10c: {  	[tilespmem:$0x86F0] =	vst v0  }
0x10d: {  	[tilespmem:$0x8700] =	vst v0  }
0x10e: {  	[tilespmem:$0x8710] =	vst v0  }
0x10f: {  	[tilespmem:$0x8720] =	vst v0  }
0x110: {  	[tilespmem:$0x8730] =	vst v0  }
0x111: {  	[tilespmem:$0x8740] =	vst v0  }
0x112: {  	[tilespmem:$0x8750] =	vst v0  }
0x113: {  	[tilespmem:$0x8760] =	vst v0  }
0x114: {  	[tilespmem:$0x8770] =	vst v0  }
0x115: {  	[tilespmem:$0x8780] =	vst v0  }
0x116: {  	[tilespmem:$0x8790] =	vst v0  }
0x117: {  	[tilespmem:$0x87A0] =	vst v0  }
0x118: {  	[tilespmem:$0x87B0] =	vst v0  }
0x119: {  	[tilespmem:$0x87C0] =	vst v0  }
0x11a: {  	[tilespmem:$0x87D0] =	vst v0  }
0x11b: {  	[tilespmem:$0x87E0] =	vst v0  }
0x11c: {  	[tilespmem:$0x87F0] =	vst v0  }
0x11d: {  	[tilespmem:$0x8800] =	vst v0  }
0x11e: {  	[tilespmem:$0x8810] =	vst v0  }
0x11f: {  	[tilespmem:$0x8820] =	vst v0  }
0x120: {  	[tilespmem:$0x8830] =	vst v0  }
0x121: {  	[tilespmem:$0x8840] =	vst v0  }
0x122: {  	[tilespmem:$0x8850] =	vst v0  }
0x123: {  	[tilespmem:$0x8860] =	vst v0  }
0x124: {  	[tilespmem:$0x8870] =	vst v0  }
0x125: {  	[tilespmem:$0x8880] =	vst v0  }
0x126: {  	[tilespmem:$0x8890] =	vst v0  }
0x127: {  	[tilespmem:$0x88A0] =	vst v0  }
0x128: {  	[tilespmem:$0x88B0] =	vst v0  }
0x129: {  	[tilespmem:$0x88C0] =	vst v0  }
0x12a: {  	[tilespmem:$0x88D0] =	vst v0  }
0x12b: {  	[tilespmem:$0x88E0] =	vst v0  }
0x12c: {  	[tilespmem:$0x88F0] =	vst v0  }
0x12d: {  	[tilespmem:$0x8900] =	vst v0  }
0x12e: {  	[tilespmem:$0x8910] =	vst v0  }
0x12f: {  	[tilespmem:$0x8920] =	vst v0  }
0x130: {  	[tilespmem:$0x8930] =	vst v0  }
0x131: {  	[tilespmem:$0x8940] =	vst v0  }
0x132: {  	[tilespmem:$0x8950] =	vst v0  }
0x133: {  	[tilespmem:$0x8960] =	vst v0  }
0x134: {  	[tilespmem:$0x8970] =	vst v0  }
0x135: {  	[tilespmem:$0x8980] =	vst v0  }
0x136: {  	[tilespmem:$0x8990] =	vst v0  }
0x137: {  	[tilespmem:$0x89A0] =	vst v0  }
0x138: {  	[tilespmem:$0x89B0] =	vst v0  }
0x139: {  	[tilespmem:$0x89C0] =	vst v0  }
0x13a: {  	[tilespmem:$0x89D0] =	vst v0  }
0x13b: {  	[tilespmem:$0x89E0] =	vst v0  }
0x13c: {  	[tilespmem:$0x89F0] =	vst v0  }
0x13d: {  	[tilespmem:$0x8A00] =	vst v0  }
0x13e: {  	[tilespmem:$0x8A10] =	vst v0  }
0x13f: {  	[tilespmem:$0x8A20] =	vst v0  }
0x140: {  	[tilespmem:$0x8A30] =	vst v0  }
0x141: {  	[tilespmem:$0x8A40] =	vst v0  }
0x142: {  	[tilespmem:$0x8A50] =	vst v0  }
0x143: {  	[tilespmem:$0x8A60] =	vst v0  }
0x144: {  	[tilespmem:$0x8A70] =	vst v0  }
0x145: {  	[tilespmem:$0x8A80] =	vst v0  }
0x146: {  	[tilespmem:$0x8A90] =	vst v0  }
0x147: {  	[tilespmem:$0x8AA0] =	vst v0  }
0x148: {  	[tilespmem:$0x8AB0] =	vst v0  }
0x149: {  	[tilespmem:$0x8AC0] =	vst v0  }
0x14a: {  	[tilespmem:$0x8AD0] =	vst v0  }
0x14b: {  	[tilespmem:$0x8AE0] =	vst v0  }
0x14c: {  	[tilespmem:$0x8AF0] =	vst v0  }
0x14d: {  	[tilespmem:$0xA300] =	vst v1  }
0x14e: {  	[tilespmem:$0xA310] =	vst v1  }
0x14f: {  	[tilespmem:$0xA320] =	vst v1  }
0x150: {  	[tilespmem:$0xA330] =	vst v1  }
0x151: {  	[tilespmem:$0xA380] =	vst v0  }
0x152: {  	[tilespmem:$0xA390] =	vst v0  }
0x153: {  	[tilespmem:$0xA3A0] =	vst v0  }
0x154: {  	[tilespmem:$0xA3B0] =	vst v0  }
0x155: {  	[tilespmem:$0xA3C0] =	vst v0  }
0x156: {  	[tilespmem:$0xA3D0] =	vst v0  }
0x157: {  	[tilespmem:$0xA3E0] =	vst v0  }
0x158: {  	[tilespmem:$0xA3F0] =	vst v0  }
0x159: {  	[tilespmem:$0xA400] =	vst v0  }
0x15a: {  	[tilespmem:$0xA410] =	vst v0  }
0x15b: {  	[tilespmem:$0xA420] =	vst v0  }
0x15c: {  	[tilespmem:$0xA430] =	vst v0  }
0x15d: {  	[tilespmem:$0xA440] =	vst v0  }
0x15e: {  	[tilespmem:$0xA450] =	vst v0  }
0x15f: {  	[tilespmem:$0xA460] =	vst v0  }
0x160: {  	[tilespmem:$0xA470] =	vst v0  }
0x161: {  	[tilespmem:$0xA480] =	vst v0  }
0x162: {  	[tilespmem:$0xA490] =	vst v0  }
0x163: {  	[tilespmem:$0xA4A0] =	vst v0  }
0x164: {  	[tilespmem:$0xA4B0] =	vst v0  }
0x165: {  	[tilespmem:$0xA4C0] =	vst v0  }
0x166: {  	[tilespmem:$0xA4D0] =	vst v0  }
0x167: {  	[tilespmem:$0xA4E0] =	vst v0  }
0x168: {  	[tilespmem:$0xA4F0] =	vst v0  }
0x169: {  	[tilespmem:$0xA500] =	vst v0  }
0x16a: {  	[tilespmem:$0xA510] =	vst v0  }
0x16b: {  	[tilespmem:$0xA520] =	vst v0  }
0x16c: {  	[tilespmem:$0xA530] =	vst v0  }
0x16d: {  	[tilespmem:$0xA540] =	vst v0  }
0x16e: {  	[tilespmem:$0xA550] =	vst v0  }
0x16f: {  	[tilespmem:$0xA560] =	vst v0  }
0x170: {  	[tilespmem:$0xA570] =	vst v0  }
0x171: {  	[tilespmem:$0xA580] =	vst v0  }
0x172: {  	[tilespmem:$0xA590] =	vst v0  }
0x173: {  	[tilespmem:$0xA5A0] =	vst v0  }
0x174: {  	[tilespmem:$0xA5B0] =	vst v0  }
0x175: {  	[tilespmem:$0xA5C0] =	vst v0  }
0x176: {  	[tilespmem:$0xA5D0] =	vst v0  }
0x177: {  	[tilespmem:$0xA5E0] =	vst v0  }
0x178: {  	s25 =	rddreg [dreg:$0x19];
	[tilespmem:$0xA5F0] =	vst v0  }
0x179: {  	[spmem:s21] =	stream.linear.scatter [tilespmem:s26], [sflag:$0xD], $0x800, $0x38;
	[tilespmem:$0x1E880] =	vst v63  }
0x17a: {  	s15 =	rddreg [dreg:$0x17]  }
0x17b: {  	[spmem:s15] =	stream.linear.scatter [tilespmem:s26], [sflag:$0xD], $0x800, $0x38;
	[tilespmem:$0x1E880] =	vst v63  }
0x17c: {  	s21 =	rddreg [dreg:$0x18]  }
0x17d: {  	[spmem:s21] =	stream.linear.scatter [tilespmem:s26], [sflag:$0xD], $0x800, $0x38;
	[tilespmem:$0x1E880] =	vst v63  }
0x17e: {  	s30 =	rddreg [dreg:$0x1a]  }
0x17f: {  	[spmem:s25] =	stream.linear.scatter [tilespmem:s26], [sflag:$0xD], $0x800, $0x38;
	[tilespmem:$0x1E880] =	vst v63  }
0x180: {  	s4 =	rddreg [dreg:$0x1b]  }
0x181: {  	[spmem:s30] =	stream.linear.scatter [tilespmem:s26], [sflag:$0xD], $0x800, $0x38;
	[tilespmem:$0x1E880] =	vst v63  }
0x182: {  	s15 =	rddreg [dreg:$0x1c]  }
0x183: {  	[spmem:s4] =	stream.linear.scatter [tilespmem:s26], [sflag:$0xD], $0x800, $0x38;
	[tilespmem:$0x1E880] =	vst v63  }
0x184: {  	s21 =	rddreg [dreg:$0x1d]  }
0x185: {  	[spmem:s15] =	stream.linear.scatter [tilespmem:s26], [sflag:$0xD], $0x800, $0x38;
	[tilespmem:$0x1E880] =	vst v63  }
0x186: {  	s25 =	rddreg [dreg:$0x1e]  }
0x187: {  	[spmem:s21] =	stream.linear.scatter [tilespmem:s26], [sflag:$0xD], $0x800, $0x38;
	[tilespmem:$0x1E880] =	vst v63  }
0x188: {  	s30 =	rddreg [dreg:$0x1f]  }
0x189: {  	[spmem:s25] =	stream.linear.scatter [tilespmem:s26], [sflag:$0xD], $0x800, $0x38;
	[tilespmem:$0x1E880] =	vst v63  }
0x18a: {  	s4 =	sld [smem:$0x7E0]  }
0x18b: {  	[spmem:s30] =	stream.linear.scatter [tilespmem:s26], [sflag:$0xD], $0x800, $0x38;
	[tilespmem:$0x1E880] =	vst v63  }
0x18c: {  	s15 =	sld [smem:$0x7E1]  }
0x18d: {  	[spmem:s4] =	stream.linear.scatter [tilespmem:s26], [sflag:$0xD], $0x800, $0x38;
	[tilespmem:$0x1E880] =	vst v63  }
0x18e: {  	s21 =	sld [smem:$0x7E2]  }
0x18f: {  	[spmem:s15] =	stream.linear.scatter [tilespmem:s26], [sflag:$0xD], $0x800, $0x38;
	[tilespmem:$0x1E880] =	vst v63  }
0x190: {  	s25 =	sld [smem:$0x7E3]  }
0x191: {  	[spmem:s21] =	stream.linear.scatter [tilespmem:s26], [sflag:$0xD], $0x800, $0x38;
	[tilespmem:$0x1E880] =	vst v63  }
0x192: {  	s30 =	sld [smem:$0x7E4]  }
0x193: {  	[spmem:s25] =	stream.linear.scatter [tilespmem:s26], [sflag:$0xD], $0x800, $0x38;
	[tilespmem:$0x1E880] =	vst v63  }
0x194: {  	s4 =	sld [smem:$0x7E5]  }
0x195: {  	[spmem:s30] =	stream.linear.scatter [tilespmem:s26], [sflag:$0xD], $0x800, $0x38;
	[tilespmem:$0x1E880] =	vst v63  }
0x196: {  	s5 =	sld [smem:$0x7E6]  }
0x197: {  	[spmem:s4] =	stream.linear.scatter [tilespmem:s26], [sflag:$0xD], $0x800, $0x38;
	[tilespmem:$0x1E880] =	vst v63  }
0x198: {  	s15 =	sld [smem:$0x7E7]  }
0x199: {  	[spmem:s5] =	stream.linear.scatter [tilespmem:s26], [sflag:$0xD], $0x800, $0x38;
	[tilespmem:$0x1E880] =	vst v63  }
0x19a: {  	s21 =	sld [smem:$0x7E8]  }
0x19b: {  	[spmem:s15] =	stream.linear.scatter [tilespmem:s26], [sflag:$0xD], $0x800, $0x38;
	[tilespmem:$0x1E880] =	vst v63  }
0x19c: {  	s25 =	sld [smem:$0x7E9]  }
0x19d: {  	[spmem:s21] =	stream.linear.scatter [tilespmem:s26], [sflag:$0xD], $0x800, $0x38;
	[tilespmem:$0x1E880] =	vst v63  }
0x19e: {  	s30 =	sld [smem:$0x7FC]  }
0x19f: {  	[spmem:s25] =	stream.linear.scatter [tilespmem:s26], [sflag:$0xD], $0x800, $0x38;
	[tilespmem:$0x1E880] =	vst v63  }
0x1a0: {  	s5 =	sld [smem:$0x7EA]  }
0x1a1: {  	[spmem:s30] =	stream.linear.scatter [tilespmem:s26], [sflag:$0xD], $0x800, $0x38;
	[tilespmem:$0x1E880] =	vst v63  }
0x1a2: {  	s15 =	sld [smem:$0x7EB]  }
0x1a3: {  	[spmem:s5] =	stream.linear.scatter [tilespmem:s26], [sflag:$0xD], $0x800, $0x38;
	[tilespmem:$0x1E880] =	vst v63  }
0x1a4: {  	s21 =	sld [smem:$0x7EC]  }
0x1a5: {  	[spmem:s15] =	stream.linear.scatter [tilespmem:s26], [sflag:$0xD], $0x800, $0x38;
	[tilespmem:$0x1E880] =	vst v63  }
0x1a6: {  	s25 =	sld [smem:$0x7ED]  }
0x1a7: {  	[spmem:s21] =	stream.linear.scatter [tilespmem:s26], [sflag:$0xD], $0x800, $0x38;
	[tilespmem:$0x1E880] =	vst v63  }
0x1a8: {  	s30 =	sld [smem:$0x7EE]  }
0x1a9: {  	[spmem:s25] =	stream.linear.scatter [tilespmem:s26], [sflag:$0xD], $0x800, $0x38;
	[tilespmem:$0x1E880] =	vst v63  }
0x1aa: {  	s5 =	sld [smem:$0x7EF]  }
0x1ab: {  	[spmem:s30] =	stream.linear.scatter [tilespmem:s26], [sflag:$0xD], $0x800, $0x38;
	[tilespmem:$0x1E880] =	vst v63  }
0x1ac: {  	s15 =	sld [smem:$0x7F0]  }
0x1ad: {  	[spmem:s5] =	stream.linear.scatter [tilespmem:s26], [sflag:$0xD], $0x800, $0x38;
	[tilespmem:$0x1E880] =	vst v63  }
0x1ae: {  	s21 =	sld [smem:$0x7F1]  }
0x1af: {  	[spmem:s15] =	stream.linear.scatter [tilespmem:s26], [sflag:$0xD], $0x800, $0x38;
	[tilespmem:$0x1E880] =	vst v63  }
0x1b0: {  	s25 =	sld [smem:$0x7F2]  }
0x1b1: {  	[spmem:s21] =	stream.linear.scatter [tilespmem:s26], [sflag:$0xD], $0x800, $0x38;
	[tilespmem:$0x1E880] =	vst v63  }
0x1b2: {  	s30 =	sld [smem:$0x7F3]  }
0x1b3: {  	[spmem:s25] =	stream.linear.scatter [tilespmem:s26], [sflag:$0xD], $0x800, $0x38;
	[tilespmem:$0x1E880] =	vst v63  }
0x1b4: {  	s5 =	sld [smem:$0x7F4]  }
0x1b5: {  	[spmem:s30] =	stream.linear.scatter [tilespmem:s26], [sflag:$0xD], $0x800, $0x38;
	[tilespmem:$0x1E880] =	vst v63  }
0x1b6: {  	s15 =	sld [smem:$0x7F5]  }
0x1b7: {  	[spmem:s5] =	stream.linear.scatter [tilespmem:s26], [sflag:$0xD], $0x800, $0x38;
	[tilespmem:$0x1E880] =	vst v63  }
0x1b8: {  	s21 =	sld [smem:$0x7F6]  }
0x1b9: {  	[spmem:s15] =	stream.linear.scatter [tilespmem:s26], [sflag:$0xD], $0x800, $0x38;
	[tilespmem:$0x1E880] =	vst v63  }
0x1ba: {  	s25 =	sld [smem:$0x7F7]  }
0x1bb: {  	[spmem:s21] =	stream.linear.scatter [tilespmem:s26], [sflag:$0xD], $0x800, $0x38;
	[tilespmem:$0x1E880] =	vst v63  }
0x1bc: {  	s30 =	sld [smem:$0x7F8]  }
0x1bd: {  	[spmem:s25] =	stream.linear.scatter [tilespmem:s26], [sflag:$0xD], $0x800, $0x38;
	[tilespmem:$0x1E880] =	vst v63  }
0x1be: {  	s5 =	sld [smem:$0x7FD]  }
0x1bf: {  	[spmem:s30] =	stream.linear.scatter [tilespmem:s26], [sflag:$0xD], $0x800, $0x38;
	[tilespmem:$0x1E880] =	vst v63  }
0x1c0: {  	s15 =	sld [smem:$0x7F9]  }
0x1c1: {  	[spmem:s5] =	stream.linear.scatter [tilespmem:s26], [sflag:$0xD], $0x800, $0x38;
	[tilespmem:$0x1E880] =	vst v63  }
0x1c2: {  	s21 =	sld [smem:$0x7FA]  }
0x1c3: {  	[spmem:s15] =	stream.linear.scatter [tilespmem:s26], [sflag:$0xD], $0x800, $0x38;
	[tilespmem:$0x1E880] =	vst v63  }
0x1c4: {  	s25 =	sld [smem:$0x7FB]  }
0x1c5: {  	[spmem:s21] =	stream.linear.scatter [tilespmem:s26], [sflag:$0xD], $0x800, $0x38;
	[tilespmem:$0x1E880] =	vst v63  }
0x1c6: {  	_ = 	snop  }
0x1c7: {  	[spmem:s25] =	stream.linear.scatter [tilespmem:s26], [sflag:$0xD], $0x800, $0x38;
	[tilespmem:$0x1E880] =	vst v63  }
0x1c8: {  	s30 =	rddreg [dreg:$0xa]  }
0x1c9: {  	[spmem:s30] =	stream.linear.scatter [tilespmem:s13], [sflag:$0xE], $0x280, $0x38;
	[tilespmem:$0x1E880] =	vst v63  }
0x1ca: {  	_ =	swait.ge [sflag:s16], $0x280  }
0x1cb: {  	[sflag:s16] =	ssyncset.done $0x0  }
0x1cc: {  	[sflag:s16] =	ssyncadd.s32 $0xFFFFFD80  }
0x1cd: {  	s4 =	simm.s32 $0x80;
	_ =	swait.ge [sflag:s31], $0x800  }
0x1ce: {  	s5 =	simm.s32 $0x27;
	s25 =	simm.s32 $0xA380;
	[sflag:s31] =	ssyncset.done $0x0  }
.LBB2_2:
0x1cf: {  	p1 =	sne.s32 s5, $0x1;
	s5 =	sadd.s32 $0xFFFFFFFF, s5;
	[sflag:s31] =	ssyncadd.s32 $0xFFFFF800  }
.Ltmp2:
0x1d0: {  	(pc) =	sbr.rel @p1 .LBB2_2-.Ltmp2, $3  }
0x1d1: {  	_ =	sdelay $0x1  }
0x1d2: {  	_ =	swait.ge [sflag:s31], $0x800  }
0x1d3: {  	[sflag:s31] =	ssyncset.done $0x0  }
0x1d4: {  	[sflag:s31] =	ssyncadd.s32 $0xFFFFF800  }
0x1d5: {  	s15 =	simm.s32 $0x0;
	s16 =	simm.s32 $0x300;
	[bflag:$0x0] =	sbarrier.arrive $0xFFFF  }
.LBB2_4:
0x1d6: {  	_ =	swait.ge [sflag:s0], $0x2000  }
0x1d7: {  	[sflag:s0] =	ssyncset.done $0x0  }
0x1d8: {  	[sflag:s0] =	ssyncadd.s32 $0xFFFFE000  }
0x1d9: {  	_ =	swait.ge [sflag:s12], $0x2000  }
0x1da: {  	[sflag:s12] =	ssyncset.done $0x0  }
0x1db: {  	[sflag:s12] =	ssyncadd.s32 $0xFFFFE000  }
0x1dc: {  	v2 =	vld [tilespmem:$0x100]  }
0x1dd: {  	v3 =	vld [tilespmem:$0x110]  }
0x1de: {  	s21 =	sshll.u32 s15, $0x1;
	v4 =	vld [tilespmem:$0x120]  }
0x1df: {  	s5 =	sadd.s32 $0x2, s21;
	v5 =	vld [tilespmem:$0x130]  }
0x1e0: {  	p1 =	sge.u32 s5, s10  }
0x1e1: {  	s5 =	sadd.s32 @!p1 s9, s5;
	[tilespmem:$0x200] =	vst v2  }
0x1e2: {  	s5 =	sshll.u32 @!p1 s5, $0x3;
	[tilespmem:$0x210] =	vst v3  }
0x1e3: {  	s5 =	sand.u32 @!p1 $0x1FFFFFF8, s5;
	[tilespmem:$0x220] =	vst v4  }
0x1e4: {  	s30 =	simm.s32 @!p1 $0x0;
	s13 =	sadd.s32 @!p1 s6, s5;
	[tilespmem:$0x230] =	vst v5  }
0x1e5: {  	[tilespmem:s30], [sflag:$0x9] =	stream.linear.gather @!p1 [hbm4b:s13+s30], $0x40, $0x38;
	[tilespmem:$0x1E880] =	vst v63  }
0x1e6: {  	s5 =	sadd.s32 @!p1 s7, s5;
	s13 =	simm.s32 @!p1 $0x100  }
0x1e7: {  	[tilespmem:s13], [sflag:$0xB] =	stream.linear.gather @!p1 [hbm4b:s5+s30], $0x40, $0x38;
	[tilespmem:$0x1E880] =	vst v63  }
0x1e8: {  	_ =	swait.ge [sflag:s17], $0x40  }
0x1e9: {  	[sflag:s17] =	ssyncset.done $0x0  }
0x1ea: {  	[sflag:s17] =	ssyncadd.s32 $0xFFFFFFC0  }
0x1eb: {  	_ =	swait.ge [sflag:s28], $0x40  }
0x1ec: {  	[sflag:s28] =	ssyncset.done $0x0  }
0x1ed: {  	[sflag:s28] =	ssyncadd.s32 $0xFFFFFFC0  }
0x1ee: {  	p2 =	seq.s32 s15, $0x0;
	s13 =	rddreg [dreg:$0x1]  }
0x1ef: {  	[tilespmem:s2], [sflag:$0x3] =	stream.indirect.gather [hbm4b:s13+s19], $0x80, s4, s19, $0xb8;
	[tilespmem:$0x1E880] =	vst v63  }
0x1f0: {  	s5 =	simm.s32 @!p2 $0x6;
	s13 =	simm.s32 $0x6300  }
0x1f1: {  	[tilespmem:s13], [sflag:$0x4] =	stream.indirect.gather [hbm4b:s8+s19], $0x80, s22, s19, $0xb8;
	[tilespmem:$0x1E880] =	vst v63  }
0x1f2: {  	_ =	swait.ge @!p2 [sflag:s5], $0x2000  }
0x1f3: {  	[sflag:s5] =	ssyncset.done @!p2 $0x0  }
0x1f4: {  	[sflag:s5] =	ssyncadd.s32 @!p2 $0xFFFFE000;
	s5 =	simm.s32 @!p2 $0x8  }
0x1f5: {  	_ =	swait.ge @!p2 [sflag:s5], $0x40  }
0x1f6: {  	[sflag:s5] =	ssyncset.done @!p2 $0x0  }
0x1f7: {  	[sflag:s5] =	ssyncadd.s32 @!p2 $0xFFFFFFC0;
	s5 =	simm.s32 $0x0  }
0x1f8: {  	v2 =	vld [tilespmem:s5+$0x3F0]  }
0x1f9: {  	v3 =	vld [tilespmem:s5+$0x23F0]  }
0x1fa: {  	v4 =	vld [tilespmem:s5+$0x300]  }
0x1fb: {  	v5 =	vld [tilespmem:s5+$0x2300]  }
0x1fc: {  	v6 =	vld [tilespmem:s5+$0x310]  }
0x1fd: {  	v7 =	vld [tilespmem:s5+$0x2310]  }
0x1fe: {  	v8 =	vld [tilespmem:s5+$0x320]  }
0x1ff: {  	v2 =	vadd.f32 v3, v2;
	v3 =	vld [tilespmem:s5+$0x2320]  }
0x200: {  	v9 =	vld [tilespmem:s5+$0x330]  }
0x201: {  	v4 =	vadd.f32 v5, v4;
	v5 =	vld [tilespmem:s5+$0x2330]  }
0x202: {  	v6 =	vadd.f32 v7, v6;
	v7 =	vld [tilespmem:s5+$0x350];
	v2 =	vmax.f32 v2, $0.0e+00  }
0x203: {  	[tilespmem:s5+$0x83F0] =	vst v2;
	v2 =	vmax.f32 v4, $0.0e+00;
	v4 =	vld [tilespmem:s5+$0x340]  }
0x204: {  	v6 =	vmax.f32 v6, $0.0e+00;
	[tilespmem:s5+$0x8300] =	vst v2;
	v2 =	vld [tilespmem:s5+$0x2340];
	v3 =	vadd.f32 v3, v8  }
0x205: {  	[tilespmem:s5+$0x8310] =	vst v6;
	v6 =	vld [tilespmem:s5+$0x2350]  }
0x206: {  	v8 =	vld [tilespmem:s5+$0x360];
	v3 =	vmax.f32 v3, $0.0e+00  }
0x207: {  	v5 =	vadd.f32 v5, v9;
	[tilespmem:s5+$0x8320] =	vst v3;
	v3 =	vld [tilespmem:s5+$0x2360]  }
0x208: {  	v9 =	vld [tilespmem:s5+$0x370]  }
0x209: {  	v5 =	vmax.f32 v5, $0.0e+00;
	v2 =	vadd.f32 v2, v4;
	v4 =	vld [tilespmem:s5+$0x2370]  }
0x20a: {  	[tilespmem:s5+$0x8330] =	vst v5;
	v5 =	vld [tilespmem:s5+$0x380];
	v6 =	vadd.f32 v6, v7  }
0x20b: {  	v7 =	vld [tilespmem:s5+$0x390];
	v2 =	vmax.f32 v2, $0.0e+00  }
0x20c: {  	v6 =	vmax.f32 v6, $0.0e+00;
	[tilespmem:s5+$0x8340] =	vst v2;
	v2 =	vld [tilespmem:s5+$0x2380];
	v3 =	vadd.f32 v3, v8  }
0x20d: {  	[tilespmem:s5+$0x8350] =	vst v6;
	v6 =	vld [tilespmem:s5+$0x2390]  }
0x20e: {  	v8 =	vld [tilespmem:s5+$0x3A0];
	v4 =	vadd.f32 v4, v9;
	v3 =	vmax.f32 v3, $0.0e+00  }
0x20f: {  	[tilespmem:s5+$0x8360] =	vst v3;
	v3 =	vld [tilespmem:s5+$0x23A0]  }
0x210: {  	v9 =	vld [tilespmem:s5+$0x3B0];
	v4 =	vmax.f32 v4, $0.0e+00  }
0x211: {  	v2 =	vadd.f32 v2, v5;
	[tilespmem:s5+$0x8370] =	vst v4;
	v4 =	vld [tilespmem:s5+$0x23B0]  }
0x212: {  	v10 =	vld [tilespmem:s5+$0x3C0];
	v5 =	vadd.f32 v6, v7  }
0x213: {  	v7 =	vld [tilespmem:s5+$0x23C0];
	v2 =	vmax.f32 v2, $0.0e+00  }
0x214: {  	v5 =	vmax.f32 v5, $0.0e+00;
	[tilespmem:s5+$0x8380] =	vst v2;
	v2 =	vld [tilespmem:s5+$0x3D0];
	v3 =	vadd.f32 v3, v8  }
0x215: {  	[tilespmem:s5+$0x8390] =	vst v5;
	v5 =	vld [tilespmem:s5+$0x23D0]  }
0x216: {  	v8 =	vadd.f32 v4, v9;
	v6 =	vmax.f32 v3, $0.0e+00;
	v3 =	vld [tilespmem:s5+$0x3E0]  }
0x217: {  	s30 =	simm.s32 $0x100;
	[tilespmem:s5+$0x83A0] =	vst v6;
	v6 =	vld [tilespmem:s5+$0x23E0]  }
0x218: {  	s13 =	simm.s32 $0x800;
	v7 =	vadd.f32 v7, v10;
	v8 =	vmax.f32 v8, $0.0e+00;
	v4 =	vld [tilespmem:s30+$0x3F0]  }
.LBB2_5:
0x219: {  	p2 =	sne.s32 s13, $0x7C00;
	v9 =	vld [tilespmem:s30+$0x23F0];
	[tilespmem:s5+$0x83B0] =	vst v8  }
0x21a: {  	v8 =	vld [tilespmem:s30+$0x300];
	v7 =	vmax.f32 v7, $0.0e+00;
	v2 =	vadd.f32 v5, v2  }
0x21b: {  	v5 =	vld [tilespmem:s30+$0x2300];
	[tilespmem:s5+$0x83C0] =	vst v7  }
0x21c: {  	v7 =	vld [tilespmem:s30+$0x310];
	v2 =	vmax.f32 v2, $0.0e+00;
	v3 =	vadd.f32 v6, v3  }
0x21d: {  	v6 =	vld [tilespmem:s30+$0x2310];
	[tilespmem:s5+$0x83D0] =	vst v2  }
0x21e: {  	v2 =	vld [tilespmem:s30+$0x320];
	v4 =	vadd.f32 v9, v4;
	v3 =	vmax.f32 v3, $0.0e+00  }
0x21f: {  	v9 =	vld [tilespmem:s30+$0x2320];
	[tilespmem:s5+$0x83E0] =	vst v3;
	s5 =	smov.u32 s30  }
0x220: {  	v3 =	vadd.f32 v5, v8;
	v5 =	vld [tilespmem:s5+$0x330];
	v4 =	vmax.f32 v4, $0.0e+00  }
0x221: {  	v8 =	vld [tilespmem:s5+$0x2330];
	[tilespmem:s5+$0x83F0] =	vst v4  }
0x222: {  	v3 =	vmax.f32 v3, $0.0e+00;
	v4 =	vadd.f32 v6, v7;
	v6 =	vld [tilespmem:s5+$0x340]  }
0x223: {  	[tilespmem:s5+$0x8300] =	vst v3;
	v3 =	vld [tilespmem:s5+$0x2340]  }
0x224: {  	v4 =	vmax.f32 v4, $0.0e+00;
	v2 =	vadd.f32 v9, v2;
	v7 =	vld [tilespmem:s5+$0x350]  }
0x225: {  	[tilespmem:s5+$0x8310] =	vst v4;
	v4 =	vld [tilespmem:s5+$0x2350]  }
0x226: {  	v2 =	vmax.f32 v2, $0.0e+00;
	v5 =	vadd.f32 v8, v5;
	v8 =	vld [tilespmem:s5+$0x360]  }
0x227: {  	[tilespmem:s5+$0x8320] =	vst v2;
	v2 =	vld [tilespmem:s5+$0x2360]  }
0x228: {  	v5 =	vmax.f32 v5, $0.0e+00;
	v3 =	vadd.f32 v3, v6;
	v6 =	vld [tilespmem:s5+$0x370]  }
0x229: {  	[tilespmem:s5+$0x8330] =	vst v5;
	v5 =	vld [tilespmem:s5+$0x2370]  }
0x22a: {  	v3 =	vmax.f32 v3, $0.0e+00;
	v4 =	vadd.f32 v4, v7;
	v7 =	vld [tilespmem:s5+$0x380]  }
0x22b: {  	[tilespmem:s5+$0x8340] =	vst v3;
	v3 =	vld [tilespmem:s5+$0x2380]  }
0x22c: {  	v4 =	vmax.f32 v4, $0.0e+00;
	v2 =	vadd.f32 v2, v8;
	v8 =	vld [tilespmem:s5+$0x390]  }
0x22d: {  	[tilespmem:s5+$0x8350] =	vst v4;
	v4 =	vld [tilespmem:s5+$0x2390]  }
0x22e: {  	v2 =	vmax.f32 v2, $0.0e+00;
	v5 =	vadd.f32 v5, v6;
	v6 =	vld [tilespmem:s5+$0x3A0]  }
0x22f: {  	[tilespmem:s5+$0x8360] =	vst v2;
	v2 =	vld [tilespmem:s5+$0x23A0]  }
0x230: {  	v5 =	vmax.f32 v5, $0.0e+00;
	v3 =	vadd.f32 v3, v7;
	v7 =	vld [tilespmem:s5+$0x3B0]  }
0x231: {  	[tilespmem:s5+$0x8370] =	vst v5;
	v9 =	vld [tilespmem:s5+$0x23B0]  }
0x232: {  	v3 =	vmax.f32 v3, $0.0e+00;
	v4 =	vadd.f32 v4, v8;
	v10 =	vld [tilespmem:s5+$0x3C0]  }
0x233: {  	[tilespmem:s5+$0x8380] =	vst v3;
	v11 =	vld [tilespmem:s5+$0x23C0]  }
.Ltmp3:
0x234: {  	v3 =	vmax.f32 v4, $0.0e+00;
	v4 =	vadd.f32 v2, v6;
	v2 =	vld [tilespmem:s5+$0x3D0];
	(pc) =	sbr.rel @p2 .LBB2_5-.Ltmp3, $4  }
0x235: {  	[tilespmem:s5+$0x8390] =	vst v3;
	v5 =	vld [tilespmem:s5+$0x23D0]  }
0x236: {  	v4 =	vmax.f32 v4, $0.0e+00;
	v7 =	vadd.f32 v9, v7;
	v3 =	vld [tilespmem:s5+$0x3E0]  }
0x237: {  	s30 =	sshra.s32 s13, $0x2;
	[tilespmem:s5+$0x83A0] =	vst v4;
	v6 =	vld [tilespmem:s5+$0x23E0]  }
0x238: {  	s13 =	sadd.s32 $0x400, s13;
	v4 =	vld [tilespmem:s30+$0x3F0];
	v8 =	vmax.f32 v7, $0.0e+00;
	v7 =	vadd.f32 v11, v10  }
0x239: {  	v9 =	vld [tilespmem:s30+$0x23F0];
	[tilespmem:s5+$0x83B0] =	vst v8  }
0x23a: {  	v8 =	vld [tilespmem:s30+$0x300];
	v7 =	vmax.f32 v7, $0.0e+00;
	v2 =	vadd.f32 v5, v2  }
0x23b: {  	v10 =	vld [tilespmem:s30+$0x2300];
	[tilespmem:s5+$0x83C0] =	vst v7  }
0x23c: {  	v5 =	vld [tilespmem:s30+$0x310];
	v2 =	vmax.f32 v2, $0.0e+00;
	v3 =	vadd.f32 v6, v3  }
0x23d: {  	v7 =	vld [tilespmem:s30+$0x2310];
	[tilespmem:s5+$0x83D0] =	vst v2  }
0x23e: {  	v2 =	vld [tilespmem:s30+$0x320];
	v3 =	vmax.f32 v3, $0.0e+00  }
0x23f: {  	v6 =	vld [tilespmem:s30+$0x2320];
	v4 =	vadd.f32 v9, v4;
	[tilespmem:s5+$0x83E0] =	vst v3  }
0x240: {  	v8 =	vadd.f32 v10, v8;
	v3 =	vld [tilespmem:s30+$0x330]  }
0x241: {  	v4 =	vmax.f32 v4, $0.0e+00;
	v9 =	vld [tilespmem:s30+$0x2330]  }
0x242: {  	[tilespmem:s30+$0x83F0] =	vst v4;
	v4 =	vmax.f32 v8, $0.0e+00;
	v8 =	vld [tilespmem:s30+$0x340]  }
0x243: {  	v5 =	vadd.f32 v7, v5;
	v7 =	vld [tilespmem:s30+$0x350]  }
0x244: {  	[tilespmem:s30+$0x8300] =	vst v4;
	v4 =	vld [tilespmem:s30+$0x2340];
	v2 =	vadd.f32 v6, v2  }
0x245: {  	v5 =	vmax.f32 v5, $0.0e+00;
	v6 =	vld [tilespmem:s30+$0x360]  }
0x246: {  	[tilespmem:s30+$0x8310] =	vst v5;
	v5 =	vld [tilespmem:s30+$0x2350];
	v2 =	vmax.f32 v2, $0.0e+00  }
0x247: {  	v3 =	vadd.f32 v9, v3;
	[tilespmem:s30+$0x8320] =	vst v2;
	v2 =	vld [tilespmem:s30+$0x2360]  }
0x248: {  	v9 =	vld [tilespmem:s30+$0x370]  }
0x249: {  	v3 =	vmax.f32 v3, $0.0e+00;
	v4 =	vadd.f32 v4, v8;
	v8 =	vld [tilespmem:s30+$0x380]  }
0x24a: {  	[tilespmem:s30+$0x8330] =	vst v3;
	v3 =	vld [tilespmem:s30+$0x2370]  }
0x24b: {  	v4 =	vmax.f32 v4, $0.0e+00;
	v5 =	vadd.f32 v5, v7;
	v7 =	vld [tilespmem:s30+$0x390]  }
0x24c: {  	[tilespmem:s30+$0x8340] =	vst v4;
	v4 =	vld [tilespmem:s30+$0x2380];
	v2 =	vadd.f32 v2, v6  }
0x24d: {  	v5 =	vmax.f32 v5, $0.0e+00;
	v6 =	vld [tilespmem:s30+$0x3A0]  }
0x24e: {  	[tilespmem:s30+$0x8350] =	vst v5;
	v5 =	vld [tilespmem:s30+$0x2390];
	v2 =	vmax.f32 v2, $0.0e+00  }
0x24f: {  	v3 =	vadd.f32 v3, v9;
	[tilespmem:s30+$0x8360] =	vst v2;
	v2 =	vld [tilespmem:s30+$0x23A0]  }
0x250: {  	v9 =	vld [tilespmem:s30+$0x3B0]  }
0x251: {  	v3 =	vmax.f32 v3, $0.0e+00;
	v4 =	vadd.f32 v4, v8;
	v8 =	vld [tilespmem:s30+$0x3C0]  }
0x252: {  	[tilespmem:s30+$0x8370] =	vst v3;
	v3 =	vld [tilespmem:s30+$0x23B0]  }
0x253: {  	v4 =	vmax.f32 v4, $0.0e+00;
	v5 =	vadd.f32 v5, v7;
	v7 =	vld [tilespmem:s30+$0x3D0]  }
0x254: {  	[tilespmem:s30+$0x8380] =	vst v4;
	v4 =	vld [tilespmem:s30+$0x23C0];
	v2 =	vadd.f32 v2, v6  }
0x255: {  	v5 =	vmax.f32 v5, $0.0e+00;
	v6 =	vld [tilespmem:s30+$0x3E0]  }
0x256: {  	[tilespmem:s30+$0x8390] =	vst v5;
	v5 =	vld [tilespmem:s30+$0x23D0];
	v2 =	vmax.f32 v2, $0.0e+00  }
0x257: {  	[tilespmem:s30+$0x83A0] =	vst v2;
	v2 =	vld [tilespmem:s30+$0x23E0];
	_ =	sdelay $0x1  }
0x258: {  	v3 =	vadd.f32 v3, v9  }
0x259: {  	v4 =	vadd.f32 v4, v8  }
0x25a: {  	v3 =	vmax.f32 v3, $0.0e+00;
	v5 =	vadd.f32 v5, v7  }
0x25b: {  	[tilespmem:s30+$0x83B0] =	vst v3;
	v3 =	vmax.f32 v4, $0.0e+00;
	v2 =	vadd.f32 v2, v6  }
0x25c: {  	[tilespmem:s30+$0x83C0] =	vst v3;
	v3 =	vmax.f32 v5, $0.0e+00  }
0x25d: {  	[tilespmem:s30+$0x83D0] =	vst v3;
	v2 =	vmax.f32 v2, $0.0e+00  }
0x25e: {  	[tilespmem:s30+$0x83E0] =	vst v2  }
0x25f: {  	[spmem:s3] =	stream.indirect.scatter.add.f32 [tilespmem:s26], [sflag:$0x5], $0x80, s14, s19, $0xb8;
	[tilespmem:$0x1E880] =	vst v63  }
0x260: {  	_ = 	snop  }
0x261: {  	[spmem:s1] =	stream.indirect.scatter.add.f32 [tilespmem:s20], [sflag:$0x7], $0x1, s14, s19, $0xb8;
	[tilespmem:$0x1E880] =	vst v63  }
0x262: {  	_ =	swait.ge [sflag:s24], $0x2000  }
0x263: {  	[sflag:s24] =	ssyncset.done $0x0  }
0x264: {  	[sflag:s24] =	ssyncadd.s32 $0xFFFFE000  }
0x265: {  	_ =	swait.ge [sflag:s29], $0x2000  }
0x266: {  	[sflag:s29] =	ssyncset.done $0x0  }
0x267: {  	[sflag:s29] =	ssyncadd.s32 $0xFFFFE000  }
0x268: {  	v2 =	vld [tilespmem:$0x180]  }
0x269: {  	v3 =	vld [tilespmem:$0x190]  }
0x26a: {  	v4 =	vld [tilespmem:$0x1A0]  }
0x26b: {  	s5 =	sadd.s32 $0x3, s21;
	v5 =	vld [tilespmem:$0x1B0]  }
0x26c: {  	p2 =	sge.u32 s5, s10  }
0x26d: {  	s5 =	sadd.s32 @!p2 s9, s5;
	[tilespmem:$0x280] =	vst v2  }
0x26e: {  	s5 =	sshll.u32 @!p2 s5, $0x3;
	[tilespmem:$0x290] =	vst v3  }
0x26f: {  	s5 =	sand.u32 @!p2 $0x1FFFFFF8, s5;
	[tilespmem:$0x2A0] =	vst v4  }
0x270: {  	s21 =	simm.s32 @!p2 $0x0;
	s13 =	sadd.s32 @!p2 s6, s5;
	s30 =	simm.s32 @!p2 $0x80;
	[tilespmem:$0x2B0] =	vst v5  }
0x271: {  	[tilespmem:s30], [sflag:$0xA] =	stream.linear.gather @!p2 [hbm4b:s13+s21], $0x40, $0x38;
	[tilespmem:$0x1E880] =	vst v63  }
0x272: {  	s5 =	sadd.s32 @!p2 s7, s5;
	s13 =	simm.s32 @!p2 $0x180  }
0x273: {  	[tilespmem:s13], [sflag:$0xC] =	stream.linear.gather @!p2 [hbm4b:s5+s21], $0x40, $0x38;
	[tilespmem:$0x1E880] =	vst v63  }
0x274: {  	s5 =	simm.s32 @!p1 $0x9  }
0x275: {  	_ =	swait.ge @!p1 [sflag:s5], $0x40  }
0x276: {  	[sflag:s5] =	ssyncset.done @!p1 $0x0  }
0x277: {  	[sflag:s5] =	ssyncadd.s32 @!p1 $0xFFFFFFC0;
	s5 =	simm.s32 @!p1 $0xB  }
0x278: {  	_ =	swait.ge @!p1 [sflag:s5], $0x40  }
0x279: {  	[sflag:s5] =	ssyncset.done @!p1 $0x0  }
0x27a: {  	s13 =	simm.s32 @!p1 $0x0;
	[sflag:s5] =	ssyncadd.s32 @!p1 $0xFFFFFFC0  }
0x27b: {  	s21 =	simm.s32 @!p1 $0x300;
	s5 =	simm.s32 @!p1 $0x40;
	s30 =	rddreg [dreg:$0x1]  }
0x27c: {  	[tilespmem:s21], [sflag:$0x1] =	stream.indirect.gather @!p1 [hbm4b:s30+s5], $0x80, s13, s5, $0xb8;
	[tilespmem:$0x1E880] =	vst v63  }
0x27d: {  	s13 =	simm.s32 @!p1 $0x100;
	s21 =	simm.s32 @!p1 $0x2300  }
0x27e: {  	[tilespmem:s21], [sflag:$0x2] =	stream.indirect.gather @!p1 [hbm4b:s8+s5], $0x80, s13, s5, $0xb8;
	[tilespmem:$0x1E880] =	vst v63  }
0x27f: {  	_ =	swait.ge [sflag:s11], $0x2000  }
0x280: {  	[sflag:s11] =	ssyncset.done $0x0  }
0x281: {  	[sflag:s11] =	ssyncadd.s32 $0xFFFFE000  }
0x282: {  	_ =	swait.ge [sflag:s18], $0x40  }
0x283: {  	[sflag:s18] =	ssyncset.done $0x0  }
0x284: {  	s5 =	simm.s32 $0x0;
	[sflag:s18] =	ssyncadd.s32 $0xFFFFFFC0  }
0x285: {  	v2 =	vld [tilespmem:s5+$0x43F0]  }
0x286: {  	v3 =	vld [tilespmem:s5+$0x63F0]  }
0x287: {  	v4 =	vld [tilespmem:s5+$0x4300]  }
0x288: {  	v5 =	vld [tilespmem:s5+$0x6300]  }
0x289: {  	v6 =	vld [tilespmem:s5+$0x4310]  }
0x28a: {  	v7 =	vld [tilespmem:s5+$0x6310]  }
0x28b: {  	v8 =	vld [tilespmem:s5+$0x4320]  }
0x28c: {  	v2 =	vadd.f32 v3, v2;
	v3 =	vld [tilespmem:s5+$0x6320]  }
0x28d: {  	v9 =	vld [tilespmem:s5+$0x4330]  }
0x28e: {  	v4 =	vadd.f32 v5, v4;
	v5 =	vld [tilespmem:s5+$0x6330]  }
0x28f: {  	v6 =	vadd.f32 v7, v6;
	v7 =	vld [tilespmem:s5+$0x4350];
	v2 =	vmax.f32 v2, $0.0e+00  }
0x290: {  	[tilespmem:s5+$0x83F0] =	vst v2;
	v2 =	vmax.f32 v4, $0.0e+00;
	v4 =	vld [tilespmem:s5+$0x4340]  }
0x291: {  	v6 =	vmax.f32 v6, $0.0e+00;
	[tilespmem:s5+$0x8300] =	vst v2;
	v2 =	vld [tilespmem:s5+$0x6340];
	v3 =	vadd.f32 v3, v8  }
0x292: {  	[tilespmem:s5+$0x8310] =	vst v6;
	v6 =	vld [tilespmem:s5+$0x6350]  }
0x293: {  	v8 =	vld [tilespmem:s5+$0x4360];
	v3 =	vmax.f32 v3, $0.0e+00  }
0x294: {  	v5 =	vadd.f32 v5, v9;
	[tilespmem:s5+$0x8320] =	vst v3;
	v3 =	vld [tilespmem:s5+$0x6360]  }
0x295: {  	v9 =	vld [tilespmem:s5+$0x4370]  }
0x296: {  	v5 =	vmax.f32 v5, $0.0e+00;
	v2 =	vadd.f32 v2, v4;
	v4 =	vld [tilespmem:s5+$0x6370]  }
0x297: {  	[tilespmem:s5+$0x8330] =	vst v5;
	v5 =	vld [tilespmem:s5+$0x4380];
	v6 =	vadd.f32 v6, v7  }
0x298: {  	v7 =	vld [tilespmem:s5+$0x4390];
	v2 =	vmax.f32 v2, $0.0e+00  }
0x299: {  	v6 =	vmax.f32 v6, $0.0e+00;
	[tilespmem:s5+$0x8340] =	vst v2;
	v2 =	vld [tilespmem:s5+$0x6380];
	v3 =	vadd.f32 v3, v8  }
0x29a: {  	[tilespmem:s5+$0x8350] =	vst v6;
	v6 =	vld [tilespmem:s5+$0x6390]  }
0x29b: {  	v8 =	vld [tilespmem:s5+$0x43A0];
	v4 =	vadd.f32 v4, v9;
	v3 =	vmax.f32 v3, $0.0e+00  }
0x29c: {  	[tilespmem:s5+$0x8360] =	vst v3;
	v3 =	vld [tilespmem:s5+$0x63A0]  }
0x29d: {  	v9 =	vld [tilespmem:s5+$0x43B0];
	v4 =	vmax.f32 v4, $0.0e+00  }
0x29e: {  	v2 =	vadd.f32 v2, v5;
	[tilespmem:s5+$0x8370] =	vst v4;
	v4 =	vld [tilespmem:s5+$0x63B0]  }
0x29f: {  	v10 =	vld [tilespmem:s5+$0x43C0];
	v5 =	vadd.f32 v6, v7  }
0x2a0: {  	v7 =	vld [tilespmem:s5+$0x63C0];
	v2 =	vmax.f32 v2, $0.0e+00  }
0x2a1: {  	v5 =	vmax.f32 v5, $0.0e+00;
	[tilespmem:s5+$0x8380] =	vst v2;
	v2 =	vld [tilespmem:s5+$0x43D0];
	v3 =	vadd.f32 v3, v8  }
0x2a2: {  	[tilespmem:s5+$0x8390] =	vst v5;
	v5 =	vld [tilespmem:s5+$0x63D0]  }
0x2a3: {  	v8 =	vadd.f32 v4, v9;
	v6 =	vmax.f32 v3, $0.0e+00;
	v3 =	vld [tilespmem:s5+$0x43E0]  }
0x2a4: {  	s21 =	simm.s32 $0x100;
	[tilespmem:s5+$0x83A0] =	vst v6;
	v6 =	vld [tilespmem:s5+$0x63E0]  }
0x2a5: {  	s13 =	simm.s32 $0x800;
	v7 =	vadd.f32 v7, v10;
	v8 =	vmax.f32 v8, $0.0e+00;
	v4 =	vld [tilespmem:s21+$0x43F0]  }
.LBB2_7:
0x2a6: {  	p1 =	sne.s32 s13, $0x7C00;
	v9 =	vld [tilespmem:s21+$0x63F0];
	[tilespmem:s5+$0x83B0] =	vst v8  }
0x2a7: {  	v8 =	vld [tilespmem:s21+$0x4300];
	v7 =	vmax.f32 v7, $0.0e+00;
	v2 =	vadd.f32 v5, v2  }
0x2a8: {  	v5 =	vld [tilespmem:s21+$0x6300];
	[tilespmem:s5+$0x83C0] =	vst v7  }
0x2a9: {  	v7 =	vld [tilespmem:s21+$0x4310];
	v2 =	vmax.f32 v2, $0.0e+00;
	v3 =	vadd.f32 v6, v3  }
0x2aa: {  	v6 =	vld [tilespmem:s21+$0x6310];
	[tilespmem:s5+$0x83D0] =	vst v2  }
0x2ab: {  	v2 =	vld [tilespmem:s21+$0x4320];
	v4 =	vadd.f32 v9, v4;
	v3 =	vmax.f32 v3, $0.0e+00  }
0x2ac: {  	v9 =	vld [tilespmem:s21+$0x6320];
	[tilespmem:s5+$0x83E0] =	vst v3;
	s5 =	smov.u32 s21  }
0x2ad: {  	v3 =	vadd.f32 v5, v8;
	v5 =	vld [tilespmem:s5+$0x4330];
	v4 =	vmax.f32 v4, $0.0e+00  }
0x2ae: {  	v8 =	vld [tilespmem:s5+$0x6330];
	[tilespmem:s5+$0x83F0] =	vst v4  }
0x2af: {  	v3 =	vmax.f32 v3, $0.0e+00;
	v4 =	vadd.f32 v6, v7;
	v6 =	vld [tilespmem:s5+$0x4340]  }
0x2b0: {  	[tilespmem:s5+$0x8300] =	vst v3;
	v3 =	vld [tilespmem:s5+$0x6340]  }
0x2b1: {  	v4 =	vmax.f32 v4, $0.0e+00;
	v2 =	vadd.f32 v9, v2;
	v7 =	vld [tilespmem:s5+$0x4350]  }
0x2b2: {  	[tilespmem:s5+$0x8310] =	vst v4;
	v4 =	vld [tilespmem:s5+$0x6350]  }
0x2b3: {  	v2 =	vmax.f32 v2, $0.0e+00;
	v5 =	vadd.f32 v8, v5;
	v8 =	vld [tilespmem:s5+$0x4360]  }
0x2b4: {  	[tilespmem:s5+$0x8320] =	vst v2;
	v2 =	vld [tilespmem:s5+$0x6360]  }
0x2b5: {  	v5 =	vmax.f32 v5, $0.0e+00;
	v3 =	vadd.f32 v3, v6;
	v6 =	vld [tilespmem:s5+$0x4370]  }
0x2b6: {  	[tilespmem:s5+$0x8330] =	vst v5;
	v5 =	vld [tilespmem:s5+$0x6370]  }
0x2b7: {  	v3 =	vmax.f32 v3, $0.0e+00;
	v4 =	vadd.f32 v4, v7;
	v7 =	vld [tilespmem:s5+$0x4380]  }
0x2b8: {  	[tilespmem:s5+$0x8340] =	vst v3;
	v3 =	vld [tilespmem:s5+$0x6380]  }
0x2b9: {  	v4 =	vmax.f32 v4, $0.0e+00;
	v2 =	vadd.f32 v2, v8;
	v8 =	vld [tilespmem:s5+$0x4390]  }
0x2ba: {  	[tilespmem:s5+$0x8350] =	vst v4;
	v4 =	vld [tilespmem:s5+$0x6390]  }
0x2bb: {  	v2 =	vmax.f32 v2, $0.0e+00;
	v5 =	vadd.f32 v5, v6;
	v6 =	vld [tilespmem:s5+$0x43A0]  }
0x2bc: {  	[tilespmem:s5+$0x8360] =	vst v2;
	v2 =	vld [tilespmem:s5+$0x63A0]  }
0x2bd: {  	v5 =	vmax.f32 v5, $0.0e+00;
	v3 =	vadd.f32 v3, v7;
	v7 =	vld [tilespmem:s5+$0x43B0]  }
0x2be: {  	[tilespmem:s5+$0x8370] =	vst v5;
	v9 =	vld [tilespmem:s5+$0x63B0]  }
0x2bf: {  	v3 =	vmax.f32 v3, $0.0e+00;
	v4 =	vadd.f32 v4, v8;
	v10 =	vld [tilespmem:s5+$0x43C0]  }
0x2c0: {  	[tilespmem:s5+$0x8380] =	vst v3;
	v11 =	vld [tilespmem:s5+$0x63C0]  }
.Ltmp4:
0x2c1: {  	v3 =	vmax.f32 v4, $0.0e+00;
	v4 =	vadd.f32 v2, v6;
	v2 =	vld [tilespmem:s5+$0x43D0];
	(pc) =	sbr.rel @p1 .LBB2_7-.Ltmp4, $4  }
0x2c2: {  	[tilespmem:s5+$0x8390] =	vst v3;
	v5 =	vld [tilespmem:s5+$0x63D0]  }
0x2c3: {  	v4 =	vmax.f32 v4, $0.0e+00;
	v7 =	vadd.f32 v9, v7;
	v3 =	vld [tilespmem:s5+$0x43E0]  }
0x2c4: {  	s21 =	sshra.s32 s13, $0x2;
	[tilespmem:s5+$0x83A0] =	vst v4;
	v6 =	vld [tilespmem:s5+$0x63E0]  }
0x2c5: {  	s13 =	sadd.s32 $0x400, s13;
	v4 =	vld [tilespmem:s21+$0x43F0];
	v8 =	vmax.f32 v7, $0.0e+00;
	v7 =	vadd.f32 v11, v10  }
0x2c6: {  	v9 =	vld [tilespmem:s21+$0x63F0];
	[tilespmem:s5+$0x83B0] =	vst v8  }
0x2c7: {  	v8 =	vld [tilespmem:s21+$0x4300];
	v7 =	vmax.f32 v7, $0.0e+00;
	v2 =	vadd.f32 v5, v2  }
0x2c8: {  	v10 =	vld [tilespmem:s21+$0x6300];
	[tilespmem:s5+$0x83C0] =	vst v7  }
0x2c9: {  	v43 =	vld [tilespmem:s21+$0x4310];
	v2 =	vmax.f32 v2, $0.0e+00;
	v3 =	vadd.f32 v6, v3  }
0x2ca: {  	v7 =	vld [tilespmem:s21+$0x6310];
	[tilespmem:s5+$0x83D0] =	vst v2  }
0x2cb: {  	v2 =	vld [tilespmem:s21+$0x4320];
	v3 =	vmax.f32 v3, $0.0e+00  }
0x2cc: {  	v44 =	vld [tilespmem:s21+$0x6320];
	[tilespmem:s5+$0x83E0] =	vst v3  }
0x2cd: {  	v3 =	vld [tilespmem:s21+$0x4330]  }
0x2ce: {  	v45 =	vld [tilespmem:s21+$0x6330]  }
0x2cf: {  	v47 =	vld [tilespmem:s21+$0x4340]  }
0x2d0: {  	v48 =	vld [tilespmem:s21+$0x6340]  }
0x2d1: {  	v49 =	vld [tilespmem:s21+$0x4350];
	v2 =	vadd.f32 v44, v2  }
0x2d2: {  	v50 =	vld [tilespmem:s21+$0x6350]  }
0x2d3: {  	v51 =	vld [tilespmem:s21+$0x4360];
	v2 =	vmax.f32 v2, $0.0e+00  }
0x2d4: {  	[tilespmem:s21+$0x8320] =	vst v2;
	v2 =	vld [tilespmem:s21+$0x6360]  }
0x2d5: {  	v52 =	vld [tilespmem:s21+$0x4370]  }
0x2d6: {  	v53 =	vld [tilespmem:s21+$0x4380];
	v3 =	vadd.f32 v45, v3  }
0x2d7: {  	v54 =	vld [tilespmem:s21+$0x6380]  }
0x2d8: {  	v55 =	vld [tilespmem:s21+$0x4390];
	v3 =	vmax.f32 v3, $0.0e+00  }
0x2d9: {  	[tilespmem:s21+$0x8330] =	vst v3;
	v3 =	vld [tilespmem:s21+$0x6370];
	v2 =	vadd.f32 v2, v51  }
0x2da: {  	v56 =	vld [tilespmem:s21+$0x6390]  }
0x2db: {  	v57 =	vld [tilespmem:s21+$0x43A0];
	v2 =	vmax.f32 v2, $0.0e+00  }
0x2dc: {  	[tilespmem:s21+$0x8360] =	vst v2;
	v2 =	vld [tilespmem:s21+$0x63A0]  }
0x2dd: {  	v4 =	vadd.f32 v9, v4;
	v58 =	vld [tilespmem:s21+$0x43B0]  }
0x2de: {  	v59 =	vld [tilespmem:s21+$0x43C0];
	v3 =	vadd.f32 v3, v52  }
0x2df: {  	v4 =	vmax.f32 v4, $0.0e+00;
	v60 =	vld [tilespmem:s21+$0x63C0];
	v5 =	vadd.f32 v7, v43  }
0x2e0: {  	v61 =	vld [tilespmem:s21+$0x43D0];
	[tilespmem:s21+$0x83F0] =	vst v4;
	v4 =	vadd.f32 v48, v47;
	v3 =	vmax.f32 v3, $0.0e+00  }
0x2e1: {  	v5 =	vmax.f32 v5, $0.0e+00;
	[tilespmem:s21+$0x8370] =	vst v3;
	v3 =	vld [tilespmem:s21+$0x63B0];
	v2 =	vadd.f32 v2, v57  }
0x2e2: {  	v62 =	vld [tilespmem:s21+$0x63D0];
	[tilespmem:s21+$0x8310] =	vst v5;
	v5 =	vadd.f32 v50, v49;
	v4 =	vmax.f32 v4, $0.0e+00  }
0x2e3: {  	v8 =	vadd.f32 v10, v8;
	v63 =	vld [tilespmem:s21+$0x43E0];
	[tilespmem:s21+$0x8340] =	vst v4;
	v2 =	vmax.f32 v2, $0.0e+00  }
0x2e4: {  	v5 =	vmax.f32 v5, $0.0e+00;
	v4 =	vadd.f32 v54, v53;
	[tilespmem:s21+$0x83A0] =	vst v2;
	v2 =	vld [tilespmem:s21+$0x63E0]  }
0x2e5: {  	v46 =	vmax.f32 v8, $0.0e+00;
	[tilespmem:s21+$0x8350] =	vst v5;
	v5 =	vadd.f32 v56, v55  }
0x2e6: {  	[tilespmem:s21+$0x8300] =	vst v46;
	v4 =	vmax.f32 v4, $0.0e+00;
	v3 =	vadd.f32 v3, v58  }
0x2e7: {  	v5 =	vmax.f32 v5, $0.0e+00;
	[tilespmem:s21+$0x8380] =	vst v4;
	v4 =	vadd.f32 v60, v59  }
0x2e8: {  	[tilespmem:s21+$0x8390] =	vst v5;
	v5 =	vadd.f32 v62, v61;
	v3 =	vmax.f32 v3, $0.0e+00  }
0x2e9: {  	s15 =	sadd.s32 $0x1, s15;
	[tilespmem:s21+$0x83B0] =	vst v3;
	v3 =	vmax.f32 v4, $0.0e+00;
	v2 =	vadd.f32 v2, v63  }
0x2ea: {  	p1 =	sne.s32 s15, $0x4E;
	[tilespmem:s21+$0x83C0] =	vst v3;
	v3 =	vmax.f32 v5, $0.0e+00  }
.Ltmp5:
0x2eb: {  	[tilespmem:s21+$0x83D0] =	vst v3;
	v2 =	vmax.f32 v2, $0.0e+00;
	(pc) =	sbr.rel @p1 .LBB2_4-.Ltmp5, $4  }
0x2ec: {  	[tilespmem:s21+$0x83E0] =	vst v2  }
0x2ed: {  	[spmem:s3] =	stream.indirect.scatter.add.f32 [tilespmem:s26], [sflag:$0x6], $0x80, s23, s19, $0xb8;
	[tilespmem:$0x1E880] =	vst v63  }
0x2ee: {  	_ = 	snop  }
0x2ef: {  	[spmem:s1] =	stream.indirect.scatter.add.f32 [tilespmem:s20], [sflag:$0x8], $0x1, s23, s19, $0xb8;
	[tilespmem:$0x1E880] =	vst v63  }
.Ltmp6:
0x2f0: {  	(pc) =	sbr.rel @p0 .LBB2_10-.Ltmp6, $1  }
0x2f1: {  	_ =	sdelay $0x3  }
0x2f2: {  	_ =	swait.ge [sflag:s0], $0x2000  }
0x2f3: {  	[sflag:s0] =	ssyncset.done $0x0  }
0x2f4: {  	[sflag:s0] =	ssyncadd.s32 $0xFFFFE000  }
0x2f5: {  	_ =	swait.ge [sflag:s12], $0x2000  }
0x2f6: {  	[sflag:s12] =	ssyncset.done $0x0  }
0x2f7: {  	[sflag:s12] =	ssyncadd.s32 $0xFFFFE000  }
0x2f8: {  	v2 =	vld [tilespmem:$0x100]  }
0x2f9: {  	v3 =	vld [tilespmem:$0x110]  }
0x2fa: {  	v4 =	vld [tilespmem:$0x120]  }
0x2fb: {  	v5 =	vld [tilespmem:$0x130];
	_ =	sdelay $0x1  }
0x2fc: {  	[tilespmem:$0x200] =	vst v2  }
0x2fd: {  	[tilespmem:$0x210] =	vst v3  }
0x2fe: {  	[tilespmem:$0x220] =	vst v4  }
0x2ff: {  	s2 =	simm.s32 $0x6;
	[tilespmem:$0x230] =	vst v5  }
0x300: {  	_ =	swait.ge [sflag:s2], $0x2000  }
0x301: {  	[sflag:s2] =	ssyncset.done $0x0  }
0x302: {  	s30 =	simm.s32 $0x8;
	[sflag:s2] =	ssyncadd.s32 $0xFFFFE000  }
0x303: {  	_ =	swait.ge [sflag:s30], $0x40  }
0x304: {  	[sflag:s30] =	ssyncset.done $0x0  }
0x305: {  	s5 =	simm.s32 $0x0;
	[sflag:s30] =	ssyncadd.s32 $0xFFFFFFC0  }
0x306: {  	v2 =	vld [tilespmem:s5+$0x3F0]  }
0x307: {  	v3 =	vld [tilespmem:s5+$0x23F0]  }
0x308: {  	v4 =	vld [tilespmem:s5+$0x300]  }
0x309: {  	v5 =	vld [tilespmem:s5+$0x2300]  }
0x30a: {  	v6 =	vld [tilespmem:s5+$0x310]  }
0x30b: {  	v7 =	vld [tilespmem:s5+$0x2310]  }
0x30c: {  	v8 =	vld [tilespmem:s5+$0x320]  }
0x30d: {  	v2 =	vadd.f32 v3, v2;
	v3 =	vld [tilespmem:s5+$0x2320]  }
0x30e: {  	v9 =	vld [tilespmem:s5+$0x330]  }
0x30f: {  	v4 =	vadd.f32 v5, v4;
	v5 =	vld [tilespmem:s5+$0x2330]  }
0x310: {  	v6 =	vadd.f32 v7, v6;
	v7 =	vld [tilespmem:s5+$0x350];
	v2 =	vmax.f32 v2, $0.0e+00  }
0x311: {  	[tilespmem:s5+$0x83F0] =	vst v2;
	v2 =	vmax.f32 v4, $0.0e+00;
	v4 =	vld [tilespmem:s5+$0x340]  }
0x312: {  	v6 =	vmax.f32 v6, $0.0e+00;
	[tilespmem:s5+$0x8300] =	vst v2;
	v2 =	vld [tilespmem:s5+$0x2340];
	v3 =	vadd.f32 v3, v8  }
0x313: {  	[tilespmem:s5+$0x8310] =	vst v6;
	v6 =	vld [tilespmem:s5+$0x2350]  }
0x314: {  	v8 =	vld [tilespmem:s5+$0x360];
	v3 =	vmax.f32 v3, $0.0e+00  }
0x315: {  	v5 =	vadd.f32 v5, v9;
	[tilespmem:s5+$0x8320] =	vst v3;
	v3 =	vld [tilespmem:s5+$0x2360]  }
0x316: {  	v9 =	vld [tilespmem:s5+$0x370]  }
0x317: {  	v5 =	vmax.f32 v5, $0.0e+00;
	v2 =	vadd.f32 v2, v4;
	v4 =	vld [tilespmem:s5+$0x2370]  }
0x318: {  	[tilespmem:s5+$0x8330] =	vst v5;
	v5 =	vld [tilespmem:s5+$0x380];
	v6 =	vadd.f32 v6, v7  }
0x319: {  	v7 =	vld [tilespmem:s5+$0x390];
	v2 =	vmax.f32 v2, $0.0e+00  }
0x31a: {  	v6 =	vmax.f32 v6, $0.0e+00;
	[tilespmem:s5+$0x8340] =	vst v2;
	v2 =	vld [tilespmem:s5+$0x2380];
	v3 =	vadd.f32 v3, v8  }
0x31b: {  	[tilespmem:s5+$0x8350] =	vst v6;
	v6 =	vld [tilespmem:s5+$0x2390]  }
0x31c: {  	v8 =	vld [tilespmem:s5+$0x3A0];
	v4 =	vadd.f32 v4, v9;
	v3 =	vmax.f32 v3, $0.0e+00  }
0x31d: {  	[tilespmem:s5+$0x8360] =	vst v3;
	v3 =	vld [tilespmem:s5+$0x23A0]  }
0x31e: {  	v9 =	vld [tilespmem:s5+$0x3B0];
	v4 =	vmax.f32 v4, $0.0e+00  }
0x31f: {  	v2 =	vadd.f32 v2, v5;
	[tilespmem:s5+$0x8370] =	vst v4;
	v4 =	vld [tilespmem:s5+$0x23B0]  }
0x320: {  	v10 =	vld [tilespmem:s5+$0x3C0];
	v5 =	vadd.f32 v6, v7  }
0x321: {  	v7 =	vld [tilespmem:s5+$0x23C0];
	v2 =	vmax.f32 v2, $0.0e+00  }
0x322: {  	v5 =	vmax.f32 v5, $0.0e+00;
	[tilespmem:s5+$0x8380] =	vst v2;
	v2 =	vld [tilespmem:s5+$0x3D0];
	v3 =	vadd.f32 v3, v8  }
0x323: {  	[tilespmem:s5+$0x8390] =	vst v5;
	v5 =	vld [tilespmem:s5+$0x23D0]  }
0x324: {  	v8 =	vadd.f32 v4, v9;
	v6 =	vmax.f32 v3, $0.0e+00;
	v3 =	vld [tilespmem:s5+$0x3E0]  }
0x325: {  	s15 =	simm.s32 $0x100;
	s2 =	rddreg [dreg:$0x9];
	[tilespmem:s5+$0x83A0] =	vst v6;
	v6 =	vld [tilespmem:s5+$0x23E0]  }
0x326: {  	s13 =	simm.s32 $0x800;
	s21 =	rddreg [dreg:$0x1a];
	v7 =	vadd.f32 v7, v10;
	v8 =	vmax.f32 v8, $0.0e+00;
	v4 =	vld [tilespmem:s15+$0x3F0]  }
.LBB2_12:
0x327: {  	p1 =	sne.s32 s13, $0x7C00;
	v9 =	vld [tilespmem:s15+$0x23F0];
	[tilespmem:s5+$0x83B0] =	vst v8  }
0x328: {  	v8 =	vld [tilespmem:s15+$0x300];
	v7 =	vmax.f32 v7, $0.0e+00;
	v2 =	vadd.f32 v5, v2  }
0x329: {  	v5 =	vld [tilespmem:s15+$0x2300];
	[tilespmem:s5+$0x83C0] =	vst v7  }
0x32a: {  	v7 =	vld [tilespmem:s15+$0x310];
	v2 =	vmax.f32 v2, $0.0e+00;
	v3 =	vadd.f32 v6, v3  }
0x32b: {  	v6 =	vld [tilespmem:s15+$0x2310];
	[tilespmem:s5+$0x83D0] =	vst v2  }
0x32c: {  	v2 =	vld [tilespmem:s15+$0x320];
	v4 =	vadd.f32 v9, v4;
	v3 =	vmax.f32 v3, $0.0e+00  }
0x32d: {  	v9 =	vld [tilespmem:s15+$0x2320];
	[tilespmem:s5+$0x83E0] =	vst v3;
	s5 =	smov.u32 s15  }
0x32e: {  	v3 =	vadd.f32 v5, v8;
	v5 =	vld [tilespmem:s5+$0x330];
	v4 =	vmax.f32 v4, $0.0e+00  }
0x32f: {  	v8 =	vld [tilespmem:s5+$0x2330];
	[tilespmem:s5+$0x83F0] =	vst v4  }
0x330: {  	v3 =	vmax.f32 v3, $0.0e+00;
	v4 =	vadd.f32 v6, v7;
	v6 =	vld [tilespmem:s5+$0x340]  }
0x331: {  	[tilespmem:s5+$0x8300] =	vst v3;
	v3 =	vld [tilespmem:s5+$0x2340]  }
0x332: {  	v4 =	vmax.f32 v4, $0.0e+00;
	v2 =	vadd.f32 v9, v2;
	v7 =	vld [tilespmem:s5+$0x350]  }
0x333: {  	[tilespmem:s5+$0x8310] =	vst v4;
	v4 =	vld [tilespmem:s5+$0x2350]  }
0x334: {  	v2 =	vmax.f32 v2, $0.0e+00;
	v5 =	vadd.f32 v8, v5;
	v8 =	vld [tilespmem:s5+$0x360]  }
0x335: {  	[tilespmem:s5+$0x8320] =	vst v2;
	v2 =	vld [tilespmem:s5+$0x2360]  }
0x336: {  	v5 =	vmax.f32 v5, $0.0e+00;
	v3 =	vadd.f32 v3, v6;
	v6 =	vld [tilespmem:s5+$0x370]  }
0x337: {  	[tilespmem:s5+$0x8330] =	vst v5;
	v5 =	vld [tilespmem:s5+$0x2370]  }
0x338: {  	v3 =	vmax.f32 v3, $0.0e+00;
	v4 =	vadd.f32 v4, v7;
	v7 =	vld [tilespmem:s5+$0x380]  }
0x339: {  	[tilespmem:s5+$0x8340] =	vst v3;
	v3 =	vld [tilespmem:s5+$0x2380]  }
0x33a: {  	v4 =	vmax.f32 v4, $0.0e+00;
	v2 =	vadd.f32 v2, v8;
	v8 =	vld [tilespmem:s5+$0x390]  }
0x33b: {  	[tilespmem:s5+$0x8350] =	vst v4;
	v4 =	vld [tilespmem:s5+$0x2390]  }
0x33c: {  	v2 =	vmax.f32 v2, $0.0e+00;
	v5 =	vadd.f32 v5, v6;
	v6 =	vld [tilespmem:s5+$0x3A0]  }
0x33d: {  	[tilespmem:s5+$0x8360] =	vst v2;
	v2 =	vld [tilespmem:s5+$0x23A0]  }
0x33e: {  	v5 =	vmax.f32 v5, $0.0e+00;
	v3 =	vadd.f32 v3, v7;
	v7 =	vld [tilespmem:s5+$0x3B0]  }
0x33f: {  	[tilespmem:s5+$0x8370] =	vst v5;
	v9 =	vld [tilespmem:s5+$0x23B0]  }
0x340: {  	v3 =	vmax.f32 v3, $0.0e+00;
	v4 =	vadd.f32 v4, v8;
	v10 =	vld [tilespmem:s5+$0x3C0]  }
0x341: {  	[tilespmem:s5+$0x8380] =	vst v3;
	v11 =	vld [tilespmem:s5+$0x23C0]  }
.Ltmp7:
0x342: {  	v3 =	vmax.f32 v4, $0.0e+00;
	v4 =	vadd.f32 v2, v6;
	v2 =	vld [tilespmem:s5+$0x3D0];
	(pc) =	sbr.rel @p1 .LBB2_12-.Ltmp7, $4  }
0x343: {  	[tilespmem:s5+$0x8390] =	vst v3;
	v5 =	vld [tilespmem:s5+$0x23D0]  }
0x344: {  	v4 =	vmax.f32 v4, $0.0e+00;
	v7 =	vadd.f32 v9, v7;
	v3 =	vld [tilespmem:s5+$0x3E0]  }
0x345: {  	s15 =	sshra.s32 s13, $0x2;
	[tilespmem:s5+$0x83A0] =	vst v4;
	v6 =	vld [tilespmem:s5+$0x23E0]  }
0x346: {  	s13 =	sadd.s32 $0x400, s13;
	v4 =	vld [tilespmem:s15+$0x3F0];
	v8 =	vmax.f32 v7, $0.0e+00;
	v7 =	vadd.f32 v11, v10  }
0x347: {  	v9 =	vld [tilespmem:s15+$0x23F0];
	[tilespmem:s5+$0x83B0] =	vst v8  }
0x348: {  	v8 =	vld [tilespmem:s15+$0x300];
	v7 =	vmax.f32 v7, $0.0e+00;
	v2 =	vadd.f32 v5, v2  }
0x349: {  	v10 =	vld [tilespmem:s15+$0x2300];
	[tilespmem:s5+$0x83C0] =	vst v7  }
0x34a: {  	v43 =	vld [tilespmem:s15+$0x310];
	v2 =	vmax.f32 v2, $0.0e+00;
	v3 =	vadd.f32 v6, v3  }
0x34b: {  	v7 =	vld [tilespmem:s15+$0x2310];
	[tilespmem:s5+$0x83D0] =	vst v2  }
0x34c: {  	v2 =	vld [tilespmem:s15+$0x320];
	v3 =	vmax.f32 v3, $0.0e+00  }
0x34d: {  	v44 =	vld [tilespmem:s15+$0x2320];
	[tilespmem:s5+$0x83E0] =	vst v3  }
0x34e: {  	v3 =	vld [tilespmem:s15+$0x330]  }
0x34f: {  	v45 =	vld [tilespmem:s15+$0x2330]  }
0x350: {  	v47 =	vld [tilespmem:s15+$0x340]  }
0x351: {  	v48 =	vld [tilespmem:s15+$0x2340]  }
0x352: {  	v49 =	vld [tilespmem:s15+$0x350];
	v2 =	vadd.f32 v44, v2  }
0x353: {  	v50 =	vld [tilespmem:s15+$0x2350]  }
0x354: {  	v51 =	vld [tilespmem:s15+$0x360];
	v2 =	vmax.f32 v2, $0.0e+00  }
0x355: {  	[tilespmem:s15+$0x8320] =	vst v2;
	v2 =	vld [tilespmem:s15+$0x2360]  }
0x356: {  	v52 =	vld [tilespmem:s15+$0x370]  }
0x357: {  	v53 =	vld [tilespmem:s15+$0x380];
	v3 =	vadd.f32 v45, v3  }
0x358: {  	v54 =	vld [tilespmem:s15+$0x2380]  }
0x359: {  	v55 =	vld [tilespmem:s15+$0x390];
	v3 =	vmax.f32 v3, $0.0e+00  }
0x35a: {  	[tilespmem:s15+$0x8330] =	vst v3;
	v3 =	vld [tilespmem:s15+$0x2370];
	v2 =	vadd.f32 v2, v51  }
0x35b: {  	v56 =	vld [tilespmem:s15+$0x2390]  }
0x35c: {  	v57 =	vld [tilespmem:s15+$0x3A0];
	v2 =	vmax.f32 v2, $0.0e+00  }
0x35d: {  	[tilespmem:s15+$0x8360] =	vst v2;
	v2 =	vld [tilespmem:s15+$0x23A0]  }
0x35e: {  	v4 =	vadd.f32 v9, v4;
	v58 =	vld [tilespmem:s15+$0x3B0]  }
0x35f: {  	v59 =	vld [tilespmem:s15+$0x3C0];
	v3 =	vadd.f32 v3, v52  }
0x360: {  	v4 =	vmax.f32 v4, $0.0e+00;
	v60 =	vld [tilespmem:s15+$0x23C0];
	v5 =	vadd.f32 v7, v43  }
0x361: {  	v61 =	vld [tilespmem:s15+$0x3D0];
	[tilespmem:s15+$0x83F0] =	vst v4;
	v4 =	vadd.f32 v48, v47;
	v3 =	vmax.f32 v3, $0.0e+00  }
0x362: {  	v5 =	vmax.f32 v5, $0.0e+00;
	[tilespmem:s15+$0x8370] =	vst v3;
	v3 =	vld [tilespmem:s15+$0x23B0];
	v2 =	vadd.f32 v2, v57  }
0x363: {  	v62 =	vld [tilespmem:s15+$0x23D0];
	[tilespmem:s15+$0x8310] =	vst v5;
	v5 =	vadd.f32 v50, v49;
	v4 =	vmax.f32 v4, $0.0e+00  }
0x364: {  	v8 =	vadd.f32 v10, v8;
	v63 =	vld [tilespmem:s15+$0x3E0];
	[tilespmem:s15+$0x8340] =	vst v4;
	v2 =	vmax.f32 v2, $0.0e+00  }
0x365: {  	v5 =	vmax.f32 v5, $0.0e+00;
	v4 =	vadd.f32 v54, v53;
	[tilespmem:s15+$0x83A0] =	vst v2;
	v2 =	vld [tilespmem:s15+$0x23E0]  }
0x366: {  	v46 =	vmax.f32 v8, $0.0e+00;
	[tilespmem:s15+$0x8350] =	vst v5;
	v5 =	vadd.f32 v56, v55  }
0x367: {  	[tilespmem:s15+$0x8300] =	vst v46;
	v4 =	vmax.f32 v4, $0.0e+00;
	v3 =	vadd.f32 v3, v58  }
0x368: {  	v5 =	vmax.f32 v5, $0.0e+00;
	[tilespmem:s15+$0x8380] =	vst v4;
	v4 =	vadd.f32 v60, v59  }
0x369: {  	[tilespmem:s15+$0x8390] =	vst v5;
	v5 =	vadd.f32 v62, v61;
	v3 =	vmax.f32 v3, $0.0e+00  }
0x36a: {  	[tilespmem:s15+$0x83B0] =	vst v3;
	v3 =	vmax.f32 v4, $0.0e+00;
	v2 =	vadd.f32 v2, v63  }
0x36b: {  	[tilespmem:s15+$0x83C0] =	vst v3;
	v3 =	vmax.f32 v5, $0.0e+00  }
.Ltmp8:
0x36c: {  	[tilespmem:s15+$0x83D0] =	vst v3;
	v2 =	vmax.f32 v2, $0.0e+00;
	(pc) =	sbr.rel .LBB2_14-.Ltmp8, $4  }
0x36d: {  	[tilespmem:s15+$0x83E0] =	vst v2  }
0x36e: {  	[spmem:s3] =	stream.indirect.scatter.add.f32 [tilespmem:s26], [sflag:$0x5], $0x80, s14, s19, $0xb8;
	[tilespmem:$0x1E880] =	vst v63  }
0x36f: {  	s13 =	simm.s32 $0x5;
	s4 =	sld [smem:$0x7DF];
	s5 =	simm.s32 $0x7  }
0x370: {  	[spmem:s1] =	stream.indirect.scatter.add.f32 [tilespmem:s20], [sflag:$0x7], $0x1, s14, s19, $0xb8;
	[tilespmem:$0x1E880] =	vst v63  }
.LBB2_15:
0x371: {  	_ =	sfence.sel $0x180000  }
0x372: {  	[bflag:$0x0] =	sbarrier.arrive $0xFFFF  }
0x373: {  	_ =	strace $0x90000047  }
0x374: {  	s0 =	stileid.u32;
	[bflag:$0x2] =	sbarrier.arrive $0xFFFF  }
0x375: {  	p0 =	sne.s32 s0, $0x0;
	s0 =	rddreg [dreg:$0x4]  }
0x376: {  	s0 =	sadd.s32 @!p0 $0x100000, s0  }
0x377: {  	[sflag:s0] =	ssyncadd.tile.s32 @!p0 $0x1;
	_ =	shalt  }
.Lfunc_end2:
_tile_overlayer_lowered:
.L_overlay_start_2:
0x378: {  	(tag) =	ssettag $0x2  }
0x379: {  	s0 =	rddreg [dreg:$0x0];
	s2 =	stileid.u32  }
0x37a: {  	s1 =	rddreg [dreg:$0x1];
	p0 =	sne.s32 s2, $0x0  }
0x37b: {  	s3 =	rddreg [dreg:$0x2];
	[bflag:$0x3] =	sbarrier.arrive $0xFFFF;
	s2 =	simm.s32 @!p0 $0x1C0E  }
0x37c: {  	[timem:s3], [sflag:s2] =	dma.local @!p0 [hbm:s0], s1  }
0x37d: {  	s0 =	simm.s32 @!p0 $0xE  }
0x37e: {  	_ =	swait.ge @!p0 [sflag:s0], s1  }
0x37f: {  	s1 =	ssub.s32 @!p0 $0x0, s1;
	[sflag:s0] =	ssyncset.done @!p0 $0x0  }
0x380: {  	[sflag:s0] =	ssyncadd.s32 @!p0 s1  }
0x381: {  	[bflag:$0x3] =	sbarrier.arrive $0xFFFF  }
0x382: {  	_ =	shalt  }

</sc_bundles>
